<compile_context>
chip_gen: v7x
topology: tpu7x:2x2x1
jax: 0.10.2.dev20260603
libtpu: 0.0.44.dev20260713+nightly
codegen_flags: <defaults>
</compile_context>

<pallas_src>
import functools

import jax
import jax.numpy as jnp
from jax import lax
from jax.experimental import pallas as pl
from jax.experimental.pallas import tpu as pltpu
from jax.experimental.pallas import tpu_sc as plsc

SIZE_MIN = 10.0
SIZE_MAX = 40.0
ALPHA = 1.0
W_OVER_NW = 4.0
H_OVER_NH = 4.0
PROB_CORR = 0.5
OVERLAP_THR = 0.2
N_OBJ_MAX = 6
N_BOX = 20000
BATCH = 4
IMG = 512

NCORES = 2
NSUB = 16
NW = NCORES * NSUB
LANES = 16
ITEMS = N_BOX * BATCH
PER_TILE = 2560
ITEMS_PAD = PER_TILE * NW
CHUNK = 128

NP = 32768
ROWS = NP // 128


def _sc_tot_body(cum_hbm, bx_hbm, by_hbm, bw_hbm, bh_hbm, out_hbm,
                 bxv, byv, bwv, bhv, idxv, gatv, totv, sem):
    wid = lax.axis_index("s") * NCORES + lax.axis_index("c")
    base = wid * PER_TILE

    pltpu.sync_copy(bx_hbm.at[pl.ds(base, PER_TILE)], bxv)
    pltpu.sync_copy(by_hbm.at[pl.ds(base, PER_TILE)], byv)
    pltpu.sync_copy(bw_hbm.at[pl.ds(base, PER_TILE)], bwv)
    pltpu.sync_copy(bh_hbm.at[pl.ds(base, PER_TILE)], bhv)

    def idx_body(i, carry):
        sl = pl.ds(i * LANES, LANES)
        bx = bxv[sl]
        by = byv[sl]
        bw = bwv[sl]
        bh = bhv[sl]
        x1 = jnp.clip((bx - 0.5 * bw).astype(jnp.int32), 0, IMG - 1)
        x3 = jnp.clip((bx + 0.5 * bw).astype(jnp.int32), 0, IMG - 1)
        y1 = jnp.clip((by - 0.5 * bh).astype(jnp.int32), 0, IMG - 1)
        y3 = jnp.clip((by + 0.5 * bh).astype(jnp.int32), 0, IMG - 1)
        gid = base + i * LANES + lax.iota(jnp.int32, LANES)
        boff = (gid & (BATCH - 1)) * (IMG * IMG)
        idxv[pl.ds(0 * PER_TILE + i * LANES, LANES)] = boff + x3 * IMG + y3
        idxv[pl.ds(1 * PER_TILE + i * LANES, LANES)] = boff + x1 * IMG + y1
        idxv[pl.ds(2 * PER_TILE + i * LANES, LANES)] = boff + x1 * IMG + y3
        idxv[pl.ds(3 * PER_TILE + i * LANES, LANES)] = boff + x3 * IMG + y1
        return carry

    lax.fori_loop(0, PER_TILE // LANES, idx_body, 0)

    copies = []
    for c in range(4 * PER_TILE // CHUNK):
        sl = pl.ds(c * CHUNK, CHUNK)
        copies.append(pltpu.async_copy(cum_hbm.at[idxv.at[sl]], gatv.at[sl], sem))
    for cp in copies:
        cp.wait()

    def tot_body(i, carry):
        sl = pl.ds(i * LANES, LANES)
        c33 = gatv[pl.ds(0 * PER_TILE + i * LANES, LANES)]
        c11 = gatv[pl.ds(1 * PER_TILE + i * LANES, LANES)]
        c13 = gatv[pl.ds(2 * PER_TILE + i * LANES, LANES)]
        c31 = gatv[pl.ds(3 * PER_TILE + i * LANES, LANES)]
        totv[sl] = ((c33 + c11) - c13) - c31
        return carry

    lax.fori_loop(0, PER_TILE // LANES, tot_body, 0)

    pltpu.sync_copy(totv, out_hbm.at[pl.ds(base, PER_TILE)])


@functools.cache
def _sc_tot():
    return pl.kernel(
        _sc_tot_body,
        out_type=jax.ShapeDtypeStruct((ITEMS_PAD,), jnp.float32),
        mesh=plsc.VectorSubcoreMesh(core_axis_name="c", subcore_axis_name="s"),
        scratch_types=[
            pltpu.VMEM((PER_TILE,), jnp.float32),
            pltpu.VMEM((PER_TILE,), jnp.float32),
            pltpu.VMEM((PER_TILE,), jnp.float32),
            pltpu.VMEM((PER_TILE,), jnp.float32),
            pltpu.VMEM((4 * PER_TILE,), jnp.int32),
            pltpu.VMEM((4 * PER_TILE,), jnp.float32),
            pltpu.VMEM((PER_TILE,), jnp.float32),
            pltpu.SemaphoreType.DMA,
        ],
    )


def _make_tc_body(rows, n_real, n_obj):
    total = rows * 128
    n_log2 = total.bit_length() - 1
    assert (1 << n_log2) == total

    def tc_body(av_ref, sig_ref, bx_ref, by_ref, bw_ref, bh_ref, out_ref):
        av = av_ref[0]
        sig = sig_ref[0]
        bxs = bx_ref[0]
        bys = by_ref[0]
        bws = bw_ref[0]
        bhs = bh_ref[0]

        ri = lax.broadcasted_iota(jnp.int32, (rows, 128), 0)
        li = lax.broadcasted_iota(jnp.int32, (rows, 128), 1)
        fid = ri * 128 + li

        def bitonic_sort(arrs, lt_fn):

            def stage(a, d, asc, axis):
                if axis == 0:
                    dd = d >> 7
                    n_ax = rows
                else:
                    dd = d
                    n_ax = 128
                low = (fid & d) == 0
                ps = []
                for x in a:
                    dn = pltpu.roll(x, n_ax - dd, axis)
                    up = pltpu.roll(x, dd, axis)
                    ps.append(jnp.where(low, dn, up))
                ltm = lt_fn(ps, a)
                take_p = (asc == low) == ltm
                return tuple(jnp.where(take_p, p, x) for p, x in zip(ps, a))

            def round_fn(kk, a):
                k = 1 << kk
                asc = (fid & k) == 0
                n_row = jnp.maximum(kk - 7, 0)

                def row_body(t, a):
                    return stage(a, k >> (t + 1), asc, 0)

                a = lax.fori_loop(0, n_row, row_body, a)
                n_lane = jnp.minimum(kk, 7)

                def lane_body(t, a):
                    return stage(a, 1 << (n_lane - 1 - t), asc, 1)

                return lax.fori_loop(0, n_lane, lane_body, a)

            return lax.fori_loop(1, n_log2 + 1, round_fn, arrs)

        def lt_key_idx(ps, xs):
            return (ps[0] < xs[0]) | ((ps[0] == xs[0]) & (ps[1] < xs[1]))

        def lt_key(ps, xs):
            return ps[0] < xs[0]

        _, sorted_idx = bitonic_sort((av, fid), lt_key_idx)
        packed = bitonic_sort((sorted_idx * total + fid,), lt_key)[0]
        rank = packed & (total - 1)

        t = (rank.astype(jnp.float32) + 1.0) / jnp.float32(n_real + 1)
        t2 = t * t
        t4 = t2 * t2
        t8 = t4 * t4
        papp = t8 * t2
        p = (1.0 - PROB_CORR) * sig + PROB_CORR * papp

        active = (fid < n_real).astype(jnp.float32)

        ri8 = lax.broadcasted_iota(jnp.int32, (8, 128), 0)
        li8 = lax.broadcasted_iota(jnp.int32, (8, 128), 1)
        res = jnp.zeros((8, 128), jnp.float32)

        for k in range(n_obj):
            score = p * active - 1e9 * (1.0 - active)
            m = jnp.max(score)
            idx = jnp.min(jnp.where(score == m, fid, jnp.int32(2 ** 30)))
            wmask = fid == idx
            wp = jnp.sum(jnp.where(wmask, p, 0.0))
            wbx = jnp.sum(jnp.where(wmask, bxs, 0.0))
            wby = jnp.sum(jnp.where(wmask, bys, 0.0))
            wbw = jnp.sum(jnp.where(wmask, bws, 0.0))
            wbh = jnp.sum(jnp.where(wmask, bhs, 0.0))

            xx1 = jnp.maximum(bxs - 0.5 * bws, wbx - 0.5 * wbw)
            yy1 = jnp.maximum(bys - 0.5 * bhs, wby - 0.5 * wbh)
            xx2 = jnp.minimum(bxs + 0.5 * bws, wbx + 0.5 * wbw)
            yy2 = jnp.minimum(bys + 0.5 * bhs, wby + 0.5 * wbh)
            inter = jnp.maximum(xx2 - xx1, 0.0) * jnp.maximum(yy2 - yy1, 0.0)
            union = bws * bhs + wbw * wbh - inter
            ov = inter / jnp.maximum(union, 1e-8)
            active = active * (ov <= OVERLAP_THR).astype(jnp.float32)

            for c, val in enumerate((wp, wbx, wby, wbw, wbh)):
                res = jnp.where((ri8 == k) & (li8 == c), val, res)

        out_ref[0] = res

    return tc_body


def _tc_call(av_tc, sig_tc, bx_tc, by_tc, bw_tc, bh_tc, rows, n_real, n_obj,
             interpret=False):
    nb = av_tc.shape[0]
    spec = pl.BlockSpec((1, rows, 128), lambda b: (b, 0, 0))
    return pl.pallas_call(
        _make_tc_body(rows, n_real, n_obj),
        grid=(nb,),
        in_specs=[spec] * 6,
        out_specs=pl.BlockSpec((1, 8, 128), lambda b: (b, 0, 0)),
        out_shape=jax.ShapeDtypeStruct((nb, 8, 128), jnp.float32),
        compiler_params=pltpu.CompilerParams(
            dimension_semantics=("parallel",)),
        interpret=interpret,
    )(av_tc, sig_tc, bx_tc, by_tc, bw_tc, bh_tc)


def _prep_tc(x, pad_value, rows):
    nb = x.shape[1]
    xt = jnp.transpose(x, (1, 0))
    xt = jnp.pad(xt, ((0, 0), (0, rows * 128 - x.shape[0])),
                 constant_values=pad_value)
    return xt.reshape(nb, rows, 128)


def kernel(imgs_in, tp_mu, tx_mu, ty_mu, tw_mu, th_mu, ix, iy):
    ixf = ix.astype(jnp.float32)
    iyf = iy.astype(jnp.float32)
    prob_before = jax.nn.sigmoid(tp_mu)
    bx = W_OVER_NW * (ixf + jax.nn.sigmoid(ALPHA * tx_mu))
    by = H_OVER_NH * (iyf + jax.nn.sigmoid(ALPHA * ty_mu))
    bw = SIZE_MIN + (SIZE_MAX - SIZE_MIN) * jax.nn.sigmoid(ALPHA * tw_mu)
    bh = SIZE_MIN + (SIZE_MAX - SIZE_MIN) * jax.nn.sigmoid(ALPHA * th_mu)

    cum = jnp.sum(jnp.cumsum(jnp.cumsum(imgs_in, axis=-1), axis=-2), axis=-3)

    def flat_pad(x):
        f = x.squeeze(-1).reshape(-1)
        return jnp.pad(f, (0, ITEMS_PAD - ITEMS), constant_values=16.0)

    tot_pad = _sc_tot()(cum.reshape(-1), flat_pad(bx), flat_pad(by),
                        flat_pad(bw), flat_pad(bh))
    tot = tot_pad[:ITEMS].reshape(N_BOX, BATCH)

    area = (bw * bh).squeeze(-1)
    av = tot / area

    av_tc = _prep_tc(av, jnp.inf, ROWS)
    sig_tc = _prep_tc(prob_before.squeeze(-1), 0.0, ROWS)
    bx_tc = _prep_tc(bx.squeeze(-1), 0.0, ROWS)
    by_tc = _prep_tc(by.squeeze(-1), 0.0, ROWS)
    bw_tc = _prep_tc(bw.squeeze(-1), 1.0, ROWS)
    bh_tc = _prep_tc(bh.squeeze(-1), 1.0, ROWS)

    res = _tc_call(av_tc, sig_tc, bx_tc, by_tc, bw_tc, bh_tc,
                   ROWS, N_BOX, N_OBJ_MAX)
    return jnp.transpose(res[:, :N_OBJ_MAX, :5], (1, 0, 2))

# --- scband reference (transcript-rebuilt; emitter-appended) ---
"""Pipeline reference for scband-inference-76553497084464 (READ-ONLY COPY).

The authoritative reference and input builder live on the scoring server;
editing this copy changes nothing except your own understanding.
"""

import jax, jax.numpy as jnp
import numpy as np

SIZE_MIN = 10.0
SIZE_MAX = 40.0
ALPHA = 1.0
W_OVER_NW = 4.0
H_OVER_NH = 4.0
PROB_CORR = 0.5
OVERLAP_THR = 0.2
N_OBJ_MAX = 6
N_BOX = 20000
BATCH = 4
IMG = 512


def setup_inputs(seed: int = 0) -> dict:
    key = jax.random.key(seed)
    ks = jax.random.split(key, 8)
    imgs_in = jax.random.uniform(ks[0], (BATCH, 1, IMG, IMG), dtype=jnp.float32)
    tp_mu = jax.random.normal(ks[1], (N_BOX, BATCH, 1), dtype=jnp.float32)
    tx_mu = jax.random.normal(ks[2], (N_BOX, BATCH, 1), dtype=jnp.float32)
    ty_mu = jax.random.normal(ks[3], (N_BOX, BATCH, 1), dtype=jnp.float32)
    tw_mu = jax.random.normal(ks[4], (N_BOX, BATCH, 1), dtype=jnp.float32)
    th_mu = jax.random.normal(ks[5], (N_BOX, BATCH, 1), dtype=jnp.float32)
    ix = jax.random.randint(ks[6], (N_BOX, BATCH, 1), 0, 128).astype(jnp.int32)
    iy = jax.random.randint(ks[7], (N_BOX, BATCH, 1), 0, 128).astype(jnp.int32)
    return {"imgs_in": imgs_in, "tp_mu": tp_mu, "tx_mu": tx_mu, "ty_mu": ty_mu, "tw_mu": tw_mu, "th_mu": th_mu, "ix": ix, "iy": iy}


def _avg_intensity_in_box(imgs, bx, by, bw, bh):
    cum = jnp.sum(jnp.cumsum(jnp.cumsum(imgs, axis=-1), axis=-2), axis=-3)
    b, w, h = cum.shape
    x1 = jnp.clip((bx - 0.5 * bw).astype(jnp.int32), 0, w - 1).squeeze(-1)
    x3 = jnp.clip((bx + 0.5 * bw).astype(jnp.int32), 0, w - 1).squeeze(-1)
    y1 = jnp.clip((by - 0.5 * bh).astype(jnp.int32), 0, h - 1).squeeze(-1)
    y3 = jnp.clip((by + 0.5 * bh).astype(jnp.int32), 0, h - 1).squeeze(-1)
    area = (bw * bh).squeeze(-1)
    n, bsz = area.shape
    bidx = jnp.broadcast_to(jnp.arange(bsz)[None, :], (n, bsz))
    tot = cum[bidx, x3, y3] + cum[bidx, x1, y1] - cum[bidx, x1, y3] - cum[bidx, x3, y1]
    return tot / area


def _compute_ranking(x):
    n, bsz = x.shape
    order = jnp.argsort(x, axis=0)
    bidx = jnp.broadcast_to(jnp.arange(bsz)[None, :], (n, bsz))
    vals = jnp.broadcast_to(jnp.arange(n)[:, None], (n, bsz))
    rank = jnp.zeros_like(order).at[order, bidx].set(vals)
    return rank


def _iou(ax, ay, aw, ah, cx, cy, cw, ch):
    xx1 = jnp.maximum(ax - 0.5 * aw, cx - 0.5 * cw)
    yy1 = jnp.maximum(ay - 0.5 * ah, cy - 0.5 * ch)
    xx2 = jnp.minimum(ax + 0.5 * aw, cx + 0.5 * cw)
    yy2 = jnp.minimum(ay + 0.5 * ah, cy + 0.5 * ch)
    inter = jnp.clip(xx2 - xx1, 0.0) * jnp.clip(yy2 - yy1, 0.0)
    union = aw * ah + cw * ch - inter
    return inter / jnp.maximum(union, 1e-8)


def reference(imgs_in, tp_mu, tx_mu, ty_mu, tw_mu, th_mu, ix, iy):
    ixf = ix.astype(jnp.float32)
    iyf = iy.astype(jnp.float32)
    prob_before = jax.nn.sigmoid(tp_mu)
    bx = W_OVER_NW * (ixf + jax.nn.sigmoid(ALPHA * tx_mu))
    by = H_OVER_NH * (iyf + jax.nn.sigmoid(ALPHA * ty_mu))
    bw = SIZE_MIN + (SIZE_MAX - SIZE_MIN) * jax.nn.sigmoid(ALPHA * tw_mu)
    bh = SIZE_MIN + (SIZE_MAX - SIZE_MIN) * jax.nn.sigmoid(ALPHA * th_mu)
    av = _avg_intensity_in_box(imgs_in, bx, by, bw, bh)
    n, bsz = av.shape
    rank = _compute_ranking(av)
    p_approx = (((rank + 1).astype(jnp.float32) / (n + 1)) ** 10)[..., None]
    p_approx = jax.lax.stop_gradient(p_approx)
    prob_all = (1.0 - PROB_CORR) * prob_before + PROB_CORR * p_approx
    p = prob_all.squeeze(-1)
    bxs, bys, bws, bhs = bx.squeeze(-1), by.squeeze(-1), bw.squeeze(-1), bh.squeeze(-1)
    active = jnp.ones((n, bsz), jnp.float32)
    nms_mask = jnp.zeros((n, bsz), jnp.float32)
    bar = jnp.arange(bsz)
    topk_list = []
    for _ in range(N_OBJ_MAX):
        idx = jnp.argmax(p * active - 1e9 * (1.0 - active), axis=0)
        topk_list.append(idx)
        nms_mask = nms_mask.at[idx, bar].set(1.0)
        cbx = bxs[idx, bar][None, :]
        cby = bys[idx, bar][None, :]
        cbw = bws[idx, bar][None, :]
        cbh = bhs[idx, bar][None, :]
        ov = _iou(bxs, bys, bws, bhs, cbx, cby, cbw, cbh)
        active = active * (ov <= OVERLAP_THR).astype(jnp.float32)
    top_k_indices = jnp.stack(topk_list, axis=0)
    batch_indices = jnp.broadcast_to(bar[None, :], (N_OBJ_MAX, bsz))
    prob_few = (prob_all * nms_mask[..., None])[top_k_indices, batch_indices]
    bx_few = bx[top_k_indices, batch_indices]
    by_few = by[top_k_indices, batch_indices]
    bw_few = bw[top_k_indices, batch_indices]
    bh_few = bh[top_k_indices, batch_indices]
    return jnp.concatenate([prob_few, bx_few, by_few, bw_few, bh_few], axis=-1)

if __name__ == "__main__":
    import jax
    _d = setup_inputs()
    print(jax.jit(kernel)(*tuple(_d.values())))

</pallas_src>

<mosaic_0001>
#map = affine_map<(d0, d1) -> (0)>
module attributes {stable_mosaic.version = 14 : i64} {
  func.func @_sc_tot_body(%arg0: i32, %arg1: i32, %arg2: memref<1048576xf32, #tpu.memory_space<hbm>>, %arg3: memref<81920xf32, #tpu.memory_space<hbm>>, %arg4: memref<81920xf32, #tpu.memory_space<hbm>>, %arg5: memref<81920xf32, #tpu.memory_space<hbm>>, %arg6: memref<81920xf32, #tpu.memory_space<hbm>>, %arg7: memref<81920xf32, #tpu.memory_space<hbm>>, %arg8: memref<2560xf32, #tpu.memory_space<vmem>>, %arg9: memref<2560xf32, #tpu.memory_space<vmem>>, %arg10: memref<2560xf32, #tpu.memory_space<vmem>>, %arg11: memref<2560xf32, #tpu.memory_space<vmem>>, %arg12: memref<10240xi32, #tpu.memory_space<vmem>>, %arg13: memref<10240xf32, #tpu.memory_space<vmem>>, %arg14: memref<2560xf32, #tpu.memory_space<vmem>>, %arg15: memref<!tpu.dma_semaphore, #tpu.memory_space<semaphore_mem>>) attributes {dimension_semantics = [#tpu.dimension_semantics<core_parallel>, #tpu.dimension_semantics<subcore_parallel>], iteration_bounds = array<i64: 2, 16>, scalar_prefetch = 0 : i64, scratch_operands = 8 : i64, tpu.core_type = #tpu.core_type<sc_vector_subcore>, window_params = [{transform_indices = #map}, {transform_indices = #map}, {transform_indices = #map}, {transform_indices = #map}, {transform_indices = #map}, {transform_indices = #map}]} {
    %mul3A = arith.constant 2 : i32
    %mul3A_0 = arith.muli %arg1, %mul3A : i32
    %add3A = arith.addi %mul3A_0, %arg0 : i32
    %mul3A_1 = arith.constant 2560 : i32
    %mul3A_2 = arith.muli %add3A, %mul3A_1 : i32
    "tpu.region"() ({
      %run_scoped3A = tpu.sem_alloc : memref<!tpu.dma_semaphore, #tpu.memory_space<semaphore_mem>>
      %dma_start3A_972 = tpu.memref_slice %arg3[%mul3A_2] : memref<81920xf32, #tpu.memory_space<hbm>> -> memref<2560xf32, #tpu.memory_space<hbm>>
      %dma_start3A_973 = tpu.memref_slice %arg3[%mul3A_2] : memref<81920xf32, #tpu.memory_space<hbm>> -> memref<2560xf32, #tpu.memory_space<hbm>>
      tpu.enqueue_dma source(%dma_start3A_973 : memref<2560xf32, #tpu.memory_space<hbm>>) target(%arg8 : memref<2560xf32, #tpu.memory_space<vmem>>) target_semaphore(%run_scoped3A : memref<!tpu.dma_semaphore, #tpu.memory_space<semaphore_mem>>)
      %dma_wait3A_974 = tpu.memref_slice %arg3[%mul3A_2] : memref<81920xf32, #tpu.memory_space<hbm>> -> memref<2560xf32, #tpu.memory_space<hbm>>
      %dma_wait3A_975 = tpu.memref_slice %arg3[%mul3A_2] : memref<81920xf32, #tpu.memory_space<hbm>> -> memref<2560xf32, #tpu.memory_space<hbm>>
      tpu.wait_dma2 semaphore(%run_scoped3A : memref<!tpu.dma_semaphore, #tpu.memory_space<semaphore_mem>>) src(%dma_wait3A_975 : memref<2560xf32, #tpu.memory_space<hbm>>) dst(%arg8 : memref<2560xf32, #tpu.memory_space<vmem>>)
      tpu.yield
    }) : () -> ()
    "tpu.region"() ({
      %run_scoped3A = tpu.sem_alloc : memref<!tpu.dma_semaphore, #tpu.memory_space<semaphore_mem>>
      %dma_start3A_972 = tpu.memref_slice %arg4[%mul3A_2] : memref<81920xf32, #tpu.memory_space<hbm>> -> memref<2560xf32, #tpu.memory_space<hbm>>
      %dma_start3A_973 = tpu.memref_slice %arg4[%mul3A_2] : memref<81920xf32, #tpu.memory_space<hbm>> -> memref<2560xf32, #tpu.memory_space<hbm>>
      tpu.enqueue_dma source(%dma_start3A_973 : memref<2560xf32, #tpu.memory_space<hbm>>) target(%arg9 : memref<2560xf32, #tpu.memory_space<vmem>>) target_semaphore(%run_scoped3A : memref<!tpu.dma_semaphore, #tpu.memory_space<semaphore_mem>>)
      %dma_wait3A_974 = tpu.memref_slice %arg4[%mul3A_2] : memref<81920xf32, #tpu.memory_space<hbm>> -> memref<2560xf32, #tpu.memory_space<hbm>>
      %dma_wait3A_975 = tpu.memref_slice %arg4[%mul3A_2] : memref<81920xf32, #tpu.memory_space<hbm>> -> memref<2560xf32, #tpu.memory_space<hbm>>
      tpu.wait_dma2 semaphore(%run_scoped3A : memref<!tpu.dma_semaphore, #tpu.memory_space<semaphore_mem>>) src(%dma_wait3A_975 : memref<2560xf32, #tpu.memory_space<hbm>>) dst(%arg9 : memref<2560xf32, #tpu.memory_space<vmem>>)
      tpu.yield
    }) : () -> ()
    "tpu.region"() ({
      %run_scoped3A = tpu.sem_alloc : memref<!tpu.dma_semaphore, #tpu.memory_space<semaphore_mem>>
      %dma_start3A_972 = tpu.memref_slice %arg5[%mul3A_2] : memref<81920xf32, #tpu.memory_space<hbm>> -> memref<2560xf32, #tpu.memory_space<hbm>>
      %dma_start3A_973 = tpu.memref_slice %arg5[%mul3A_2] : memref<81920xf32, #tpu.memory_space<hbm>> -> memref<2560xf32, #tpu.memory_space<hbm>>
      tpu.enqueue_dma source(%dma_start3A_973 : memref<2560xf32, #tpu.memory_space<hbm>>) target(%arg10 : memref<2560xf32, #tpu.memory_space<vmem>>) target_semaphore(%run_scoped3A : memref<!tpu.dma_semaphore, #tpu.memory_space<semaphore_mem>>)
      %dma_wait3A_974 = tpu.memref_slice %arg5[%mul3A_2] : memref<81920xf32, #tpu.memory_space<hbm>> -> memref<2560xf32, #tpu.memory_space<hbm>>
      %dma_wait3A_975 = tpu.memref_slice %arg5[%mul3A_2] : memref<81920xf32, #tpu.memory_space<hbm>> -> memref<2560xf32, #tpu.memory_space<hbm>>
      tpu.wait_dma2 semaphore(%run_scoped3A : memref<!tpu.dma_semaphore, #tpu.memory_space<semaphore_mem>>) src(%dma_wait3A_975 : memref<2560xf32, #tpu.memory_space<hbm>>) dst(%arg10 : memref<2560xf32, #tpu.memory_space<vmem>>)
      tpu.yield
    }) : () -> ()
    "tpu.region"() ({
      %run_scoped3A = tpu.sem_alloc : memref<!tpu.dma_semaphore, #tpu.memory_space<semaphore_mem>>
      %dma_start3A_972 = tpu.memref_slice %arg6[%mul3A_2] : memref<81920xf32, #tpu.memory_space<hbm>> -> memref<2560xf32, #tpu.memory_space<hbm>>
      %dma_start3A_973 = tpu.memref_slice %arg6[%mul3A_2] : memref<81920xf32, #tpu.memory_space<hbm>> -> memref<2560xf32, #tpu.memory_space<hbm>>
      tpu.enqueue_dma source(%dma_start3A_973 : memref<2560xf32, #tpu.memory_space<hbm>>) target(%arg11 : memref<2560xf32, #tpu.memory_space<vmem>>) target_semaphore(%run_scoped3A : memref<!tpu.dma_semaphore, #tpu.memory_space<semaphore_mem>>)
      %dma_wait3A_974 = tpu.memref_slice %arg6[%mul3A_2] : memref<81920xf32, #tpu.memory_space<hbm>> -> memref<2560xf32, #tpu.memory_space<hbm>>
      %dma_wait3A_975 = tpu.memref_slice %arg6[%mul3A_2] : memref<81920xf32, #tpu.memory_space<hbm>> -> memref<2560xf32, #tpu.memory_space<hbm>>
      tpu.wait_dma2 semaphore(%run_scoped3A : memref<!tpu.dma_semaphore, #tpu.memory_space<semaphore_mem>>) src(%dma_wait3A_975 : memref<2560xf32, #tpu.memory_space<hbm>>) dst(%arg11 : memref<2560xf32, #tpu.memory_space<vmem>>)
      tpu.yield
    }) : () -> ()
    %scan3A = arith.constant 0 : i32
    %scan3A_3 = arith.constant 0 : i32
    %scan3A_4 = arith.constant 160 : i32
    %scan3A_5 = arith.addi %scan3A_3, %scan3A_4 : i32
    %scan3A_6 = arith.constant 1 : i32
    scf.for %scan3A_972 = %scan3A_3 to %scan3A_5 step %scan3A_6  : i32 {
      %mul3A_973 = arith.constant 16 : i32
      %mul3A_974 = arith.muli %scan3A_972, %mul3A_973 : i32
      %get3A = arith.index_cast %mul3A_974 : i32 to index
      %get3A_975 = tpu.vector_load %arg8[%get3A] {strides = array<i32>} : memref<2560xf32, #tpu.memory_space<vmem>>, vector<16xf32>,
      %get3A_976 = vector.shape_cast %get3A_975 : vector<16xf32> to vector<16xf32>
      %get3A_977 = arith.index_cast %mul3A_974 : i32 to index
      %get3A_978 = tpu.vector_load %arg9[%get3A_977] {strides = array<i32>} : memref<2560xf32, #tpu.memory_space<vmem>>, vector<16xf32>,
      %get3A_979 = vector.shape_cast %get3A_978 : vector<16xf32> to vector<16xf32>
      %get3A_980 = arith.index_cast %mul3A_974 : i32 to index
      %get3A_981 = tpu.vector_load %arg10[%get3A_980] {strides = array<i32>} : memref<2560xf32, #tpu.memory_space<vmem>>, vector<16xf32>,
      %get3A_982 = vector.shape_cast %get3A_981 : vector<16xf32> to vector<16xf32>
      %get3A_983 = arith.index_cast %mul3A_974 : i32 to index
      %get3A_984 = tpu.vector_load %arg11[%get3A_983] {strides = array<i32>} : memref<2560xf32, #tpu.memory_space<vmem>>, vector<16xf32>,
      %get3A_985 = vector.shape_cast %get3A_984 : vector<16xf32> to vector<16xf32>
      %mul3A_986 = arith.constant 5.000000e-01 : f32
      %mul3A_987 = vector.broadcast %mul3A_986 : f32 to vector<16xf32>
      %mul3A_988 = arith.mulf %mul3A_987, %get3A_982 : vector<16xf32>
      %sub3A = arith.subf %get3A_976, %mul3A_988 : vector<16xf32>
      %convert_element_type3A = arith.fptosi %sub3A : vector<16xf32> to vector<16xi32>
      %jit3A = arith.constant 0 : i32
      %jit3A_989 = arith.constant 511 : i32
      %max3A = vector.broadcast %jit3A : i32 to vector<16xi32>
      %max3A_990 = arith.maxsi %max3A, %convert_element_type3A : vector<16xi32>
      %min3A = vector.broadcast %jit3A_989 : i32 to vector<16xi32>
      %min3A_991 = arith.minsi %min3A, %max3A_990 : vector<16xi32>
      %mul3A_992 = arith.constant 5.000000e-01 : f32
      %mul3A_993 = vector.broadcast %mul3A_992 : f32 to vector<16xf32>
      %mul3A_994 = arith.mulf %mul3A_993, %get3A_982 : vector<16xf32>
      %add3A_995 = arith.addf %get3A_976, %mul3A_994 : vector<16xf32>
      %convert_element_type3A_996 = arith.fptosi %add3A_995 : vector<16xf32> to vector<16xi32>
      %jit3A_997 = arith.constant 0 : i32
      %jit3A_998 = arith.constant 511 : i32
      %max3A_999 = vector.broadcast %jit3A_997 : i32 to vector<16xi32>
      %max3A_1000 = arith.maxsi %max3A_999, %convert_element_type3A_996 : vector<16xi32>
      %min3A_1001 = vector.broadcast %jit3A_998 : i32 to vector<16xi32>
      %min3A_1002 = arith.minsi %min3A_1001, %max3A_1000 : vector<16xi32>
      %mul3A_1003 = arith.constant 5.000000e-01 : f32
      %mul3A_1004 = vector.broadcast %mul3A_1003 : f32 to vector<16xf32>
      %mul3A_1005 = arith.mulf %mul3A_1004, %get3A_985 : vector<16xf32>
      %sub3A_1006 = arith.subf %get3A_979, %mul3A_1005 : vector<16xf32>
      %convert_element_type3A_1007 = arith.fptosi %sub3A_1006 : vector<16xf32> to vector<16xi32>
      %jit3A_1008 = arith.constant 0 : i32
      %jit3A_1009 = arith.constant 511 : i32
      %max3A_1010 = vector.broadcast %jit3A_1008 : i32 to vector<16xi32>
      %max3A_1011 = arith.maxsi %max3A_1010, %convert_element_type3A_1007 : vector<16xi32>
      %min3A_1012 = vector.broadcast %jit3A_1009 : i32 to vector<16xi32>
      %min3A_1013 = arith.minsi %min3A_1012, %max3A_1011 : vector<16xi32>
      %mul3A_1014 = arith.constant 5.000000e-01 : f32
      %mul3A_1015 = vector.broadcast %mul3A_1014 : f32 to vector<16xf32>
      %mul3A_1016 = arith.mulf %mul3A_1015, %get3A_985 : vector<16xf32>
      %add3A_1017 = arith.addf %get3A_979, %mul3A_1016 : vector<16xf32>
      %convert_element_type3A_1018 = arith.fptosi %add3A_1017 : vector<16xf32> to vector<16xi32>
      %jit3A_1019 = arith.constant 0 : i32
      %jit3A_1020 = arith.constant 511 : i32
      %max3A_1021 = vector.broadcast %jit3A_1019 : i32 to vector<16xi32>
      %max3A_1022 = arith.maxsi %max3A_1021, %convert_element_type3A_1018 : vector<16xi32>
      %min3A_1023 = vector.broadcast %jit3A_1020 : i32 to vector<16xi32>
      %min3A_1024 = arith.minsi %min3A_1023, %max3A_1022 : vector<16xi32>
      %mul3A_1025 = arith.constant 16 : i32
      %mul3A_1026 = arith.muli %scan3A_972, %mul3A_1025 : i32
      %add3A_1027 = arith.addi %mul3A_2, %mul3A_1026 : i32
      %iota3A = tpu.iota {dimensions = array<i32: 0>} : vector<16xi32>
      %add3A_1028 = vector.broadcast %add3A_1027 : i32 to vector<16xi32>
      %add3A_1029 = arith.addi %add3A_1028, %iota3A : vector<16xi32>
      %and3A = arith.constant 3 : i32
      %and3A_1030 = vector.broadcast %and3A : i32 to vector<16xi32>
      %and3A_1031 = arith.andi %add3A_1029, %and3A_1030 : vector<16xi32>
      %mul3A_1032 = arith.constant 262144 : i32
      %mul3A_1033 = vector.broadcast %mul3A_1032 : i32 to vector<16xi32>
      %mul3A_1034 = arith.muli %and3A_1031, %mul3A_1033 : vector<16xi32>
      %mul3A_1035 = arith.constant 512 : i32
      %mul3A_1036 = vector.broadcast %mul3A_1035 : i32 to vector<16xi32>
      %mul3A_1037 = arith.muli %min3A_1002, %mul3A_1036 : vector<16xi32>
      %add3A_1038 = arith.addi %mul3A_1034, %mul3A_1037 : vector<16xi32>
      %add3A_1039 = arith.addi %add3A_1038, %min3A_1024 : vector<16xi32>
      %mul3A_1040 = arith.constant 16 : i32
      %mul3A_1041 = arith.muli %scan3A_972, %mul3A_1040 : i32
      %add3A_1042 = arith.constant 0 : i32
      %add3A_1043 = arith.addi %add3A_1042, %mul3A_1041 : i32
      %swap3A = arith.index_cast %add3A_1043 : i32 to index
      %swap3A_1044 = tpu.vector_load %arg12[%swap3A] {strides = array<i32>} : memref<10240xi32, #tpu.memory_space<vmem>>, vector<16xi32>,
      %swap3A_1045 = vector.shape_cast %swap3A_1044 : vector<16xi32> to vector<16xi32>
      %swap3A_1046 = vector.shape_cast %add3A_1039 : vector<16xi32> to vector<16xi32>
      tpu.vector_store %arg12[%swap3A], %swap3A_1046 {strides = array<i32>} : memref<10240xi32, #tpu.memory_space<vmem>>, vector<16xi32>,
      %mul3A_1047 = arith.constant 512 : i32
      %mul3A_1048 = vector.broadcast %mul3A_1047 : i32 to vector<16xi32>
      %mul3A_1049 = arith.muli %min3A_991, %mul3A_1048 : vector<16xi32>
      %add3A_1050 = arith.addi %mul3A_1034, %mul3A_1049 : vector<16xi32>
      %add3A_1051 = arith.addi %add3A_1050, %min3A_1013 : vector<16xi32>
      %mul3A_1052 = arith.constant 16 : i32
      %mul3A_1053 = arith.muli %scan3A_972, %mul3A_1052 : i32
      %add3A_1054 = arith.constant 2560 : i32
      %add3A_1055 = arith.addi %add3A_1054, %mul3A_1053 : i32
      %swap3A_1056 = arith.index_cast %add3A_1055 : i32 to index
      %swap3A_1057 = tpu.vector_load %arg12[%swap3A_1056] {strides = array<i32>} : memref<10240xi32, #tpu.memory_space<vmem>>, vector<16xi32>,
      %swap3A_1058 = vector.shape_cast %swap3A_1057 : vector<16xi32> to vector<16xi32>
      %swap3A_1059 = vector.shape_cast %add3A_1051 : vector<16xi32> to vector<16xi32>
      tpu.vector_store %arg12[%swap3A_1056], %swap3A_1059 {strides = array<i32>} : memref<10240xi32, #tpu.memory_space<vmem>>, vector<16xi32>,
      %mul3A_1060 = arith.constant 512 : i32
      %mul3A_1061 = vector.broadcast %mul3A_1060 : i32 to vector<16xi32>
      %mul3A_1062 = arith.muli %min3A_991, %mul3A_1061 : vector<16xi32>
      %add3A_1063 = arith.addi %mul3A_1034, %mul3A_1062 : vector<16xi32>
      %add3A_1064 = arith.addi %add3A_1063, %min3A_1024 : vector<16xi32>
      %mul3A_1065 = arith.constant 16 : i32
      %mul3A_1066 = arith.muli %scan3A_972, %mul3A_1065 : i32
      %add3A_1067 = arith.constant 5120 : i32
      %add3A_1068 = arith.addi %add3A_1067, %mul3A_1066 : i32
      %swap3A_1069 = arith.index_cast %add3A_1068 : i32 to index
      %swap3A_1070 = tpu.vector_load %arg12[%swap3A_1069] {strides = array<i32>} : memref<10240xi32, #tpu.memory_space<vmem>>, vector<16xi32>,
      %swap3A_1071 = vector.shape_cast %swap3A_1070 : vector<16xi32> to vector<16xi32>
      %swap3A_1072 = vector.shape_cast %add3A_1064 : vector<16xi32> to vector<16xi32>
      tpu.vector_store %arg12[%swap3A_1069], %swap3A_1072 {strides = array<i32>} : memref<10240xi32, #tpu.memory_space<vmem>>, vector<16xi32>,
      %mul3A_1073 = arith.constant 512 : i32
      %mul3A_1074 = vector.broadcast %mul3A_1073 : i32 to vector<16xi32>
      %mul3A_1075 = arith.muli %min3A_1002, %mul3A_1074 : vector<16xi32>
      %add3A_1076 = arith.addi %mul3A_1034, %mul3A_1075 : vector<16xi32>
      %add3A_1077 = arith.addi %add3A_1076, %min3A_1013 : vector<16xi32>
      %mul3A_1078 = arith.constant 16 : i32
      %mul3A_1079 = arith.muli %scan3A_972, %mul3A_1078 : i32
      %add3A_1080 = arith.constant 7680 : i32
      %add3A_1081 = arith.addi %add3A_1080, %mul3A_1079 : i32
      %swap3A_1082 = arith.index_cast %add3A_1081 : i32 to index
      %swap3A_1083 = tpu.vector_load %arg12[%swap3A_1082] {strides = array<i32>} : memref<10240xi32, #tpu.memory_space<vmem>>, vector<16xi32>,
      %swap3A_1084 = vector.shape_cast %swap3A_1083 : vector<16xi32> to vector<16xi32>
      %swap3A_1085 = vector.shape_cast %add3A_1077 : vector<16xi32> to vector<16xi32>
      tpu.vector_store %arg12[%swap3A_1082], %swap3A_1085 {strides = array<i32>} : memref<10240xi32, #tpu.memory_space<vmem>>, vector<16xi32>,
    }
    %scan3A_7 = arith.constant 160 : i32
    %dma_start3A = arith.constant 0 : i32
    %dma_start3A_8 = tpu.memref_slice %arg13[%dma_start3A] : memref<10240xf32, #tpu.memory_space<vmem>> -> memref<128xf32, #tpu.memory_space<vmem>>
    %dma_start3A_9 = arith.constant 0 : i32
    %dma_start3A_10 = tpu.memref_slice %arg12[%dma_start3A_9] : memref<10240xi32, #tpu.memory_space<vmem>> -> memref<128xi32, #tpu.memory_space<vmem>>
    %dma_start3A_11 = arith.constant 0 : i32
    %dma_start3A_12 = tpu.memref_slice %arg2[%dma_start3A_11] : memref<1048576xf32, #tpu.memory_space<hbm>> -> memref<1048576xf32, #tpu.memory_space<hbm>>
    tpu.enqueue_indirect_dma source(%dma_start3A_12 : memref<1048576xf32, #tpu.memory_space<hbm>>) target(%dma_start3A_8 : memref<128xf32, #tpu.memory_space<vmem>>) offsets(%dma_start3A_10 : memref<128xi32, #tpu.memory_space<vmem>>) semaphore(%arg15 : memref<!tpu.dma_semaphore, #tpu.memory_space<semaphore_mem>>)
    %dma_start3A_13 = arith.constant 128 : i32
    %dma_start3A_14 = tpu.memref_slice %arg13[%dma_start3A_13] : memref<10240xf32, #tpu.memory_space<vmem>> -> memref<128xf32, #tpu.memory_space<vmem>>
    %dma_start3A_15 = arith.constant 128 : i32
    %dma_start3A_16 = tpu.memref_slice %arg12[%dma_start3A_15] : memref<10240xi32, #tpu.memory_space<vmem>> -> memref<128xi32, #tpu.memory_space<vmem>>
    %dma_start3A_17 = arith.constant 0 : i32
    %dma_start3A_18 = tpu.memref_slice %arg2[%dma_start3A_17] : memref<1048576xf32, #tpu.memory_space<hbm>> -> memref<1048576xf32, #tpu.memory_space<hbm>>
    tpu.enqueue_indirect_dma source(%dma_start3A_18 : memref<1048576xf32, #tpu.memory_space<hbm>>) target(%dma_start3A_14 : memref<128xf32, #tpu.memory_space<vmem>>) offsets(%dma_start3A_16 : memref<128xi32, #tpu.memory_space<vmem>>) semaphore(%arg15 : memref<!tpu.dma_semaphore, #tpu.memory_space<semaphore_mem>>)
    %dma_start3A_19 = arith.constant 256 : i32
    %dma_start3A_20 = tpu.memref_slice %arg13[%dma_start3A_19] : memref<10240xf32, #tpu.memory_space<vmem>> -> memref<128xf32, #tpu.memory_space<vmem>>
    %dma_start3A_21 = arith.constant 256 : i32
    %dma_start3A_22 = tpu.memref_slice %arg12[%dma_start3A_21] : memref<10240xi32, #tpu.memory_space<vmem>> -> memref<128xi32, #tpu.memory_space<vmem>>
    %dma_start3A_23 = arith.constant 0 : i32
    %dma_start3A_24 = tpu.memref_slice %arg2[%dma_start3A_23] : memref<1048576xf32, #tpu.memory_space<hbm>> -> memref<1048576xf32, #tpu.memory_space<hbm>>
    tpu.enqueue_indirect_dma source(%dma_start3A_24 : memref<1048576xf32, #tpu.memory_space<hbm>>) target(%dma_start3A_20 : memref<128xf32, #tpu.memory_space<vmem>>) offsets(%dma_start3A_22 : memref<128xi32, #tpu.memory_space<vmem>>) semaphore(%arg15 : memref<!tpu.dma_semaphore, #tpu.memory_space<semaphore_mem>>)
    %dma_start3A_25 = arith.constant 384 : i32
    %dma_start3A_26 = tpu.memref_slice %arg13[%dma_start3A_25] : memref<10240xf32, #tpu.memory_space<vmem>> -> memref<128xf32, #tpu.memory_space<vmem>>
    %dma_start3A_27 = arith.constant 384 : i32
    %dma_start3A_28 = tpu.memref_slice %arg12[%dma_start3A_27] : memref<10240xi32, #tpu.memory_space<vmem>> -> memref<128xi32, #tpu.memory_space<vmem>>
    %dma_start3A_29 = arith.constant 0 : i32
    %dma_start3A_30 = tpu.memref_slice %arg2[%dma_start3A_29] : memref<1048576xf32, #tpu.memory_space<hbm>> -> memref<1048576xf32, #tpu.memory_space<hbm>>
    tpu.enqueue_indirect_dma source(%dma_start3A_30 : memref<1048576xf32, #tpu.memory_space<hbm>>) target(%dma_start3A_26 : memref<128xf32, #tpu.memory_space<vmem>>) offsets(%dma_start3A_28 : memref<128xi32, #tpu.memory_space<vmem>>) semaphore(%arg15 : memref<!tpu.dma_semaphore, #tpu.memory_space<semaphore_mem>>)
    %dma_start3A_31 = arith.constant 512 : i32
    %dma_start3A_32 = tpu.memref_slice %arg13[%dma_start3A_31] : memref<10240xf32, #tpu.memory_space<vmem>> -> memref<128xf32, #tpu.memory_space<vmem>>
    %dma_start3A_33 = arith.constant 512 : i32
    %dma_start3A_34 = tpu.memref_slice %arg12[%dma_start3A_33] : memref<10240xi32, #tpu.memory_space<vmem>> -> memref<128xi32, #tpu.memory_space<vmem>>
    %dma_start3A_35 = arith.constant 0 : i32
    %dma_start3A_36 = tpu.memref_slice %arg2[%dma_start3A_35] : memref<1048576xf32, #tpu.memory_space<hbm>> -> memref<1048576xf32, #tpu.memory_space<hbm>>
    tpu.enqueue_indirect_dma source(%dma_start3A_36 : memref<1048576xf32, #tpu.memory_space<hbm>>) target(%dma_start3A_32 : memref<128xf32, #tpu.memory_space<vmem>>) offsets(%dma_start3A_34 : memref<128xi32, #tpu.memory_space<vmem>>) semaphore(%arg15 : memref<!tpu.dma_semaphore, #tpu.memory_space<semaphore_mem>>)
    %dma_start3A_37 = arith.constant 640 : i32
    %dma_start3A_38 = tpu.memref_slice %arg13[%dma_start3A_37] : memref<10240xf32, #tpu.memory_space<vmem>> -> memref<128xf32, #tpu.memory_space<vmem>>
    %dma_start3A_39 = arith.constant 640 : i32
    %dma_start3A_40 = tpu.memref_slice %arg12[%dma_start3A_39] : memref<10240xi32, #tpu.memory_space<vmem>> -> memref<128xi32, #tpu.memory_space<vmem>>
    %dma_start3A_41 = arith.constant 0 : i32
    %dma_start3A_42 = tpu.memref_slice %arg2[%dma_start3A_41] : memref<1048576xf32, #tpu.memory_space<hbm>> -> memref<1048576xf32, #tpu.memory_space<hbm>>
    tpu.enqueue_indirect_dma source(%dma_start3A_42 : memref<1048576xf32, #tpu.memory_space<hbm>>) target(%dma_start3A_38 : memref<128xf32, #tpu.memory_space<vmem>>) offsets(%dma_start3A_40 : memref<128xi32, #tpu.memory_space<vmem>>) semaphore(%arg15 : memref<!tpu.dma_semaphore, #tpu.memory_space<semaphore_mem>>)
    %dma_start3A_43 = arith.constant 768 : i32
    %dma_start3A_44 = tpu.memref_slice %arg13[%dma_start3A_43] : memref<10240xf32, #tpu.memory_space<vmem>> -> memref<128xf32, #tpu.memory_space<vmem>>
    %dma_start3A_45 = arith.constant 768 : i32
    %dma_start3A_46 = tpu.memref_slice %arg12[%dma_start3A_45] : memref<10240xi32, #tpu.memory_space<vmem>> -> memref<128xi32, #tpu.memory_space<vmem>>
    %dma_start3A_47 = arith.constant 0 : i32
    %dma_start3A_48 = tpu.memref_slice %arg2[%dma_start3A_47] : memref<1048576xf32, #tpu.memory_space<hbm>> -> memref<1048576xf32, #tpu.memory_space<hbm>>
    tpu.enqueue_indirect_dma source(%dma_start3A_48 : memref<1048576xf32, #tpu.memory_space<hbm>>) target(%dma_start3A_44 : memref<128xf32, #tpu.memory_space<vmem>>) offsets(%dma_start3A_46 : memref<128xi32, #tpu.memory_space<vmem>>) semaphore(%arg15 : memref<!tpu.dma_semaphore, #tpu.memory_space<semaphore_mem>>)
    %dma_start3A_49 = arith.constant 896 : i32
    %dma_start3A_50 = tpu.memref_slice %arg13[%dma_start3A_49] : memref<10240xf32, #tpu.memory_space<vmem>> -> memref<128xf32, #tpu.memory_space<vmem>>
    %dma_start3A_51 = arith.constant 896 : i32
    %dma_start3A_52 = tpu.memref_slice %arg12[%dma_start3A_51] : memref<10240xi32, #tpu.memory_space<vmem>> -> memref<128xi32, #tpu.memory_space<vmem>>
    %dma_start3A_53 = arith.constant 0 : i32
    %dma_start3A_54 = tpu.memref_slice %arg2[%dma_start3A_53] : memref<1048576xf32, #tpu.memory_space<hbm>> -> memref<1048576xf32, #tpu.memory_space<hbm>>
    tpu.enqueue_indirect_dma source(%dma_start3A_54 : memref<1048576xf32, #tpu.memory_space<hbm>>) target(%dma_start3A_50 : memref<128xf32, #tpu.memory_space<vmem>>) offsets(%dma_start3A_52 : memref<128xi32, #tpu.memory_space<vmem>>) semaphore(%arg15 : memref<!tpu.dma_semaphore, #tpu.memory_space<semaphore_mem>>)
    %dma_start3A_55 = arith.constant 1024 : i32
    %dma_start3A_56 = tpu.memref_slice %arg13[%dma_start3A_55] : memref<10240xf32, #tpu.memory_space<vmem>> -> memref<128xf32, #tpu.memory_space<vmem>>
    %dma_start3A_57 = arith.constant 1024 : i32
    %dma_start3A_58 = tpu.memref_slice %arg12[%dma_start3A_57] : memref<10240xi32, #tpu.memory_space<vmem>> -> memref<128xi32, #tpu.memory_space<vmem>>
    %dma_start3A_59 = arith.constant 0 : i32
    %dma_start3A_60 = tpu.memref_slice %arg2[%dma_start3A_59] : memref<1048576xf32, #tpu.memory_space<hbm>> -> memref<1048576xf32, #tpu.memory_space<hbm>>
    tpu.enqueue_indirect_dma source(%dma_start3A_60 : memref<1048576xf32, #tpu.memory_space<hbm>>) target(%dma_start3A_56 : memref<128xf32, #tpu.memory_space<vmem>>) offsets(%dma_start3A_58 : memref<128xi32, #tpu.memory_space<vmem>>) semaphore(%arg15 : memref<!tpu.dma_semaphore, #tpu.memory_space<semaphore_mem>>)
    %dma_start3A_61 = arith.constant 1152 : i32
    %dma_start3A_62 = tpu.memref_slice %arg13[%dma_start3A_61] : memref<10240xf32, #tpu.memory_space<vmem>> -> memref<128xf32, #tpu.memory_space<vmem>>
    %dma_start3A_63 = arith.constant 1152 : i32
    %dma_start3A_64 = tpu.memref_slice %arg12[%dma_start3A_63] : memref<10240xi32, #tpu.memory_space<vmem>> -> memref<128xi32, #tpu.memory_space<vmem>>
    %dma_start3A_65 = arith.constant 0 : i32
    %dma_start3A_66 = tpu.memref_slice %arg2[%dma_start3A_65] : memref<1048576xf32, #tpu.memory_space<hbm>> -> memref<1048576xf32, #tpu.memory_space<hbm>>
    tpu.enqueue_indirect_dma source(%dma_start3A_66 : memref<1048576xf32, #tpu.memory_space<hbm>>) target(%dma_start3A_62 : memref<128xf32, #tpu.memory_space<vmem>>) offsets(%dma_start3A_64 : memref<128xi32, #tpu.memory_space<vmem>>) semaphore(%arg15 : memref<!tpu.dma_semaphore, #tpu.memory_space<semaphore_mem>>)
    %dma_start3A_67 = arith.constant 1280 : i32
    %dma_start3A_68 = tpu.memref_slice %arg13[%dma_start3A_67] : memref<10240xf32, #tpu.memory_space<vmem>> -> memref<128xf32, #tpu.memory_space<vmem>>
    %dma_start3A_69 = arith.constant 1280 : i32
    %dma_start3A_70 = tpu.memref_slice %arg12[%dma_start3A_69] : memref<10240xi32, #tpu.memory_space<vmem>> -> memref<128xi32, #tpu.memory_space<vmem>>
    %dma_start3A_71 = arith.constant 0 : i32
    %dma_start3A_72 = tpu.memref_slice %arg2[%dma_start3A_71] : memref<1048576xf32, #tpu.memory_space<hbm>> -> memref<1048576xf32, #tpu.memory_space<hbm>>
    tpu.enqueue_indirect_dma source(%dma_start3A_72 : memref<1048576xf32, #tpu.memory_space<hbm>>) target(%dma_start3A_68 : memref<128xf32, #tpu.memory_space<vmem>>) offsets(%dma_start3A_70 : memref<128xi32, #tpu.memory_space<vmem>>) semaphore(%arg15 : memref<!tpu.dma_semaphore, #tpu.memory_space<semaphore_mem>>)
    %dma_start3A_73 = arith.constant 1408 : i32
    %dma_start3A_74 = tpu.memref_slice %arg13[%dma_start3A_73] : memref<10240xf32, #tpu.memory_space<vmem>> -> memref<128xf32, #tpu.memory_space<vmem>>
    %dma_start3A_75 = arith.constant 1408 : i32
    %dma_start3A_76 = tpu.memref_slice %arg12[%dma_start3A_75] : memref<10240xi32, #tpu.memory_space<vmem>> -> memref<128xi32, #tpu.memory_space<vmem>>
    %dma_start3A_77 = arith.constant 0 : i32
    %dma_start3A_78 = tpu.memref_slice %arg2[%dma_start3A_77] : memref<1048576xf32, #tpu.memory_space<hbm>> -> memref<1048576xf32, #tpu.memory_space<hbm>>
    tpu.enqueue_indirect_dma source(%dma_start3A_78 : memref<1048576xf32, #tpu.memory_space<hbm>>) target(%dma_start3A_74 : memref<128xf32, #tpu.memory_space<vmem>>) offsets(%dma_start3A_76 : memref<128xi32, #tpu.memory_space<vmem>>) semaphore(%arg15 : memref<!tpu.dma_semaphore, #tpu.memory_space<semaphore_mem>>)
    %dma_start3A_79 = arith.constant 1536 : i32
    %dma_start3A_80 = tpu.memref_slice %arg13[%dma_start3A_79] : memref<10240xf32, #tpu.memory_space<vmem>> -> memref<128xf32, #tpu.memory_space<vmem>>
    %dma_start3A_81 = arith.constant 1536 : i32
    %dma_start3A_82 = tpu.memref_slice %arg12[%dma_start3A_81] : memref<10240xi32, #tpu.memory_space<vmem>> -> memref<128xi32, #tpu.memory_space<vmem>>
    %dma_start3A_83 = arith.constant 0 : i32
    %dma_start3A_84 = tpu.memref_slice %arg2[%dma_start3A_83] : memref<1048576xf32, #tpu.memory_space<hbm>> -> memref<1048576xf32, #tpu.memory_space<hbm>>
    tpu.enqueue_indirect_dma source(%dma_start3A_84 : memref<1048576xf32, #tpu.memory_space<hbm>>) target(%dma_start3A_80 : memref<128xf32, #tpu.memory_space<vmem>>) offsets(%dma_start3A_82 : memref<128xi32, #tpu.memory_space<vmem>>) semaphore(%arg15 : memref<!tpu.dma_semaphore, #tpu.memory_space<semaphore_mem>>)
    %dma_start3A_85 = arith.constant 1664 : i32
    %dma_start3A_86 = tpu.memref_slice %arg13[%dma_start3A_85] : memref<10240xf32, #tpu.memory_space<vmem>> -> memref<128xf32, #tpu.memory_space<vmem>>
    %dma_start3A_87 = arith.constant 1664 : i32
    %dma_start3A_88 = tpu.memref_slice %arg12[%dma_start3A_87] : memref<10240xi32, #tpu.memory_space<vmem>> -> memref<128xi32, #tpu.memory_space<vmem>>
    %dma_start3A_89 = arith.constant 0 : i32
    %dma_start3A_90 = tpu.memref_slice %arg2[%dma_start3A_89] : memref<1048576xf32, #tpu.memory_space<hbm>> -> memref<1048576xf32, #tpu.memory_space<hbm>>
    tpu.enqueue_indirect_dma source(%dma_start3A_90 : memref<1048576xf32, #tpu.memory_space<hbm>>) target(%dma_start3A_86 : memref<128xf32, #tpu.memory_space<vmem>>) offsets(%dma_start3A_88 : memref<128xi32, #tpu.memory_space<vmem>>) semaphore(%arg15 : memref<!tpu.dma_semaphore, #tpu.memory_space<semaphore_mem>>)
    %dma_start3A_91 = arith.constant 1792 : i32
    %dma_start3A_92 = tpu.memref_slice %arg13[%dma_start3A_91] : memref<10240xf32, #tpu.memory_space<vmem>> -> memref<128xf32, #tpu.memory_space<vmem>>
    %dma_start3A_93 = arith.constant 1792 : i32
    %dma_start3A_94 = tpu.memref_slice %arg12[%dma_start3A_93] : memref<10240xi32, #tpu.memory_space<vmem>> -> memref<128xi32, #tpu.memory_space<vmem>>
    %dma_start3A_95 = arith.constant 0 : i32
    %dma_start3A_96 = tpu.memref_slice %arg2[%dma_start3A_95] : memref<1048576xf32, #tpu.memory_space<hbm>> -> memref<1048576xf32, #tpu.memory_space<hbm>>
    tpu.enqueue_indirect_dma source(%dma_start3A_96 : memref<1048576xf32, #tpu.memory_space<hbm>>) target(%dma_start3A_92 : memref<128xf32, #tpu.memory_space<vmem>>) offsets(%dma_start3A_94 : memref<128xi32, #tpu.memory_space<vmem>>) semaphore(%arg15 : memref<!tpu.dma_semaphore, #tpu.memory_space<semaphore_mem>>)
    %dma_start3A_97 = arith.constant 1920 : i32
    %dma_start3A_98 = tpu.memref_slice %arg13[%dma_start3A_97] : memref<10240xf32, #tpu.memory_space<vmem>> -> memref<128xf32, #tpu.memory_space<vmem>>
    %dma_start3A_99 = arith.constant 1920 : i32
    %dma_start3A_100 = tpu.memref_slice %arg12[%dma_start3A_99] : memref<10240xi32, #tpu.memory_space<vmem>> -> memref<128xi32, #tpu.memory_space<vmem>>
    %dma_start3A_101 = arith.constant 0 : i32
    %dma_start3A_102 = tpu.memref_slice %arg2[%dma_start3A_101] : memref<1048576xf32, #tpu.memory_space<hbm>> -> memref<1048576xf32, #tpu.memory_space<hbm>>
    tpu.enqueue_indirect_dma source(%dma_start3A_102 : memref<1048576xf32, #tpu.memory_space<hbm>>) target(%dma_start3A_98 : memref<128xf32, #tpu.memory_space<vmem>>) offsets(%dma_start3A_100 : memref<128xi32, #tpu.memory_space<vmem>>) semaphore(%arg15 : memref<!tpu.dma_semaphore, #tpu.memory_space<semaphore_mem>>)
    %dma_start3A_103 = arith.constant 2048 : i32
    %dma_start3A_104 = tpu.memref_slice %arg13[%dma_start3A_103] : memref<10240xf32, #tpu.memory_space<vmem>> -> memref<128xf32, #tpu.memory_space<vmem>>
    %dma_start3A_105 = arith.constant 2048 : i32
    %dma_start3A_106 = tpu.memref_slice %arg12[%dma_start3A_105] : memref<10240xi32, #tpu.memory_space<vmem>> -> memref<128xi32, #tpu.memory_space<vmem>>
    %dma_start3A_107 = arith.constant 0 : i32
    %dma_start3A_108 = tpu.memref_slice %arg2[%dma_start3A_107] : memref<1048576xf32, #tpu.memory_space<hbm>> -> memref<1048576xf32, #tpu.memory_space<hbm>>
    tpu.enqueue_indirect_dma source(%dma_start3A_108 : memref<1048576xf32, #tpu.memory_space<hbm>>) target(%dma_start3A_104 : memref<128xf32, #tpu.memory_space<vmem>>) offsets(%dma_start3A_106 : memref<128xi32, #tpu.memory_space<vmem>>) semaphore(%arg15 : memref<!tpu.dma_semaphore, #tpu.memory_space<semaphore_mem>>)
    %dma_start3A_109 = arith.constant 2176 : i32
    %dma_start3A_110 = tpu.memref_slice %arg13[%dma_start3A_109] : memref<10240xf32, #tpu.memory_space<vmem>> -> memref<128xf32, #tpu.memory_space<vmem>>
    %dma_start3A_111 = arith.constant 2176 : i32
    %dma_start3A_112 = tpu.memref_slice %arg12[%dma_start3A_111] : memref<10240xi32, #tpu.memory_space<vmem>> -> memref<128xi32, #tpu.memory_space<vmem>>
    %dma_start3A_113 = arith.constant 0 : i32
    %dma_start3A_114 = tpu.memref_slice %arg2[%dma_start3A_113] : memref<1048576xf32, #tpu.memory_space<hbm>> -> memref<1048576xf32, #tpu.memory_space<hbm>>
    tpu.enqueue_indirect_dma source(%dma_start3A_114 : memref<1048576xf32, #tpu.memory_space<hbm>>) target(%dma_start3A_110 : memref<128xf32, #tpu.memory_space<vmem>>) offsets(%dma_start3A_112 : memref<128xi32, #tpu.memory_space<vmem>>) semaphore(%arg15 : memref<!tpu.dma_semaphore, #tpu.memory_space<semaphore_mem>>)
    %dma_start3A_115 = arith.constant 2304 : i32
    %dma_start3A_116 = tpu.memref_slice %arg13[%dma_start3A_115] : memref<10240xf32, #tpu.memory_space<vmem>> -> memref<128xf32, #tpu.memory_space<vmem>>
    %dma_start3A_117 = arith.constant 2304 : i32
    %dma_start3A_118 = tpu.memref_slice %arg12[%dma_start3A_117] : memref<10240xi32, #tpu.memory_space<vmem>> -> memref<128xi32, #tpu.memory_space<vmem>>
    %dma_start3A_119 = arith.constant 0 : i32
    %dma_start3A_120 = tpu.memref_slice %arg2[%dma_start3A_119] : memref<1048576xf32, #tpu.memory_space<hbm>> -> memref<1048576xf32, #tpu.memory_space<hbm>>
    tpu.enqueue_indirect_dma source(%dma_start3A_120 : memref<1048576xf32, #tpu.memory_space<hbm>>) target(%dma_start3A_116 : memref<128xf32, #tpu.memory_space<vmem>>) offsets(%dma_start3A_118 : memref<128xi32, #tpu.memory_space<vmem>>) semaphore(%arg15 : memref<!tpu.dma_semaphore, #tpu.memory_space<semaphore_mem>>)
    %dma_start3A_121 = arith.constant 2432 : i32
    %dma_start3A_122 = tpu.memref_slice %arg13[%dma_start3A_121] : memref<10240xf32, #tpu.memory_space<vmem>> -> memref<128xf32, #tpu.memory_space<vmem>>
    %dma_start3A_123 = arith.constant 2432 : i32
    %dma_start3A_124 = tpu.memref_slice %arg12[%dma_start3A_123] : memref<10240xi32, #tpu.memory_space<vmem>> -> memref<128xi32, #tpu.memory_space<vmem>>
    %dma_start3A_125 = arith.constant 0 : i32
    %dma_start3A_126 = tpu.memref_slice %arg2[%dma_start3A_125] : memref<1048576xf32, #tpu.memory_space<hbm>> -> memref<1048576xf32, #tpu.memory_space<hbm>>
    tpu.enqueue_indirect_dma source(%dma_start3A_126 : memref<1048576xf32, #tpu.memory_space<hbm>>) target(%dma_start3A_122 : memref<128xf32, #tpu.memory_space<vmem>>) offsets(%dma_start3A_124 : memref<128xi32, #tpu.memory_space<vmem>>) semaphore(%arg15 : memref<!tpu.dma_semaphore, #tpu.memory_space<semaphore_mem>>)
    %dma_start3A_127 = arith.constant 2560 : i32
    %dma_start3A_128 = tpu.memref_slice %arg13[%dma_start3A_127] : memref<10240xf32, #tpu.memory_space<vmem>> -> memref<128xf32, #tpu.memory_space<vmem>>
    %dma_start3A_129 = arith.constant 2560 : i32
    %dma_start3A_130 = tpu.memref_slice %arg12[%dma_start3A_129] : memref<10240xi32, #tpu.memory_space<vmem>> -> memref<128xi32, #tpu.memory_space<vmem>>
    %dma_start3A_131 = arith.constant 0 : i32
    %dma_start3A_132 = tpu.memref_slice %arg2[%dma_start3A_131] : memref<1048576xf32, #tpu.memory_space<hbm>> -> memref<1048576xf32, #tpu.memory_space<hbm>>
    tpu.enqueue_indirect_dma source(%dma_start3A_132 : memref<1048576xf32, #tpu.memory_space<hbm>>) target(%dma_start3A_128 : memref<128xf32, #tpu.memory_space<vmem>>) offsets(%dma_start3A_130 : memref<128xi32, #tpu.memory_space<vmem>>) semaphore(%arg15 : memref<!tpu.dma_semaphore, #tpu.memory_space<semaphore_mem>>)
    %dma_start3A_133 = arith.constant 2688 : i32
    %dma_start3A_134 = tpu.memref_slice %arg13[%dma_start3A_133] : memref<10240xf32, #tpu.memory_space<vmem>> -> memref<128xf32, #tpu.memory_space<vmem>>
    %dma_start3A_135 = arith.constant 2688 : i32
    %dma_start3A_136 = tpu.memref_slice %arg12[%dma_start3A_135] : memref<10240xi32, #tpu.memory_space<vmem>> -> memref<128xi32, #tpu.memory_space<vmem>>
    %dma_start3A_137 = arith.constant 0 : i32
    %dma_start3A_138 = tpu.memref_slice %arg2[%dma_start3A_137] : memref<1048576xf32, #tpu.memory_space<hbm>> -> memref<1048576xf32, #tpu.memory_space<hbm>>
    tpu.enqueue_indirect_dma source(%dma_start3A_138 : memref<1048576xf32, #tpu.memory_space<hbm>>) target(%dma_start3A_134 : memref<128xf32, #tpu.memory_space<vmem>>) offsets(%dma_start3A_136 : memref<128xi32, #tpu.memory_space<vmem>>) semaphore(%arg15 : memref<!tpu.dma_semaphore, #tpu.memory_space<semaphore_mem>>)
    %dma_start3A_139 = arith.constant 2816 : i32
    %dma_start3A_140 = tpu.memref_slice %arg13[%dma_start3A_139] : memref<10240xf32, #tpu.memory_space<vmem>> -> memref<128xf32, #tpu.memory_space<vmem>>
    %dma_start3A_141 = arith.constant 2816 : i32
    %dma_start3A_142 = tpu.memref_slice %arg12[%dma_start3A_141] : memref<10240xi32, #tpu.memory_space<vmem>> -> memref<128xi32, #tpu.memory_space<vmem>>
    %dma_start3A_143 = arith.constant 0 : i32
    %dma_start3A_144 = tpu.memref_slice %arg2[%dma_start3A_143] : memref<1048576xf32, #tpu.memory_space<hbm>> -> memref<1048576xf32, #tpu.memory_space<hbm>>
    tpu.enqueue_indirect_dma source(%dma_start3A_144 : memref<1048576xf32, #tpu.memory_space<hbm>>) target(%dma_start3A_140 : memref<128xf32, #tpu.memory_space<vmem>>) offsets(%dma_start3A_142 : memref<128xi32, #tpu.memory_space<vmem>>) semaphore(%arg15 : memref<!tpu.dma_semaphore, #tpu.memory_space<semaphore_mem>>)
    %dma_start3A_145 = arith.constant 2944 : i32
    %dma_start3A_146 = tpu.memref_slice %arg13[%dma_start3A_145] : memref<10240xf32, #tpu.memory_space<vmem>> -> memref<128xf32, #tpu.memory_space<vmem>>
    %dma_start3A_147 = arith.constant 2944 : i32
    %dma_start3A_148 = tpu.memref_slice %arg12[%dma_start3A_147] : memref<10240xi32, #tpu.memory_space<vmem>> -> memref<128xi32, #tpu.memory_space<vmem>>
    %dma_start3A_149 = arith.constant 0 : i32
    %dma_start3A_150 = tpu.memref_slice %arg2[%dma_start3A_149] : memref<1048576xf32, #tpu.memory_space<hbm>> -> memref<1048576xf32, #tpu.memory_space<hbm>>
    tpu.enqueue_indirect_dma source(%dma_start3A_150 : memref<1048576xf32, #tpu.memory_space<hbm>>) target(%dma_start3A_146 : memref<128xf32, #tpu.memory_space<vmem>>) offsets(%dma_start3A_148 : memref<128xi32, #tpu.memory_space<vmem>>) semaphore(%arg15 : memref<!tpu.dma_semaphore, #tpu.memory_space<semaphore_mem>>)
    %dma_start3A_151 = arith.constant 3072 : i32
    %dma_start3A_152 = tpu.memref_slice %arg13[%dma_start3A_151] : memref<10240xf32, #tpu.memory_space<vmem>> -> memref<128xf32, #tpu.memory_space<vmem>>
    %dma_start3A_153 = arith.constant 3072 : i32
    %dma_start3A_154 = tpu.memref_slice %arg12[%dma_start3A_153] : memref<10240xi32, #tpu.memory_space<vmem>> -> memref<128xi32, #tpu.memory_space<vmem>>
    %dma_start3A_155 = arith.constant 0 : i32
    %dma_start3A_156 = tpu.memref_slice %arg2[%dma_start3A_155] : memref<1048576xf32, #tpu.memory_space<hbm>> -> memref<1048576xf32, #tpu.memory_space<hbm>>
    tpu.enqueue_indirect_dma source(%dma_start3A_156 : memref<1048576xf32, #tpu.memory_space<hbm>>) target(%dma_start3A_152 : memref<128xf32, #tpu.memory_space<vmem>>) offsets(%dma_start3A_154 : memref<128xi32, #tpu.memory_space<vmem>>) semaphore(%arg15 : memref<!tpu.dma_semaphore, #tpu.memory_space<semaphore_mem>>)
    %dma_start3A_157 = arith.constant 3200 : i32
    %dma_start3A_158 = tpu.memref_slice %arg13[%dma_start3A_157] : memref<10240xf32, #tpu.memory_space<vmem>> -> memref<128xf32, #tpu.memory_space<vmem>>
    %dma_start3A_159 = arith.constant 3200 : i32
    %dma_start3A_160 = tpu.memref_slice %arg12[%dma_start3A_159] : memref<10240xi32, #tpu.memory_space<vmem>> -> memref<128xi32, #tpu.memory_space<vmem>>
    %dma_start3A_161 = arith.constant 0 : i32
    %dma_start3A_162 = tpu.memref_slice %arg2[%dma_start3A_161] : memref<1048576xf32, #tpu.memory_space<hbm>> -> memref<1048576xf32, #tpu.memory_space<hbm>>
    tpu.enqueue_indirect_dma source(%dma_start3A_162 : memref<1048576xf32, #tpu.memory_space<hbm>>) target(%dma_start3A_158 : memref<128xf32, #tpu.memory_space<vmem>>) offsets(%dma_start3A_160 : memref<128xi32, #tpu.memory_space<vmem>>) semaphore(%arg15 : memref<!tpu.dma_semaphore, #tpu.memory_space<semaphore_mem>>)
    %dma_start3A_163 = arith.constant 3328 : i32
    %dma_start3A_164 = tpu.memref_slice %arg13[%dma_start3A_163] : memref<10240xf32, #tpu.memory_space<vmem>> -> memref<128xf32, #tpu.memory_space<vmem>>
    %dma_start3A_165 = arith.constant 3328 : i32
    %dma_start3A_166 = tpu.memref_slice %arg12[%dma_start3A_165] : memref<10240xi32, #tpu.memory_space<vmem>> -> memref<128xi32, #tpu.memory_space<vmem>>
    %dma_start3A_167 = arith.constant 0 : i32
    %dma_start3A_168 = tpu.memref_slice %arg2[%dma_start3A_167] : memref<1048576xf32, #tpu.memory_space<hbm>> -> memref<1048576xf32, #tpu.memory_space<hbm>>
    tpu.enqueue_indirect_dma source(%dma_start3A_168 : memref<1048576xf32, #tpu.memory_space<hbm>>) target(%dma_start3A_164 : memref<128xf32, #tpu.memory_space<vmem>>) offsets(%dma_start3A_166 : memref<128xi32, #tpu.memory_space<vmem>>) semaphore(%arg15 : memref<!tpu.dma_semaphore, #tpu.memory_space<semaphore_mem>>)
    %dma_start3A_169 = arith.constant 3456 : i32
    %dma_start3A_170 = tpu.memref_slice %arg13[%dma_start3A_169] : memref<10240xf32, #tpu.memory_space<vmem>> -> memref<128xf32, #tpu.memory_space<vmem>>
    %dma_start3A_171 = arith.constant 3456 : i32
    %dma_start3A_172 = tpu.memref_slice %arg12[%dma_start3A_171] : memref<10240xi32, #tpu.memory_space<vmem>> -> memref<128xi32, #tpu.memory_space<vmem>>
    %dma_start3A_173 = arith.constant 0 : i32
    %dma_start3A_174 = tpu.memref_slice %arg2[%dma_start3A_173] : memref<1048576xf32, #tpu.memory_space<hbm>> -> memref<1048576xf32, #tpu.memory_space<hbm>>
    tpu.enqueue_indirect_dma source(%dma_start3A_174 : memref<1048576xf32, #tpu.memory_space<hbm>>) target(%dma_start3A_170 : memref<128xf32, #tpu.memory_space<vmem>>) offsets(%dma_start3A_172 : memref<128xi32, #tpu.memory_space<vmem>>) semaphore(%arg15 : memref<!tpu.dma_semaphore, #tpu.memory_space<semaphore_mem>>)
    %dma_start3A_175 = arith.constant 3584 : i32
    %dma_start3A_176 = tpu.memref_slice %arg13[%dma_start3A_175] : memref<10240xf32, #tpu.memory_space<vmem>> -> memref<128xf32, #tpu.memory_space<vmem>>
    %dma_start3A_177 = arith.constant 3584 : i32
    %dma_start3A_178 = tpu.memref_slice %arg12[%dma_start3A_177] : memref<10240xi32, #tpu.memory_space<vmem>> -> memref<128xi32, #tpu.memory_space<vmem>>
    %dma_start3A_179 = arith.constant 0 : i32
    %dma_start3A_180 = tpu.memref_slice %arg2[%dma_start3A_179] : memref<1048576xf32, #tpu.memory_space<hbm>> -> memref<1048576xf32, #tpu.memory_space<hbm>>
    tpu.enqueue_indirect_dma source(%dma_start3A_180 : memref<1048576xf32, #tpu.memory_space<hbm>>) target(%dma_start3A_176 : memref<128xf32, #tpu.memory_space<vmem>>) offsets(%dma_start3A_178 : memref<128xi32, #tpu.memory_space<vmem>>) semaphore(%arg15 : memref<!tpu.dma_semaphore, #tpu.memory_space<semaphore_mem>>)
    %dma_start3A_181 = arith.constant 3712 : i32
    %dma_start3A_182 = tpu.memref_slice %arg13[%dma_start3A_181] : memref<10240xf32, #tpu.memory_space<vmem>> -> memref<128xf32, #tpu.memory_space<vmem>>
    %dma_start3A_183 = arith.constant 3712 : i32
    %dma_start3A_184 = tpu.memref_slice %arg12[%dma_start3A_183] : memref<10240xi32, #tpu.memory_space<vmem>> -> memref<128xi32, #tpu.memory_space<vmem>>
    %dma_start3A_185 = arith.constant 0 : i32
    %dma_start3A_186 = tpu.memref_slice %arg2[%dma_start3A_185] : memref<1048576xf32, #tpu.memory_space<hbm>> -> memref<1048576xf32, #tpu.memory_space<hbm>>
    tpu.enqueue_indirect_dma source(%dma_start3A_186 : memref<1048576xf32, #tpu.memory_space<hbm>>) target(%dma_start3A_182 : memref<128xf32, #tpu.memory_space<vmem>>) offsets(%dma_start3A_184 : memref<128xi32, #tpu.memory_space<vmem>>) semaphore(%arg15 : memref<!tpu.dma_semaphore, #tpu.memory_space<semaphore_mem>>)
    %dma_start3A_187 = arith.constant 3840 : i32
    %dma_start3A_188 = tpu.memref_slice %arg13[%dma_start3A_187] : memref<10240xf32, #tpu.memory_space<vmem>> -> memref<128xf32, #tpu.memory_space<vmem>>
    %dma_start3A_189 = arith.constant 3840 : i32
    %dma_start3A_190 = tpu.memref_slice %arg12[%dma_start3A_189] : memref<10240xi32, #tpu.memory_space<vmem>> -> memref<128xi32, #tpu.memory_space<vmem>>
    %dma_start3A_191 = arith.constant 0 : i32
    %dma_start3A_192 = tpu.memref_slice %arg2[%dma_start3A_191] : memref<1048576xf32, #tpu.memory_space<hbm>> -> memref<1048576xf32, #tpu.memory_space<hbm>>
    tpu.enqueue_indirect_dma source(%dma_start3A_192 : memref<1048576xf32, #tpu.memory_space<hbm>>) target(%dma_start3A_188 : memref<128xf32, #tpu.memory_space<vmem>>) offsets(%dma_start3A_190 : memref<128xi32, #tpu.memory_space<vmem>>) semaphore(%arg15 : memref<!tpu.dma_semaphore, #tpu.memory_space<semaphore_mem>>)
    %dma_start3A_193 = arith.constant 3968 : i32
    %dma_start3A_194 = tpu.memref_slice %arg13[%dma_start3A_193] : memref<10240xf32, #tpu.memory_space<vmem>> -> memref<128xf32, #tpu.memory_space<vmem>>
    %dma_start3A_195 = arith.constant 3968 : i32
    %dma_start3A_196 = tpu.memref_slice %arg12[%dma_start3A_195] : memref<10240xi32, #tpu.memory_space<vmem>> -> memref<128xi32, #tpu.memory_space<vmem>>
    %dma_start3A_197 = arith.constant 0 : i32
    %dma_start3A_198 = tpu.memref_slice %arg2[%dma_start3A_197] : memref<1048576xf32, #tpu.memory_space<hbm>> -> memref<1048576xf32, #tpu.memory_space<hbm>>
    tpu.enqueue_indirect_dma source(%dma_start3A_198 : memref<1048576xf32, #tpu.memory_space<hbm>>) target(%dma_start3A_194 : memref<128xf32, #tpu.memory_space<vmem>>) offsets(%dma_start3A_196 : memref<128xi32, #tpu.memory_space<vmem>>) semaphore(%arg15 : memref<!tpu.dma_semaphore, #tpu.memory_space<semaphore_mem>>)
    %dma_start3A_199 = arith.constant 4096 : i32
    %dma_start3A_200 = tpu.memref_slice %arg13[%dma_start3A_199] : memref<10240xf32, #tpu.memory_space<vmem>> -> memref<128xf32, #tpu.memory_space<vmem>>
    %dma_start3A_201 = arith.constant 4096 : i32
    %dma_start3A_202 = tpu.memref_slice %arg12[%dma_start3A_201] : memref<10240xi32, #tpu.memory_space<vmem>> -> memref<128xi32, #tpu.memory_space<vmem>>
    %dma_start3A_203 = arith.constant 0 : i32
    %dma_start3A_204 = tpu.memref_slice %arg2[%dma_start3A_203] : memref<1048576xf32, #tpu.memory_space<hbm>> -> memref<1048576xf32, #tpu.memory_space<hbm>>
    tpu.enqueue_indirect_dma source(%dma_start3A_204 : memref<1048576xf32, #tpu.memory_space<hbm>>) target(%dma_start3A_200 : memref<128xf32, #tpu.memory_space<vmem>>) offsets(%dma_start3A_202 : memref<128xi32, #tpu.memory_space<vmem>>) semaphore(%arg15 : memref<!tpu.dma_semaphore, #tpu.memory_space<semaphore_mem>>)
    %dma_start3A_205 = arith.constant 4224 : i32
    %dma_start3A_206 = tpu.memref_slice %arg13[%dma_start3A_205] : memref<10240xf32, #tpu.memory_space<vmem>> -> memref<128xf32, #tpu.memory_space<vmem>>
    %dma_start3A_207 = arith.constant 4224 : i32
    %dma_start3A_208 = tpu.memref_slice %arg12[%dma_start3A_207] : memref<10240xi32, #tpu.memory_space<vmem>> -> memref<128xi32, #tpu.memory_space<vmem>>
    %dma_start3A_209 = arith.constant 0 : i32
    %dma_start3A_210 = tpu.memref_slice %arg2[%dma_start3A_209] : memref<1048576xf32, #tpu.memory_space<hbm>> -> memref<1048576xf32, #tpu.memory_space<hbm>>
    tpu.enqueue_indirect_dma source(%dma_start3A_210 : memref<1048576xf32, #tpu.memory_space<hbm>>) target(%dma_start3A_206 : memref<128xf32, #tpu.memory_space<vmem>>) offsets(%dma_start3A_208 : memref<128xi32, #tpu.memory_space<vmem>>) semaphore(%arg15 : memref<!tpu.dma_semaphore, #tpu.memory_space<semaphore_mem>>)
    %dma_start3A_211 = arith.constant 4352 : i32
    %dma_start3A_212 = tpu.memref_slice %arg13[%dma_start3A_211] : memref<10240xf32, #tpu.memory_space<vmem>> -> memref<128xf32, #tpu.memory_space<vmem>>
    %dma_start3A_213 = arith.constant 4352 : i32
    %dma_start3A_214 = tpu.memref_slice %arg12[%dma_start3A_213] : memref<10240xi32, #tpu.memory_space<vmem>> -> memref<128xi32, #tpu.memory_space<vmem>>
    %dma_start3A_215 = arith.constant 0 : i32
    %dma_start3A_216 = tpu.memref_slice %arg2[%dma_start3A_215] : memref<1048576xf32, #tpu.memory_space<hbm>> -> memref<1048576xf32, #tpu.memory_space<hbm>>
    tpu.enqueue_indirect_dma source(%dma_start3A_216 : memref<1048576xf32, #tpu.memory_space<hbm>>) target(%dma_start3A_212 : memref<128xf32, #tpu.memory_space<vmem>>) offsets(%dma_start3A_214 : memref<128xi32, #tpu.memory_space<vmem>>) semaphore(%arg15 : memref<!tpu.dma_semaphore, #tpu.memory_space<semaphore_mem>>)
    %dma_start3A_217 = arith.constant 4480 : i32
    %dma_start3A_218 = tpu.memref_slice %arg13[%dma_start3A_217] : memref<10240xf32, #tpu.memory_space<vmem>> -> memref<128xf32, #tpu.memory_space<vmem>>
    %dma_start3A_219 = arith.constant 4480 : i32
    %dma_start3A_220 = tpu.memref_slice %arg12[%dma_start3A_219] : memref<10240xi32, #tpu.memory_space<vmem>> -> memref<128xi32, #tpu.memory_space<vmem>>
    %dma_start3A_221 = arith.constant 0 : i32
    %dma_start3A_222 = tpu.memref_slice %arg2[%dma_start3A_221] : memref<1048576xf32, #tpu.memory_space<hbm>> -> memref<1048576xf32, #tpu.memory_space<hbm>>
    tpu.enqueue_indirect_dma source(%dma_start3A_222 : memref<1048576xf32, #tpu.memory_space<hbm>>) target(%dma_start3A_218 : memref<128xf32, #tpu.memory_space<vmem>>) offsets(%dma_start3A_220 : memref<128xi32, #tpu.memory_space<vmem>>) semaphore(%arg15 : memref<!tpu.dma_semaphore, #tpu.memory_space<semaphore_mem>>)
    %dma_start3A_223 = arith.constant 4608 : i32
    %dma_start3A_224 = tpu.memref_slice %arg13[%dma_start3A_223] : memref<10240xf32, #tpu.memory_space<vmem>> -> memref<128xf32, #tpu.memory_space<vmem>>
    %dma_start3A_225 = arith.constant 4608 : i32
    %dma_start3A_226 = tpu.memref_slice %arg12[%dma_start3A_225] : memref<10240xi32, #tpu.memory_space<vmem>> -> memref<128xi32, #tpu.memory_space<vmem>>
    %dma_start3A_227 = arith.constant 0 : i32
    %dma_start3A_228 = tpu.memref_slice %arg2[%dma_start3A_227] : memref<1048576xf32, #tpu.memory_space<hbm>> -> memref<1048576xf32, #tpu.memory_space<hbm>>
    tpu.enqueue_indirect_dma source(%dma_start3A_228 : memref<1048576xf32, #tpu.memory_space<hbm>>) target(%dma_start3A_224 : memref<128xf32, #tpu.memory_space<vmem>>) offsets(%dma_start3A_226 : memref<128xi32, #tpu.memory_space<vmem>>) semaphore(%arg15 : memref<!tpu.dma_semaphore, #tpu.memory_space<semaphore_mem>>)
    %dma_start3A_229 = arith.constant 4736 : i32
    %dma_start3A_230 = tpu.memref_slice %arg13[%dma_start3A_229] : memref<10240xf32, #tpu.memory_space<vmem>> -> memref<128xf32, #tpu.memory_space<vmem>>
    %dma_start3A_231 = arith.constant 4736 : i32
    %dma_start3A_232 = tpu.memref_slice %arg12[%dma_start3A_231] : memref<10240xi32, #tpu.memory_space<vmem>> -> memref<128xi32, #tpu.memory_space<vmem>>
    %dma_start3A_233 = arith.constant 0 : i32
    %dma_start3A_234 = tpu.memref_slice %arg2[%dma_start3A_233] : memref<1048576xf32, #tpu.memory_space<hbm>> -> memref<1048576xf32, #tpu.memory_space<hbm>>
    tpu.enqueue_indirect_dma source(%dma_start3A_234 : memref<1048576xf32, #tpu.memory_space<hbm>>) target(%dma_start3A_230 : memref<128xf32, #tpu.memory_space<vmem>>) offsets(%dma_start3A_232 : memref<128xi32, #tpu.memory_space<vmem>>) semaphore(%arg15 : memref<!tpu.dma_semaphore, #tpu.memory_space<semaphore_mem>>)
    %dma_start3A_235 = arith.constant 4864 : i32
    %dma_start3A_236 = tpu.memref_slice %arg13[%dma_start3A_235] : memref<10240xf32, #tpu.memory_space<vmem>> -> memref<128xf32, #tpu.memory_space<vmem>>
    %dma_start3A_237 = arith.constant 4864 : i32
    %dma_start3A_238 = tpu.memref_slice %arg12[%dma_start3A_237] : memref<10240xi32, #tpu.memory_space<vmem>> -> memref<128xi32, #tpu.memory_space<vmem>>
    %dma_start3A_239 = arith.constant 0 : i32
    %dma_start3A_240 = tpu.memref_slice %arg2[%dma_start3A_239] : memref<1048576xf32, #tpu.memory_space<hbm>> -> memref<1048576xf32, #tpu.memory_space<hbm>>
    tpu.enqueue_indirect_dma source(%dma_start3A_240 : memref<1048576xf32, #tpu.memory_space<hbm>>) target(%dma_start3A_236 : memref<128xf32, #tpu.memory_space<vmem>>) offsets(%dma_start3A_238 : memref<128xi32, #tpu.memory_space<vmem>>) semaphore(%arg15 : memref<!tpu.dma_semaphore, #tpu.memory_space<semaphore_mem>>)
    %dma_start3A_241 = arith.constant 4992 : i32
    %dma_start3A_242 = tpu.memref_slice %arg13[%dma_start3A_241] : memref<10240xf32, #tpu.memory_space<vmem>> -> memref<128xf32, #tpu.memory_space<vmem>>
    %dma_start3A_243 = arith.constant 4992 : i32
    %dma_start3A_244 = tpu.memref_slice %arg12[%dma_start3A_243] : memref<10240xi32, #tpu.memory_space<vmem>> -> memref<128xi32, #tpu.memory_space<vmem>>
    %dma_start3A_245 = arith.constant 0 : i32
    %dma_start3A_246 = tpu.memref_slice %arg2[%dma_start3A_245] : memref<1048576xf32, #tpu.memory_space<hbm>> -> memref<1048576xf32, #tpu.memory_space<hbm>>
    tpu.enqueue_indirect_dma source(%dma_start3A_246 : memref<1048576xf32, #tpu.memory_space<hbm>>) target(%dma_start3A_242 : memref<128xf32, #tpu.memory_space<vmem>>) offsets(%dma_start3A_244 : memref<128xi32, #tpu.memory_space<vmem>>) semaphore(%arg15 : memref<!tpu.dma_semaphore, #tpu.memory_space<semaphore_mem>>)
    %dma_start3A_247 = arith.constant 5120 : i32
    %dma_start3A_248 = tpu.memref_slice %arg13[%dma_start3A_247] : memref<10240xf32, #tpu.memory_space<vmem>> -> memref<128xf32, #tpu.memory_space<vmem>>
    %dma_start3A_249 = arith.constant 5120 : i32
    %dma_start3A_250 = tpu.memref_slice %arg12[%dma_start3A_249] : memref<10240xi32, #tpu.memory_space<vmem>> -> memref<128xi32, #tpu.memory_space<vmem>>
    %dma_start3A_251 = arith.constant 0 : i32
    %dma_start3A_252 = tpu.memref_slice %arg2[%dma_start3A_251] : memref<1048576xf32, #tpu.memory_space<hbm>> -> memref<1048576xf32, #tpu.memory_space<hbm>>
    tpu.enqueue_indirect_dma source(%dma_start3A_252 : memref<1048576xf32, #tpu.memory_space<hbm>>) target(%dma_start3A_248 : memref<128xf32, #tpu.memory_space<vmem>>) offsets(%dma_start3A_250 : memref<128xi32, #tpu.memory_space<vmem>>) semaphore(%arg15 : memref<!tpu.dma_semaphore, #tpu.memory_space<semaphore_mem>>)
    %dma_start3A_253 = arith.constant 5248 : i32
    %dma_start3A_254 = tpu.memref_slice %arg13[%dma_start3A_253] : memref<10240xf32, #tpu.memory_space<vmem>> -> memref<128xf32, #tpu.memory_space<vmem>>
    %dma_start3A_255 = arith.constant 5248 : i32
    %dma_start3A_256 = tpu.memref_slice %arg12[%dma_start3A_255] : memref<10240xi32, #tpu.memory_space<vmem>> -> memref<128xi32, #tpu.memory_space<vmem>>
    %dma_start3A_257 = arith.constant 0 : i32
    %dma_start3A_258 = tpu.memref_slice %arg2[%dma_start3A_257] : memref<1048576xf32, #tpu.memory_space<hbm>> -> memref<1048576xf32, #tpu.memory_space<hbm>>
    tpu.enqueue_indirect_dma source(%dma_start3A_258 : memref<1048576xf32, #tpu.memory_space<hbm>>) target(%dma_start3A_254 : memref<128xf32, #tpu.memory_space<vmem>>) offsets(%dma_start3A_256 : memref<128xi32, #tpu.memory_space<vmem>>) semaphore(%arg15 : memref<!tpu.dma_semaphore, #tpu.memory_space<semaphore_mem>>)
    %dma_start3A_259 = arith.constant 5376 : i32
    %dma_start3A_260 = tpu.memref_slice %arg13[%dma_start3A_259] : memref<10240xf32, #tpu.memory_space<vmem>> -> memref<128xf32, #tpu.memory_space<vmem>>
    %dma_start3A_261 = arith.constant 5376 : i32
    %dma_start3A_262 = tpu.memref_slice %arg12[%dma_start3A_261] : memref<10240xi32, #tpu.memory_space<vmem>> -> memref<128xi32, #tpu.memory_space<vmem>>
    %dma_start3A_263 = arith.constant 0 : i32
    %dma_start3A_264 = tpu.memref_slice %arg2[%dma_start3A_263] : memref<1048576xf32, #tpu.memory_space<hbm>> -> memref<1048576xf32, #tpu.memory_space<hbm>>
    tpu.enqueue_indirect_dma source(%dma_start3A_264 : memref<1048576xf32, #tpu.memory_space<hbm>>) target(%dma_start3A_260 : memref<128xf32, #tpu.memory_space<vmem>>) offsets(%dma_start3A_262 : memref<128xi32, #tpu.memory_space<vmem>>) semaphore(%arg15 : memref<!tpu.dma_semaphore, #tpu.memory_space<semaphore_mem>>)
    %dma_start3A_265 = arith.constant 5504 : i32
    %dma_start3A_266 = tpu.memref_slice %arg13[%dma_start3A_265] : memref<10240xf32, #tpu.memory_space<vmem>> -> memref<128xf32, #tpu.memory_space<vmem>>
    %dma_start3A_267 = arith.constant 5504 : i32
    %dma_start3A_268 = tpu.memref_slice %arg12[%dma_start3A_267] : memref<10240xi32, #tpu.memory_space<vmem>> -> memref<128xi32, #tpu.memory_space<vmem>>
    %dma_start3A_269 = arith.constant 0 : i32
    %dma_start3A_270 = tpu.memref_slice %arg2[%dma_start3A_269] : memref<1048576xf32, #tpu.memory_space<hbm>> -> memref<1048576xf32, #tpu.memory_space<hbm>>
    tpu.enqueue_indirect_dma source(%dma_start3A_270 : memref<1048576xf32, #tpu.memory_space<hbm>>) target(%dma_start3A_266 : memref<128xf32, #tpu.memory_space<vmem>>) offsets(%dma_start3A_268 : memref<128xi32, #tpu.memory_space<vmem>>) semaphore(%arg15 : memref<!tpu.dma_semaphore, #tpu.memory_space<semaphore_mem>>)
    %dma_start3A_271 = arith.constant 5632 : i32
    %dma_start3A_272 = tpu.memref_slice %arg13[%dma_start3A_271] : memref<10240xf32, #tpu.memory_space<vmem>> -> memref<128xf32, #tpu.memory_space<vmem>>
    %dma_start3A_273 = arith.constant 5632 : i32
    %dma_start3A_274 = tpu.memref_slice %arg12[%dma_start3A_273] : memref<10240xi32, #tpu.memory_space<vmem>> -> memref<128xi32, #tpu.memory_space<vmem>>
    %dma_start3A_275 = arith.constant 0 : i32
    %dma_start3A_276 = tpu.memref_slice %arg2[%dma_start3A_275] : memref<1048576xf32, #tpu.memory_space<hbm>> -> memref<1048576xf32, #tpu.memory_space<hbm>>
    tpu.enqueue_indirect_dma source(%dma_start3A_276 : memref<1048576xf32, #tpu.memory_space<hbm>>) target(%dma_start3A_272 : memref<128xf32, #tpu.memory_space<vmem>>) offsets(%dma_start3A_274 : memref<128xi32, #tpu.memory_space<vmem>>) semaphore(%arg15 : memref<!tpu.dma_semaphore, #tpu.memory_space<semaphore_mem>>)
    %dma_start3A_277 = arith.constant 5760 : i32
    %dma_start3A_278 = tpu.memref_slice %arg13[%dma_start3A_277] : memref<10240xf32, #tpu.memory_space<vmem>> -> memref<128xf32, #tpu.memory_space<vmem>>
    %dma_start3A_279 = arith.constant 5760 : i32
    %dma_start3A_280 = tpu.memref_slice %arg12[%dma_start3A_279] : memref<10240xi32, #tpu.memory_space<vmem>> -> memref<128xi32, #tpu.memory_space<vmem>>
    %dma_start3A_281 = arith.constant 0 : i32
    %dma_start3A_282 = tpu.memref_slice %arg2[%dma_start3A_281] : memref<1048576xf32, #tpu.memory_space<hbm>> -> memref<1048576xf32, #tpu.memory_space<hbm>>
    tpu.enqueue_indirect_dma source(%dma_start3A_282 : memref<1048576xf32, #tpu.memory_space<hbm>>) target(%dma_start3A_278 : memref<128xf32, #tpu.memory_space<vmem>>) offsets(%dma_start3A_280 : memref<128xi32, #tpu.memory_space<vmem>>) semaphore(%arg15 : memref<!tpu.dma_semaphore, #tpu.memory_space<semaphore_mem>>)
    %dma_start3A_283 = arith.constant 5888 : i32
    %dma_start3A_284 = tpu.memref_slice %arg13[%dma_start3A_283] : memref<10240xf32, #tpu.memory_space<vmem>> -> memref<128xf32, #tpu.memory_space<vmem>>
    %dma_start3A_285 = arith.constant 5888 : i32
    %dma_start3A_286 = tpu.memref_slice %arg12[%dma_start3A_285] : memref<10240xi32, #tpu.memory_space<vmem>> -> memref<128xi32, #tpu.memory_space<vmem>>
    %dma_start3A_287 = arith.constant 0 : i32
    %dma_start3A_288 = tpu.memref_slice %arg2[%dma_start3A_287] : memref<1048576xf32, #tpu.memory_space<hbm>> -> memref<1048576xf32, #tpu.memory_space<hbm>>
    tpu.enqueue_indirect_dma source(%dma_start3A_288 : memref<1048576xf32, #tpu.memory_space<hbm>>) target(%dma_start3A_284 : memref<128xf32, #tpu.memory_space<vmem>>) offsets(%dma_start3A_286 : memref<128xi32, #tpu.memory_space<vmem>>) semaphore(%arg15 : memref<!tpu.dma_semaphore, #tpu.memory_space<semaphore_mem>>)
    %dma_start3A_289 = arith.constant 6016 : i32
    %dma_start3A_290 = tpu.memref_slice %arg13[%dma_start3A_289] : memref<10240xf32, #tpu.memory_space<vmem>> -> memref<128xf32, #tpu.memory_space<vmem>>
    %dma_start3A_291 = arith.constant 6016 : i32
    %dma_start3A_292 = tpu.memref_slice %arg12[%dma_start3A_291] : memref<10240xi32, #tpu.memory_space<vmem>> -> memref<128xi32, #tpu.memory_space<vmem>>
    %dma_start3A_293 = arith.constant 0 : i32
    %dma_start3A_294 = tpu.memref_slice %arg2[%dma_start3A_293] : memref<1048576xf32, #tpu.memory_space<hbm>> -> memref<1048576xf32, #tpu.memory_space<hbm>>
    tpu.enqueue_indirect_dma source(%dma_start3A_294 : memref<1048576xf32, #tpu.memory_space<hbm>>) target(%dma_start3A_290 : memref<128xf32, #tpu.memory_space<vmem>>) offsets(%dma_start3A_292 : memref<128xi32, #tpu.memory_space<vmem>>) semaphore(%arg15 : memref<!tpu.dma_semaphore, #tpu.memory_space<semaphore_mem>>)
    %dma_start3A_295 = arith.constant 6144 : i32
    %dma_start3A_296 = tpu.memref_slice %arg13[%dma_start3A_295] : memref<10240xf32, #tpu.memory_space<vmem>> -> memref<128xf32, #tpu.memory_space<vmem>>
    %dma_start3A_297 = arith.constant 6144 : i32
    %dma_start3A_298 = tpu.memref_slice %arg12[%dma_start3A_297] : memref<10240xi32, #tpu.memory_space<vmem>> -> memref<128xi32, #tpu.memory_space<vmem>>
    %dma_start3A_299 = arith.constant 0 : i32
    %dma_start3A_300 = tpu.memref_slice %arg2[%dma_start3A_299] : memref<1048576xf32, #tpu.memory_space<hbm>> -> memref<1048576xf32, #tpu.memory_space<hbm>>
    tpu.enqueue_indirect_dma source(%dma_start3A_300 : memref<1048576xf32, #tpu.memory_space<hbm>>) target(%dma_start3A_296 : memref<128xf32, #tpu.memory_space<vmem>>) offsets(%dma_start3A_298 : memref<128xi32, #tpu.memory_space<vmem>>) semaphore(%arg15 : memref<!tpu.dma_semaphore, #tpu.memory_space<semaphore_mem>>)
    %dma_start3A_301 = arith.constant 6272 : i32
    %dma_start3A_302 = tpu.memref_slice %arg13[%dma_start3A_301] : memref<10240xf32, #tpu.memory_space<vmem>> -> memref<128xf32, #tpu.memory_space<vmem>>
    %dma_start3A_303 = arith.constant 6272 : i32
    %dma_start3A_304 = tpu.memref_slice %arg12[%dma_start3A_303] : memref<10240xi32, #tpu.memory_space<vmem>> -> memref<128xi32, #tpu.memory_space<vmem>>
    %dma_start3A_305 = arith.constant 0 : i32
    %dma_start3A_306 = tpu.memref_slice %arg2[%dma_start3A_305] : memref<1048576xf32, #tpu.memory_space<hbm>> -> memref<1048576xf32, #tpu.memory_space<hbm>>
    tpu.enqueue_indirect_dma source(%dma_start3A_306 : memref<1048576xf32, #tpu.memory_space<hbm>>) target(%dma_start3A_302 : memref<128xf32, #tpu.memory_space<vmem>>) offsets(%dma_start3A_304 : memref<128xi32, #tpu.memory_space<vmem>>) semaphore(%arg15 : memref<!tpu.dma_semaphore, #tpu.memory_space<semaphore_mem>>)
    %dma_start3A_307 = arith.constant 6400 : i32
    %dma_start3A_308 = tpu.memref_slice %arg13[%dma_start3A_307] : memref<10240xf32, #tpu.memory_space<vmem>> -> memref<128xf32, #tpu.memory_space<vmem>>
    %dma_start3A_309 = arith.constant 6400 : i32
    %dma_start3A_310 = tpu.memref_slice %arg12[%dma_start3A_309] : memref<10240xi32, #tpu.memory_space<vmem>> -> memref<128xi32, #tpu.memory_space<vmem>>
    %dma_start3A_311 = arith.constant 0 : i32
    %dma_start3A_312 = tpu.memref_slice %arg2[%dma_start3A_311] : memref<1048576xf32, #tpu.memory_space<hbm>> -> memref<1048576xf32, #tpu.memory_space<hbm>>
    tpu.enqueue_indirect_dma source(%dma_start3A_312 : memref<1048576xf32, #tpu.memory_space<hbm>>) target(%dma_start3A_308 : memref<128xf32, #tpu.memory_space<vmem>>) offsets(%dma_start3A_310 : memref<128xi32, #tpu.memory_space<vmem>>) semaphore(%arg15 : memref<!tpu.dma_semaphore, #tpu.memory_space<semaphore_mem>>)
    %dma_start3A_313 = arith.constant 6528 : i32
    %dma_start3A_314 = tpu.memref_slice %arg13[%dma_start3A_313] : memref<10240xf32, #tpu.memory_space<vmem>> -> memref<128xf32, #tpu.memory_space<vmem>>
    %dma_start3A_315 = arith.constant 6528 : i32
    %dma_start3A_316 = tpu.memref_slice %arg12[%dma_start3A_315] : memref<10240xi32, #tpu.memory_space<vmem>> -> memref<128xi32, #tpu.memory_space<vmem>>
    %dma_start3A_317 = arith.constant 0 : i32
    %dma_start3A_318 = tpu.memref_slice %arg2[%dma_start3A_317] : memref<1048576xf32, #tpu.memory_space<hbm>> -> memref<1048576xf32, #tpu.memory_space<hbm>>
    tpu.enqueue_indirect_dma source(%dma_start3A_318 : memref<1048576xf32, #tpu.memory_space<hbm>>) target(%dma_start3A_314 : memref<128xf32, #tpu.memory_space<vmem>>) offsets(%dma_start3A_316 : memref<128xi32, #tpu.memory_space<vmem>>) semaphore(%arg15 : memref<!tpu.dma_semaphore, #tpu.memory_space<semaphore_mem>>)
    %dma_start3A_319 = arith.constant 6656 : i32
    %dma_start3A_320 = tpu.memref_slice %arg13[%dma_start3A_319] : memref<10240xf32, #tpu.memory_space<vmem>> -> memref<128xf32, #tpu.memory_space<vmem>>
    %dma_start3A_321 = arith.constant 6656 : i32
    %dma_start3A_322 = tpu.memref_slice %arg12[%dma_start3A_321] : memref<10240xi32, #tpu.memory_space<vmem>> -> memref<128xi32, #tpu.memory_space<vmem>>
    %dma_start3A_323 = arith.constant 0 : i32
    %dma_start3A_324 = tpu.memref_slice %arg2[%dma_start3A_323] : memref<1048576xf32, #tpu.memory_space<hbm>> -> memref<1048576xf32, #tpu.memory_space<hbm>>
    tpu.enqueue_indirect_dma source(%dma_start3A_324 : memref<1048576xf32, #tpu.memory_space<hbm>>) target(%dma_start3A_320 : memref<128xf32, #tpu.memory_space<vmem>>) offsets(%dma_start3A_322 : memref<128xi32, #tpu.memory_space<vmem>>) semaphore(%arg15 : memref<!tpu.dma_semaphore, #tpu.memory_space<semaphore_mem>>)
    %dma_start3A_325 = arith.constant 6784 : i32
    %dma_start3A_326 = tpu.memref_slice %arg13[%dma_start3A_325] : memref<10240xf32, #tpu.memory_space<vmem>> -> memref<128xf32, #tpu.memory_space<vmem>>
    %dma_start3A_327 = arith.constant 6784 : i32
    %dma_start3A_328 = tpu.memref_slice %arg12[%dma_start3A_327] : memref<10240xi32, #tpu.memory_space<vmem>> -> memref<128xi32, #tpu.memory_space<vmem>>
    %dma_start3A_329 = arith.constant 0 : i32
    %dma_start3A_330 = tpu.memref_slice %arg2[%dma_start3A_329] : memref<1048576xf32, #tpu.memory_space<hbm>> -> memref<1048576xf32, #tpu.memory_space<hbm>>
    tpu.enqueue_indirect_dma source(%dma_start3A_330 : memref<1048576xf32, #tpu.memory_space<hbm>>) target(%dma_start3A_326 : memref<128xf32, #tpu.memory_space<vmem>>) offsets(%dma_start3A_328 : memref<128xi32, #tpu.memory_space<vmem>>) semaphore(%arg15 : memref<!tpu.dma_semaphore, #tpu.memory_space<semaphore_mem>>)
    %dma_start3A_331 = arith.constant 6912 : i32
    %dma_start3A_332 = tpu.memref_slice %arg13[%dma_start3A_331] : memref<10240xf32, #tpu.memory_space<vmem>> -> memref<128xf32, #tpu.memory_space<vmem>>
    %dma_start3A_333 = arith.constant 6912 : i32
    %dma_start3A_334 = tpu.memref_slice %arg12[%dma_start3A_333] : memref<10240xi32, #tpu.memory_space<vmem>> -> memref<128xi32, #tpu.memory_space<vmem>>
    %dma_start3A_335 = arith.constant 0 : i32
    %dma_start3A_336 = tpu.memref_slice %arg2[%dma_start3A_335] : memref<1048576xf32, #tpu.memory_space<hbm>> -> memref<1048576xf32, #tpu.memory_space<hbm>>
    tpu.enqueue_indirect_dma source(%dma_start3A_336 : memref<1048576xf32, #tpu.memory_space<hbm>>) target(%dma_start3A_332 : memref<128xf32, #tpu.memory_space<vmem>>) offsets(%dma_start3A_334 : memref<128xi32, #tpu.memory_space<vmem>>) semaphore(%arg15 : memref<!tpu.dma_semaphore, #tpu.memory_space<semaphore_mem>>)
    %dma_start3A_337 = arith.constant 7040 : i32
    %dma_start3A_338 = tpu.memref_slice %arg13[%dma_start3A_337] : memref<10240xf32, #tpu.memory_space<vmem>> -> memref<128xf32, #tpu.memory_space<vmem>>
    %dma_start3A_339 = arith.constant 7040 : i32
    %dma_start3A_340 = tpu.memref_slice %arg12[%dma_start3A_339] : memref<10240xi32, #tpu.memory_space<vmem>> -> memref<128xi32, #tpu.memory_space<vmem>>
    %dma_start3A_341 = arith.constant 0 : i32
    %dma_start3A_342 = tpu.memref_slice %arg2[%dma_start3A_341] : memref<1048576xf32, #tpu.memory_space<hbm>> -> memref<1048576xf32, #tpu.memory_space<hbm>>
    tpu.enqueue_indirect_dma source(%dma_start3A_342 : memref<1048576xf32, #tpu.memory_space<hbm>>) target(%dma_start3A_338 : memref<128xf32, #tpu.memory_space<vmem>>) offsets(%dma_start3A_340 : memref<128xi32, #tpu.memory_space<vmem>>) semaphore(%arg15 : memref<!tpu.dma_semaphore, #tpu.memory_space<semaphore_mem>>)
    %dma_start3A_343 = arith.constant 7168 : i32
    %dma_start3A_344 = tpu.memref_slice %arg13[%dma_start3A_343] : memref<10240xf32, #tpu.memory_space<vmem>> -> memref<128xf32, #tpu.memory_space<vmem>>
    %dma_start3A_345 = arith.constant 7168 : i32
    %dma_start3A_346 = tpu.memref_slice %arg12[%dma_start3A_345] : memref<10240xi32, #tpu.memory_space<vmem>> -> memref<128xi32, #tpu.memory_space<vmem>>
    %dma_start3A_347 = arith.constant 0 : i32
    %dma_start3A_348 = tpu.memref_slice %arg2[%dma_start3A_347] : memref<1048576xf32, #tpu.memory_space<hbm>> -> memref<1048576xf32, #tpu.memory_space<hbm>>
    tpu.enqueue_indirect_dma source(%dma_start3A_348 : memref<1048576xf32, #tpu.memory_space<hbm>>) target(%dma_start3A_344 : memref<128xf32, #tpu.memory_space<vmem>>) offsets(%dma_start3A_346 : memref<128xi32, #tpu.memory_space<vmem>>) semaphore(%arg15 : memref<!tpu.dma_semaphore, #tpu.memory_space<semaphore_mem>>)
    %dma_start3A_349 = arith.constant 7296 : i32
    %dma_start3A_350 = tpu.memref_slice %arg13[%dma_start3A_349] : memref<10240xf32, #tpu.memory_space<vmem>> -> memref<128xf32, #tpu.memory_space<vmem>>
    %dma_start3A_351 = arith.constant 7296 : i32
    %dma_start3A_352 = tpu.memref_slice %arg12[%dma_start3A_351] : memref<10240xi32, #tpu.memory_space<vmem>> -> memref<128xi32, #tpu.memory_space<vmem>>
    %dma_start3A_353 = arith.constant 0 : i32
    %dma_start3A_354 = tpu.memref_slice %arg2[%dma_start3A_353] : memref<1048576xf32, #tpu.memory_space<hbm>> -> memref<1048576xf32, #tpu.memory_space<hbm>>
    tpu.enqueue_indirect_dma source(%dma_start3A_354 : memref<1048576xf32, #tpu.memory_space<hbm>>) target(%dma_start3A_350 : memref<128xf32, #tpu.memory_space<vmem>>) offsets(%dma_start3A_352 : memref<128xi32, #tpu.memory_space<vmem>>) semaphore(%arg15 : memref<!tpu.dma_semaphore, #tpu.memory_space<semaphore_mem>>)
    %dma_start3A_355 = arith.constant 7424 : i32
    %dma_start3A_356 = tpu.memref_slice %arg13[%dma_start3A_355] : memref<10240xf32, #tpu.memory_space<vmem>> -> memref<128xf32, #tpu.memory_space<vmem>>
    %dma_start3A_357 = arith.constant 7424 : i32
    %dma_start3A_358 = tpu.memref_slice %arg12[%dma_start3A_357] : memref<10240xi32, #tpu.memory_space<vmem>> -> memref<128xi32, #tpu.memory_space<vmem>>
    %dma_start3A_359 = arith.constant 0 : i32
    %dma_start3A_360 = tpu.memref_slice %arg2[%dma_start3A_359] : memref<1048576xf32, #tpu.memory_space<hbm>> -> memref<1048576xf32, #tpu.memory_space<hbm>>
    tpu.enqueue_indirect_dma source(%dma_start3A_360 : memref<1048576xf32, #tpu.memory_space<hbm>>) target(%dma_start3A_356 : memref<128xf32, #tpu.memory_space<vmem>>) offsets(%dma_start3A_358 : memref<128xi32, #tpu.memory_space<vmem>>) semaphore(%arg15 : memref<!tpu.dma_semaphore, #tpu.memory_space<semaphore_mem>>)
    %dma_start3A_361 = arith.constant 7552 : i32
    %dma_start3A_362 = tpu.memref_slice %arg13[%dma_start3A_361] : memref<10240xf32, #tpu.memory_space<vmem>> -> memref<128xf32, #tpu.memory_space<vmem>>
    %dma_start3A_363 = arith.constant 7552 : i32
    %dma_start3A_364 = tpu.memref_slice %arg12[%dma_start3A_363] : memref<10240xi32, #tpu.memory_space<vmem>> -> memref<128xi32, #tpu.memory_space<vmem>>
    %dma_start3A_365 = arith.constant 0 : i32
    %dma_start3A_366 = tpu.memref_slice %arg2[%dma_start3A_365] : memref<1048576xf32, #tpu.memory_space<hbm>> -> memref<1048576xf32, #tpu.memory_space<hbm>>
    tpu.enqueue_indirect_dma source(%dma_start3A_366 : memref<1048576xf32, #tpu.memory_space<hbm>>) target(%dma_start3A_362 : memref<128xf32, #tpu.memory_space<vmem>>) offsets(%dma_start3A_364 : memref<128xi32, #tpu.memory_space<vmem>>) semaphore(%arg15 : memref<!tpu.dma_semaphore, #tpu.memory_space<semaphore_mem>>)
    %dma_start3A_367 = arith.constant 7680 : i32
    %dma_start3A_368 = tpu.memref_slice %arg13[%dma_start3A_367] : memref<10240xf32, #tpu.memory_space<vmem>> -> memref<128xf32, #tpu.memory_space<vmem>>
    %dma_start3A_369 = arith.constant 7680 : i32
    %dma_start3A_370 = tpu.memref_slice %arg12[%dma_start3A_369] : memref<10240xi32, #tpu.memory_space<vmem>> -> memref<128xi32, #tpu.memory_space<vmem>>
    %dma_start3A_371 = arith.constant 0 : i32
    %dma_start3A_372 = tpu.memref_slice %arg2[%dma_start3A_371] : memref<1048576xf32, #tpu.memory_space<hbm>> -> memref<1048576xf32, #tpu.memory_space<hbm>>
    tpu.enqueue_indirect_dma source(%dma_start3A_372 : memref<1048576xf32, #tpu.memory_space<hbm>>) target(%dma_start3A_368 : memref<128xf32, #tpu.memory_space<vmem>>) offsets(%dma_start3A_370 : memref<128xi32, #tpu.memory_space<vmem>>) semaphore(%arg15 : memref<!tpu.dma_semaphore, #tpu.memory_space<semaphore_mem>>)
    %dma_start3A_373 = arith.constant 7808 : i32
    %dma_start3A_374 = tpu.memref_slice %arg13[%dma_start3A_373] : memref<10240xf32, #tpu.memory_space<vmem>> -> memref<128xf32, #tpu.memory_space<vmem>>
    %dma_start3A_375 = arith.constant 7808 : i32
    %dma_start3A_376 = tpu.memref_slice %arg12[%dma_start3A_375] : memref<10240xi32, #tpu.memory_space<vmem>> -> memref<128xi32, #tpu.memory_space<vmem>>
    %dma_start3A_377 = arith.constant 0 : i32
    %dma_start3A_378 = tpu.memref_slice %arg2[%dma_start3A_377] : memref<1048576xf32, #tpu.memory_space<hbm>> -> memref<1048576xf32, #tpu.memory_space<hbm>>
    tpu.enqueue_indirect_dma source(%dma_start3A_378 : memref<1048576xf32, #tpu.memory_space<hbm>>) target(%dma_start3A_374 : memref<128xf32, #tpu.memory_space<vmem>>) offsets(%dma_start3A_376 : memref<128xi32, #tpu.memory_space<vmem>>) semaphore(%arg15 : memref<!tpu.dma_semaphore, #tpu.memory_space<semaphore_mem>>)
    %dma_start3A_379 = arith.constant 7936 : i32
    %dma_start3A_380 = tpu.memref_slice %arg13[%dma_start3A_379] : memref<10240xf32, #tpu.memory_space<vmem>> -> memref<128xf32, #tpu.memory_space<vmem>>
    %dma_start3A_381 = arith.constant 7936 : i32
    %dma_start3A_382 = tpu.memref_slice %arg12[%dma_start3A_381] : memref<10240xi32, #tpu.memory_space<vmem>> -> memref<128xi32, #tpu.memory_space<vmem>>
    %dma_start3A_383 = arith.constant 0 : i32
    %dma_start3A_384 = tpu.memref_slice %arg2[%dma_start3A_383] : memref<1048576xf32, #tpu.memory_space<hbm>> -> memref<1048576xf32, #tpu.memory_space<hbm>>
    tpu.enqueue_indirect_dma source(%dma_start3A_384 : memref<1048576xf32, #tpu.memory_space<hbm>>) target(%dma_start3A_380 : memref<128xf32, #tpu.memory_space<vmem>>) offsets(%dma_start3A_382 : memref<128xi32, #tpu.memory_space<vmem>>) semaphore(%arg15 : memref<!tpu.dma_semaphore, #tpu.memory_space<semaphore_mem>>)
    %dma_start3A_385 = arith.constant 8064 : i32
    %dma_start3A_386 = tpu.memref_slice %arg13[%dma_start3A_385] : memref<10240xf32, #tpu.memory_space<vmem>> -> memref<128xf32, #tpu.memory_space<vmem>>
    %dma_start3A_387 = arith.constant 8064 : i32
    %dma_start3A_388 = tpu.memref_slice %arg12[%dma_start3A_387] : memref<10240xi32, #tpu.memory_space<vmem>> -> memref<128xi32, #tpu.memory_space<vmem>>
    %dma_start3A_389 = arith.constant 0 : i32
    %dma_start3A_390 = tpu.memref_slice %arg2[%dma_start3A_389] : memref<1048576xf32, #tpu.memory_space<hbm>> -> memref<1048576xf32, #tpu.memory_space<hbm>>
    tpu.enqueue_indirect_dma source(%dma_start3A_390 : memref<1048576xf32, #tpu.memory_space<hbm>>) target(%dma_start3A_386 : memref<128xf32, #tpu.memory_space<vmem>>) offsets(%dma_start3A_388 : memref<128xi32, #tpu.memory_space<vmem>>) semaphore(%arg15 : memref<!tpu.dma_semaphore, #tpu.memory_space<semaphore_mem>>)
    %dma_start3A_391 = arith.constant 8192 : i32
    %dma_start3A_392 = tpu.memref_slice %arg13[%dma_start3A_391] : memref<10240xf32, #tpu.memory_space<vmem>> -> memref<128xf32, #tpu.memory_space<vmem>>
    %dma_start3A_393 = arith.constant 8192 : i32
    %dma_start3A_394 = tpu.memref_slice %arg12[%dma_start3A_393] : memref<10240xi32, #tpu.memory_space<vmem>> -> memref<128xi32, #tpu.memory_space<vmem>>
    %dma_start3A_395 = arith.constant 0 : i32
    %dma_start3A_396 = tpu.memref_slice %arg2[%dma_start3A_395] : memref<1048576xf32, #tpu.memory_space<hbm>> -> memref<1048576xf32, #tpu.memory_space<hbm>>
    tpu.enqueue_indirect_dma source(%dma_start3A_396 : memref<1048576xf32, #tpu.memory_space<hbm>>) target(%dma_start3A_392 : memref<128xf32, #tpu.memory_space<vmem>>) offsets(%dma_start3A_394 : memref<128xi32, #tpu.memory_space<vmem>>) semaphore(%arg15 : memref<!tpu.dma_semaphore, #tpu.memory_space<semaphore_mem>>)
    %dma_start3A_397 = arith.constant 8320 : i32
    %dma_start3A_398 = tpu.memref_slice %arg13[%dma_start3A_397] : memref<10240xf32, #tpu.memory_space<vmem>> -> memref<128xf32, #tpu.memory_space<vmem>>
    %dma_start3A_399 = arith.constant 8320 : i32
    %dma_start3A_400 = tpu.memref_slice %arg12[%dma_start3A_399] : memref<10240xi32, #tpu.memory_space<vmem>> -> memref<128xi32, #tpu.memory_space<vmem>>
    %dma_start3A_401 = arith.constant 0 : i32
    %dma_start3A_402 = tpu.memref_slice %arg2[%dma_start3A_401] : memref<1048576xf32, #tpu.memory_space<hbm>> -> memref<1048576xf32, #tpu.memory_space<hbm>>
    tpu.enqueue_indirect_dma source(%dma_start3A_402 : memref<1048576xf32, #tpu.memory_space<hbm>>) target(%dma_start3A_398 : memref<128xf32, #tpu.memory_space<vmem>>) offsets(%dma_start3A_400 : memref<128xi32, #tpu.memory_space<vmem>>) semaphore(%arg15 : memref<!tpu.dma_semaphore, #tpu.memory_space<semaphore_mem>>)
    %dma_start3A_403 = arith.constant 8448 : i32
    %dma_start3A_404 = tpu.memref_slice %arg13[%dma_start3A_403] : memref<10240xf32, #tpu.memory_space<vmem>> -> memref<128xf32, #tpu.memory_space<vmem>>
    %dma_start3A_405 = arith.constant 8448 : i32
    %dma_start3A_406 = tpu.memref_slice %arg12[%dma_start3A_405] : memref<10240xi32, #tpu.memory_space<vmem>> -> memref<128xi32, #tpu.memory_space<vmem>>
    %dma_start3A_407 = arith.constant 0 : i32
    %dma_start3A_408 = tpu.memref_slice %arg2[%dma_start3A_407] : memref<1048576xf32, #tpu.memory_space<hbm>> -> memref<1048576xf32, #tpu.memory_space<hbm>>
    tpu.enqueue_indirect_dma source(%dma_start3A_408 : memref<1048576xf32, #tpu.memory_space<hbm>>) target(%dma_start3A_404 : memref<128xf32, #tpu.memory_space<vmem>>) offsets(%dma_start3A_406 : memref<128xi32, #tpu.memory_space<vmem>>) semaphore(%arg15 : memref<!tpu.dma_semaphore, #tpu.memory_space<semaphore_mem>>)
    %dma_start3A_409 = arith.constant 8576 : i32
    %dma_start3A_410 = tpu.memref_slice %arg13[%dma_start3A_409] : memref<10240xf32, #tpu.memory_space<vmem>> -> memref<128xf32, #tpu.memory_space<vmem>>
    %dma_start3A_411 = arith.constant 8576 : i32
    %dma_start3A_412 = tpu.memref_slice %arg12[%dma_start3A_411] : memref<10240xi32, #tpu.memory_space<vmem>> -> memref<128xi32, #tpu.memory_space<vmem>>
    %dma_start3A_413 = arith.constant 0 : i32
    %dma_start3A_414 = tpu.memref_slice %arg2[%dma_start3A_413] : memref<1048576xf32, #tpu.memory_space<hbm>> -> memref<1048576xf32, #tpu.memory_space<hbm>>
    tpu.enqueue_indirect_dma source(%dma_start3A_414 : memref<1048576xf32, #tpu.memory_space<hbm>>) target(%dma_start3A_410 : memref<128xf32, #tpu.memory_space<vmem>>) offsets(%dma_start3A_412 : memref<128xi32, #tpu.memory_space<vmem>>) semaphore(%arg15 : memref<!tpu.dma_semaphore, #tpu.memory_space<semaphore_mem>>)
    %dma_start3A_415 = arith.constant 8704 : i32
    %dma_start3A_416 = tpu.memref_slice %arg13[%dma_start3A_415] : memref<10240xf32, #tpu.memory_space<vmem>> -> memref<128xf32, #tpu.memory_space<vmem>>
    %dma_start3A_417 = arith.constant 8704 : i32
    %dma_start3A_418 = tpu.memref_slice %arg12[%dma_start3A_417] : memref<10240xi32, #tpu.memory_space<vmem>> -> memref<128xi32, #tpu.memory_space<vmem>>
    %dma_start3A_419 = arith.constant 0 : i32
    %dma_start3A_420 = tpu.memref_slice %arg2[%dma_start3A_419] : memref<1048576xf32, #tpu.memory_space<hbm>> -> memref<1048576xf32, #tpu.memory_space<hbm>>
    tpu.enqueue_indirect_dma source(%dma_start3A_420 : memref<1048576xf32, #tpu.memory_space<hbm>>) target(%dma_start3A_416 : memref<128xf32, #tpu.memory_space<vmem>>) offsets(%dma_start3A_418 : memref<128xi32, #tpu.memory_space<vmem>>) semaphore(%arg15 : memref<!tpu.dma_semaphore, #tpu.memory_space<semaphore_mem>>)
    %dma_start3A_421 = arith.constant 8832 : i32
    %dma_start3A_422 = tpu.memref_slice %arg13[%dma_start3A_421] : memref<10240xf32, #tpu.memory_space<vmem>> -> memref<128xf32, #tpu.memory_space<vmem>>
    %dma_start3A_423 = arith.constant 8832 : i32
    %dma_start3A_424 = tpu.memref_slice %arg12[%dma_start3A_423] : memref<10240xi32, #tpu.memory_space<vmem>> -> memref<128xi32, #tpu.memory_space<vmem>>
    %dma_start3A_425 = arith.constant 0 : i32
    %dma_start3A_426 = tpu.memref_slice %arg2[%dma_start3A_425] : memref<1048576xf32, #tpu.memory_space<hbm>> -> memref<1048576xf32, #tpu.memory_space<hbm>>
    tpu.enqueue_indirect_dma source(%dma_start3A_426 : memref<1048576xf32, #tpu.memory_space<hbm>>) target(%dma_start3A_422 : memref<128xf32, #tpu.memory_space<vmem>>) offsets(%dma_start3A_424 : memref<128xi32, #tpu.memory_space<vmem>>) semaphore(%arg15 : memref<!tpu.dma_semaphore, #tpu.memory_space<semaphore_mem>>)
    %dma_start3A_427 = arith.constant 8960 : i32
    %dma_start3A_428 = tpu.memref_slice %arg13[%dma_start3A_427] : memref<10240xf32, #tpu.memory_space<vmem>> -> memref<128xf32, #tpu.memory_space<vmem>>
    %dma_start3A_429 = arith.constant 8960 : i32
    %dma_start3A_430 = tpu.memref_slice %arg12[%dma_start3A_429] : memref<10240xi32, #tpu.memory_space<vmem>> -> memref<128xi32, #tpu.memory_space<vmem>>
    %dma_start3A_431 = arith.constant 0 : i32
    %dma_start3A_432 = tpu.memref_slice %arg2[%dma_start3A_431] : memref<1048576xf32, #tpu.memory_space<hbm>> -> memref<1048576xf32, #tpu.memory_space<hbm>>
    tpu.enqueue_indirect_dma source(%dma_start3A_432 : memref<1048576xf32, #tpu.memory_space<hbm>>) target(%dma_start3A_428 : memref<128xf32, #tpu.memory_space<vmem>>) offsets(%dma_start3A_430 : memref<128xi32, #tpu.memory_space<vmem>>) semaphore(%arg15 : memref<!tpu.dma_semaphore, #tpu.memory_space<semaphore_mem>>)
    %dma_start3A_433 = arith.constant 9088 : i32
    %dma_start3A_434 = tpu.memref_slice %arg13[%dma_start3A_433] : memref<10240xf32, #tpu.memory_space<vmem>> -> memref<128xf32, #tpu.memory_space<vmem>>
    %dma_start3A_435 = arith.constant 9088 : i32
    %dma_start3A_436 = tpu.memref_slice %arg12[%dma_start3A_435] : memref<10240xi32, #tpu.memory_space<vmem>> -> memref<128xi32, #tpu.memory_space<vmem>>
    %dma_start3A_437 = arith.constant 0 : i32
    %dma_start3A_438 = tpu.memref_slice %arg2[%dma_start3A_437] : memref<1048576xf32, #tpu.memory_space<hbm>> -> memref<1048576xf32, #tpu.memory_space<hbm>>
    tpu.enqueue_indirect_dma source(%dma_start3A_438 : memref<1048576xf32, #tpu.memory_space<hbm>>) target(%dma_start3A_434 : memref<128xf32, #tpu.memory_space<vmem>>) offsets(%dma_start3A_436 : memref<128xi32, #tpu.memory_space<vmem>>) semaphore(%arg15 : memref<!tpu.dma_semaphore, #tpu.memory_space<semaphore_mem>>)
    %dma_start3A_439 = arith.constant 9216 : i32
    %dma_start3A_440 = tpu.memref_slice %arg13[%dma_start3A_439] : memref<10240xf32, #tpu.memory_space<vmem>> -> memref<128xf32, #tpu.memory_space<vmem>>
    %dma_start3A_441 = arith.constant 9216 : i32
    %dma_start3A_442 = tpu.memref_slice %arg12[%dma_start3A_441] : memref<10240xi32, #tpu.memory_space<vmem>> -> memref<128xi32, #tpu.memory_space<vmem>>
    %dma_start3A_443 = arith.constant 0 : i32
    %dma_start3A_444 = tpu.memref_slice %arg2[%dma_start3A_443] : memref<1048576xf32, #tpu.memory_space<hbm>> -> memref<1048576xf32, #tpu.memory_space<hbm>>
    tpu.enqueue_indirect_dma source(%dma_start3A_444 : memref<1048576xf32, #tpu.memory_space<hbm>>) target(%dma_start3A_440 : memref<128xf32, #tpu.memory_space<vmem>>) offsets(%dma_start3A_442 : memref<128xi32, #tpu.memory_space<vmem>>) semaphore(%arg15 : memref<!tpu.dma_semaphore, #tpu.memory_space<semaphore_mem>>)
    %dma_start3A_445 = arith.constant 9344 : i32
    %dma_start3A_446 = tpu.memref_slice %arg13[%dma_start3A_445] : memref<10240xf32, #tpu.memory_space<vmem>> -> memref<128xf32, #tpu.memory_space<vmem>>
    %dma_start3A_447 = arith.constant 9344 : i32
    %dma_start3A_448 = tpu.memref_slice %arg12[%dma_start3A_447] : memref<10240xi32, #tpu.memory_space<vmem>> -> memref<128xi32, #tpu.memory_space<vmem>>
    %dma_start3A_449 = arith.constant 0 : i32
    %dma_start3A_450 = tpu.memref_slice %arg2[%dma_start3A_449] : memref<1048576xf32, #tpu.memory_space<hbm>> -> memref<1048576xf32, #tpu.memory_space<hbm>>
    tpu.enqueue_indirect_dma source(%dma_start3A_450 : memref<1048576xf32, #tpu.memory_space<hbm>>) target(%dma_start3A_446 : memref<128xf32, #tpu.memory_space<vmem>>) offsets(%dma_start3A_448 : memref<128xi32, #tpu.memory_space<vmem>>) semaphore(%arg15 : memref<!tpu.dma_semaphore, #tpu.memory_space<semaphore_mem>>)
    %dma_start3A_451 = arith.constant 9472 : i32
    %dma_start3A_452 = tpu.memref_slice %arg13[%dma_start3A_451] : memref<10240xf32, #tpu.memory_space<vmem>> -> memref<128xf32, #tpu.memory_space<vmem>>
    %dma_start3A_453 = arith.constant 9472 : i32
    %dma_start3A_454 = tpu.memref_slice %arg12[%dma_start3A_453] : memref<10240xi32, #tpu.memory_space<vmem>> -> memref<128xi32, #tpu.memory_space<vmem>>
    %dma_start3A_455 = arith.constant 0 : i32
    %dma_start3A_456 = tpu.memref_slice %arg2[%dma_start3A_455] : memref<1048576xf32, #tpu.memory_space<hbm>> -> memref<1048576xf32, #tpu.memory_space<hbm>>
    tpu.enqueue_indirect_dma source(%dma_start3A_456 : memref<1048576xf32, #tpu.memory_space<hbm>>) target(%dma_start3A_452 : memref<128xf32, #tpu.memory_space<vmem>>) offsets(%dma_start3A_454 : memref<128xi32, #tpu.memory_space<vmem>>) semaphore(%arg15 : memref<!tpu.dma_semaphore, #tpu.memory_space<semaphore_mem>>)
    %dma_start3A_457 = arith.constant 9600 : i32
    %dma_start3A_458 = tpu.memref_slice %arg13[%dma_start3A_457] : memref<10240xf32, #tpu.memory_space<vmem>> -> memref<128xf32, #tpu.memory_space<vmem>>
    %dma_start3A_459 = arith.constant 9600 : i32
    %dma_start3A_460 = tpu.memref_slice %arg12[%dma_start3A_459] : memref<10240xi32, #tpu.memory_space<vmem>> -> memref<128xi32, #tpu.memory_space<vmem>>
    %dma_start3A_461 = arith.constant 0 : i32
    %dma_start3A_462 = tpu.memref_slice %arg2[%dma_start3A_461] : memref<1048576xf32, #tpu.memory_space<hbm>> -> memref<1048576xf32, #tpu.memory_space<hbm>>
    tpu.enqueue_indirect_dma source(%dma_start3A_462 : memref<1048576xf32, #tpu.memory_space<hbm>>) target(%dma_start3A_458 : memref<128xf32, #tpu.memory_space<vmem>>) offsets(%dma_start3A_460 : memref<128xi32, #tpu.memory_space<vmem>>) semaphore(%arg15 : memref<!tpu.dma_semaphore, #tpu.memory_space<semaphore_mem>>)
    %dma_start3A_463 = arith.constant 9728 : i32
    %dma_start3A_464 = tpu.memref_slice %arg13[%dma_start3A_463] : memref<10240xf32, #tpu.memory_space<vmem>> -> memref<128xf32, #tpu.memory_space<vmem>>
    %dma_start3A_465 = arith.constant 9728 : i32
    %dma_start3A_466 = tpu.memref_slice %arg12[%dma_start3A_465] : memref<10240xi32, #tpu.memory_space<vmem>> -> memref<128xi32, #tpu.memory_space<vmem>>
    %dma_start3A_467 = arith.constant 0 : i32
    %dma_start3A_468 = tpu.memref_slice %arg2[%dma_start3A_467] : memref<1048576xf32, #tpu.memory_space<hbm>> -> memref<1048576xf32, #tpu.memory_space<hbm>>
    tpu.enqueue_indirect_dma source(%dma_start3A_468 : memref<1048576xf32, #tpu.memory_space<hbm>>) target(%dma_start3A_464 : memref<128xf32, #tpu.memory_space<vmem>>) offsets(%dma_start3A_466 : memref<128xi32, #tpu.memory_space<vmem>>) semaphore(%arg15 : memref<!tpu.dma_semaphore, #tpu.memory_space<semaphore_mem>>)
    %dma_start3A_469 = arith.constant 9856 : i32
    %dma_start3A_470 = tpu.memref_slice %arg13[%dma_start3A_469] : memref<10240xf32, #tpu.memory_space<vmem>> -> memref<128xf32, #tpu.memory_space<vmem>>
    %dma_start3A_471 = arith.constant 9856 : i32
    %dma_start3A_472 = tpu.memref_slice %arg12[%dma_start3A_471] : memref<10240xi32, #tpu.memory_space<vmem>> -> memref<128xi32, #tpu.memory_space<vmem>>
    %dma_start3A_473 = arith.constant 0 : i32
    %dma_start3A_474 = tpu.memref_slice %arg2[%dma_start3A_473] : memref<1048576xf32, #tpu.memory_space<hbm>> -> memref<1048576xf32, #tpu.memory_space<hbm>>
    tpu.enqueue_indirect_dma source(%dma_start3A_474 : memref<1048576xf32, #tpu.memory_space<hbm>>) target(%dma_start3A_470 : memref<128xf32, #tpu.memory_space<vmem>>) offsets(%dma_start3A_472 : memref<128xi32, #tpu.memory_space<vmem>>) semaphore(%arg15 : memref<!tpu.dma_semaphore, #tpu.memory_space<semaphore_mem>>)
    %dma_start3A_475 = arith.constant 9984 : i32
    %dma_start3A_476 = tpu.memref_slice %arg13[%dma_start3A_475] : memref<10240xf32, #tpu.memory_space<vmem>> -> memref<128xf32, #tpu.memory_space<vmem>>
    %dma_start3A_477 = arith.constant 9984 : i32
    %dma_start3A_478 = tpu.memref_slice %arg12[%dma_start3A_477] : memref<10240xi32, #tpu.memory_space<vmem>> -> memref<128xi32, #tpu.memory_space<vmem>>
    %dma_start3A_479 = arith.constant 0 : i32
    %dma_start3A_480 = tpu.memref_slice %arg2[%dma_start3A_479] : memref<1048576xf32, #tpu.memory_space<hbm>> -> memref<1048576xf32, #tpu.memory_space<hbm>>
    tpu.enqueue_indirect_dma source(%dma_start3A_480 : memref<1048576xf32, #tpu.memory_space<hbm>>) target(%dma_start3A_476 : memref<128xf32, #tpu.memory_space<vmem>>) offsets(%dma_start3A_478 : memref<128xi32, #tpu.memory_space<vmem>>) semaphore(%arg15 : memref<!tpu.dma_semaphore, #tpu.memory_space<semaphore_mem>>)
    %dma_start3A_481 = arith.constant 10112 : i32
    %dma_start3A_482 = tpu.memref_slice %arg13[%dma_start3A_481] : memref<10240xf32, #tpu.memory_space<vmem>> -> memref<128xf32, #tpu.memory_space<vmem>>
    %dma_start3A_483 = arith.constant 10112 : i32
    %dma_start3A_484 = tpu.memref_slice %arg12[%dma_start3A_483] : memref<10240xi32, #tpu.memory_space<vmem>> -> memref<128xi32, #tpu.memory_space<vmem>>
    %dma_start3A_485 = arith.constant 0 : i32
    %dma_start3A_486 = tpu.memref_slice %arg2[%dma_start3A_485] : memref<1048576xf32, #tpu.memory_space<hbm>> -> memref<1048576xf32, #tpu.memory_space<hbm>>
    tpu.enqueue_indirect_dma source(%dma_start3A_486 : memref<1048576xf32, #tpu.memory_space<hbm>>) target(%dma_start3A_482 : memref<128xf32, #tpu.memory_space<vmem>>) offsets(%dma_start3A_484 : memref<128xi32, #tpu.memory_space<vmem>>) semaphore(%arg15 : memref<!tpu.dma_semaphore, #tpu.memory_space<semaphore_mem>>)
    %dma_wait3A = arith.constant 0 : i32
    %dma_wait3A_487 = tpu.memref_slice %arg13[%dma_wait3A] : memref<10240xf32, #tpu.memory_space<vmem>> -> memref<128xf32, #tpu.memory_space<vmem>>
    %dma_wait3A_488 = arith.constant 0 : i32
    %dma_wait3A_489 = tpu.memref_slice %arg12[%dma_wait3A_488] : memref<10240xi32, #tpu.memory_space<vmem>> -> memref<128xi32, #tpu.memory_space<vmem>>
    %dma_wait3A_490 = arith.constant 0 : i32
    %dma_wait3A_491 = tpu.memref_slice %arg2[%dma_wait3A_490] : memref<1048576xf32, #tpu.memory_space<hbm>> -> memref<1048576xf32, #tpu.memory_space<hbm>>
    tpu.wait_indirect_dma semaphore(%arg15 : memref<!tpu.dma_semaphore, #tpu.memory_space<semaphore_mem>>) src(%dma_wait3A_491 : memref<1048576xf32, #tpu.memory_space<hbm>>) dst(%dma_wait3A_487 : memref<128xf32, #tpu.memory_space<vmem>>)
    %dma_wait3A_492 = arith.constant 128 : i32
    %dma_wait3A_493 = tpu.memref_slice %arg13[%dma_wait3A_492] : memref<10240xf32, #tpu.memory_space<vmem>> -> memref<128xf32, #tpu.memory_space<vmem>>
    %dma_wait3A_494 = arith.constant 128 : i32
    %dma_wait3A_495 = tpu.memref_slice %arg12[%dma_wait3A_494] : memref<10240xi32, #tpu.memory_space<vmem>> -> memref<128xi32, #tpu.memory_space<vmem>>
    %dma_wait3A_496 = arith.constant 0 : i32
    %dma_wait3A_497 = tpu.memref_slice %arg2[%dma_wait3A_496] : memref<1048576xf32, #tpu.memory_space<hbm>> -> memref<1048576xf32, #tpu.memory_space<hbm>>
    tpu.wait_indirect_dma semaphore(%arg15 : memref<!tpu.dma_semaphore, #tpu.memory_space<semaphore_mem>>) src(%dma_wait3A_497 : memref<1048576xf32, #tpu.memory_space<hbm>>) dst(%dma_wait3A_493 : memref<128xf32, #tpu.memory_space<vmem>>)
    %dma_wait3A_498 = arith.constant 256 : i32
    %dma_wait3A_499 = tpu.memref_slice %arg13[%dma_wait3A_498] : memref<10240xf32, #tpu.memory_space<vmem>> -> memref<128xf32, #tpu.memory_space<vmem>>
    %dma_wait3A_500 = arith.constant 256 : i32
    %dma_wait3A_501 = tpu.memref_slice %arg12[%dma_wait3A_500] : memref<10240xi32, #tpu.memory_space<vmem>> -> memref<128xi32, #tpu.memory_space<vmem>>
    %dma_wait3A_502 = arith.constant 0 : i32
    %dma_wait3A_503 = tpu.memref_slice %arg2[%dma_wait3A_502] : memref<1048576xf32, #tpu.memory_space<hbm>> -> memref<1048576xf32, #tpu.memory_space<hbm>>
    tpu.wait_indirect_dma semaphore(%arg15 : memref<!tpu.dma_semaphore, #tpu.memory_space<semaphore_mem>>) src(%dma_wait3A_503 : memref<1048576xf32, #tpu.memory_space<hbm>>) dst(%dma_wait3A_499 : memref<128xf32, #tpu.memory_space<vmem>>)
    %dma_wait3A_504 = arith.constant 384 : i32
    %dma_wait3A_505 = tpu.memref_slice %arg13[%dma_wait3A_504] : memref<10240xf32, #tpu.memory_space<vmem>> -> memref<128xf32, #tpu.memory_space<vmem>>
    %dma_wait3A_506 = arith.constant 384 : i32
    %dma_wait3A_507 = tpu.memref_slice %arg12[%dma_wait3A_506] : memref<10240xi32, #tpu.memory_space<vmem>> -> memref<128xi32, #tpu.memory_space<vmem>>
    %dma_wait3A_508 = arith.constant 0 : i32
    %dma_wait3A_509 = tpu.memref_slice %arg2[%dma_wait3A_508] : memref<1048576xf32, #tpu.memory_space<hbm>> -> memref<1048576xf32, #tpu.memory_space<hbm>>
    tpu.wait_indirect_dma semaphore(%arg15 : memref<!tpu.dma_semaphore, #tpu.memory_space<semaphore_mem>>) src(%dma_wait3A_509 : memref<1048576xf32, #tpu.memory_space<hbm>>) dst(%dma_wait3A_505 : memref<128xf32, #tpu.memory_space<vmem>>)
    %dma_wait3A_510 = arith.constant 512 : i32
    %dma_wait3A_511 = tpu.memref_slice %arg13[%dma_wait3A_510] : memref<10240xf32, #tpu.memory_space<vmem>> -> memref<128xf32, #tpu.memory_space<vmem>>
    %dma_wait3A_512 = arith.constant 512 : i32
    %dma_wait3A_513 = tpu.memref_slice %arg12[%dma_wait3A_512] : memref<10240xi32, #tpu.memory_space<vmem>> -> memref<128xi32, #tpu.memory_space<vmem>>
    %dma_wait3A_514 = arith.constant 0 : i32
    %dma_wait3A_515 = tpu.memref_slice %arg2[%dma_wait3A_514] : memref<1048576xf32, #tpu.memory_space<hbm>> -> memref<1048576xf32, #tpu.memory_space<hbm>>
    tpu.wait_indirect_dma semaphore(%arg15 : memref<!tpu.dma_semaphore, #tpu.memory_space<semaphore_mem>>) src(%dma_wait3A_515 : memref<1048576xf32, #tpu.memory_space<hbm>>) dst(%dma_wait3A_511 : memref<128xf32, #tpu.memory_space<vmem>>)
    %dma_wait3A_516 = arith.constant 640 : i32
    %dma_wait3A_517 = tpu.memref_slice %arg13[%dma_wait3A_516] : memref<10240xf32, #tpu.memory_space<vmem>> -> memref<128xf32, #tpu.memory_space<vmem>>
    %dma_wait3A_518 = arith.constant 640 : i32
    %dma_wait3A_519 = tpu.memref_slice %arg12[%dma_wait3A_518] : memref<10240xi32, #tpu.memory_space<vmem>> -> memref<128xi32, #tpu.memory_space<vmem>>
    %dma_wait3A_520 = arith.constant 0 : i32
    %dma_wait3A_521 = tpu.memref_slice %arg2[%dma_wait3A_520] : memref<1048576xf32, #tpu.memory_space<hbm>> -> memref<1048576xf32, #tpu.memory_space<hbm>>
    tpu.wait_indirect_dma semaphore(%arg15 : memref<!tpu.dma_semaphore, #tpu.memory_space<semaphore_mem>>) src(%dma_wait3A_521 : memref<1048576xf32, #tpu.memory_space<hbm>>) dst(%dma_wait3A_517 : memref<128xf32, #tpu.memory_space<vmem>>)
    %dma_wait3A_522 = arith.constant 768 : i32
    %dma_wait3A_523 = tpu.memref_slice %arg13[%dma_wait3A_522] : memref<10240xf32, #tpu.memory_space<vmem>> -> memref<128xf32, #tpu.memory_space<vmem>>
    %dma_wait3A_524 = arith.constant 768 : i32
    %dma_wait3A_525 = tpu.memref_slice %arg12[%dma_wait3A_524] : memref<10240xi32, #tpu.memory_space<vmem>> -> memref<128xi32, #tpu.memory_space<vmem>>
    %dma_wait3A_526 = arith.constant 0 : i32
    %dma_wait3A_527 = tpu.memref_slice %arg2[%dma_wait3A_526] : memref<1048576xf32, #tpu.memory_space<hbm>> -> memref<1048576xf32, #tpu.memory_space<hbm>>
    tpu.wait_indirect_dma semaphore(%arg15 : memref<!tpu.dma_semaphore, #tpu.memory_space<semaphore_mem>>) src(%dma_wait3A_527 : memref<1048576xf32, #tpu.memory_space<hbm>>) dst(%dma_wait3A_523 : memref<128xf32, #tpu.memory_space<vmem>>)
    %dma_wait3A_528 = arith.constant 896 : i32
    %dma_wait3A_529 = tpu.memref_slice %arg13[%dma_wait3A_528] : memref<10240xf32, #tpu.memory_space<vmem>> -> memref<128xf32, #tpu.memory_space<vmem>>
    %dma_wait3A_530 = arith.constant 896 : i32
    %dma_wait3A_531 = tpu.memref_slice %arg12[%dma_wait3A_530] : memref<10240xi32, #tpu.memory_space<vmem>> -> memref<128xi32, #tpu.memory_space<vmem>>
    %dma_wait3A_532 = arith.constant 0 : i32
    %dma_wait3A_533 = tpu.memref_slice %arg2[%dma_wait3A_532] : memref<1048576xf32, #tpu.memory_space<hbm>> -> memref<1048576xf32, #tpu.memory_space<hbm>>
    tpu.wait_indirect_dma semaphore(%arg15 : memref<!tpu.dma_semaphore, #tpu.memory_space<semaphore_mem>>) src(%dma_wait3A_533 : memref<1048576xf32, #tpu.memory_space<hbm>>) dst(%dma_wait3A_529 : memref<128xf32, #tpu.memory_space<vmem>>)
    %dma_wait3A_534 = arith.constant 1024 : i32
    %dma_wait3A_535 = tpu.memref_slice %arg13[%dma_wait3A_534] : memref<10240xf32, #tpu.memory_space<vmem>> -> memref<128xf32, #tpu.memory_space<vmem>>
    %dma_wait3A_536 = arith.constant 1024 : i32
    %dma_wait3A_537 = tpu.memref_slice %arg12[%dma_wait3A_536] : memref<10240xi32, #tpu.memory_space<vmem>> -> memref<128xi32, #tpu.memory_space<vmem>>
    %dma_wait3A_538 = arith.constant 0 : i32
    %dma_wait3A_539 = tpu.memref_slice %arg2[%dma_wait3A_538] : memref<1048576xf32, #tpu.memory_space<hbm>> -> memref<1048576xf32, #tpu.memory_space<hbm>>
    tpu.wait_indirect_dma semaphore(%arg15 : memref<!tpu.dma_semaphore, #tpu.memory_space<semaphore_mem>>) src(%dma_wait3A_539 : memref<1048576xf32, #tpu.memory_space<hbm>>) dst(%dma_wait3A_535 : memref<128xf32, #tpu.memory_space<vmem>>)
    %dma_wait3A_540 = arith.constant 1152 : i32
    %dma_wait3A_541 = tpu.memref_slice %arg13[%dma_wait3A_540] : memref<10240xf32, #tpu.memory_space<vmem>> -> memref<128xf32, #tpu.memory_space<vmem>>
    %dma_wait3A_542 = arith.constant 1152 : i32
    %dma_wait3A_543 = tpu.memref_slice %arg12[%dma_wait3A_542] : memref<10240xi32, #tpu.memory_space<vmem>> -> memref<128xi32, #tpu.memory_space<vmem>>
    %dma_wait3A_544 = arith.constant 0 : i32
    %dma_wait3A_545 = tpu.memref_slice %arg2[%dma_wait3A_544] : memref<1048576xf32, #tpu.memory_space<hbm>> -> memref<1048576xf32, #tpu.memory_space<hbm>>
    tpu.wait_indirect_dma semaphore(%arg15 : memref<!tpu.dma_semaphore, #tpu.memory_space<semaphore_mem>>) src(%dma_wait3A_545 : memref<1048576xf32, #tpu.memory_space<hbm>>) dst(%dma_wait3A_541 : memref<128xf32, #tpu.memory_space<vmem>>)
    %dma_wait3A_546 = arith.constant 1280 : i32
    %dma_wait3A_547 = tpu.memref_slice %arg13[%dma_wait3A_546] : memref<10240xf32, #tpu.memory_space<vmem>> -> memref<128xf32, #tpu.memory_space<vmem>>
    %dma_wait3A_548 = arith.constant 1280 : i32
    %dma_wait3A_549 = tpu.memref_slice %arg12[%dma_wait3A_548] : memref<10240xi32, #tpu.memory_space<vmem>> -> memref<128xi32, #tpu.memory_space<vmem>>
    %dma_wait3A_550 = arith.constant 0 : i32
    %dma_wait3A_551 = tpu.memref_slice %arg2[%dma_wait3A_550] : memref<1048576xf32, #tpu.memory_space<hbm>> -> memref<1048576xf32, #tpu.memory_space<hbm>>
    tpu.wait_indirect_dma semaphore(%arg15 : memref<!tpu.dma_semaphore, #tpu.memory_space<semaphore_mem>>) src(%dma_wait3A_551 : memref<1048576xf32, #tpu.memory_space<hbm>>) dst(%dma_wait3A_547 : memref<128xf32, #tpu.memory_space<vmem>>)
    %dma_wait3A_552 = arith.constant 1408 : i32
    %dma_wait3A_553 = tpu.memref_slice %arg13[%dma_wait3A_552] : memref<10240xf32, #tpu.memory_space<vmem>> -> memref<128xf32, #tpu.memory_space<vmem>>
    %dma_wait3A_554 = arith.constant 1408 : i32
    %dma_wait3A_555 = tpu.memref_slice %arg12[%dma_wait3A_554] : memref<10240xi32, #tpu.memory_space<vmem>> -> memref<128xi32, #tpu.memory_space<vmem>>
    %dma_wait3A_556 = arith.constant 0 : i32
    %dma_wait3A_557 = tpu.memref_slice %arg2[%dma_wait3A_556] : memref<1048576xf32, #tpu.memory_space<hbm>> -> memref<1048576xf32, #tpu.memory_space<hbm>>
    tpu.wait_indirect_dma semaphore(%arg15 : memref<!tpu.dma_semaphore, #tpu.memory_space<semaphore_mem>>) src(%dma_wait3A_557 : memref<1048576xf32, #tpu.memory_space<hbm>>) dst(%dma_wait3A_553 : memref<128xf32, #tpu.memory_space<vmem>>)
    %dma_wait3A_558 = arith.constant 1536 : i32
    %dma_wait3A_559 = tpu.memref_slice %arg13[%dma_wait3A_558] : memref<10240xf32, #tpu.memory_space<vmem>> -> memref<128xf32, #tpu.memory_space<vmem>>
    %dma_wait3A_560 = arith.constant 1536 : i32
    %dma_wait3A_561 = tpu.memref_slice %arg12[%dma_wait3A_560] : memref<10240xi32, #tpu.memory_space<vmem>> -> memref<128xi32, #tpu.memory_space<vmem>>
    %dma_wait3A_562 = arith.constant 0 : i32
    %dma_wait3A_563 = tpu.memref_slice %arg2[%dma_wait3A_562] : memref<1048576xf32, #tpu.memory_space<hbm>> -> memref<1048576xf32, #tpu.memory_space<hbm>>
    tpu.wait_indirect_dma semaphore(%arg15 : memref<!tpu.dma_semaphore, #tpu.memory_space<semaphore_mem>>) src(%dma_wait3A_563 : memref<1048576xf32, #tpu.memory_space<hbm>>) dst(%dma_wait3A_559 : memref<128xf32, #tpu.memory_space<vmem>>)
    %dma_wait3A_564 = arith.constant 1664 : i32
    %dma_wait3A_565 = tpu.memref_slice %arg13[%dma_wait3A_564] : memref<10240xf32, #tpu.memory_space<vmem>> -> memref<128xf32, #tpu.memory_space<vmem>>
    %dma_wait3A_566 = arith.constant 1664 : i32
    %dma_wait3A_567 = tpu.memref_slice %arg12[%dma_wait3A_566] : memref<10240xi32, #tpu.memory_space<vmem>> -> memref<128xi32, #tpu.memory_space<vmem>>
    %dma_wait3A_568 = arith.constant 0 : i32
    %dma_wait3A_569 = tpu.memref_slice %arg2[%dma_wait3A_568] : memref<1048576xf32, #tpu.memory_space<hbm>> -> memref<1048576xf32, #tpu.memory_space<hbm>>
    tpu.wait_indirect_dma semaphore(%arg15 : memref<!tpu.dma_semaphore, #tpu.memory_space<semaphore_mem>>) src(%dma_wait3A_569 : memref<1048576xf32, #tpu.memory_space<hbm>>) dst(%dma_wait3A_565 : memref<128xf32, #tpu.memory_space<vmem>>)
    %dma_wait3A_570 = arith.constant 1792 : i32
    %dma_wait3A_571 = tpu.memref_slice %arg13[%dma_wait3A_570] : memref<10240xf32, #tpu.memory_space<vmem>> -> memref<128xf32, #tpu.memory_space<vmem>>
    %dma_wait3A_572 = arith.constant 1792 : i32
    %dma_wait3A_573 = tpu.memref_slice %arg12[%dma_wait3A_572] : memref<10240xi32, #tpu.memory_space<vmem>> -> memref<128xi32, #tpu.memory_space<vmem>>
    %dma_wait3A_574 = arith.constant 0 : i32
    %dma_wait3A_575 = tpu.memref_slice %arg2[%dma_wait3A_574] : memref<1048576xf32, #tpu.memory_space<hbm>> -> memref<1048576xf32, #tpu.memory_space<hbm>>
    tpu.wait_indirect_dma semaphore(%arg15 : memref<!tpu.dma_semaphore, #tpu.memory_space<semaphore_mem>>) src(%dma_wait3A_575 : memref<1048576xf32, #tpu.memory_space<hbm>>) dst(%dma_wait3A_571 : memref<128xf32, #tpu.memory_space<vmem>>)
    %dma_wait3A_576 = arith.constant 1920 : i32
    %dma_wait3A_577 = tpu.memref_slice %arg13[%dma_wait3A_576] : memref<10240xf32, #tpu.memory_space<vmem>> -> memref<128xf32, #tpu.memory_space<vmem>>
    %dma_wait3A_578 = arith.constant 1920 : i32
    %dma_wait3A_579 = tpu.memref_slice %arg12[%dma_wait3A_578] : memref<10240xi32, #tpu.memory_space<vmem>> -> memref<128xi32, #tpu.memory_space<vmem>>
    %dma_wait3A_580 = arith.constant 0 : i32
    %dma_wait3A_581 = tpu.memref_slice %arg2[%dma_wait3A_580] : memref<1048576xf32, #tpu.memory_space<hbm>> -> memref<1048576xf32, #tpu.memory_space<hbm>>
    tpu.wait_indirect_dma semaphore(%arg15 : memref<!tpu.dma_semaphore, #tpu.memory_space<semaphore_mem>>) src(%dma_wait3A_581 : memref<1048576xf32, #tpu.memory_space<hbm>>) dst(%dma_wait3A_577 : memref<128xf32, #tpu.memory_space<vmem>>)
    %dma_wait3A_582 = arith.constant 2048 : i32
    %dma_wait3A_583 = tpu.memref_slice %arg13[%dma_wait3A_582] : memref<10240xf32, #tpu.memory_space<vmem>> -> memref<128xf32, #tpu.memory_space<vmem>>
    %dma_wait3A_584 = arith.constant 2048 : i32
    %dma_wait3A_585 = tpu.memref_slice %arg12[%dma_wait3A_584] : memref<10240xi32, #tpu.memory_space<vmem>> -> memref<128xi32, #tpu.memory_space<vmem>>
    %dma_wait3A_586 = arith.constant 0 : i32
    %dma_wait3A_587 = tpu.memref_slice %arg2[%dma_wait3A_586] : memref<1048576xf32, #tpu.memory_space<hbm>> -> memref<1048576xf32, #tpu.memory_space<hbm>>
    tpu.wait_indirect_dma semaphore(%arg15 : memref<!tpu.dma_semaphore, #tpu.memory_space<semaphore_mem>>) src(%dma_wait3A_587 : memref<1048576xf32, #tpu.memory_space<hbm>>) dst(%dma_wait3A_583 : memref<128xf32, #tpu.memory_space<vmem>>)
    %dma_wait3A_588 = arith.constant 2176 : i32
    %dma_wait3A_589 = tpu.memref_slice %arg13[%dma_wait3A_588] : memref<10240xf32, #tpu.memory_space<vmem>> -> memref<128xf32, #tpu.memory_space<vmem>>
    %dma_wait3A_590 = arith.constant 2176 : i32
    %dma_wait3A_591 = tpu.memref_slice %arg12[%dma_wait3A_590] : memref<10240xi32, #tpu.memory_space<vmem>> -> memref<128xi32, #tpu.memory_space<vmem>>
    %dma_wait3A_592 = arith.constant 0 : i32
    %dma_wait3A_593 = tpu.memref_slice %arg2[%dma_wait3A_592] : memref<1048576xf32, #tpu.memory_space<hbm>> -> memref<1048576xf32, #tpu.memory_space<hbm>>
    tpu.wait_indirect_dma semaphore(%arg15 : memref<!tpu.dma_semaphore, #tpu.memory_space<semaphore_mem>>) src(%dma_wait3A_593 : memref<1048576xf32, #tpu.memory_space<hbm>>) dst(%dma_wait3A_589 : memref<128xf32, #tpu.memory_space<vmem>>)
    %dma_wait3A_594 = arith.constant 2304 : i32
    %dma_wait3A_595 = tpu.memref_slice %arg13[%dma_wait3A_594] : memref<10240xf32, #tpu.memory_space<vmem>> -> memref<128xf32, #tpu.memory_space<vmem>>
    %dma_wait3A_596 = arith.constant 2304 : i32
    %dma_wait3A_597 = tpu.memref_slice %arg12[%dma_wait3A_596] : memref<10240xi32, #tpu.memory_space<vmem>> -> memref<128xi32, #tpu.memory_space<vmem>>
    %dma_wait3A_598 = arith.constant 0 : i32
    %dma_wait3A_599 = tpu.memref_slice %arg2[%dma_wait3A_598] : memref<1048576xf32, #tpu.memory_space<hbm>> -> memref<1048576xf32, #tpu.memory_space<hbm>>
    tpu.wait_indirect_dma semaphore(%arg15 : memref<!tpu.dma_semaphore, #tpu.memory_space<semaphore_mem>>) src(%dma_wait3A_599 : memref<1048576xf32, #tpu.memory_space<hbm>>) dst(%dma_wait3A_595 : memref<128xf32, #tpu.memory_space<vmem>>)
    %dma_wait3A_600 = arith.constant 2432 : i32
    %dma_wait3A_601 = tpu.memref_slice %arg13[%dma_wait3A_600] : memref<10240xf32, #tpu.memory_space<vmem>> -> memref<128xf32, #tpu.memory_space<vmem>>
    %dma_wait3A_602 = arith.constant 2432 : i32
    %dma_wait3A_603 = tpu.memref_slice %arg12[%dma_wait3A_602] : memref<10240xi32, #tpu.memory_space<vmem>> -> memref<128xi32, #tpu.memory_space<vmem>>
    %dma_wait3A_604 = arith.constant 0 : i32
    %dma_wait3A_605 = tpu.memref_slice %arg2[%dma_wait3A_604] : memref<1048576xf32, #tpu.memory_space<hbm>> -> memref<1048576xf32, #tpu.memory_space<hbm>>
    tpu.wait_indirect_dma semaphore(%arg15 : memref<!tpu.dma_semaphore, #tpu.memory_space<semaphore_mem>>) src(%dma_wait3A_605 : memref<1048576xf32, #tpu.memory_space<hbm>>) dst(%dma_wait3A_601 : memref<128xf32, #tpu.memory_space<vmem>>)
    %dma_wait3A_606 = arith.constant 2560 : i32
    %dma_wait3A_607 = tpu.memref_slice %arg13[%dma_wait3A_606] : memref<10240xf32, #tpu.memory_space<vmem>> -> memref<128xf32, #tpu.memory_space<vmem>>
    %dma_wait3A_608 = arith.constant 2560 : i32
    %dma_wait3A_609 = tpu.memref_slice %arg12[%dma_wait3A_608] : memref<10240xi32, #tpu.memory_space<vmem>> -> memref<128xi32, #tpu.memory_space<vmem>>
    %dma_wait3A_610 = arith.constant 0 : i32
    %dma_wait3A_611 = tpu.memref_slice %arg2[%dma_wait3A_610] : memref<1048576xf32, #tpu.memory_space<hbm>> -> memref<1048576xf32, #tpu.memory_space<hbm>>
    tpu.wait_indirect_dma semaphore(%arg15 : memref<!tpu.dma_semaphore, #tpu.memory_space<semaphore_mem>>) src(%dma_wait3A_611 : memref<1048576xf32, #tpu.memory_space<hbm>>) dst(%dma_wait3A_607 : memref<128xf32, #tpu.memory_space<vmem>>)
    %dma_wait3A_612 = arith.constant 2688 : i32
    %dma_wait3A_613 = tpu.memref_slice %arg13[%dma_wait3A_612] : memref<10240xf32, #tpu.memory_space<vmem>> -> memref<128xf32, #tpu.memory_space<vmem>>
    %dma_wait3A_614 = arith.constant 2688 : i32
    %dma_wait3A_615 = tpu.memref_slice %arg12[%dma_wait3A_614] : memref<10240xi32, #tpu.memory_space<vmem>> -> memref<128xi32, #tpu.memory_space<vmem>>
    %dma_wait3A_616 = arith.constant 0 : i32
    %dma_wait3A_617 = tpu.memref_slice %arg2[%dma_wait3A_616] : memref<1048576xf32, #tpu.memory_space<hbm>> -> memref<1048576xf32, #tpu.memory_space<hbm>>
    tpu.wait_indirect_dma semaphore(%arg15 : memref<!tpu.dma_semaphore, #tpu.memory_space<semaphore_mem>>) src(%dma_wait3A_617 : memref<1048576xf32, #tpu.memory_space<hbm>>) dst(%dma_wait3A_613 : memref<128xf32, #tpu.memory_space<vmem>>)
    %dma_wait3A_618 = arith.constant 2816 : i32
    %dma_wait3A_619 = tpu.memref_slice %arg13[%dma_wait3A_618] : memref<10240xf32, #tpu.memory_space<vmem>> -> memref<128xf32, #tpu.memory_space<vmem>>
    %dma_wait3A_620 = arith.constant 2816 : i32
    %dma_wait3A_621 = tpu.memref_slice %arg12[%dma_wait3A_620] : memref<10240xi32, #tpu.memory_space<vmem>> -> memref<128xi32, #tpu.memory_space<vmem>>
    %dma_wait3A_622 = arith.constant 0 : i32
    %dma_wait3A_623 = tpu.memref_slice %arg2[%dma_wait3A_622] : memref<1048576xf32, #tpu.memory_space<hbm>> -> memref<1048576xf32, #tpu.memory_space<hbm>>
    tpu.wait_indirect_dma semaphore(%arg15 : memref<!tpu.dma_semaphore, #tpu.memory_space<semaphore_mem>>) src(%dma_wait3A_623 : memref<1048576xf32, #tpu.memory_space<hbm>>) dst(%dma_wait3A_619 : memref<128xf32, #tpu.memory_space<vmem>>)
    %dma_wait3A_624 = arith.constant 2944 : i32
    %dma_wait3A_625 = tpu.memref_slice %arg13[%dma_wait3A_624] : memref<10240xf32, #tpu.memory_space<vmem>> -> memref<128xf32, #tpu.memory_space<vmem>>
    %dma_wait3A_626 = arith.constant 2944 : i32
    %dma_wait3A_627 = tpu.memref_slice %arg12[%dma_wait3A_626] : memref<10240xi32, #tpu.memory_space<vmem>> -> memref<128xi32, #tpu.memory_space<vmem>>
    %dma_wait3A_628 = arith.constant 0 : i32
    %dma_wait3A_629 = tpu.memref_slice %arg2[%dma_wait3A_628] : memref<1048576xf32, #tpu.memory_space<hbm>> -> memref<1048576xf32, #tpu.memory_space<hbm>>
    tpu.wait_indirect_dma semaphore(%arg15 : memref<!tpu.dma_semaphore, #tpu.memory_space<semaphore_mem>>) src(%dma_wait3A_629 : memref<1048576xf32, #tpu.memory_space<hbm>>) dst(%dma_wait3A_625 : memref<128xf32, #tpu.memory_space<vmem>>)
    %dma_wait3A_630 = arith.constant 3072 : i32
    %dma_wait3A_631 = tpu.memref_slice %arg13[%dma_wait3A_630] : memref<10240xf32, #tpu.memory_space<vmem>> -> memref<128xf32, #tpu.memory_space<vmem>>
    %dma_wait3A_632 = arith.constant 3072 : i32
    %dma_wait3A_633 = tpu.memref_slice %arg12[%dma_wait3A_632] : memref<10240xi32, #tpu.memory_space<vmem>> -> memref<128xi32, #tpu.memory_space<vmem>>
    %dma_wait3A_634 = arith.constant 0 : i32
    %dma_wait3A_635 = tpu.memref_slice %arg2[%dma_wait3A_634] : memref<1048576xf32, #tpu.memory_space<hbm>> -> memref<1048576xf32, #tpu.memory_space<hbm>>
    tpu.wait_indirect_dma semaphore(%arg15 : memref<!tpu.dma_semaphore, #tpu.memory_space<semaphore_mem>>) src(%dma_wait3A_635 : memref<1048576xf32, #tpu.memory_space<hbm>>) dst(%dma_wait3A_631 : memref<128xf32, #tpu.memory_space<vmem>>)
    %dma_wait3A_636 = arith.constant 3200 : i32
    %dma_wait3A_637 = tpu.memref_slice %arg13[%dma_wait3A_636] : memref<10240xf32, #tpu.memory_space<vmem>> -> memref<128xf32, #tpu.memory_space<vmem>>
    %dma_wait3A_638 = arith.constant 3200 : i32
    %dma_wait3A_639 = tpu.memref_slice %arg12[%dma_wait3A_638] : memref<10240xi32, #tpu.memory_space<vmem>> -> memref<128xi32, #tpu.memory_space<vmem>>
    %dma_wait3A_640 = arith.constant 0 : i32
    %dma_wait3A_641 = tpu.memref_slice %arg2[%dma_wait3A_640] : memref<1048576xf32, #tpu.memory_space<hbm>> -> memref<1048576xf32, #tpu.memory_space<hbm>>
    tpu.wait_indirect_dma semaphore(%arg15 : memref<!tpu.dma_semaphore, #tpu.memory_space<semaphore_mem>>) src(%dma_wait3A_641 : memref<1048576xf32, #tpu.memory_space<hbm>>) dst(%dma_wait3A_637 : memref<128xf32, #tpu.memory_space<vmem>>)
    %dma_wait3A_642 = arith.constant 3328 : i32
    %dma_wait3A_643 = tpu.memref_slice %arg13[%dma_wait3A_642] : memref<10240xf32, #tpu.memory_space<vmem>> -> memref<128xf32, #tpu.memory_space<vmem>>
    %dma_wait3A_644 = arith.constant 3328 : i32
    %dma_wait3A_645 = tpu.memref_slice %arg12[%dma_wait3A_644] : memref<10240xi32, #tpu.memory_space<vmem>> -> memref<128xi32, #tpu.memory_space<vmem>>
    %dma_wait3A_646 = arith.constant 0 : i32
    %dma_wait3A_647 = tpu.memref_slice %arg2[%dma_wait3A_646] : memref<1048576xf32, #tpu.memory_space<hbm>> -> memref<1048576xf32, #tpu.memory_space<hbm>>
    tpu.wait_indirect_dma semaphore(%arg15 : memref<!tpu.dma_semaphore, #tpu.memory_space<semaphore_mem>>) src(%dma_wait3A_647 : memref<1048576xf32, #tpu.memory_space<hbm>>) dst(%dma_wait3A_643 : memref<128xf32, #tpu.memory_space<vmem>>)
    %dma_wait3A_648 = arith.constant 3456 : i32
    %dma_wait3A_649 = tpu.memref_slice %arg13[%dma_wait3A_648] : memref<10240xf32, #tpu.memory_space<vmem>> -> memref<128xf32, #tpu.memory_space<vmem>>
    %dma_wait3A_650 = arith.constant 3456 : i32
    %dma_wait3A_651 = tpu.memref_slice %arg12[%dma_wait3A_650] : memref<10240xi32, #tpu.memory_space<vmem>> -> memref<128xi32, #tpu.memory_space<vmem>>
    %dma_wait3A_652 = arith.constant 0 : i32
    %dma_wait3A_653 = tpu.memref_slice %arg2[%dma_wait3A_652] : memref<1048576xf32, #tpu.memory_space<hbm>> -> memref<1048576xf32, #tpu.memory_space<hbm>>
    tpu.wait_indirect_dma semaphore(%arg15 : memref<!tpu.dma_semaphore, #tpu.memory_space<semaphore_mem>>) src(%dma_wait3A_653 : memref<1048576xf32, #tpu.memory_space<hbm>>) dst(%dma_wait3A_649 : memref<128xf32, #tpu.memory_space<vmem>>)
    %dma_wait3A_654 = arith.constant 3584 : i32
    %dma_wait3A_655 = tpu.memref_slice %arg13[%dma_wait3A_654] : memref<10240xf32, #tpu.memory_space<vmem>> -> memref<128xf32, #tpu.memory_space<vmem>>
    %dma_wait3A_656 = arith.constant 3584 : i32
    %dma_wait3A_657 = tpu.memref_slice %arg12[%dma_wait3A_656] : memref<10240xi32, #tpu.memory_space<vmem>> -> memref<128xi32, #tpu.memory_space<vmem>>
    %dma_wait3A_658 = arith.constant 0 : i32
    %dma_wait3A_659 = tpu.memref_slice %arg2[%dma_wait3A_658] : memref<1048576xf32, #tpu.memory_space<hbm>> -> memref<1048576xf32, #tpu.memory_space<hbm>>
    tpu.wait_indirect_dma semaphore(%arg15 : memref<!tpu.dma_semaphore, #tpu.memory_space<semaphore_mem>>) src(%dma_wait3A_659 : memref<1048576xf32, #tpu.memory_space<hbm>>) dst(%dma_wait3A_655 : memref<128xf32, #tpu.memory_space<vmem>>)
    %dma_wait3A_660 = arith.constant 3712 : i32
    %dma_wait3A_661 = tpu.memref_slice %arg13[%dma_wait3A_660] : memref<10240xf32, #tpu.memory_space<vmem>> -> memref<128xf32, #tpu.memory_space<vmem>>
    %dma_wait3A_662 = arith.constant 3712 : i32
    %dma_wait3A_663 = tpu.memref_slice %arg12[%dma_wait3A_662] : memref<10240xi32, #tpu.memory_space<vmem>> -> memref<128xi32, #tpu.memory_space<vmem>>
    %dma_wait3A_664 = arith.constant 0 : i32
    %dma_wait3A_665 = tpu.memref_slice %arg2[%dma_wait3A_664] : memref<1048576xf32, #tpu.memory_space<hbm>> -> memref<1048576xf32, #tpu.memory_space<hbm>>
    tpu.wait_indirect_dma semaphore(%arg15 : memref<!tpu.dma_semaphore, #tpu.memory_space<semaphore_mem>>) src(%dma_wait3A_665 : memref<1048576xf32, #tpu.memory_space<hbm>>) dst(%dma_wait3A_661 : memref<128xf32, #tpu.memory_space<vmem>>)
    %dma_wait3A_666 = arith.constant 3840 : i32
    %dma_wait3A_667 = tpu.memref_slice %arg13[%dma_wait3A_666] : memref<10240xf32, #tpu.memory_space<vmem>> -> memref<128xf32, #tpu.memory_space<vmem>>
    %dma_wait3A_668 = arith.constant 3840 : i32
    %dma_wait3A_669 = tpu.memref_slice %arg12[%dma_wait3A_668] : memref<10240xi32, #tpu.memory_space<vmem>> -> memref<128xi32, #tpu.memory_space<vmem>>
    %dma_wait3A_670 = arith.constant 0 : i32
    %dma_wait3A_671 = tpu.memref_slice %arg2[%dma_wait3A_670] : memref<1048576xf32, #tpu.memory_space<hbm>> -> memref<1048576xf32, #tpu.memory_space<hbm>>
    tpu.wait_indirect_dma semaphore(%arg15 : memref<!tpu.dma_semaphore, #tpu.memory_space<semaphore_mem>>) src(%dma_wait3A_671 : memref<1048576xf32, #tpu.memory_space<hbm>>) dst(%dma_wait3A_667 : memref<128xf32, #tpu.memory_space<vmem>>)
    %dma_wait3A_672 = arith.constant 3968 : i32
    %dma_wait3A_673 = tpu.memref_slice %arg13[%dma_wait3A_672] : memref<10240xf32, #tpu.memory_space<vmem>> -> memref<128xf32, #tpu.memory_space<vmem>>
    %dma_wait3A_674 = arith.constant 3968 : i32
    %dma_wait3A_675 = tpu.memref_slice %arg12[%dma_wait3A_674] : memref<10240xi32, #tpu.memory_space<vmem>> -> memref<128xi32, #tpu.memory_space<vmem>>
    %dma_wait3A_676 = arith.constant 0 : i32
    %dma_wait3A_677 = tpu.memref_slice %arg2[%dma_wait3A_676] : memref<1048576xf32, #tpu.memory_space<hbm>> -> memref<1048576xf32, #tpu.memory_space<hbm>>
    tpu.wait_indirect_dma semaphore(%arg15 : memref<!tpu.dma_semaphore, #tpu.memory_space<semaphore_mem>>) src(%dma_wait3A_677 : memref<1048576xf32, #tpu.memory_space<hbm>>) dst(%dma_wait3A_673 : memref<128xf32, #tpu.memory_space<vmem>>)
    %dma_wait3A_678 = arith.constant 4096 : i32
    %dma_wait3A_679 = tpu.memref_slice %arg13[%dma_wait3A_678] : memref<10240xf32, #tpu.memory_space<vmem>> -> memref<128xf32, #tpu.memory_space<vmem>>
    %dma_wait3A_680 = arith.constant 4096 : i32
    %dma_wait3A_681 = tpu.memref_slice %arg12[%dma_wait3A_680] : memref<10240xi32, #tpu.memory_space<vmem>> -> memref<128xi32, #tpu.memory_space<vmem>>
    %dma_wait3A_682 = arith.constant 0 : i32
    %dma_wait3A_683 = tpu.memref_slice %arg2[%dma_wait3A_682] : memref<1048576xf32, #tpu.memory_space<hbm>> -> memref<1048576xf32, #tpu.memory_space<hbm>>
    tpu.wait_indirect_dma semaphore(%arg15 : memref<!tpu.dma_semaphore, #tpu.memory_space<semaphore_mem>>) src(%dma_wait3A_683 : memref<1048576xf32, #tpu.memory_space<hbm>>) dst(%dma_wait3A_679 : memref<128xf32, #tpu.memory_space<vmem>>)
    %dma_wait3A_684 = arith.constant 4224 : i32
    %dma_wait3A_685 = tpu.memref_slice %arg13[%dma_wait3A_684] : memref<10240xf32, #tpu.memory_space<vmem>> -> memref<128xf32, #tpu.memory_space<vmem>>
    %dma_wait3A_686 = arith.constant 4224 : i32
    %dma_wait3A_687 = tpu.memref_slice %arg12[%dma_wait3A_686] : memref<10240xi32, #tpu.memory_space<vmem>> -> memref<128xi32, #tpu.memory_space<vmem>>
    %dma_wait3A_688 = arith.constant 0 : i32
    %dma_wait3A_689 = tpu.memref_slice %arg2[%dma_wait3A_688] : memref<1048576xf32, #tpu.memory_space<hbm>> -> memref<1048576xf32, #tpu.memory_space<hbm>>
    tpu.wait_indirect_dma semaphore(%arg15 : memref<!tpu.dma_semaphore, #tpu.memory_space<semaphore_mem>>) src(%dma_wait3A_689 : memref<1048576xf32, #tpu.memory_space<hbm>>) dst(%dma_wait3A_685 : memref<128xf32, #tpu.memory_space<vmem>>)
    %dma_wait3A_690 = arith.constant 4352 : i32
    %dma_wait3A_691 = tpu.memref_slice %arg13[%dma_wait3A_690] : memref<10240xf32, #tpu.memory_space<vmem>> -> memref<128xf32, #tpu.memory_space<vmem>>
    %dma_wait3A_692 = arith.constant 4352 : i32
    %dma_wait3A_693 = tpu.memref_slice %arg12[%dma_wait3A_692] : memref<10240xi32, #tpu.memory_space<vmem>> -> memref<128xi32, #tpu.memory_space<vmem>>
    %dma_wait3A_694 = arith.constant 0 : i32
    %dma_wait3A_695 = tpu.memref_slice %arg2[%dma_wait3A_694] : memref<1048576xf32, #tpu.memory_space<hbm>> -> memref<1048576xf32, #tpu.memory_space<hbm>>
    tpu.wait_indirect_dma semaphore(%arg15 : memref<!tpu.dma_semaphore, #tpu.memory_space<semaphore_mem>>) src(%dma_wait3A_695 : memref<1048576xf32, #tpu.memory_space<hbm>>) dst(%dma_wait3A_691 : memref<128xf32, #tpu.memory_space<vmem>>)
    %dma_wait3A_696 = arith.constant 4480 : i32
    %dma_wait3A_697 = tpu.memref_slice %arg13[%dma_wait3A_696] : memref<10240xf32, #tpu.memory_space<vmem>> -> memref<128xf32, #tpu.memory_space<vmem>>
    %dma_wait3A_698 = arith.constant 4480 : i32
    %dma_wait3A_699 = tpu.memref_slice %arg12[%dma_wait3A_698] : memref<10240xi32, #tpu.memory_space<vmem>> -> memref<128xi32, #tpu.memory_space<vmem>>
    %dma_wait3A_700 = arith.constant 0 : i32
    %dma_wait3A_701 = tpu.memref_slice %arg2[%dma_wait3A_700] : memref<1048576xf32, #tpu.memory_space<hbm>> -> memref<1048576xf32, #tpu.memory_space<hbm>>
    tpu.wait_indirect_dma semaphore(%arg15 : memref<!tpu.dma_semaphore, #tpu.memory_space<semaphore_mem>>) src(%dma_wait3A_701 : memref<1048576xf32, #tpu.memory_space<hbm>>) dst(%dma_wait3A_697 : memref<128xf32, #tpu.memory_space<vmem>>)
    %dma_wait3A_702 = arith.constant 4608 : i32
    %dma_wait3A_703 = tpu.memref_slice %arg13[%dma_wait3A_702] : memref<10240xf32, #tpu.memory_space<vmem>> -> memref<128xf32, #tpu.memory_space<vmem>>
    %dma_wait3A_704 = arith.constant 4608 : i32
    %dma_wait3A_705 = tpu.memref_slice %arg12[%dma_wait3A_704] : memref<10240xi32, #tpu.memory_space<vmem>> -> memref<128xi32, #tpu.memory_space<vmem>>
    %dma_wait3A_706 = arith.constant 0 : i32
    %dma_wait3A_707 = tpu.memref_slice %arg2[%dma_wait3A_706] : memref<1048576xf32, #tpu.memory_space<hbm>> -> memref<1048576xf32, #tpu.memory_space<hbm>>
    tpu.wait_indirect_dma semaphore(%arg15 : memref<!tpu.dma_semaphore, #tpu.memory_space<semaphore_mem>>) src(%dma_wait3A_707 : memref<1048576xf32, #tpu.memory_space<hbm>>) dst(%dma_wait3A_703 : memref<128xf32, #tpu.memory_space<vmem>>)
    %dma_wait3A_708 = arith.constant 4736 : i32
    %dma_wait3A_709 = tpu.memref_slice %arg13[%dma_wait3A_708] : memref<10240xf32, #tpu.memory_space<vmem>> -> memref<128xf32, #tpu.memory_space<vmem>>
    %dma_wait3A_710 = arith.constant 4736 : i32
    %dma_wait3A_711 = tpu.memref_slice %arg12[%dma_wait3A_710] : memref<10240xi32, #tpu.memory_space<vmem>> -> memref<128xi32, #tpu.memory_space<vmem>>
    %dma_wait3A_712 = arith.constant 0 : i32
    %dma_wait3A_713 = tpu.memref_slice %arg2[%dma_wait3A_712] : memref<1048576xf32, #tpu.memory_space<hbm>> -> memref<1048576xf32, #tpu.memory_space<hbm>>
    tpu.wait_indirect_dma semaphore(%arg15 : memref<!tpu.dma_semaphore, #tpu.memory_space<semaphore_mem>>) src(%dma_wait3A_713 : memref<1048576xf32, #tpu.memory_space<hbm>>) dst(%dma_wait3A_709 : memref<128xf32, #tpu.memory_space<vmem>>)
    %dma_wait3A_714 = arith.constant 4864 : i32
    %dma_wait3A_715 = tpu.memref_slice %arg13[%dma_wait3A_714] : memref<10240xf32, #tpu.memory_space<vmem>> -> memref<128xf32, #tpu.memory_space<vmem>>
    %dma_wait3A_716 = arith.constant 4864 : i32
    %dma_wait3A_717 = tpu.memref_slice %arg12[%dma_wait3A_716] : memref<10240xi32, #tpu.memory_space<vmem>> -> memref<128xi32, #tpu.memory_space<vmem>>
    %dma_wait3A_718 = arith.constant 0 : i32
    %dma_wait3A_719 = tpu.memref_slice %arg2[%dma_wait3A_718] : memref<1048576xf32, #tpu.memory_space<hbm>> -> memref<1048576xf32, #tpu.memory_space<hbm>>
    tpu.wait_indirect_dma semaphore(%arg15 : memref<!tpu.dma_semaphore, #tpu.memory_space<semaphore_mem>>) src(%dma_wait3A_719 : memref<1048576xf32, #tpu.memory_space<hbm>>) dst(%dma_wait3A_715 : memref<128xf32, #tpu.memory_space<vmem>>)
    %dma_wait3A_720 = arith.constant 4992 : i32
    %dma_wait3A_721 = tpu.memref_slice %arg13[%dma_wait3A_720] : memref<10240xf32, #tpu.memory_space<vmem>> -> memref<128xf32, #tpu.memory_space<vmem>>
    %dma_wait3A_722 = arith.constant 4992 : i32
    %dma_wait3A_723 = tpu.memref_slice %arg12[%dma_wait3A_722] : memref<10240xi32, #tpu.memory_space<vmem>> -> memref<128xi32, #tpu.memory_space<vmem>>
    %dma_wait3A_724 = arith.constant 0 : i32
    %dma_wait3A_725 = tpu.memref_slice %arg2[%dma_wait3A_724] : memref<1048576xf32, #tpu.memory_space<hbm>> -> memref<1048576xf32, #tpu.memory_space<hbm>>
    tpu.wait_indirect_dma semaphore(%arg15 : memref<!tpu.dma_semaphore, #tpu.memory_space<semaphore_mem>>) src(%dma_wait3A_725 : memref<1048576xf32, #tpu.memory_space<hbm>>) dst(%dma_wait3A_721 : memref<128xf32, #tpu.memory_space<vmem>>)
    %dma_wait3A_726 = arith.constant 5120 : i32
    %dma_wait3A_727 = tpu.memref_slice %arg13[%dma_wait3A_726] : memref<10240xf32, #tpu.memory_space<vmem>> -> memref<128xf32, #tpu.memory_space<vmem>>
    %dma_wait3A_728 = arith.constant 5120 : i32
    %dma_wait3A_729 = tpu.memref_slice %arg12[%dma_wait3A_728] : memref<10240xi32, #tpu.memory_space<vmem>> -> memref<128xi32, #tpu.memory_space<vmem>>
    %dma_wait3A_730 = arith.constant 0 : i32
    %dma_wait3A_731 = tpu.memref_slice %arg2[%dma_wait3A_730] : memref<1048576xf32, #tpu.memory_space<hbm>> -> memref<1048576xf32, #tpu.memory_space<hbm>>
    tpu.wait_indirect_dma semaphore(%arg15 : memref<!tpu.dma_semaphore, #tpu.memory_space<semaphore_mem>>) src(%dma_wait3A_731 : memref<1048576xf32, #tpu.memory_space<hbm>>) dst(%dma_wait3A_727 : memref<128xf32, #tpu.memory_space<vmem>>)
    %dma_wait3A_732 = arith.constant 5248 : i32
    %dma_wait3A_733 = tpu.memref_slice %arg13[%dma_wait3A_732] : memref<10240xf32, #tpu.memory_space<vmem>> -> memref<128xf32, #tpu.memory_space<vmem>>
    %dma_wait3A_734 = arith.constant 5248 : i32
    %dma_wait3A_735 = tpu.memref_slice %arg12[%dma_wait3A_734] : memref<10240xi32, #tpu.memory_space<vmem>> -> memref<128xi32, #tpu.memory_space<vmem>>
    %dma_wait3A_736 = arith.constant 0 : i32
    %dma_wait3A_737 = tpu.memref_slice %arg2[%dma_wait3A_736] : memref<1048576xf32, #tpu.memory_space<hbm>> -> memref<1048576xf32, #tpu.memory_space<hbm>>
    tpu.wait_indirect_dma semaphore(%arg15 : memref<!tpu.dma_semaphore, #tpu.memory_space<semaphore_mem>>) src(%dma_wait3A_737 : memref<1048576xf32, #tpu.memory_space<hbm>>) dst(%dma_wait3A_733 : memref<128xf32, #tpu.memory_space<vmem>>)
    %dma_wait3A_738 = arith.constant 5376 : i32
    %dma_wait3A_739 = tpu.memref_slice %arg13[%dma_wait3A_738] : memref<10240xf32, #tpu.memory_space<vmem>> -> memref<128xf32, #tpu.memory_space<vmem>>
    %dma_wait3A_740 = arith.constant 5376 : i32
    %dma_wait3A_741 = tpu.memref_slice %arg12[%dma_wait3A_740] : memref<10240xi32, #tpu.memory_space<vmem>> -> memref<128xi32, #tpu.memory_space<vmem>>
    %dma_wait3A_742 = arith.constant 0 : i32
    %dma_wait3A_743 = tpu.memref_slice %arg2[%dma_wait3A_742] : memref<1048576xf32, #tpu.memory_space<hbm>> -> memref<1048576xf32, #tpu.memory_space<hbm>>
    tpu.wait_indirect_dma semaphore(%arg15 : memref<!tpu.dma_semaphore, #tpu.memory_space<semaphore_mem>>) src(%dma_wait3A_743 : memref<1048576xf32, #tpu.memory_space<hbm>>) dst(%dma_wait3A_739 : memref<128xf32, #tpu.memory_space<vmem>>)
    %dma_wait3A_744 = arith.constant 5504 : i32
    %dma_wait3A_745 = tpu.memref_slice %arg13[%dma_wait3A_744] : memref<10240xf32, #tpu.memory_space<vmem>> -> memref<128xf32, #tpu.memory_space<vmem>>
    %dma_wait3A_746 = arith.constant 5504 : i32
    %dma_wait3A_747 = tpu.memref_slice %arg12[%dma_wait3A_746] : memref<10240xi32, #tpu.memory_space<vmem>> -> memref<128xi32, #tpu.memory_space<vmem>>
    %dma_wait3A_748 = arith.constant 0 : i32
    %dma_wait3A_749 = tpu.memref_slice %arg2[%dma_wait3A_748] : memref<1048576xf32, #tpu.memory_space<hbm>> -> memref<1048576xf32, #tpu.memory_space<hbm>>
    tpu.wait_indirect_dma semaphore(%arg15 : memref<!tpu.dma_semaphore, #tpu.memory_space<semaphore_mem>>) src(%dma_wait3A_749 : memref<1048576xf32, #tpu.memory_space<hbm>>) dst(%dma_wait3A_745 : memref<128xf32, #tpu.memory_space<vmem>>)
    %dma_wait3A_750 = arith.constant 5632 : i32
    %dma_wait3A_751 = tpu.memref_slice %arg13[%dma_wait3A_750] : memref<10240xf32, #tpu.memory_space<vmem>> -> memref<128xf32, #tpu.memory_space<vmem>>
    %dma_wait3A_752 = arith.constant 5632 : i32
    %dma_wait3A_753 = tpu.memref_slice %arg12[%dma_wait3A_752] : memref<10240xi32, #tpu.memory_space<vmem>> -> memref<128xi32, #tpu.memory_space<vmem>>
    %dma_wait3A_754 = arith.constant 0 : i32
    %dma_wait3A_755 = tpu.memref_slice %arg2[%dma_wait3A_754] : memref<1048576xf32, #tpu.memory_space<hbm>> -> memref<1048576xf32, #tpu.memory_space<hbm>>
    tpu.wait_indirect_dma semaphore(%arg15 : memref<!tpu.dma_semaphore, #tpu.memory_space<semaphore_mem>>) src(%dma_wait3A_755 : memref<1048576xf32, #tpu.memory_space<hbm>>) dst(%dma_wait3A_751 : memref<128xf32, #tpu.memory_space<vmem>>)
    %dma_wait3A_756 = arith.constant 5760 : i32
    %dma_wait3A_757 = tpu.memref_slice %arg13[%dma_wait3A_756] : memref<10240xf32, #tpu.memory_space<vmem>> -> memref<128xf32, #tpu.memory_space<vmem>>
    %dma_wait3A_758 = arith.constant 5760 : i32
    %dma_wait3A_759 = tpu.memref_slice %arg12[%dma_wait3A_758] : memref<10240xi32, #tpu.memory_space<vmem>> -> memref<128xi32, #tpu.memory_space<vmem>>
    %dma_wait3A_760 = arith.constant 0 : i32
    %dma_wait3A_761 = tpu.memref_slice %arg2[%dma_wait3A_760] : memref<1048576xf32, #tpu.memory_space<hbm>> -> memref<1048576xf32, #tpu.memory_space<hbm>>
    tpu.wait_indirect_dma semaphore(%arg15 : memref<!tpu.dma_semaphore, #tpu.memory_space<semaphore_mem>>) src(%dma_wait3A_761 : memref<1048576xf32, #tpu.memory_space<hbm>>) dst(%dma_wait3A_757 : memref<128xf32, #tpu.memory_space<vmem>>)
    %dma_wait3A_762 = arith.constant 5888 : i32
    %dma_wait3A_763 = tpu.memref_slice %arg13[%dma_wait3A_762] : memref<10240xf32, #tpu.memory_space<vmem>> -> memref<128xf32, #tpu.memory_space<vmem>>
    %dma_wait3A_764 = arith.constant 5888 : i32
    %dma_wait3A_765 = tpu.memref_slice %arg12[%dma_wait3A_764] : memref<10240xi32, #tpu.memory_space<vmem>> -> memref<128xi32, #tpu.memory_space<vmem>>
    %dma_wait3A_766 = arith.constant 0 : i32
    %dma_wait3A_767 = tpu.memref_slice %arg2[%dma_wait3A_766] : memref<1048576xf32, #tpu.memory_space<hbm>> -> memref<1048576xf32, #tpu.memory_space<hbm>>
    tpu.wait_indirect_dma semaphore(%arg15 : memref<!tpu.dma_semaphore, #tpu.memory_space<semaphore_mem>>) src(%dma_wait3A_767 : memref<1048576xf32, #tpu.memory_space<hbm>>) dst(%dma_wait3A_763 : memref<128xf32, #tpu.memory_space<vmem>>)
    %dma_wait3A_768 = arith.constant 6016 : i32
    %dma_wait3A_769 = tpu.memref_slice %arg13[%dma_wait3A_768] : memref<10240xf32, #tpu.memory_space<vmem>> -> memref<128xf32, #tpu.memory_space<vmem>>
    %dma_wait3A_770 = arith.constant 6016 : i32
    %dma_wait3A_771 = tpu.memref_slice %arg12[%dma_wait3A_770] : memref<10240xi32, #tpu.memory_space<vmem>> -> memref<128xi32, #tpu.memory_space<vmem>>
    %dma_wait3A_772 = arith.constant 0 : i32
    %dma_wait3A_773 = tpu.memref_slice %arg2[%dma_wait3A_772] : memref<1048576xf32, #tpu.memory_space<hbm>> -> memref<1048576xf32, #tpu.memory_space<hbm>>
    tpu.wait_indirect_dma semaphore(%arg15 : memref<!tpu.dma_semaphore, #tpu.memory_space<semaphore_mem>>) src(%dma_wait3A_773 : memref<1048576xf32, #tpu.memory_space<hbm>>) dst(%dma_wait3A_769 : memref<128xf32, #tpu.memory_space<vmem>>)
    %dma_wait3A_774 = arith.constant 6144 : i32
    %dma_wait3A_775 = tpu.memref_slice %arg13[%dma_wait3A_774] : memref<10240xf32, #tpu.memory_space<vmem>> -> memref<128xf32, #tpu.memory_space<vmem>>
    %dma_wait3A_776 = arith.constant 6144 : i32
    %dma_wait3A_777 = tpu.memref_slice %arg12[%dma_wait3A_776] : memref<10240xi32, #tpu.memory_space<vmem>> -> memref<128xi32, #tpu.memory_space<vmem>>
    %dma_wait3A_778 = arith.constant 0 : i32
    %dma_wait3A_779 = tpu.memref_slice %arg2[%dma_wait3A_778] : memref<1048576xf32, #tpu.memory_space<hbm>> -> memref<1048576xf32, #tpu.memory_space<hbm>>
    tpu.wait_indirect_dma semaphore(%arg15 : memref<!tpu.dma_semaphore, #tpu.memory_space<semaphore_mem>>) src(%dma_wait3A_779 : memref<1048576xf32, #tpu.memory_space<hbm>>) dst(%dma_wait3A_775 : memref<128xf32, #tpu.memory_space<vmem>>)
    %dma_wait3A_780 = arith.constant 6272 : i32
    %dma_wait3A_781 = tpu.memref_slice %arg13[%dma_wait3A_780] : memref<10240xf32, #tpu.memory_space<vmem>> -> memref<128xf32, #tpu.memory_space<vmem>>
    %dma_wait3A_782 = arith.constant 6272 : i32
    %dma_wait3A_783 = tpu.memref_slice %arg12[%dma_wait3A_782] : memref<10240xi32, #tpu.memory_space<vmem>> -> memref<128xi32, #tpu.memory_space<vmem>>
    %dma_wait3A_784 = arith.constant 0 : i32
    %dma_wait3A_785 = tpu.memref_slice %arg2[%dma_wait3A_784] : memref<1048576xf32, #tpu.memory_space<hbm>> -> memref<1048576xf32, #tpu.memory_space<hbm>>
    tpu.wait_indirect_dma semaphore(%arg15 : memref<!tpu.dma_semaphore, #tpu.memory_space<semaphore_mem>>) src(%dma_wait3A_785 : memref<1048576xf32, #tpu.memory_space<hbm>>) dst(%dma_wait3A_781 : memref<128xf32, #tpu.memory_space<vmem>>)
    %dma_wait3A_786 = arith.constant 6400 : i32
    %dma_wait3A_787 = tpu.memref_slice %arg13[%dma_wait3A_786] : memref<10240xf32, #tpu.memory_space<vmem>> -> memref<128xf32, #tpu.memory_space<vmem>>
    %dma_wait3A_788 = arith.constant 6400 : i32
    %dma_wait3A_789 = tpu.memref_slice %arg12[%dma_wait3A_788] : memref<10240xi32, #tpu.memory_space<vmem>> -> memref<128xi32, #tpu.memory_space<vmem>>
    %dma_wait3A_790 = arith.constant 0 : i32
    %dma_wait3A_791 = tpu.memref_slice %arg2[%dma_wait3A_790] : memref<1048576xf32, #tpu.memory_space<hbm>> -> memref<1048576xf32, #tpu.memory_space<hbm>>
    tpu.wait_indirect_dma semaphore(%arg15 : memref<!tpu.dma_semaphore, #tpu.memory_space<semaphore_mem>>) src(%dma_wait3A_791 : memref<1048576xf32, #tpu.memory_space<hbm>>) dst(%dma_wait3A_787 : memref<128xf32, #tpu.memory_space<vmem>>)
    %dma_wait3A_792 = arith.constant 6528 : i32
    %dma_wait3A_793 = tpu.memref_slice %arg13[%dma_wait3A_792] : memref<10240xf32, #tpu.memory_space<vmem>> -> memref<128xf32, #tpu.memory_space<vmem>>
    %dma_wait3A_794 = arith.constant 6528 : i32
    %dma_wait3A_795 = tpu.memref_slice %arg12[%dma_wait3A_794] : memref<10240xi32, #tpu.memory_space<vmem>> -> memref<128xi32, #tpu.memory_space<vmem>>
    %dma_wait3A_796 = arith.constant 0 : i32
    %dma_wait3A_797 = tpu.memref_slice %arg2[%dma_wait3A_796] : memref<1048576xf32, #tpu.memory_space<hbm>> -> memref<1048576xf32, #tpu.memory_space<hbm>>
    tpu.wait_indirect_dma semaphore(%arg15 : memref<!tpu.dma_semaphore, #tpu.memory_space<semaphore_mem>>) src(%dma_wait3A_797 : memref<1048576xf32, #tpu.memory_space<hbm>>) dst(%dma_wait3A_793 : memref<128xf32, #tpu.memory_space<vmem>>)
    %dma_wait3A_798 = arith.constant 6656 : i32
    %dma_wait3A_799 = tpu.memref_slice %arg13[%dma_wait3A_798] : memref<10240xf32, #tpu.memory_space<vmem>> -> memref<128xf32, #tpu.memory_space<vmem>>
    %dma_wait3A_800 = arith.constant 6656 : i32
    %dma_wait3A_801 = tpu.memref_slice %arg12[%dma_wait3A_800] : memref<10240xi32, #tpu.memory_space<vmem>> -> memref<128xi32, #tpu.memory_space<vmem>>
    %dma_wait3A_802 = arith.constant 0 : i32
    %dma_wait3A_803 = tpu.memref_slice %arg2[%dma_wait3A_802] : memref<1048576xf32, #tpu.memory_space<hbm>> -> memref<1048576xf32, #tpu.memory_space<hbm>>
    tpu.wait_indirect_dma semaphore(%arg15 : memref<!tpu.dma_semaphore, #tpu.memory_space<semaphore_mem>>) src(%dma_wait3A_803 : memref<1048576xf32, #tpu.memory_space<hbm>>) dst(%dma_wait3A_799 : memref<128xf32, #tpu.memory_space<vmem>>)
    %dma_wait3A_804 = arith.constant 6784 : i32
    %dma_wait3A_805 = tpu.memref_slice %arg13[%dma_wait3A_804] : memref<10240xf32, #tpu.memory_space<vmem>> -> memref<128xf32, #tpu.memory_space<vmem>>
    %dma_wait3A_806 = arith.constant 6784 : i32
    %dma_wait3A_807 = tpu.memref_slice %arg12[%dma_wait3A_806] : memref<10240xi32, #tpu.memory_space<vmem>> -> memref<128xi32, #tpu.memory_space<vmem>>
    %dma_wait3A_808 = arith.constant 0 : i32
    %dma_wait3A_809 = tpu.memref_slice %arg2[%dma_wait3A_808] : memref<1048576xf32, #tpu.memory_space<hbm>> -> memref<1048576xf32, #tpu.memory_space<hbm>>
    tpu.wait_indirect_dma semaphore(%arg15 : memref<!tpu.dma_semaphore, #tpu.memory_space<semaphore_mem>>) src(%dma_wait3A_809 : memref<1048576xf32, #tpu.memory_space<hbm>>) dst(%dma_wait3A_805 : memref<128xf32, #tpu.memory_space<vmem>>)
    %dma_wait3A_810 = arith.constant 6912 : i32
    %dma_wait3A_811 = tpu.memref_slice %arg13[%dma_wait3A_810] : memref<10240xf32, #tpu.memory_space<vmem>> -> memref<128xf32, #tpu.memory_space<vmem>>
    %dma_wait3A_812 = arith.constant 6912 : i32
    %dma_wait3A_813 = tpu.memref_slice %arg12[%dma_wait3A_812] : memref<10240xi32, #tpu.memory_space<vmem>> -> memref<128xi32, #tpu.memory_space<vmem>>
    %dma_wait3A_814 = arith.constant 0 : i32
    %dma_wait3A_815 = tpu.memref_slice %arg2[%dma_wait3A_814] : memref<1048576xf32, #tpu.memory_space<hbm>> -> memref<1048576xf32, #tpu.memory_space<hbm>>
    tpu.wait_indirect_dma semaphore(%arg15 : memref<!tpu.dma_semaphore, #tpu.memory_space<semaphore_mem>>) src(%dma_wait3A_815 : memref<1048576xf32, #tpu.memory_space<hbm>>) dst(%dma_wait3A_811 : memref<128xf32, #tpu.memory_space<vmem>>)
    %dma_wait3A_816 = arith.constant 7040 : i32
    %dma_wait3A_817 = tpu.memref_slice %arg13[%dma_wait3A_816] : memref<10240xf32, #tpu.memory_space<vmem>> -> memref<128xf32, #tpu.memory_space<vmem>>
    %dma_wait3A_818 = arith.constant 7040 : i32
    %dma_wait3A_819 = tpu.memref_slice %arg12[%dma_wait3A_818] : memref<10240xi32, #tpu.memory_space<vmem>> -> memref<128xi32, #tpu.memory_space<vmem>>
    %dma_wait3A_820 = arith.constant 0 : i32
    %dma_wait3A_821 = tpu.memref_slice %arg2[%dma_wait3A_820] : memref<1048576xf32, #tpu.memory_space<hbm>> -> memref<1048576xf32, #tpu.memory_space<hbm>>
    tpu.wait_indirect_dma semaphore(%arg15 : memref<!tpu.dma_semaphore, #tpu.memory_space<semaphore_mem>>) src(%dma_wait3A_821 : memref<1048576xf32, #tpu.memory_space<hbm>>) dst(%dma_wait3A_817 : memref<128xf32, #tpu.memory_space<vmem>>)
    %dma_wait3A_822 = arith.constant 7168 : i32
    %dma_wait3A_823 = tpu.memref_slice %arg13[%dma_wait3A_822] : memref<10240xf32, #tpu.memory_space<vmem>> -> memref<128xf32, #tpu.memory_space<vmem>>
    %dma_wait3A_824 = arith.constant 7168 : i32
    %dma_wait3A_825 = tpu.memref_slice %arg12[%dma_wait3A_824] : memref<10240xi32, #tpu.memory_space<vmem>> -> memref<128xi32, #tpu.memory_space<vmem>>
    %dma_wait3A_826 = arith.constant 0 : i32
    %dma_wait3A_827 = tpu.memref_slice %arg2[%dma_wait3A_826] : memref<1048576xf32, #tpu.memory_space<hbm>> -> memref<1048576xf32, #tpu.memory_space<hbm>>
    tpu.wait_indirect_dma semaphore(%arg15 : memref<!tpu.dma_semaphore, #tpu.memory_space<semaphore_mem>>) src(%dma_wait3A_827 : memref<1048576xf32, #tpu.memory_space<hbm>>) dst(%dma_wait3A_823 : memref<128xf32, #tpu.memory_space<vmem>>)
    %dma_wait3A_828 = arith.constant 7296 : i32
    %dma_wait3A_829 = tpu.memref_slice %arg13[%dma_wait3A_828] : memref<10240xf32, #tpu.memory_space<vmem>> -> memref<128xf32, #tpu.memory_space<vmem>>
    %dma_wait3A_830 = arith.constant 7296 : i32
    %dma_wait3A_831 = tpu.memref_slice %arg12[%dma_wait3A_830] : memref<10240xi32, #tpu.memory_space<vmem>> -> memref<128xi32, #tpu.memory_space<vmem>>
    %dma_wait3A_832 = arith.constant 0 : i32
    %dma_wait3A_833 = tpu.memref_slice %arg2[%dma_wait3A_832] : memref<1048576xf32, #tpu.memory_space<hbm>> -> memref<1048576xf32, #tpu.memory_space<hbm>>
    tpu.wait_indirect_dma semaphore(%arg15 : memref<!tpu.dma_semaphore, #tpu.memory_space<semaphore_mem>>) src(%dma_wait3A_833 : memref<1048576xf32, #tpu.memory_space<hbm>>) dst(%dma_wait3A_829 : memref<128xf32, #tpu.memory_space<vmem>>)
    %dma_wait3A_834 = arith.constant 7424 : i32
    %dma_wait3A_835 = tpu.memref_slice %arg13[%dma_wait3A_834] : memref<10240xf32, #tpu.memory_space<vmem>> -> memref<128xf32, #tpu.memory_space<vmem>>
    %dma_wait3A_836 = arith.constant 7424 : i32
    %dma_wait3A_837 = tpu.memref_slice %arg12[%dma_wait3A_836] : memref<10240xi32, #tpu.memory_space<vmem>> -> memref<128xi32, #tpu.memory_space<vmem>>
    %dma_wait3A_838 = arith.constant 0 : i32
    %dma_wait3A_839 = tpu.memref_slice %arg2[%dma_wait3A_838] : memref<1048576xf32, #tpu.memory_space<hbm>> -> memref<1048576xf32, #tpu.memory_space<hbm>>
    tpu.wait_indirect_dma semaphore(%arg15 : memref<!tpu.dma_semaphore, #tpu.memory_space<semaphore_mem>>) src(%dma_wait3A_839 : memref<1048576xf32, #tpu.memory_space<hbm>>) dst(%dma_wait3A_835 : memref<128xf32, #tpu.memory_space<vmem>>)
    %dma_wait3A_840 = arith.constant 7552 : i32
    %dma_wait3A_841 = tpu.memref_slice %arg13[%dma_wait3A_840] : memref<10240xf32, #tpu.memory_space<vmem>> -> memref<128xf32, #tpu.memory_space<vmem>>
    %dma_wait3A_842 = arith.constant 7552 : i32
    %dma_wait3A_843 = tpu.memref_slice %arg12[%dma_wait3A_842] : memref<10240xi32, #tpu.memory_space<vmem>> -> memref<128xi32, #tpu.memory_space<vmem>>
    %dma_wait3A_844 = arith.constant 0 : i32
    %dma_wait3A_845 = tpu.memref_slice %arg2[%dma_wait3A_844] : memref<1048576xf32, #tpu.memory_space<hbm>> -> memref<1048576xf32, #tpu.memory_space<hbm>>
    tpu.wait_indirect_dma semaphore(%arg15 : memref<!tpu.dma_semaphore, #tpu.memory_space<semaphore_mem>>) src(%dma_wait3A_845 : memref<1048576xf32, #tpu.memory_space<hbm>>) dst(%dma_wait3A_841 : memref<128xf32, #tpu.memory_space<vmem>>)
    %dma_wait3A_846 = arith.constant 7680 : i32
    %dma_wait3A_847 = tpu.memref_slice %arg13[%dma_wait3A_846] : memref<10240xf32, #tpu.memory_space<vmem>> -> memref<128xf32, #tpu.memory_space<vmem>>
    %dma_wait3A_848 = arith.constant 7680 : i32
    %dma_wait3A_849 = tpu.memref_slice %arg12[%dma_wait3A_848] : memref<10240xi32, #tpu.memory_space<vmem>> -> memref<128xi32, #tpu.memory_space<vmem>>
    %dma_wait3A_850 = arith.constant 0 : i32
    %dma_wait3A_851 = tpu.memref_slice %arg2[%dma_wait3A_850] : memref<1048576xf32, #tpu.memory_space<hbm>> -> memref<1048576xf32, #tpu.memory_space<hbm>>
    tpu.wait_indirect_dma semaphore(%arg15 : memref<!tpu.dma_semaphore, #tpu.memory_space<semaphore_mem>>) src(%dma_wait3A_851 : memref<1048576xf32, #tpu.memory_space<hbm>>) dst(%dma_wait3A_847 : memref<128xf32, #tpu.memory_space<vmem>>)
    %dma_wait3A_852 = arith.constant 7808 : i32
    %dma_wait3A_853 = tpu.memref_slice %arg13[%dma_wait3A_852] : memref<10240xf32, #tpu.memory_space<vmem>> -> memref<128xf32, #tpu.memory_space<vmem>>
    %dma_wait3A_854 = arith.constant 7808 : i32
    %dma_wait3A_855 = tpu.memref_slice %arg12[%dma_wait3A_854] : memref<10240xi32, #tpu.memory_space<vmem>> -> memref<128xi32, #tpu.memory_space<vmem>>
    %dma_wait3A_856 = arith.constant 0 : i32
    %dma_wait3A_857 = tpu.memref_slice %arg2[%dma_wait3A_856] : memref<1048576xf32, #tpu.memory_space<hbm>> -> memref<1048576xf32, #tpu.memory_space<hbm>>
    tpu.wait_indirect_dma semaphore(%arg15 : memref<!tpu.dma_semaphore, #tpu.memory_space<semaphore_mem>>) src(%dma_wait3A_857 : memref<1048576xf32, #tpu.memory_space<hbm>>) dst(%dma_wait3A_853 : memref<128xf32, #tpu.memory_space<vmem>>)
    %dma_wait3A_858 = arith.constant 7936 : i32
    %dma_wait3A_859 = tpu.memref_slice %arg13[%dma_wait3A_858] : memref<10240xf32, #tpu.memory_space<vmem>> -> memref<128xf32, #tpu.memory_space<vmem>>
    %dma_wait3A_860 = arith.constant 7936 : i32
    %dma_wait3A_861 = tpu.memref_slice %arg12[%dma_wait3A_860] : memref<10240xi32, #tpu.memory_space<vmem>> -> memref<128xi32, #tpu.memory_space<vmem>>
    %dma_wait3A_862 = arith.constant 0 : i32
    %dma_wait3A_863 = tpu.memref_slice %arg2[%dma_wait3A_862] : memref<1048576xf32, #tpu.memory_space<hbm>> -> memref<1048576xf32, #tpu.memory_space<hbm>>
    tpu.wait_indirect_dma semaphore(%arg15 : memref<!tpu.dma_semaphore, #tpu.memory_space<semaphore_mem>>) src(%dma_wait3A_863 : memref<1048576xf32, #tpu.memory_space<hbm>>) dst(%dma_wait3A_859 : memref<128xf32, #tpu.memory_space<vmem>>)
    %dma_wait3A_864 = arith.constant 8064 : i32
    %dma_wait3A_865 = tpu.memref_slice %arg13[%dma_wait3A_864] : memref<10240xf32, #tpu.memory_space<vmem>> -> memref<128xf32, #tpu.memory_space<vmem>>
    %dma_wait3A_866 = arith.constant 8064 : i32
    %dma_wait3A_867 = tpu.memref_slice %arg12[%dma_wait3A_866] : memref<10240xi32, #tpu.memory_space<vmem>> -> memref<128xi32, #tpu.memory_space<vmem>>
    %dma_wait3A_868 = arith.constant 0 : i32
    %dma_wait3A_869 = tpu.memref_slice %arg2[%dma_wait3A_868] : memref<1048576xf32, #tpu.memory_space<hbm>> -> memref<1048576xf32, #tpu.memory_space<hbm>>
    tpu.wait_indirect_dma semaphore(%arg15 : memref<!tpu.dma_semaphore, #tpu.memory_space<semaphore_mem>>) src(%dma_wait3A_869 : memref<1048576xf32, #tpu.memory_space<hbm>>) dst(%dma_wait3A_865 : memref<128xf32, #tpu.memory_space<vmem>>)
    %dma_wait3A_870 = arith.constant 8192 : i32
    %dma_wait3A_871 = tpu.memref_slice %arg13[%dma_wait3A_870] : memref<10240xf32, #tpu.memory_space<vmem>> -> memref<128xf32, #tpu.memory_space<vmem>>
    %dma_wait3A_872 = arith.constant 8192 : i32
    %dma_wait3A_873 = tpu.memref_slice %arg12[%dma_wait3A_872] : memref<10240xi32, #tpu.memory_space<vmem>> -> memref<128xi32, #tpu.memory_space<vmem>>
    %dma_wait3A_874 = arith.constant 0 : i32
    %dma_wait3A_875 = tpu.memref_slice %arg2[%dma_wait3A_874] : memref<1048576xf32, #tpu.memory_space<hbm>> -> memref<1048576xf32, #tpu.memory_space<hbm>>
    tpu.wait_indirect_dma semaphore(%arg15 : memref<!tpu.dma_semaphore, #tpu.memory_space<semaphore_mem>>) src(%dma_wait3A_875 : memref<1048576xf32, #tpu.memory_space<hbm>>) dst(%dma_wait3A_871 : memref<128xf32, #tpu.memory_space<vmem>>)
    %dma_wait3A_876 = arith.constant 8320 : i32
    %dma_wait3A_877 = tpu.memref_slice %arg13[%dma_wait3A_876] : memref<10240xf32, #tpu.memory_space<vmem>> -> memref<128xf32, #tpu.memory_space<vmem>>
    %dma_wait3A_878 = arith.constant 8320 : i32
    %dma_wait3A_879 = tpu.memref_slice %arg12[%dma_wait3A_878] : memref<10240xi32, #tpu.memory_space<vmem>> -> memref<128xi32, #tpu.memory_space<vmem>>
    %dma_wait3A_880 = arith.constant 0 : i32
    %dma_wait3A_881 = tpu.memref_slice %arg2[%dma_wait3A_880] : memref<1048576xf32, #tpu.memory_space<hbm>> -> memref<1048576xf32, #tpu.memory_space<hbm>>
    tpu.wait_indirect_dma semaphore(%arg15 : memref<!tpu.dma_semaphore, #tpu.memory_space<semaphore_mem>>) src(%dma_wait3A_881 : memref<1048576xf32, #tpu.memory_space<hbm>>) dst(%dma_wait3A_877 : memref<128xf32, #tpu.memory_space<vmem>>)
    %dma_wait3A_882 = arith.constant 8448 : i32
    %dma_wait3A_883 = tpu.memref_slice %arg13[%dma_wait3A_882] : memref<10240xf32, #tpu.memory_space<vmem>> -> memref<128xf32, #tpu.memory_space<vmem>>
    %dma_wait3A_884 = arith.constant 8448 : i32
    %dma_wait3A_885 = tpu.memref_slice %arg12[%dma_wait3A_884] : memref<10240xi32, #tpu.memory_space<vmem>> -> memref<128xi32, #tpu.memory_space<vmem>>
    %dma_wait3A_886 = arith.constant 0 : i32
    %dma_wait3A_887 = tpu.memref_slice %arg2[%dma_wait3A_886] : memref<1048576xf32, #tpu.memory_space<hbm>> -> memref<1048576xf32, #tpu.memory_space<hbm>>
    tpu.wait_indirect_dma semaphore(%arg15 : memref<!tpu.dma_semaphore, #tpu.memory_space<semaphore_mem>>) src(%dma_wait3A_887 : memref<1048576xf32, #tpu.memory_space<hbm>>) dst(%dma_wait3A_883 : memref<128xf32, #tpu.memory_space<vmem>>)
    %dma_wait3A_888 = arith.constant 8576 : i32
    %dma_wait3A_889 = tpu.memref_slice %arg13[%dma_wait3A_888] : memref<10240xf32, #tpu.memory_space<vmem>> -> memref<128xf32, #tpu.memory_space<vmem>>
    %dma_wait3A_890 = arith.constant 8576 : i32
    %dma_wait3A_891 = tpu.memref_slice %arg12[%dma_wait3A_890] : memref<10240xi32, #tpu.memory_space<vmem>> -> memref<128xi32, #tpu.memory_space<vmem>>
    %dma_wait3A_892 = arith.constant 0 : i32
    %dma_wait3A_893 = tpu.memref_slice %arg2[%dma_wait3A_892] : memref<1048576xf32, #tpu.memory_space<hbm>> -> memref<1048576xf32, #tpu.memory_space<hbm>>
    tpu.wait_indirect_dma semaphore(%arg15 : memref<!tpu.dma_semaphore, #tpu.memory_space<semaphore_mem>>) src(%dma_wait3A_893 : memref<1048576xf32, #tpu.memory_space<hbm>>) dst(%dma_wait3A_889 : memref<128xf32, #tpu.memory_space<vmem>>)
    %dma_wait3A_894 = arith.constant 8704 : i32
    %dma_wait3A_895 = tpu.memref_slice %arg13[%dma_wait3A_894] : memref<10240xf32, #tpu.memory_space<vmem>> -> memref<128xf32, #tpu.memory_space<vmem>>
    %dma_wait3A_896 = arith.constant 8704 : i32
    %dma_wait3A_897 = tpu.memref_slice %arg12[%dma_wait3A_896] : memref<10240xi32, #tpu.memory_space<vmem>> -> memref<128xi32, #tpu.memory_space<vmem>>
    %dma_wait3A_898 = arith.constant 0 : i32
    %dma_wait3A_899 = tpu.memref_slice %arg2[%dma_wait3A_898] : memref<1048576xf32, #tpu.memory_space<hbm>> -> memref<1048576xf32, #tpu.memory_space<hbm>>
    tpu.wait_indirect_dma semaphore(%arg15 : memref<!tpu.dma_semaphore, #tpu.memory_space<semaphore_mem>>) src(%dma_wait3A_899 : memref<1048576xf32, #tpu.memory_space<hbm>>) dst(%dma_wait3A_895 : memref<128xf32, #tpu.memory_space<vmem>>)
    %dma_wait3A_900 = arith.constant 8832 : i32
    %dma_wait3A_901 = tpu.memref_slice %arg13[%dma_wait3A_900] : memref<10240xf32, #tpu.memory_space<vmem>> -> memref<128xf32, #tpu.memory_space<vmem>>
    %dma_wait3A_902 = arith.constant 8832 : i32
    %dma_wait3A_903 = tpu.memref_slice %arg12[%dma_wait3A_902] : memref<10240xi32, #tpu.memory_space<vmem>> -> memref<128xi32, #tpu.memory_space<vmem>>
    %dma_wait3A_904 = arith.constant 0 : i32
    %dma_wait3A_905 = tpu.memref_slice %arg2[%dma_wait3A_904] : memref<1048576xf32, #tpu.memory_space<hbm>> -> memref<1048576xf32, #tpu.memory_space<hbm>>
    tpu.wait_indirect_dma semaphore(%arg15 : memref<!tpu.dma_semaphore, #tpu.memory_space<semaphore_mem>>) src(%dma_wait3A_905 : memref<1048576xf32, #tpu.memory_space<hbm>>) dst(%dma_wait3A_901 : memref<128xf32, #tpu.memory_space<vmem>>)
    %dma_wait3A_906 = arith.constant 8960 : i32
    %dma_wait3A_907 = tpu.memref_slice %arg13[%dma_wait3A_906] : memref<10240xf32, #tpu.memory_space<vmem>> -> memref<128xf32, #tpu.memory_space<vmem>>
    %dma_wait3A_908 = arith.constant 8960 : i32
    %dma_wait3A_909 = tpu.memref_slice %arg12[%dma_wait3A_908] : memref<10240xi32, #tpu.memory_space<vmem>> -> memref<128xi32, #tpu.memory_space<vmem>>
    %dma_wait3A_910 = arith.constant 0 : i32
    %dma_wait3A_911 = tpu.memref_slice %arg2[%dma_wait3A_910] : memref<1048576xf32, #tpu.memory_space<hbm>> -> memref<1048576xf32, #tpu.memory_space<hbm>>
    tpu.wait_indirect_dma semaphore(%arg15 : memref<!tpu.dma_semaphore, #tpu.memory_space<semaphore_mem>>) src(%dma_wait3A_911 : memref<1048576xf32, #tpu.memory_space<hbm>>) dst(%dma_wait3A_907 : memref<128xf32, #tpu.memory_space<vmem>>)
    %dma_wait3A_912 = arith.constant 9088 : i32
    %dma_wait3A_913 = tpu.memref_slice %arg13[%dma_wait3A_912] : memref<10240xf32, #tpu.memory_space<vmem>> -> memref<128xf32, #tpu.memory_space<vmem>>
    %dma_wait3A_914 = arith.constant 9088 : i32
    %dma_wait3A_915 = tpu.memref_slice %arg12[%dma_wait3A_914] : memref<10240xi32, #tpu.memory_space<vmem>> -> memref<128xi32, #tpu.memory_space<vmem>>
    %dma_wait3A_916 = arith.constant 0 : i32
    %dma_wait3A_917 = tpu.memref_slice %arg2[%dma_wait3A_916] : memref<1048576xf32, #tpu.memory_space<hbm>> -> memref<1048576xf32, #tpu.memory_space<hbm>>
    tpu.wait_indirect_dma semaphore(%arg15 : memref<!tpu.dma_semaphore, #tpu.memory_space<semaphore_mem>>) src(%dma_wait3A_917 : memref<1048576xf32, #tpu.memory_space<hbm>>) dst(%dma_wait3A_913 : memref<128xf32, #tpu.memory_space<vmem>>)
    %dma_wait3A_918 = arith.constant 9216 : i32
    %dma_wait3A_919 = tpu.memref_slice %arg13[%dma_wait3A_918] : memref<10240xf32, #tpu.memory_space<vmem>> -> memref<128xf32, #tpu.memory_space<vmem>>
    %dma_wait3A_920 = arith.constant 9216 : i32
    %dma_wait3A_921 = tpu.memref_slice %arg12[%dma_wait3A_920] : memref<10240xi32, #tpu.memory_space<vmem>> -> memref<128xi32, #tpu.memory_space<vmem>>
    %dma_wait3A_922 = arith.constant 0 : i32
    %dma_wait3A_923 = tpu.memref_slice %arg2[%dma_wait3A_922] : memref<1048576xf32, #tpu.memory_space<hbm>> -> memref<1048576xf32, #tpu.memory_space<hbm>>
    tpu.wait_indirect_dma semaphore(%arg15 : memref<!tpu.dma_semaphore, #tpu.memory_space<semaphore_mem>>) src(%dma_wait3A_923 : memref<1048576xf32, #tpu.memory_space<hbm>>) dst(%dma_wait3A_919 : memref<128xf32, #tpu.memory_space<vmem>>)
    %dma_wait3A_924 = arith.constant 9344 : i32
    %dma_wait3A_925 = tpu.memref_slice %arg13[%dma_wait3A_924] : memref<10240xf32, #tpu.memory_space<vmem>> -> memref<128xf32, #tpu.memory_space<vmem>>
    %dma_wait3A_926 = arith.constant 9344 : i32
    %dma_wait3A_927 = tpu.memref_slice %arg12[%dma_wait3A_926] : memref<10240xi32, #tpu.memory_space<vmem>> -> memref<128xi32, #tpu.memory_space<vmem>>
    %dma_wait3A_928 = arith.constant 0 : i32
    %dma_wait3A_929 = tpu.memref_slice %arg2[%dma_wait3A_928] : memref<1048576xf32, #tpu.memory_space<hbm>> -> memref<1048576xf32, #tpu.memory_space<hbm>>
    tpu.wait_indirect_dma semaphore(%arg15 : memref<!tpu.dma_semaphore, #tpu.memory_space<semaphore_mem>>) src(%dma_wait3A_929 : memref<1048576xf32, #tpu.memory_space<hbm>>) dst(%dma_wait3A_925 : memref<128xf32, #tpu.memory_space<vmem>>)
    %dma_wait3A_930 = arith.constant 9472 : i32
    %dma_wait3A_931 = tpu.memref_slice %arg13[%dma_wait3A_930] : memref<10240xf32, #tpu.memory_space<vmem>> -> memref<128xf32, #tpu.memory_space<vmem>>
    %dma_wait3A_932 = arith.constant 9472 : i32
    %dma_wait3A_933 = tpu.memref_slice %arg12[%dma_wait3A_932] : memref<10240xi32, #tpu.memory_space<vmem>> -> memref<128xi32, #tpu.memory_space<vmem>>
    %dma_wait3A_934 = arith.constant 0 : i32
    %dma_wait3A_935 = tpu.memref_slice %arg2[%dma_wait3A_934] : memref<1048576xf32, #tpu.memory_space<hbm>> -> memref<1048576xf32, #tpu.memory_space<hbm>>
    tpu.wait_indirect_dma semaphore(%arg15 : memref<!tpu.dma_semaphore, #tpu.memory_space<semaphore_mem>>) src(%dma_wait3A_935 : memref<1048576xf32, #tpu.memory_space<hbm>>) dst(%dma_wait3A_931 : memref<128xf32, #tpu.memory_space<vmem>>)
    %dma_wait3A_936 = arith.constant 9600 : i32
    %dma_wait3A_937 = tpu.memref_slice %arg13[%dma_wait3A_936] : memref<10240xf32, #tpu.memory_space<vmem>> -> memref<128xf32, #tpu.memory_space<vmem>>
    %dma_wait3A_938 = arith.constant 9600 : i32
    %dma_wait3A_939 = tpu.memref_slice %arg12[%dma_wait3A_938] : memref<10240xi32, #tpu.memory_space<vmem>> -> memref<128xi32, #tpu.memory_space<vmem>>
    %dma_wait3A_940 = arith.constant 0 : i32
    %dma_wait3A_941 = tpu.memref_slice %arg2[%dma_wait3A_940] : memref<1048576xf32, #tpu.memory_space<hbm>> -> memref<1048576xf32, #tpu.memory_space<hbm>>
    tpu.wait_indirect_dma semaphore(%arg15 : memref<!tpu.dma_semaphore, #tpu.memory_space<semaphore_mem>>) src(%dma_wait3A_941 : memref<1048576xf32, #tpu.memory_space<hbm>>) dst(%dma_wait3A_937 : memref<128xf32, #tpu.memory_space<vmem>>)
    %dma_wait3A_942 = arith.constant 9728 : i32
    %dma_wait3A_943 = tpu.memref_slice %arg13[%dma_wait3A_942] : memref<10240xf32, #tpu.memory_space<vmem>> -> memref<128xf32, #tpu.memory_space<vmem>>
    %dma_wait3A_944 = arith.constant 9728 : i32
    %dma_wait3A_945 = tpu.memref_slice %arg12[%dma_wait3A_944] : memref<10240xi32, #tpu.memory_space<vmem>> -> memref<128xi32, #tpu.memory_space<vmem>>
    %dma_wait3A_946 = arith.constant 0 : i32
    %dma_wait3A_947 = tpu.memref_slice %arg2[%dma_wait3A_946] : memref<1048576xf32, #tpu.memory_space<hbm>> -> memref<1048576xf32, #tpu.memory_space<hbm>>
    tpu.wait_indirect_dma semaphore(%arg15 : memref<!tpu.dma_semaphore, #tpu.memory_space<semaphore_mem>>) src(%dma_wait3A_947 : memref<1048576xf32, #tpu.memory_space<hbm>>) dst(%dma_wait3A_943 : memref<128xf32, #tpu.memory_space<vmem>>)
    %dma_wait3A_948 = arith.constant 9856 : i32
    %dma_wait3A_949 = tpu.memref_slice %arg13[%dma_wait3A_948] : memref<10240xf32, #tpu.memory_space<vmem>> -> memref<128xf32, #tpu.memory_space<vmem>>
    %dma_wait3A_950 = arith.constant 9856 : i32
    %dma_wait3A_951 = tpu.memref_slice %arg12[%dma_wait3A_950] : memref<10240xi32, #tpu.memory_space<vmem>> -> memref<128xi32, #tpu.memory_space<vmem>>
    %dma_wait3A_952 = arith.constant 0 : i32
    %dma_wait3A_953 = tpu.memref_slice %arg2[%dma_wait3A_952] : memref<1048576xf32, #tpu.memory_space<hbm>> -> memref<1048576xf32, #tpu.memory_space<hbm>>
    tpu.wait_indirect_dma semaphore(%arg15 : memref<!tpu.dma_semaphore, #tpu.memory_space<semaphore_mem>>) src(%dma_wait3A_953 : memref<1048576xf32, #tpu.memory_space<hbm>>) dst(%dma_wait3A_949 : memref<128xf32, #tpu.memory_space<vmem>>)
    %dma_wait3A_954 = arith.constant 9984 : i32
    %dma_wait3A_955 = tpu.memref_slice %arg13[%dma_wait3A_954] : memref<10240xf32, #tpu.memory_space<vmem>> -> memref<128xf32, #tpu.memory_space<vmem>>
    %dma_wait3A_956 = arith.constant 9984 : i32
    %dma_wait3A_957 = tpu.memref_slice %arg12[%dma_wait3A_956] : memref<10240xi32, #tpu.memory_space<vmem>> -> memref<128xi32, #tpu.memory_space<vmem>>
    %dma_wait3A_958 = arith.constant 0 : i32
    %dma_wait3A_959 = tpu.memref_slice %arg2[%dma_wait3A_958] : memref<1048576xf32, #tpu.memory_space<hbm>> -> memref<1048576xf32, #tpu.memory_space<hbm>>
    tpu.wait_indirect_dma semaphore(%arg15 : memref<!tpu.dma_semaphore, #tpu.memory_space<semaphore_mem>>) src(%dma_wait3A_959 : memref<1048576xf32, #tpu.memory_space<hbm>>) dst(%dma_wait3A_955 : memref<128xf32, #tpu.memory_space<vmem>>)
    %dma_wait3A_960 = arith.constant 10112 : i32
    %dma_wait3A_961 = tpu.memref_slice %arg13[%dma_wait3A_960] : memref<10240xf32, #tpu.memory_space<vmem>> -> memref<128xf32, #tpu.memory_space<vmem>>
    %dma_wait3A_962 = arith.constant 10112 : i32
    %dma_wait3A_963 = tpu.memref_slice %arg12[%dma_wait3A_962] : memref<10240xi32, #tpu.memory_space<vmem>> -> memref<128xi32, #tpu.memory_space<vmem>>
    %dma_wait3A_964 = arith.constant 0 : i32
    %dma_wait3A_965 = tpu.memref_slice %arg2[%dma_wait3A_964] : memref<1048576xf32, #tpu.memory_space<hbm>> -> memref<1048576xf32, #tpu.memory_space<hbm>>
    tpu.wait_indirect_dma semaphore(%arg15 : memref<!tpu.dma_semaphore, #tpu.memory_space<semaphore_mem>>) src(%dma_wait3A_965 : memref<1048576xf32, #tpu.memory_space<hbm>>) dst(%dma_wait3A_961 : memref<128xf32, #tpu.memory_space<vmem>>)
    %scan3A_966 = arith.constant 0 : i32
    %scan3A_967 = arith.constant 0 : i32
    %scan3A_968 = arith.constant 160 : i32
    %scan3A_969 = arith.addi %scan3A_967, %scan3A_968 : i32
    %scan3A_970 = arith.constant 1 : i32
    scf.for %scan3A_972 = %scan3A_967 to %scan3A_969 step %scan3A_970  : i32 {
      %mul3A_973 = arith.constant 16 : i32
      %mul3A_974 = arith.muli %scan3A_972, %mul3A_973 : i32
      %mul3A_975 = arith.constant 16 : i32
      %mul3A_976 = arith.muli %scan3A_972, %mul3A_975 : i32
      %add3A_977 = arith.constant 0 : i32
      %add3A_978 = arith.addi %add3A_977, %mul3A_976 : i32
      %get3A = arith.index_cast %add3A_978 : i32 to index
      %get3A_979 = tpu.vector_load %arg13[%get3A] {strides = array<i32>} : memref<10240xf32, #tpu.memory_space<vmem>>, vector<16xf32>,
      %get3A_980 = vector.shape_cast %get3A_979 : vector<16xf32> to vector<16xf32>
      %mul3A_981 = arith.constant 16 : i32
      %mul3A_982 = arith.muli %scan3A_972, %mul3A_981 : i32
      %add3A_983 = arith.constant 2560 : i32
      %add3A_984 = arith.addi %add3A_983, %mul3A_982 : i32
      %get3A_985 = arith.index_cast %add3A_984 : i32 to index
      %get3A_986 = tpu.vector_load %arg13[%get3A_985] {strides = array<i32>} : memref<10240xf32, #tpu.memory_space<vmem>>, vector<16xf32>,
      %get3A_987 = vector.shape_cast %get3A_986 : vector<16xf32> to vector<16xf32>
      %mul3A_988 = arith.constant 16 : i32
      %mul3A_989 = arith.muli %scan3A_972, %mul3A_988 : i32
      %add3A_990 = arith.constant 5120 : i32
      %add3A_991 = arith.addi %add3A_990, %mul3A_989 : i32
      %get3A_992 = arith.index_cast %add3A_991 : i32 to index
      %get3A_993 = tpu.vector_load %arg13[%get3A_992] {strides = array<i32>} : memref<10240xf32, #tpu.memory_space<vmem>>, vector<16xf32>,
      %get3A_994 = vector.shape_cast %get3A_993 : vector<16xf32> to vector<16xf32>
      %mul3A_995 = arith.constant 16 : i32
      %mul3A_996 = arith.muli %scan3A_972, %mul3A_995 : i32
      %add3A_997 = arith.constant 7680 : i32
      %add3A_998 = arith.addi %add3A_997, %mul3A_996 : i32
      %get3A_999 = arith.index_cast %add3A_998 : i32 to index
      %get3A_1000 = tpu.vector_load %arg13[%get3A_999] {strides = array<i32>} : memref<10240xf32, #tpu.memory_space<vmem>>, vector<16xf32>,
      %get3A_1001 = vector.shape_cast %get3A_1000 : vector<16xf32> to vector<16xf32>
      %add3A_1002 = arith.addf %get3A_980, %get3A_987 : vector<16xf32>
      %sub3A = arith.subf %add3A_1002, %get3A_994 : vector<16xf32>
      %sub3A_1003 = arith.subf %sub3A, %get3A_1001 : vector<16xf32>
      %swap3A = arith.index_cast %mul3A_974 : i32 to index
      %swap3A_1004 = tpu.vector_load %arg14[%swap3A] {strides = array<i32>} : memref<2560xf32, #tpu.memory_space<vmem>>, vector<16xf32>,
      %swap3A_1005 = vector.shape_cast %swap3A_1004 : vector<16xf32> to vector<16xf32>
      %swap3A_1006 = vector.shape_cast %sub3A_1003 : vector<16xf32> to vector<16xf32>
      tpu.vector_store %arg14[%swap3A], %swap3A_1006 {strides = array<i32>} : memref<2560xf32, #tpu.memory_space<vmem>>, vector<16xf32>,
    }
    %scan3A_971 = arith.constant 160 : i32
    "tpu.region"() ({
      %run_scoped3A = tpu.sem_alloc : memref<!tpu.dma_semaphore, #tpu.memory_space<semaphore_mem>>
      %dma_start3A_972 = tpu.memref_slice %arg7[%mul3A_2] : memref<81920xf32, #tpu.memory_space<hbm>> -> memref<2560xf32, #tpu.memory_space<hbm>>
      %dma_start3A_973 = tpu.memref_slice %arg7[%mul3A_2] : memref<81920xf32, #tpu.memory_space<hbm>> -> memref<2560xf32, #tpu.memory_space<hbm>>
      tpu.enqueue_dma source(%arg14 : memref<2560xf32, #tpu.memory_space<vmem>>) target(%dma_start3A_973 : memref<2560xf32, #tpu.memory_space<hbm>>) target_semaphore(%run_scoped3A : memref<!tpu.dma_semaphore, #tpu.memory_space<semaphore_mem>>)
      %dma_wait3A_974 = tpu.memref_slice %arg7[%mul3A_2] : memref<81920xf32, #tpu.memory_space<hbm>> -> memref<2560xf32, #tpu.memory_space<hbm>>
      %dma_wait3A_975 = tpu.memref_slice %arg7[%mul3A_2] : memref<81920xf32, #tpu.memory_space<hbm>> -> memref<2560xf32, #tpu.memory_space<hbm>>
      tpu.wait_dma2 semaphore(%run_scoped3A : memref<!tpu.dma_semaphore, #tpu.memory_space<semaphore_mem>>) src(%arg14 : memref<2560xf32, #tpu.memory_space<vmem>>) dst(%dma_wait3A_975 : memref<2560xf32, #tpu.memory_space<hbm>>)
      tpu.yield
    }) : () -> ()
    return
  }
}

module attributes {stable_mosaic.version = 14 : i64} {
  func.func @tc_body(%arg0: i32, %arg1: memref<1x256x128xf32, #tpu.memory_space<vmem>>, %arg2: memref<1x256x128xf32, #tpu.memory_space<vmem>>, %arg3: memref<1x256x128xf32, #tpu.memory_space<vmem>>, %arg4: memref<1x256x128xf32, #tpu.memory_space<vmem>>, %arg5: memref<1x256x128xf32, #tpu.memory_space<vmem>>, %arg6: memref<1x256x128xf32, #tpu.memory_space<vmem>>, %arg7: memref<1x8x128xf32, #tpu.memory_space<vmem>>) attributes {dimension_semantics = [#tpu.dimension_semantics<parallel>], iteration_bounds = array<i64: 4>, scalar_prefetch = 0 : i64, scratch_operands = 0 : i64, tpu.core_type = #tpu.core_type<tc>, window_params = [{transform_indices = @transform_0, window_bounds = array<i64: 1, 256, 128>}, {transform_indices = @transform_1, window_bounds = array<i64: 1, 256, 128>}, {transform_indices = @transform_2, window_bounds = array<i64: 1, 256, 128>}, {transform_indices = @transform_3, window_bounds = array<i64: 1, 256, 128>}, {transform_indices = @transform_4, window_bounds = array<i64: 1, 256, 128>}, {transform_indices = @transform_5, window_bounds = array<i64: 1, 256, 128>}, {transform_indices = @transform_6, window_bounds = array<i64: 1, 8, 128>}]} {
    %get3A = arith.constant 0 : index
    %get3A_0 = arith.constant 0 : index
    %get3A_1 = arith.constant 0 : index
    %get3A_2 = vector.load %arg1[%get3A, %get3A_0, %get3A_1] : memref<1x256x128xf32, #tpu.memory_space<vmem>>, vector<1x256x128xf32>
    %get3A_3 = vector.shape_cast %get3A_2 : vector<1x256x128xf32> to vector<256x128xf32>
    %get3A_4 = arith.constant 0 : index
    %get3A_5 = arith.constant 0 : index
    %get3A_6 = arith.constant 0 : index
    %get3A_7 = vector.load %arg2[%get3A_4, %get3A_5, %get3A_6] : memref<1x256x128xf32, #tpu.memory_space<vmem>>, vector<1x256x128xf32>
    %get3A_8 = vector.shape_cast %get3A_7 : vector<1x256x128xf32> to vector<256x128xf32>
    %get3A_9 = arith.constant 0 : index
    %get3A_10 = arith.constant 0 : index
    %get3A_11 = arith.constant 0 : index
    %get3A_12 = vector.load %arg3[%get3A_9, %get3A_10, %get3A_11] : memref<1x256x128xf32, #tpu.memory_space<vmem>>, vector<1x256x128xf32>
    %get3A_13 = vector.shape_cast %get3A_12 : vector<1x256x128xf32> to vector<256x128xf32>
    %get3A_14 = arith.constant 0 : index
    %get3A_15 = arith.constant 0 : index
    %get3A_16 = arith.constant 0 : index
    %get3A_17 = vector.load %arg4[%get3A_14, %get3A_15, %get3A_16] : memref<1x256x128xf32, #tpu.memory_space<vmem>>, vector<1x256x128xf32>
    %get3A_18 = vector.shape_cast %get3A_17 : vector<1x256x128xf32> to vector<256x128xf32>
    %get3A_19 = arith.constant 0 : index
    %get3A_20 = arith.constant 0 : index
    %get3A_21 = arith.constant 0 : index
    %get3A_22 = vector.load %arg5[%get3A_19, %get3A_20, %get3A_21] : memref<1x256x128xf32, #tpu.memory_space<vmem>>, vector<1x256x128xf32>
    %get3A_23 = vector.shape_cast %get3A_22 : vector<1x256x128xf32> to vector<256x128xf32>
    %get3A_24 = arith.constant 0 : index
    %get3A_25 = arith.constant 0 : index
    %get3A_26 = arith.constant 0 : index
    %get3A_27 = vector.load %arg6[%get3A_24, %get3A_25, %get3A_26] : memref<1x256x128xf32, #tpu.memory_space<vmem>>, vector<1x256x128xf32>
    %get3A_28 = vector.shape_cast %get3A_27 : vector<1x256x128xf32> to vector<256x128xf32>
    %iota3A = tpu.iota {dimensions = array<i32: 0>} : vector<256x128xi32>
    %iota3A_29 = tpu.iota {dimensions = array<i32: 1>} : vector<256x128xi32>
    %mul3A = arith.constant 128 : i32
    %mul3A_30 = vector.broadcast %mul3A : i32 to vector<256x128xi32>
    %mul3A_31 = arith.muli %iota3A, %mul3A_30 : vector<256x128xi32>
    %add3A = arith.addi %mul3A_31, %iota3A_29 : vector<256x128xi32>
    %scan3A = arith.constant 1 : i32
    %scan3A_32 = arith.constant 15 : i32
    %scan3A_33 = arith.addi %scan3A, %scan3A_32 : i32
    %scan3A_34 = arith.constant 1 : i32
    %scan3A_35:2 = scf.for %scan3A_1027 = %scan3A to %scan3A_33 step %scan3A_34 iter_args(%scan3A_1028 = %get3A_3, %scan3A_1029 = %add3A) -> (vector<256x128xf32>, vector<256x128xi32>)  : i32 {
      %shift_left3A = arith.constant 1 : i32
      %shift_left3A_1030 = arith.shli %shift_left3A, %scan3A_1027 : i32
      %and3A_1031 = vector.broadcast %shift_left3A_1030 : i32 to vector<256x128xi32>
      %and3A_1032 = arith.andi %add3A, %and3A_1031 : vector<256x128xi32>
      %eq3A_1033 = arith.constant 0 : i32
      %eq3A_1034 = vector.broadcast %eq3A_1033 : i32 to vector<256x128xi32>
      %eq3A_1035 = arith.cmpi eq, %and3A_1032, %eq3A_1034 : vector<256x128xi32>
      %sub3A_1036 = arith.constant 7 : i32
      %sub3A_1037 = arith.subi %scan3A_1027, %sub3A_1036 : i32
      %max3A_1038 = arith.constant 0 : i32
      %max3A_1039 = arith.maxsi %sub3A_1037, %max3A_1038 : i32
      %while3A = arith.constant 0 : i32
      %while3A_1040 = arith.subi %max3A_1039, %while3A : i32
      %while3A_1041 = arith.addi %while3A, %while3A_1040 : i32
      %while3A_1042 = arith.constant 1 : i32
      %while3A_1043 = arith.divsi %while3A_1040, %while3A_1042 : i32
      %while3A_1044 = arith.muli %while3A_1043, %while3A_1042 : i32
      %while3A_1045 = arith.addi %while3A, %while3A_1044 : i32
      %while3A_1046 = arith.constant 1 : i32
      %while3A_1047:2 = scf.for %while3A_1063 = %while3A to %while3A_1045 step %while3A_1046 iter_args(%while3A_1064 = %scan3A_1028, %while3A_1065 = %scan3A_1029) -> (vector<256x128xf32>, vector<256x128xi32>)  : i32 {
        %add3A_1066 = arith.constant 1 : i32
        %add3A_1067 = arith.addi %while3A_1063, %add3A_1066 : i32
        %shift_right_arithmetic3A = arith.shrsi %shift_left3A_1030, %add3A_1067 : i32
        %shift_right_arithmetic3A_1068 = arith.constant 7 : i32
        %shift_right_arithmetic3A_1069 = arith.shrsi %shift_right_arithmetic3A, %shift_right_arithmetic3A_1068 : i32
        %and3A_1070 = vector.broadcast %shift_right_arithmetic3A : i32 to vector<256x128xi32>
        %and3A_1071 = arith.andi %add3A, %and3A_1070 : vector<256x128xi32>
        %eq3A_1072 = arith.constant 0 : i32
        %eq3A_1073 = vector.broadcast %eq3A_1072 : i32 to vector<256x128xi32>
        %eq3A_1074 = arith.cmpi eq, %and3A_1071, %eq3A_1073 : vector<256x128xi32>
        %sub3A_1075 = arith.constant 256 : i32
        %sub3A_1076 = arith.subi %sub3A_1075, %shift_right_arithmetic3A_1069 : i32
        %roll3A = tpu.dynamic_rotate %while3A_1064 by %sub3A_1076 dim 0 : vector<256x128xf32>, i32 -> vector<256x128xf32>
        %roll3A_1077 = tpu.dynamic_rotate %while3A_1064 by %shift_right_arithmetic3A_1069 dim 0 : vector<256x128xf32>, i32 -> vector<256x128xf32>
        %select_n3A_1078 = arith.select %eq3A_1074, %roll3A, %roll3A_1077 : vector<256x128xi1>, vector<256x128xf32>
        %sub3A_1079 = arith.constant 256 : i32
        %sub3A_1080 = arith.subi %sub3A_1079, %shift_right_arithmetic3A_1069 : i32
        %roll3A_1081 = tpu.dynamic_rotate %while3A_1065 by %sub3A_1080 dim 0 : vector<256x128xi32>, i32 -> vector<256x128xi32>
        %roll3A_1082 = tpu.dynamic_rotate %while3A_1065 by %shift_right_arithmetic3A_1069 dim 0 : vector<256x128xi32>, i32 -> vector<256x128xi32>
        %select_n3A_1083 = arith.select %eq3A_1074, %roll3A_1081, %roll3A_1082 : vector<256x128xi1>, vector<256x128xi32>
        %lt3A_1084 = arith.cmpf olt, %select_n3A_1078, %while3A_1064 : vector<256x128xf32>
        %eq3A_1085 = arith.cmpf oeq, %select_n3A_1078, %while3A_1064 : vector<256x128xf32>
        %lt3A_1086 = arith.cmpi slt, %select_n3A_1083, %while3A_1065 : vector<256x128xi32>
        %and3A_1087 = arith.andi %eq3A_1085, %lt3A_1086 : vector<256x128xi1>
        %or3A = arith.ori %lt3A_1084, %and3A_1087 : vector<256x128xi1>
        %eq3A_1088 = arith.xori %eq3A_1035, %eq3A_1074 : vector<256x128xi1>
        %eq3A_1089 = arith.constant dense<true> : vector<256x128xi1>
        %eq3A_1090 = arith.xori %eq3A_1088, %eq3A_1089 : vector<256x128xi1>
        %eq3A_1091 = arith.xori %eq3A_1090, %or3A : vector<256x128xi1>
        %eq3A_1092 = arith.constant dense<true> : vector<256x128xi1>
        %eq3A_1093 = arith.xori %eq3A_1091, %eq3A_1092 : vector<256x128xi1>
        %select_n3A_1094 = arith.select %eq3A_1093, %select_n3A_1078, %while3A_1064 : vector<256x128xi1>, vector<256x128xf32>
        %select_n3A_1095 = arith.select %eq3A_1093, %select_n3A_1083, %while3A_1065 : vector<256x128xi1>, vector<256x128xi32>
        scf.yield %select_n3A_1094, %select_n3A_1095 : vector<256x128xf32>, vector<256x128xi32>
      }
      %while3A_1048 = arith.constant 1 : i32
      %while3A_1049:2 = scf.for %while3A_1063 = %while3A_1045 to %while3A_1041 step %while3A_1048 iter_args(%while3A_1064 = %while3A_1047#0, %while3A_1065 = %while3A_1047#1) -> (vector<256x128xf32>, vector<256x128xi32>)  : i32 {
        %add3A_1066 = arith.constant 1 : i32
        %add3A_1067 = arith.addi %while3A_1063, %add3A_1066 : i32
        %shift_right_arithmetic3A = arith.shrsi %shift_left3A_1030, %add3A_1067 : i32
        %shift_right_arithmetic3A_1068 = arith.constant 7 : i32
        %shift_right_arithmetic3A_1069 = arith.shrsi %shift_right_arithmetic3A, %shift_right_arithmetic3A_1068 : i32
        %and3A_1070 = vector.broadcast %shift_right_arithmetic3A : i32 to vector<256x128xi32>
        %and3A_1071 = arith.andi %add3A, %and3A_1070 : vector<256x128xi32>
        %eq3A_1072 = arith.constant 0 : i32
        %eq3A_1073 = vector.broadcast %eq3A_1072 : i32 to vector<256x128xi32>
        %eq3A_1074 = arith.cmpi eq, %and3A_1071, %eq3A_1073 : vector<256x128xi32>
        %sub3A_1075 = arith.constant 256 : i32
        %sub3A_1076 = arith.subi %sub3A_1075, %shift_right_arithmetic3A_1069 : i32
        %roll3A = tpu.dynamic_rotate %while3A_1064 by %sub3A_1076 dim 0 : vector<256x128xf32>, i32 -> vector<256x128xf32>
        %roll3A_1077 = tpu.dynamic_rotate %while3A_1064 by %shift_right_arithmetic3A_1069 dim 0 : vector<256x128xf32>, i32 -> vector<256x128xf32>
        %select_n3A_1078 = arith.select %eq3A_1074, %roll3A, %roll3A_1077 : vector<256x128xi1>, vector<256x128xf32>
        %sub3A_1079 = arith.constant 256 : i32
        %sub3A_1080 = arith.subi %sub3A_1079, %shift_right_arithmetic3A_1069 : i32
        %roll3A_1081 = tpu.dynamic_rotate %while3A_1065 by %sub3A_1080 dim 0 : vector<256x128xi32>, i32 -> vector<256x128xi32>
        %roll3A_1082 = tpu.dynamic_rotate %while3A_1065 by %shift_right_arithmetic3A_1069 dim 0 : vector<256x128xi32>, i32 -> vector<256x128xi32>
        %select_n3A_1083 = arith.select %eq3A_1074, %roll3A_1081, %roll3A_1082 : vector<256x128xi1>, vector<256x128xi32>
        %lt3A_1084 = arith.cmpf olt, %select_n3A_1078, %while3A_1064 : vector<256x128xf32>
        %eq3A_1085 = arith.cmpf oeq, %select_n3A_1078, %while3A_1064 : vector<256x128xf32>
        %lt3A_1086 = arith.cmpi slt, %select_n3A_1083, %while3A_1065 : vector<256x128xi32>
        %and3A_1087 = arith.andi %eq3A_1085, %lt3A_1086 : vector<256x128xi1>
        %or3A = arith.ori %lt3A_1084, %and3A_1087 : vector<256x128xi1>
        %eq3A_1088 = arith.xori %eq3A_1035, %eq3A_1074 : vector<256x128xi1>
        %eq3A_1089 = arith.constant dense<true> : vector<256x128xi1>
        %eq3A_1090 = arith.xori %eq3A_1088, %eq3A_1089 : vector<256x128xi1>
        %eq3A_1091 = arith.xori %eq3A_1090, %or3A : vector<256x128xi1>
        %eq3A_1092 = arith.constant dense<true> : vector<256x128xi1>
        %eq3A_1093 = arith.xori %eq3A_1091, %eq3A_1092 : vector<256x128xi1>
        %select_n3A_1094 = arith.select %eq3A_1093, %select_n3A_1078, %while3A_1064 : vector<256x128xi1>, vector<256x128xf32>
        %select_n3A_1095 = arith.select %eq3A_1093, %select_n3A_1083, %while3A_1065 : vector<256x128xi1>, vector<256x128xi32>
        scf.yield %select_n3A_1094, %select_n3A_1095 : vector<256x128xf32>, vector<256x128xi32>
      }
      %min3A_1050 = arith.constant 7 : i32
      %min3A_1051 = arith.minsi %scan3A_1027, %min3A_1050 : i32
      %while3A_1052 = arith.constant 0 : i32
      %while3A_1053 = arith.subi %min3A_1051, %while3A_1052 : i32
      %while3A_1054 = arith.addi %while3A_1052, %while3A_1053 : i32
      %while3A_1055 = arith.constant 1 : i32
      %while3A_1056 = arith.divsi %while3A_1053, %while3A_1055 : i32
      %while3A_1057 = arith.muli %while3A_1056, %while3A_1055 : i32
      %while3A_1058 = arith.addi %while3A_1052, %while3A_1057 : i32
      %while3A_1059 = arith.constant 1 : i32
      %while3A_1060:2 = scf.for %while3A_1063 = %while3A_1052 to %while3A_1058 step %while3A_1059 iter_args(%while3A_1064 = %while3A_1049#0, %while3A_1065 = %while3A_1049#1) -> (vector<256x128xf32>, vector<256x128xi32>)  : i32 {
        %sub3A_1066 = arith.constant 1 : i32
        %sub3A_1067 = arith.subi %min3A_1051, %sub3A_1066 : i32
        %sub3A_1068 = arith.subi %sub3A_1067, %while3A_1063 : i32
        %shift_left3A_1069 = arith.constant 1 : i32
        %shift_left3A_1070 = arith.shli %shift_left3A_1069, %sub3A_1068 : i32
        %and3A_1071 = vector.broadcast %shift_left3A_1070 : i32 to vector<256x128xi32>
        %and3A_1072 = arith.andi %add3A, %and3A_1071 : vector<256x128xi32>
        %eq3A_1073 = arith.constant 0 : i32
        %eq3A_1074 = vector.broadcast %eq3A_1073 : i32 to vector<256x128xi32>
        %eq3A_1075 = arith.cmpi eq, %and3A_1072, %eq3A_1074 : vector<256x128xi32>
        %sub3A_1076 = arith.constant 128 : i32
        %sub3A_1077 = arith.subi %sub3A_1076, %shift_left3A_1070 : i32
        %roll3A = tpu.dynamic_rotate %while3A_1064 by %sub3A_1077 dim 1 : vector<256x128xf32>, i32 -> vector<256x128xf32>
        %roll3A_1078 = tpu.dynamic_rotate %while3A_1064 by %shift_left3A_1070 dim 1 : vector<256x128xf32>, i32 -> vector<256x128xf32>
        %select_n3A_1079 = arith.select %eq3A_1075, %roll3A, %roll3A_1078 : vector<256x128xi1>, vector<256x128xf32>
        %sub3A_1080 = arith.constant 128 : i32
        %sub3A_1081 = arith.subi %sub3A_1080, %shift_left3A_1070 : i32
        %roll3A_1082 = tpu.dynamic_rotate %while3A_1065 by %sub3A_1081 dim 1 : vector<256x128xi32>, i32 -> vector<256x128xi32>
        %roll3A_1083 = tpu.dynamic_rotate %while3A_1065 by %shift_left3A_1070 dim 1 : vector<256x128xi32>, i32 -> vector<256x128xi32>
        %select_n3A_1084 = arith.select %eq3A_1075, %roll3A_1082, %roll3A_1083 : vector<256x128xi1>, vector<256x128xi32>
        %lt3A_1085 = arith.cmpf olt, %select_n3A_1079, %while3A_1064 : vector<256x128xf32>
        %eq3A_1086 = arith.cmpf oeq, %select_n3A_1079, %while3A_1064 : vector<256x128xf32>
        %lt3A_1087 = arith.cmpi slt, %select_n3A_1084, %while3A_1065 : vector<256x128xi32>
        %and3A_1088 = arith.andi %eq3A_1086, %lt3A_1087 : vector<256x128xi1>
        %or3A = arith.ori %lt3A_1085, %and3A_1088 : vector<256x128xi1>
        %eq3A_1089 = arith.xori %eq3A_1035, %eq3A_1075 : vector<256x128xi1>
        %eq3A_1090 = arith.constant dense<true> : vector<256x128xi1>
        %eq3A_1091 = arith.xori %eq3A_1089, %eq3A_1090 : vector<256x128xi1>
        %eq3A_1092 = arith.xori %eq3A_1091, %or3A : vector<256x128xi1>
        %eq3A_1093 = arith.constant dense<true> : vector<256x128xi1>
        %eq3A_1094 = arith.xori %eq3A_1092, %eq3A_1093 : vector<256x128xi1>
        %select_n3A_1095 = arith.select %eq3A_1094, %select_n3A_1079, %while3A_1064 : vector<256x128xi1>, vector<256x128xf32>
        %select_n3A_1096 = arith.select %eq3A_1094, %select_n3A_1084, %while3A_1065 : vector<256x128xi1>, vector<256x128xi32>
        scf.yield %select_n3A_1095, %select_n3A_1096 : vector<256x128xf32>, vector<256x128xi32>
      }
      %while3A_1061 = arith.constant 1 : i32
      %while3A_1062:2 = scf.for %while3A_1063 = %while3A_1058 to %while3A_1054 step %while3A_1061 iter_args(%while3A_1064 = %while3A_1060#0, %while3A_1065 = %while3A_1060#1) -> (vector<256x128xf32>, vector<256x128xi32>)  : i32 {
        %sub3A_1066 = arith.constant 1 : i32
        %sub3A_1067 = arith.subi %min3A_1051, %sub3A_1066 : i32
        %sub3A_1068 = arith.subi %sub3A_1067, %while3A_1063 : i32
        %shift_left3A_1069 = arith.constant 1 : i32
        %shift_left3A_1070 = arith.shli %shift_left3A_1069, %sub3A_1068 : i32
        %and3A_1071 = vector.broadcast %shift_left3A_1070 : i32 to vector<256x128xi32>
        %and3A_1072 = arith.andi %add3A, %and3A_1071 : vector<256x128xi32>
        %eq3A_1073 = arith.constant 0 : i32
        %eq3A_1074 = vector.broadcast %eq3A_1073 : i32 to vector<256x128xi32>
        %eq3A_1075 = arith.cmpi eq, %and3A_1072, %eq3A_1074 : vector<256x128xi32>
        %sub3A_1076 = arith.constant 128 : i32
        %sub3A_1077 = arith.subi %sub3A_1076, %shift_left3A_1070 : i32
        %roll3A = tpu.dynamic_rotate %while3A_1064 by %sub3A_1077 dim 1 : vector<256x128xf32>, i32 -> vector<256x128xf32>
        %roll3A_1078 = tpu.dynamic_rotate %while3A_1064 by %shift_left3A_1070 dim 1 : vector<256x128xf32>, i32 -> vector<256x128xf32>
        %select_n3A_1079 = arith.select %eq3A_1075, %roll3A, %roll3A_1078 : vector<256x128xi1>, vector<256x128xf32>
        %sub3A_1080 = arith.constant 128 : i32
        %sub3A_1081 = arith.subi %sub3A_1080, %shift_left3A_1070 : i32
        %roll3A_1082 = tpu.dynamic_rotate %while3A_1065 by %sub3A_1081 dim 1 : vector<256x128xi32>, i32 -> vector<256x128xi32>
        %roll3A_1083 = tpu.dynamic_rotate %while3A_1065 by %shift_left3A_1070 dim 1 : vector<256x128xi32>, i32 -> vector<256x128xi32>
        %select_n3A_1084 = arith.select %eq3A_1075, %roll3A_1082, %roll3A_1083 : vector<256x128xi1>, vector<256x128xi32>
        %lt3A_1085 = arith.cmpf olt, %select_n3A_1079, %while3A_1064 : vector<256x128xf32>
        %eq3A_1086 = arith.cmpf oeq, %select_n3A_1079, %while3A_1064 : vector<256x128xf32>
        %lt3A_1087 = arith.cmpi slt, %select_n3A_1084, %while3A_1065 : vector<256x128xi32>
        %and3A_1088 = arith.andi %eq3A_1086, %lt3A_1087 : vector<256x128xi1>
        %or3A = arith.ori %lt3A_1085, %and3A_1088 : vector<256x128xi1>
        %eq3A_1089 = arith.xori %eq3A_1035, %eq3A_1075 : vector<256x128xi1>
        %eq3A_1090 = arith.constant dense<true> : vector<256x128xi1>
        %eq3A_1091 = arith.xori %eq3A_1089, %eq3A_1090 : vector<256x128xi1>
        %eq3A_1092 = arith.xori %eq3A_1091, %or3A : vector<256x128xi1>
        %eq3A_1093 = arith.constant dense<true> : vector<256x128xi1>
        %eq3A_1094 = arith.xori %eq3A_1092, %eq3A_1093 : vector<256x128xi1>
        %select_n3A_1095 = arith.select %eq3A_1094, %select_n3A_1079, %while3A_1064 : vector<256x128xi1>, vector<256x128xf32>
        %select_n3A_1096 = arith.select %eq3A_1094, %select_n3A_1084, %while3A_1065 : vector<256x128xi1>, vector<256x128xi32>
        scf.yield %select_n3A_1095, %select_n3A_1096 : vector<256x128xf32>, vector<256x128xi32>
      }
      scf.yield %while3A_1062#0, %while3A_1062#1 : vector<256x128xf32>, vector<256x128xi32>
    }
    %scan3A_36 = arith.constant 15 : i32
    %mul3A_37 = arith.constant 32768 : i32
    %mul3A_38 = vector.broadcast %mul3A_37 : i32 to vector<256x128xi32>
    %mul3A_39 = arith.muli %scan3A_35#1, %mul3A_38 : vector<256x128xi32>
    %add3A_40 = arith.addi %mul3A_39, %add3A : vector<256x128xi32>
    %scan3A_41 = arith.constant 1 : i32
    %scan3A_42 = arith.constant 15 : i32
    %scan3A_43 = arith.addi %scan3A_41, %scan3A_42 : i32
    %scan3A_44 = arith.constant 1 : i32
    %scan3A_45 = scf.for %scan3A_1027 = %scan3A_41 to %scan3A_43 step %scan3A_44 iter_args(%scan3A_1028 = %add3A_40) -> (vector<256x128xi32>)  : i32 {
      %shift_left3A = arith.constant 1 : i32
      %shift_left3A_1029 = arith.shli %shift_left3A, %scan3A_1027 : i32
      %and3A_1030 = vector.broadcast %shift_left3A_1029 : i32 to vector<256x128xi32>
      %and3A_1031 = arith.andi %add3A, %and3A_1030 : vector<256x128xi32>
      %eq3A_1032 = arith.constant 0 : i32
      %eq3A_1033 = vector.broadcast %eq3A_1032 : i32 to vector<256x128xi32>
      %eq3A_1034 = arith.cmpi eq, %and3A_1031, %eq3A_1033 : vector<256x128xi32>
      %sub3A_1035 = arith.constant 7 : i32
      %sub3A_1036 = arith.subi %scan3A_1027, %sub3A_1035 : i32
      %max3A_1037 = arith.constant 0 : i32
      %max3A_1038 = arith.maxsi %sub3A_1036, %max3A_1037 : i32
      %while3A = arith.constant 0 : i32
      %while3A_1039 = arith.subi %max3A_1038, %while3A : i32
      %while3A_1040 = arith.addi %while3A, %while3A_1039 : i32
      %while3A_1041 = arith.constant 1 : i32
      %while3A_1042 = arith.divsi %while3A_1039, %while3A_1041 : i32
      %while3A_1043 = arith.muli %while3A_1042, %while3A_1041 : i32
      %while3A_1044 = arith.addi %while3A, %while3A_1043 : i32
      %while3A_1045 = arith.constant 1 : i32
      %while3A_1046 = scf.for %while3A_1062 = %while3A to %while3A_1044 step %while3A_1045 iter_args(%while3A_1063 = %scan3A_1028) -> (vector<256x128xi32>)  : i32 {
        %add3A_1064 = arith.constant 1 : i32
        %add3A_1065 = arith.addi %while3A_1062, %add3A_1064 : i32
        %shift_right_arithmetic3A = arith.shrsi %shift_left3A_1029, %add3A_1065 : i32
        %shift_right_arithmetic3A_1066 = arith.constant 7 : i32
        %shift_right_arithmetic3A_1067 = arith.shrsi %shift_right_arithmetic3A, %shift_right_arithmetic3A_1066 : i32
        %and3A_1068 = vector.broadcast %shift_right_arithmetic3A : i32 to vector<256x128xi32>
        %and3A_1069 = arith.andi %add3A, %and3A_1068 : vector<256x128xi32>
        %eq3A_1070 = arith.constant 0 : i32
        %eq3A_1071 = vector.broadcast %eq3A_1070 : i32 to vector<256x128xi32>
        %eq3A_1072 = arith.cmpi eq, %and3A_1069, %eq3A_1071 : vector<256x128xi32>
        %sub3A_1073 = arith.constant 256 : i32
        %sub3A_1074 = arith.subi %sub3A_1073, %shift_right_arithmetic3A_1067 : i32
        %roll3A = tpu.dynamic_rotate %while3A_1063 by %sub3A_1074 dim 0 : vector<256x128xi32>, i32 -> vector<256x128xi32>
        %roll3A_1075 = tpu.dynamic_rotate %while3A_1063 by %shift_right_arithmetic3A_1067 dim 0 : vector<256x128xi32>, i32 -> vector<256x128xi32>
        %select_n3A_1076 = arith.select %eq3A_1072, %roll3A, %roll3A_1075 : vector<256x128xi1>, vector<256x128xi32>
        %lt3A_1077 = arith.cmpi slt, %select_n3A_1076, %while3A_1063 : vector<256x128xi32>
        %eq3A_1078 = arith.xori %eq3A_1034, %eq3A_1072 : vector<256x128xi1>
        %eq3A_1079 = arith.constant dense<true> : vector<256x128xi1>
        %eq3A_1080 = arith.xori %eq3A_1078, %eq3A_1079 : vector<256x128xi1>
        %eq3A_1081 = arith.xori %eq3A_1080, %lt3A_1077 : vector<256x128xi1>
        %eq3A_1082 = arith.constant dense<true> : vector<256x128xi1>
        %eq3A_1083 = arith.xori %eq3A_1081, %eq3A_1082 : vector<256x128xi1>
        %select_n3A_1084 = arith.select %eq3A_1083, %select_n3A_1076, %while3A_1063 : vector<256x128xi1>, vector<256x128xi32>
        scf.yield %select_n3A_1084 : vector<256x128xi32>
      }
      %while3A_1047 = arith.constant 1 : i32
      %while3A_1048 = scf.for %while3A_1062 = %while3A_1044 to %while3A_1040 step %while3A_1047 iter_args(%while3A_1063 = %while3A_1046) -> (vector<256x128xi32>)  : i32 {
        %add3A_1064 = arith.constant 1 : i32
        %add3A_1065 = arith.addi %while3A_1062, %add3A_1064 : i32
        %shift_right_arithmetic3A = arith.shrsi %shift_left3A_1029, %add3A_1065 : i32
        %shift_right_arithmetic3A_1066 = arith.constant 7 : i32
        %shift_right_arithmetic3A_1067 = arith.shrsi %shift_right_arithmetic3A, %shift_right_arithmetic3A_1066 : i32
        %and3A_1068 = vector.broadcast %shift_right_arithmetic3A : i32 to vector<256x128xi32>
        %and3A_1069 = arith.andi %add3A, %and3A_1068 : vector<256x128xi32>
        %eq3A_1070 = arith.constant 0 : i32
        %eq3A_1071 = vector.broadcast %eq3A_1070 : i32 to vector<256x128xi32>
        %eq3A_1072 = arith.cmpi eq, %and3A_1069, %eq3A_1071 : vector<256x128xi32>
        %sub3A_1073 = arith.constant 256 : i32
        %sub3A_1074 = arith.subi %sub3A_1073, %shift_right_arithmetic3A_1067 : i32
        %roll3A = tpu.dynamic_rotate %while3A_1063 by %sub3A_1074 dim 0 : vector<256x128xi32>, i32 -> vector<256x128xi32>
        %roll3A_1075 = tpu.dynamic_rotate %while3A_1063 by %shift_right_arithmetic3A_1067 dim 0 : vector<256x128xi32>, i32 -> vector<256x128xi32>
        %select_n3A_1076 = arith.select %eq3A_1072, %roll3A, %roll3A_1075 : vector<256x128xi1>, vector<256x128xi32>
        %lt3A_1077 = arith.cmpi slt, %select_n3A_1076, %while3A_1063 : vector<256x128xi32>
        %eq3A_1078 = arith.xori %eq3A_1034, %eq3A_1072 : vector<256x128xi1>
        %eq3A_1079 = arith.constant dense<true> : vector<256x128xi1>
        %eq3A_1080 = arith.xori %eq3A_1078, %eq3A_1079 : vector<256x128xi1>
        %eq3A_1081 = arith.xori %eq3A_1080, %lt3A_1077 : vector<256x128xi1>
        %eq3A_1082 = arith.constant dense<true> : vector<256x128xi1>
        %eq3A_1083 = arith.xori %eq3A_1081, %eq3A_1082 : vector<256x128xi1>
        %select_n3A_1084 = arith.select %eq3A_1083, %select_n3A_1076, %while3A_1063 : vector<256x128xi1>, vector<256x128xi32>
        scf.yield %select_n3A_1084 : vector<256x128xi32>
      }
      %min3A_1049 = arith.constant 7 : i32
      %min3A_1050 = arith.minsi %scan3A_1027, %min3A_1049 : i32
      %while3A_1051 = arith.constant 0 : i32
      %while3A_1052 = arith.subi %min3A_1050, %while3A_1051 : i32
      %while3A_1053 = arith.addi %while3A_1051, %while3A_1052 : i32
      %while3A_1054 = arith.constant 1 : i32
      %while3A_1055 = arith.divsi %while3A_1052, %while3A_1054 : i32
      %while3A_1056 = arith.muli %while3A_1055, %while3A_1054 : i32
      %while3A_1057 = arith.addi %while3A_1051, %while3A_1056 : i32
      %while3A_1058 = arith.constant 1 : i32
      %while3A_1059 = scf.for %while3A_1062 = %while3A_1051 to %while3A_1057 step %while3A_1058 iter_args(%while3A_1063 = %while3A_1048) -> (vector<256x128xi32>)  : i32 {
        %sub3A_1064 = arith.constant 1 : i32
        %sub3A_1065 = arith.subi %min3A_1050, %sub3A_1064 : i32
        %sub3A_1066 = arith.subi %sub3A_1065, %while3A_1062 : i32
        %shift_left3A_1067 = arith.constant 1 : i32
        %shift_left3A_1068 = arith.shli %shift_left3A_1067, %sub3A_1066 : i32
        %and3A_1069 = vector.broadcast %shift_left3A_1068 : i32 to vector<256x128xi32>
        %and3A_1070 = arith.andi %add3A, %and3A_1069 : vector<256x128xi32>
        %eq3A_1071 = arith.constant 0 : i32
        %eq3A_1072 = vector.broadcast %eq3A_1071 : i32 to vector<256x128xi32>
        %eq3A_1073 = arith.cmpi eq, %and3A_1070, %eq3A_1072 : vector<256x128xi32>
        %sub3A_1074 = arith.constant 128 : i32
        %sub3A_1075 = arith.subi %sub3A_1074, %shift_left3A_1068 : i32
        %roll3A = tpu.dynamic_rotate %while3A_1063 by %sub3A_1075 dim 1 : vector<256x128xi32>, i32 -> vector<256x128xi32>
        %roll3A_1076 = tpu.dynamic_rotate %while3A_1063 by %shift_left3A_1068 dim 1 : vector<256x128xi32>, i32 -> vector<256x128xi32>
        %select_n3A_1077 = arith.select %eq3A_1073, %roll3A, %roll3A_1076 : vector<256x128xi1>, vector<256x128xi32>
        %lt3A_1078 = arith.cmpi slt, %select_n3A_1077, %while3A_1063 : vector<256x128xi32>
        %eq3A_1079 = arith.xori %eq3A_1034, %eq3A_1073 : vector<256x128xi1>
        %eq3A_1080 = arith.constant dense<true> : vector<256x128xi1>
        %eq3A_1081 = arith.xori %eq3A_1079, %eq3A_1080 : vector<256x128xi1>
        %eq3A_1082 = arith.xori %eq3A_1081, %lt3A_1078 : vector<256x128xi1>
        %eq3A_1083 = arith.constant dense<true> : vector<256x128xi1>
        %eq3A_1084 = arith.xori %eq3A_1082, %eq3A_1083 : vector<256x128xi1>
        %select_n3A_1085 = arith.select %eq3A_1084, %select_n3A_1077, %while3A_1063 : vector<256x128xi1>, vector<256x128xi32>
        scf.yield %select_n3A_1085 : vector<256x128xi32>
      }
      %while3A_1060 = arith.constant 1 : i32
      %while3A_1061 = scf.for %while3A_1062 = %while3A_1057 to %while3A_1053 step %while3A_1060 iter_args(%while3A_1063 = %while3A_1059) -> (vector<256x128xi32>)  : i32 {
        %sub3A_1064 = arith.constant 1 : i32
        %sub3A_1065 = arith.subi %min3A_1050, %sub3A_1064 : i32
        %sub3A_1066 = arith.subi %sub3A_1065, %while3A_1062 : i32
        %shift_left3A_1067 = arith.constant 1 : i32
        %shift_left3A_1068 = arith.shli %shift_left3A_1067, %sub3A_1066 : i32
        %and3A_1069 = vector.broadcast %shift_left3A_1068 : i32 to vector<256x128xi32>
        %and3A_1070 = arith.andi %add3A, %and3A_1069 : vector<256x128xi32>
        %eq3A_1071 = arith.constant 0 : i32
        %eq3A_1072 = vector.broadcast %eq3A_1071 : i32 to vector<256x128xi32>
        %eq3A_1073 = arith.cmpi eq, %and3A_1070, %eq3A_1072 : vector<256x128xi32>
        %sub3A_1074 = arith.constant 128 : i32
        %sub3A_1075 = arith.subi %sub3A_1074, %shift_left3A_1068 : i32
        %roll3A = tpu.dynamic_rotate %while3A_1063 by %sub3A_1075 dim 1 : vector<256x128xi32>, i32 -> vector<256x128xi32>
        %roll3A_1076 = tpu.dynamic_rotate %while3A_1063 by %shift_left3A_1068 dim 1 : vector<256x128xi32>, i32 -> vector<256x128xi32>
        %select_n3A_1077 = arith.select %eq3A_1073, %roll3A, %roll3A_1076 : vector<256x128xi1>, vector<256x128xi32>
        %lt3A_1078 = arith.cmpi slt, %select_n3A_1077, %while3A_1063 : vector<256x128xi32>
        %eq3A_1079 = arith.xori %eq3A_1034, %eq3A_1073 : vector<256x128xi1>
        %eq3A_1080 = arith.constant dense<true> : vector<256x128xi1>
        %eq3A_1081 = arith.xori %eq3A_1079, %eq3A_1080 : vector<256x128xi1>
        %eq3A_1082 = arith.xori %eq3A_1081, %lt3A_1078 : vector<256x128xi1>
        %eq3A_1083 = arith.constant dense<true> : vector<256x128xi1>
        %eq3A_1084 = arith.xori %eq3A_1082, %eq3A_1083 : vector<256x128xi1>
        %select_n3A_1085 = arith.select %eq3A_1084, %select_n3A_1077, %while3A_1063 : vector<256x128xi1>, vector<256x128xi32>
        scf.yield %select_n3A_1085 : vector<256x128xi32>
      }
      scf.yield %while3A_1061 : vector<256x128xi32>
    }
    %scan3A_46 = arith.constant 15 : i32
    %and3A = arith.constant 32767 : i32
    %and3A_47 = vector.broadcast %and3A : i32 to vector<256x128xi32>
    %and3A_48 = arith.andi %scan3A_45, %and3A_47 : vector<256x128xi32>
    %convert_element_type3A = arith.sitofp %and3A_48 : vector<256x128xi32> to vector<256x128xf32>
    %add3A_49 = arith.constant 1.000000e+00 : f32
    %add3A_50 = vector.broadcast %add3A_49 : f32 to vector<256x128xf32>
    %add3A_51 = arith.addf %convert_element_type3A, %add3A_50 : vector<256x128xf32>
    %div3A = arith.constant 2.000100e+04 : f32
    %div3A_52 = vector.broadcast %div3A : f32 to vector<256x128xf32>
    %div3A_53 = arith.divf %add3A_51, %div3A_52 : vector<256x128xf32>
    %mul3A_54 = arith.mulf %div3A_53, %div3A_53 : vector<256x128xf32>
    %mul3A_55 = arith.mulf %mul3A_54, %mul3A_54 : vector<256x128xf32>
    %mul3A_56 = arith.mulf %mul3A_55, %mul3A_55 : vector<256x128xf32>
    %mul3A_57 = arith.mulf %mul3A_56, %mul3A_54 : vector<256x128xf32>
    %mul3A_58 = arith.constant 5.000000e-01 : f32
    %mul3A_59 = vector.broadcast %mul3A_58 : f32 to vector<256x128xf32>
    %mul3A_60 = arith.mulf %mul3A_59, %get3A_8 : vector<256x128xf32>
    %mul3A_61 = arith.constant 5.000000e-01 : f32
    %mul3A_62 = vector.broadcast %mul3A_61 : f32 to vector<256x128xf32>
    %mul3A_63 = arith.mulf %mul3A_62, %mul3A_57 : vector<256x128xf32>
    %add3A_64 = arith.addf %mul3A_60, %mul3A_63 : vector<256x128xf32>
    %lt3A = arith.constant 20000 : i32
    %lt3A_65 = vector.broadcast %lt3A : i32 to vector<256x128xi32>
    %lt3A_66 = arith.cmpi slt, %add3A, %lt3A_65 : vector<256x128xi32>
    %convert_element_type3A_67 = arith.extui %lt3A_66 : vector<256x128xi1> to vector<256x128xi32>
    %convert_element_type3A_68 = arith.sitofp %convert_element_type3A_67 : vector<256x128xi32> to vector<256x128xf32>
    %iota3A_69 = tpu.iota {dimensions = array<i32: 0>} : vector<8x128xi32>
    %iota3A_70 = tpu.iota {dimensions = array<i32: 1>} : vector<8x128xi32>
    %broadcast_in_dim3A = arith.constant 0.000000e+00 : f32
    %broadcast_in_dim3A_71 = vector.broadcast %broadcast_in_dim3A : f32 to vector<8x128xf32>
    %mul3A_72 = arith.mulf %add3A_64, %convert_element_type3A_68 : vector<256x128xf32>
    %sub3A = arith.constant 1.000000e+00 : f32
    %sub3A_73 = vector.broadcast %sub3A : f32 to vector<256x128xf32>
    %sub3A_74 = arith.subf %sub3A_73, %convert_element_type3A_68 : vector<256x128xf32>
    %mul3A_75 = arith.constant 1.000000e+09 : f32
    %mul3A_76 = vector.broadcast %mul3A_75 : f32 to vector<256x128xf32>
    %mul3A_77 = arith.mulf %mul3A_76, %sub3A_74 : vector<256x128xf32>
    %sub3A_78 = arith.subf %mul3A_72, %mul3A_77 : vector<256x128xf32>
    %reduce_max3A = vector.shape_cast %sub3A_78 : vector<256x128xf32> to vector<1x256x128xf32>
    %reduce_max3A_79 = arith.constant dense<0xFF800000> : vector<1xf32>
    %reduce_max3A_80 = vector.multi_reduction <maximumf>, %reduce_max3A, %reduce_max3A_79 [1, 2] : vector<1x256x128xf32> to vector<1xf32>
    %reduce_max3A_81 = vector.shape_cast %reduce_max3A_80 : vector<1xf32> to vector<1x1x1xf32>
    %reduce_max3A_82 = vector.extract %reduce_max3A_81[0, 0, 0] : f32 from vector<1x1x1xf32>
    %eq3A = vector.broadcast %reduce_max3A_82 : f32 to vector<256x128xf32>
    %eq3A_83 = arith.cmpf oeq, %sub3A_78, %eq3A : vector<256x128xf32>
    %jit3A = arith.constant 1073741824 : i32
    %broadcast_in_dim3A_84 = vector.broadcast %jit3A : i32 to vector<256x128xi32>
    %select_n3A = arith.select %eq3A_83, %add3A, %broadcast_in_dim3A_84 : vector<256x128xi1>, vector<256x128xi32>
    %reduce_min3A = vector.shape_cast %select_n3A : vector<256x128xi32> to vector<1x256x128xi32>
    %reduce_min3A_85 = arith.constant dense<2147483647> : vector<1xi32>
    %reduce_min3A_86 = vector.multi_reduction <minsi>, %reduce_min3A, %reduce_min3A_85 [1, 2] : vector<1x256x128xi32> to vector<1xi32>
    %reduce_min3A_87 = vector.shape_cast %reduce_min3A_86 : vector<1xi32> to vector<1x1x1xi32>
    %reduce_min3A_88 = vector.extract %reduce_min3A_87[0, 0, 0] : i32 from vector<1x1x1xi32>
    %eq3A_89 = vector.broadcast %reduce_min3A_88 : i32 to vector<256x128xi32>
    %eq3A_90 = arith.cmpi eq, %add3A, %eq3A_89 : vector<256x128xi32>
    %jit3A_91 = arith.constant 0.000000e+00 : f32
    %broadcast_in_dim3A_92 = vector.broadcast %jit3A_91 : f32 to vector<256x128xf32>
    %select_n3A_93 = arith.select %eq3A_90, %add3A_64, %broadcast_in_dim3A_92 : vector<256x128xi1>, vector<256x128xf32>
    %reduce_sum3A = vector.shape_cast %select_n3A_93 : vector<256x128xf32> to vector<1x256x128xf32>
    %reduce_sum3A_94 = arith.constant dense<0.000000e+00> : vector<1xf32>
    %reduce_sum3A_95 = vector.multi_reduction <add>, %reduce_sum3A, %reduce_sum3A_94 [1, 2] : vector<1x256x128xf32> to vector<1xf32>
    %reduce_sum3A_96 = vector.shape_cast %reduce_sum3A_95 : vector<1xf32> to vector<1x1x1xf32>
    %reduce_sum3A_97 = vector.extract %reduce_sum3A_96[0, 0, 0] : f32 from vector<1x1x1xf32>
    %jit3A_98 = arith.constant 0.000000e+00 : f32
    %broadcast_in_dim3A_99 = vector.broadcast %jit3A_98 : f32 to vector<256x128xf32>
    %select_n3A_100 = arith.select %eq3A_90, %get3A_13, %broadcast_in_dim3A_99 : vector<256x128xi1>, vector<256x128xf32>
    %reduce_sum3A_101 = vector.shape_cast %select_n3A_100 : vector<256x128xf32> to vector<1x256x128xf32>
    %reduce_sum3A_102 = arith.constant dense<0.000000e+00> : vector<1xf32>
    %reduce_sum3A_103 = vector.multi_reduction <add>, %reduce_sum3A_101, %reduce_sum3A_102 [1, 2] : vector<1x256x128xf32> to vector<1xf32>
    %reduce_sum3A_104 = vector.shape_cast %reduce_sum3A_103 : vector<1xf32> to vector<1x1x1xf32>
    %reduce_sum3A_105 = vector.extract %reduce_sum3A_104[0, 0, 0] : f32 from vector<1x1x1xf32>
    %jit3A_106 = arith.constant 0.000000e+00 : f32
    %broadcast_in_dim3A_107 = vector.broadcast %jit3A_106 : f32 to vector<256x128xf32>
    %select_n3A_108 = arith.select %eq3A_90, %get3A_18, %broadcast_in_dim3A_107 : vector<256x128xi1>, vector<256x128xf32>
    %reduce_sum3A_109 = vector.shape_cast %select_n3A_108 : vector<256x128xf32> to vector<1x256x128xf32>
    %reduce_sum3A_110 = arith.constant dense<0.000000e+00> : vector<1xf32>
    %reduce_sum3A_111 = vector.multi_reduction <add>, %reduce_sum3A_109, %reduce_sum3A_110 [1, 2] : vector<1x256x128xf32> to vector<1xf32>
    %reduce_sum3A_112 = vector.shape_cast %reduce_sum3A_111 : vector<1xf32> to vector<1x1x1xf32>
    %reduce_sum3A_113 = vector.extract %reduce_sum3A_112[0, 0, 0] : f32 from vector<1x1x1xf32>
    %jit3A_114 = arith.constant 0.000000e+00 : f32
    %broadcast_in_dim3A_115 = vector.broadcast %jit3A_114 : f32 to vector<256x128xf32>
    %select_n3A_116 = arith.select %eq3A_90, %get3A_23, %broadcast_in_dim3A_115 : vector<256x128xi1>, vector<256x128xf32>
    %reduce_sum3A_117 = vector.shape_cast %select_n3A_116 : vector<256x128xf32> to vector<1x256x128xf32>
    %reduce_sum3A_118 = arith.constant dense<0.000000e+00> : vector<1xf32>
    %reduce_sum3A_119 = vector.multi_reduction <add>, %reduce_sum3A_117, %reduce_sum3A_118 [1, 2] : vector<1x256x128xf32> to vector<1xf32>
    %reduce_sum3A_120 = vector.shape_cast %reduce_sum3A_119 : vector<1xf32> to vector<1x1x1xf32>
    %reduce_sum3A_121 = vector.extract %reduce_sum3A_120[0, 0, 0] : f32 from vector<1x1x1xf32>
    %jit3A_122 = arith.constant 0.000000e+00 : f32
    %broadcast_in_dim3A_123 = vector.broadcast %jit3A_122 : f32 to vector<256x128xf32>
    %select_n3A_124 = arith.select %eq3A_90, %get3A_28, %broadcast_in_dim3A_123 : vector<256x128xi1>, vector<256x128xf32>
    %reduce_sum3A_125 = vector.shape_cast %select_n3A_124 : vector<256x128xf32> to vector<1x256x128xf32>
    %reduce_sum3A_126 = arith.constant dense<0.000000e+00> : vector<1xf32>
    %reduce_sum3A_127 = vector.multi_reduction <add>, %reduce_sum3A_125, %reduce_sum3A_126 [1, 2] : vector<1x256x128xf32> to vector<1xf32>
    %reduce_sum3A_128 = vector.shape_cast %reduce_sum3A_127 : vector<1xf32> to vector<1x1x1xf32>
    %reduce_sum3A_129 = vector.extract %reduce_sum3A_128[0, 0, 0] : f32 from vector<1x1x1xf32>
    %mul3A_130 = arith.constant 5.000000e-01 : f32
    %mul3A_131 = vector.broadcast %mul3A_130 : f32 to vector<256x128xf32>
    %mul3A_132 = arith.mulf %mul3A_131, %get3A_23 : vector<256x128xf32>
    %sub3A_133 = arith.subf %get3A_13, %mul3A_132 : vector<256x128xf32>
    %mul3A_134 = arith.constant 5.000000e-01 : f32
    %mul3A_135 = arith.mulf %mul3A_134, %reduce_sum3A_121 : f32
    %sub3A_136 = arith.subf %reduce_sum3A_105, %mul3A_135 : f32
    %max3A = vector.broadcast %sub3A_136 : f32 to vector<256x128xf32>
    %max3A_137 = arith.maximumf %sub3A_133, %max3A : vector<256x128xf32>
    %mul3A_138 = arith.constant 5.000000e-01 : f32
    %mul3A_139 = vector.broadcast %mul3A_138 : f32 to vector<256x128xf32>
    %mul3A_140 = arith.mulf %mul3A_139, %get3A_28 : vector<256x128xf32>
    %sub3A_141 = arith.subf %get3A_18, %mul3A_140 : vector<256x128xf32>
    %mul3A_142 = arith.constant 5.000000e-01 : f32
    %mul3A_143 = arith.mulf %mul3A_142, %reduce_sum3A_129 : f32
    %sub3A_144 = arith.subf %reduce_sum3A_113, %mul3A_143 : f32
    %max3A_145 = vector.broadcast %sub3A_144 : f32 to vector<256x128xf32>
    %max3A_146 = arith.maximumf %sub3A_141, %max3A_145 : vector<256x128xf32>
    %mul3A_147 = arith.constant 5.000000e-01 : f32
    %mul3A_148 = vector.broadcast %mul3A_147 : f32 to vector<256x128xf32>
    %mul3A_149 = arith.mulf %mul3A_148, %get3A_23 : vector<256x128xf32>
    %add3A_150 = arith.addf %get3A_13, %mul3A_149 : vector<256x128xf32>
    %mul3A_151 = arith.constant 5.000000e-01 : f32
    %mul3A_152 = arith.mulf %mul3A_151, %reduce_sum3A_121 : f32
    %add3A_153 = arith.addf %reduce_sum3A_105, %mul3A_152 : f32
    %min3A = vector.broadcast %add3A_153 : f32 to vector<256x128xf32>
    %min3A_154 = arith.minimumf %add3A_150, %min3A : vector<256x128xf32>
    %mul3A_155 = arith.constant 5.000000e-01 : f32
    %mul3A_156 = vector.broadcast %mul3A_155 : f32 to vector<256x128xf32>
    %mul3A_157 = arith.mulf %mul3A_156, %get3A_28 : vector<256x128xf32>
    %add3A_158 = arith.addf %get3A_18, %mul3A_157 : vector<256x128xf32>
    %mul3A_159 = arith.constant 5.000000e-01 : f32
    %mul3A_160 = arith.mulf %mul3A_159, %reduce_sum3A_129 : f32
    %add3A_161 = arith.addf %reduce_sum3A_113, %mul3A_160 : f32
    %min3A_162 = vector.broadcast %add3A_161 : f32 to vector<256x128xf32>
    %min3A_163 = arith.minimumf %add3A_158, %min3A_162 : vector<256x128xf32>
    %sub3A_164 = arith.subf %min3A_154, %max3A_137 : vector<256x128xf32>
    %max3A_165 = arith.constant 0.000000e+00 : f32
    %max3A_166 = vector.broadcast %max3A_165 : f32 to vector<256x128xf32>
    %max3A_167 = arith.maximumf %sub3A_164, %max3A_166 : vector<256x128xf32>
    %sub3A_168 = arith.subf %min3A_163, %max3A_146 : vector<256x128xf32>
    %max3A_169 = arith.constant 0.000000e+00 : f32
    %max3A_170 = vector.broadcast %max3A_169 : f32 to vector<256x128xf32>
    %max3A_171 = arith.maximumf %sub3A_168, %max3A_170 : vector<256x128xf32>
    %mul3A_172 = arith.mulf %max3A_167, %max3A_171 : vector<256x128xf32>
    %mul3A_173 = arith.mulf %get3A_23, %get3A_28 : vector<256x128xf32>
    %mul3A_174 = arith.mulf %reduce_sum3A_121, %reduce_sum3A_129 : f32
    %add3A_175 = vector.broadcast %mul3A_174 : f32 to vector<256x128xf32>
    %add3A_176 = arith.addf %mul3A_173, %add3A_175 : vector<256x128xf32>
    %sub3A_177 = arith.subf %add3A_176, %mul3A_172 : vector<256x128xf32>
    %max3A_178 = arith.constant 9.99999993E-9 : f32
    %max3A_179 = vector.broadcast %max3A_178 : f32 to vector<256x128xf32>
    %max3A_180 = arith.maximumf %sub3A_177, %max3A_179 : vector<256x128xf32>
    %div3A_181 = arith.divf %mul3A_172, %max3A_180 : vector<256x128xf32>
    %le3A = arith.constant 2.000000e-01 : f32
    %le3A_182 = vector.broadcast %le3A : f32 to vector<256x128xf32>
    %le3A_183 = arith.cmpf ole, %div3A_181, %le3A_182 : vector<256x128xf32>
    %convert_element_type3A_184 = arith.extui %le3A_183 : vector<256x128xi1> to vector<256x128xi32>
    %convert_element_type3A_185 = arith.sitofp %convert_element_type3A_184 : vector<256x128xi32> to vector<256x128xf32>
    %mul3A_186 = arith.mulf %convert_element_type3A_68, %convert_element_type3A_185 : vector<256x128xf32>
    %eq3A_187 = arith.constant 0 : i32
    %eq3A_188 = vector.broadcast %eq3A_187 : i32 to vector<8x128xi32>
    %eq3A_189 = arith.cmpi eq, %iota3A_69, %eq3A_188 : vector<8x128xi32>
    %eq3A_190 = arith.constant 0 : i32
    %eq3A_191 = vector.broadcast %eq3A_190 : i32 to vector<8x128xi32>
    %eq3A_192 = arith.cmpi eq, %iota3A_70, %eq3A_191 : vector<8x128xi32>
    %and3A_193 = arith.andi %eq3A_189, %eq3A_192 : vector<8x128xi1>
    %broadcast_in_dim3A_194 = vector.broadcast %reduce_sum3A_97 : f32 to vector<8x128xf32>
    %select_n3A_195 = arith.select %and3A_193, %broadcast_in_dim3A_194, %broadcast_in_dim3A_71 : vector<8x128xi1>, vector<8x128xf32>
    %eq3A_196 = arith.constant 0 : i32
    %eq3A_197 = vector.broadcast %eq3A_196 : i32 to vector<8x128xi32>
    %eq3A_198 = arith.cmpi eq, %iota3A_69, %eq3A_197 : vector<8x128xi32>
    %eq3A_199 = arith.constant 1 : i32
    %eq3A_200 = vector.broadcast %eq3A_199 : i32 to vector<8x128xi32>
    %eq3A_201 = arith.cmpi eq, %iota3A_70, %eq3A_200 : vector<8x128xi32>
    %and3A_202 = arith.andi %eq3A_198, %eq3A_201 : vector<8x128xi1>
    %broadcast_in_dim3A_203 = vector.broadcast %reduce_sum3A_105 : f32 to vector<8x128xf32>
    %select_n3A_204 = arith.select %and3A_202, %broadcast_in_dim3A_203, %select_n3A_195 : vector<8x128xi1>, vector<8x128xf32>
    %eq3A_205 = arith.constant 0 : i32
    %eq3A_206 = vector.broadcast %eq3A_205 : i32 to vector<8x128xi32>
    %eq3A_207 = arith.cmpi eq, %iota3A_69, %eq3A_206 : vector<8x128xi32>
    %eq3A_208 = arith.constant 2 : i32
    %eq3A_209 = vector.broadcast %eq3A_208 : i32 to vector<8x128xi32>
    %eq3A_210 = arith.cmpi eq, %iota3A_70, %eq3A_209 : vector<8x128xi32>
    %and3A_211 = arith.andi %eq3A_207, %eq3A_210 : vector<8x128xi1>
    %broadcast_in_dim3A_212 = vector.broadcast %reduce_sum3A_113 : f32 to vector<8x128xf32>
    %select_n3A_213 = arith.select %and3A_211, %broadcast_in_dim3A_212, %select_n3A_204 : vector<8x128xi1>, vector<8x128xf32>
    %eq3A_214 = arith.constant 0 : i32
    %eq3A_215 = vector.broadcast %eq3A_214 : i32 to vector<8x128xi32>
    %eq3A_216 = arith.cmpi eq, %iota3A_69, %eq3A_215 : vector<8x128xi32>
    %eq3A_217 = arith.constant 3 : i32
    %eq3A_218 = vector.broadcast %eq3A_217 : i32 to vector<8x128xi32>
    %eq3A_219 = arith.cmpi eq, %iota3A_70, %eq3A_218 : vector<8x128xi32>
    %and3A_220 = arith.andi %eq3A_216, %eq3A_219 : vector<8x128xi1>
    %broadcast_in_dim3A_221 = vector.broadcast %reduce_sum3A_121 : f32 to vector<8x128xf32>
    %select_n3A_222 = arith.select %and3A_220, %broadcast_in_dim3A_221, %select_n3A_213 : vector<8x128xi1>, vector<8x128xf32>
    %eq3A_223 = arith.constant 0 : i32
    %eq3A_224 = vector.broadcast %eq3A_223 : i32 to vector<8x128xi32>
    %eq3A_225 = arith.cmpi eq, %iota3A_69, %eq3A_224 : vector<8x128xi32>
    %eq3A_226 = arith.constant 4 : i32
    %eq3A_227 = vector.broadcast %eq3A_226 : i32 to vector<8x128xi32>
    %eq3A_228 = arith.cmpi eq, %iota3A_70, %eq3A_227 : vector<8x128xi32>
    %and3A_229 = arith.andi %eq3A_225, %eq3A_228 : vector<8x128xi1>
    %broadcast_in_dim3A_230 = vector.broadcast %reduce_sum3A_129 : f32 to vector<8x128xf32>
    %select_n3A_231 = arith.select %and3A_229, %broadcast_in_dim3A_230, %select_n3A_222 : vector<8x128xi1>, vector<8x128xf32>
    %mul3A_232 = arith.mulf %add3A_64, %mul3A_186 : vector<256x128xf32>
    %sub3A_233 = arith.constant 1.000000e+00 : f32
    %sub3A_234 = vector.broadcast %sub3A_233 : f32 to vector<256x128xf32>
    %sub3A_235 = arith.subf %sub3A_234, %mul3A_186 : vector<256x128xf32>
    %mul3A_236 = arith.constant 1.000000e+09 : f32
    %mul3A_237 = vector.broadcast %mul3A_236 : f32 to vector<256x128xf32>
    %mul3A_238 = arith.mulf %mul3A_237, %sub3A_235 : vector<256x128xf32>
    %sub3A_239 = arith.subf %mul3A_232, %mul3A_238 : vector<256x128xf32>
    %reduce_max3A_240 = vector.shape_cast %sub3A_239 : vector<256x128xf32> to vector<1x256x128xf32>
    %reduce_max3A_241 = arith.constant dense<0xFF800000> : vector<1xf32>
    %reduce_max3A_242 = vector.multi_reduction <maximumf>, %reduce_max3A_240, %reduce_max3A_241 [1, 2] : vector<1x256x128xf32> to vector<1xf32>
    %reduce_max3A_243 = vector.shape_cast %reduce_max3A_242 : vector<1xf32> to vector<1x1x1xf32>
    %reduce_max3A_244 = vector.extract %reduce_max3A_243[0, 0, 0] : f32 from vector<1x1x1xf32>
    %eq3A_245 = vector.broadcast %reduce_max3A_244 : f32 to vector<256x128xf32>
    %eq3A_246 = arith.cmpf oeq, %sub3A_239, %eq3A_245 : vector<256x128xf32>
    %jit3A_247 = arith.constant 1073741824 : i32
    %broadcast_in_dim3A_248 = vector.broadcast %jit3A_247 : i32 to vector<256x128xi32>
    %select_n3A_249 = arith.select %eq3A_246, %add3A, %broadcast_in_dim3A_248 : vector<256x128xi1>, vector<256x128xi32>
    %reduce_min3A_250 = vector.shape_cast %select_n3A_249 : vector<256x128xi32> to vector<1x256x128xi32>
    %reduce_min3A_251 = arith.constant dense<2147483647> : vector<1xi32>
    %reduce_min3A_252 = vector.multi_reduction <minsi>, %reduce_min3A_250, %reduce_min3A_251 [1, 2] : vector<1x256x128xi32> to vector<1xi32>
    %reduce_min3A_253 = vector.shape_cast %reduce_min3A_252 : vector<1xi32> to vector<1x1x1xi32>
    %reduce_min3A_254 = vector.extract %reduce_min3A_253[0, 0, 0] : i32 from vector<1x1x1xi32>
    %eq3A_255 = vector.broadcast %reduce_min3A_254 : i32 to vector<256x128xi32>
    %eq3A_256 = arith.cmpi eq, %add3A, %eq3A_255 : vector<256x128xi32>
    %jit3A_257 = arith.constant 0.000000e+00 : f32
    %broadcast_in_dim3A_258 = vector.broadcast %jit3A_257 : f32 to vector<256x128xf32>
    %select_n3A_259 = arith.select %eq3A_256, %add3A_64, %broadcast_in_dim3A_258 : vector<256x128xi1>, vector<256x128xf32>
    %reduce_sum3A_260 = vector.shape_cast %select_n3A_259 : vector<256x128xf32> to vector<1x256x128xf32>
    %reduce_sum3A_261 = arith.constant dense<0.000000e+00> : vector<1xf32>
    %reduce_sum3A_262 = vector.multi_reduction <add>, %reduce_sum3A_260, %reduce_sum3A_261 [1, 2] : vector<1x256x128xf32> to vector<1xf32>
    %reduce_sum3A_263 = vector.shape_cast %reduce_sum3A_262 : vector<1xf32> to vector<1x1x1xf32>
    %reduce_sum3A_264 = vector.extract %reduce_sum3A_263[0, 0, 0] : f32 from vector<1x1x1xf32>
    %jit3A_265 = arith.constant 0.000000e+00 : f32
    %broadcast_in_dim3A_266 = vector.broadcast %jit3A_265 : f32 to vector<256x128xf32>
    %select_n3A_267 = arith.select %eq3A_256, %get3A_13, %broadcast_in_dim3A_266 : vector<256x128xi1>, vector<256x128xf32>
    %reduce_sum3A_268 = vector.shape_cast %select_n3A_267 : vector<256x128xf32> to vector<1x256x128xf32>
    %reduce_sum3A_269 = arith.constant dense<0.000000e+00> : vector<1xf32>
    %reduce_sum3A_270 = vector.multi_reduction <add>, %reduce_sum3A_268, %reduce_sum3A_269 [1, 2] : vector<1x256x128xf32> to vector<1xf32>
    %reduce_sum3A_271 = vector.shape_cast %reduce_sum3A_270 : vector<1xf32> to vector<1x1x1xf32>
    %reduce_sum3A_272 = vector.extract %reduce_sum3A_271[0, 0, 0] : f32 from vector<1x1x1xf32>
    %jit3A_273 = arith.constant 0.000000e+00 : f32
    %broadcast_in_dim3A_274 = vector.broadcast %jit3A_273 : f32 to vector<256x128xf32>
    %select_n3A_275 = arith.select %eq3A_256, %get3A_18, %broadcast_in_dim3A_274 : vector<256x128xi1>, vector<256x128xf32>
    %reduce_sum3A_276 = vector.shape_cast %select_n3A_275 : vector<256x128xf32> to vector<1x256x128xf32>
    %reduce_sum3A_277 = arith.constant dense<0.000000e+00> : vector<1xf32>
    %reduce_sum3A_278 = vector.multi_reduction <add>, %reduce_sum3A_276, %reduce_sum3A_277 [1, 2] : vector<1x256x128xf32> to vector<1xf32>
    %reduce_sum3A_279 = vector.shape_cast %reduce_sum3A_278 : vector<1xf32> to vector<1x1x1xf32>
    %reduce_sum3A_280 = vector.extract %reduce_sum3A_279[0, 0, 0] : f32 from vector<1x1x1xf32>
    %jit3A_281 = arith.constant 0.000000e+00 : f32
    %broadcast_in_dim3A_282 = vector.broadcast %jit3A_281 : f32 to vector<256x128xf32>
    %select_n3A_283 = arith.select %eq3A_256, %get3A_23, %broadcast_in_dim3A_282 : vector<256x128xi1>, vector<256x128xf32>
    %reduce_sum3A_284 = vector.shape_cast %select_n3A_283 : vector<256x128xf32> to vector<1x256x128xf32>
    %reduce_sum3A_285 = arith.constant dense<0.000000e+00> : vector<1xf32>
    %reduce_sum3A_286 = vector.multi_reduction <add>, %reduce_sum3A_284, %reduce_sum3A_285 [1, 2] : vector<1x256x128xf32> to vector<1xf32>
    %reduce_sum3A_287 = vector.shape_cast %reduce_sum3A_286 : vector<1xf32> to vector<1x1x1xf32>
    %reduce_sum3A_288 = vector.extract %reduce_sum3A_287[0, 0, 0] : f32 from vector<1x1x1xf32>
    %jit3A_289 = arith.constant 0.000000e+00 : f32
    %broadcast_in_dim3A_290 = vector.broadcast %jit3A_289 : f32 to vector<256x128xf32>
    %select_n3A_291 = arith.select %eq3A_256, %get3A_28, %broadcast_in_dim3A_290 : vector<256x128xi1>, vector<256x128xf32>
    %reduce_sum3A_292 = vector.shape_cast %select_n3A_291 : vector<256x128xf32> to vector<1x256x128xf32>
    %reduce_sum3A_293 = arith.constant dense<0.000000e+00> : vector<1xf32>
    %reduce_sum3A_294 = vector.multi_reduction <add>, %reduce_sum3A_292, %reduce_sum3A_293 [1, 2] : vector<1x256x128xf32> to vector<1xf32>
    %reduce_sum3A_295 = vector.shape_cast %reduce_sum3A_294 : vector<1xf32> to vector<1x1x1xf32>
    %reduce_sum3A_296 = vector.extract %reduce_sum3A_295[0, 0, 0] : f32 from vector<1x1x1xf32>
    %mul3A_297 = arith.constant 5.000000e-01 : f32
    %mul3A_298 = vector.broadcast %mul3A_297 : f32 to vector<256x128xf32>
    %mul3A_299 = arith.mulf %mul3A_298, %get3A_23 : vector<256x128xf32>
    %sub3A_300 = arith.subf %get3A_13, %mul3A_299 : vector<256x128xf32>
    %mul3A_301 = arith.constant 5.000000e-01 : f32
    %mul3A_302 = arith.mulf %mul3A_301, %reduce_sum3A_288 : f32
    %sub3A_303 = arith.subf %reduce_sum3A_272, %mul3A_302 : f32
    %max3A_304 = vector.broadcast %sub3A_303 : f32 to vector<256x128xf32>
    %max3A_305 = arith.maximumf %sub3A_300, %max3A_304 : vector<256x128xf32>
    %mul3A_306 = arith.constant 5.000000e-01 : f32
    %mul3A_307 = vector.broadcast %mul3A_306 : f32 to vector<256x128xf32>
    %mul3A_308 = arith.mulf %mul3A_307, %get3A_28 : vector<256x128xf32>
    %sub3A_309 = arith.subf %get3A_18, %mul3A_308 : vector<256x128xf32>
    %mul3A_310 = arith.constant 5.000000e-01 : f32
    %mul3A_311 = arith.mulf %mul3A_310, %reduce_sum3A_296 : f32
    %sub3A_312 = arith.subf %reduce_sum3A_280, %mul3A_311 : f32
    %max3A_313 = vector.broadcast %sub3A_312 : f32 to vector<256x128xf32>
    %max3A_314 = arith.maximumf %sub3A_309, %max3A_313 : vector<256x128xf32>
    %mul3A_315 = arith.constant 5.000000e-01 : f32
    %mul3A_316 = vector.broadcast %mul3A_315 : f32 to vector<256x128xf32>
    %mul3A_317 = arith.mulf %mul3A_316, %get3A_23 : vector<256x128xf32>
    %add3A_318 = arith.addf %get3A_13, %mul3A_317 : vector<256x128xf32>
    %mul3A_319 = arith.constant 5.000000e-01 : f32
    %mul3A_320 = arith.mulf %mul3A_319, %reduce_sum3A_288 : f32
    %add3A_321 = arith.addf %reduce_sum3A_272, %mul3A_320 : f32
    %min3A_322 = vector.broadcast %add3A_321 : f32 to vector<256x128xf32>
    %min3A_323 = arith.minimumf %add3A_318, %min3A_322 : vector<256x128xf32>
    %mul3A_324 = arith.constant 5.000000e-01 : f32
    %mul3A_325 = vector.broadcast %mul3A_324 : f32 to vector<256x128xf32>
    %mul3A_326 = arith.mulf %mul3A_325, %get3A_28 : vector<256x128xf32>
    %add3A_327 = arith.addf %get3A_18, %mul3A_326 : vector<256x128xf32>
    %mul3A_328 = arith.constant 5.000000e-01 : f32
    %mul3A_329 = arith.mulf %mul3A_328, %reduce_sum3A_296 : f32
    %add3A_330 = arith.addf %reduce_sum3A_280, %mul3A_329 : f32
    %min3A_331 = vector.broadcast %add3A_330 : f32 to vector<256x128xf32>
    %min3A_332 = arith.minimumf %add3A_327, %min3A_331 : vector<256x128xf32>
    %sub3A_333 = arith.subf %min3A_323, %max3A_305 : vector<256x128xf32>
    %max3A_334 = arith.constant 0.000000e+00 : f32
    %max3A_335 = vector.broadcast %max3A_334 : f32 to vector<256x128xf32>
    %max3A_336 = arith.maximumf %sub3A_333, %max3A_335 : vector<256x128xf32>
    %sub3A_337 = arith.subf %min3A_332, %max3A_314 : vector<256x128xf32>
    %max3A_338 = arith.constant 0.000000e+00 : f32
    %max3A_339 = vector.broadcast %max3A_338 : f32 to vector<256x128xf32>
    %max3A_340 = arith.maximumf %sub3A_337, %max3A_339 : vector<256x128xf32>
    %mul3A_341 = arith.mulf %max3A_336, %max3A_340 : vector<256x128xf32>
    %mul3A_342 = arith.mulf %get3A_23, %get3A_28 : vector<256x128xf32>
    %mul3A_343 = arith.mulf %reduce_sum3A_288, %reduce_sum3A_296 : f32
    %add3A_344 = vector.broadcast %mul3A_343 : f32 to vector<256x128xf32>
    %add3A_345 = arith.addf %mul3A_342, %add3A_344 : vector<256x128xf32>
    %sub3A_346 = arith.subf %add3A_345, %mul3A_341 : vector<256x128xf32>
    %max3A_347 = arith.constant 9.99999993E-9 : f32
    %max3A_348 = vector.broadcast %max3A_347 : f32 to vector<256x128xf32>
    %max3A_349 = arith.maximumf %sub3A_346, %max3A_348 : vector<256x128xf32>
    %div3A_350 = arith.divf %mul3A_341, %max3A_349 : vector<256x128xf32>
    %le3A_351 = arith.constant 2.000000e-01 : f32
    %le3A_352 = vector.broadcast %le3A_351 : f32 to vector<256x128xf32>
    %le3A_353 = arith.cmpf ole, %div3A_350, %le3A_352 : vector<256x128xf32>
    %convert_element_type3A_354 = arith.extui %le3A_353 : vector<256x128xi1> to vector<256x128xi32>
    %convert_element_type3A_355 = arith.sitofp %convert_element_type3A_354 : vector<256x128xi32> to vector<256x128xf32>
    %mul3A_356 = arith.mulf %mul3A_186, %convert_element_type3A_355 : vector<256x128xf32>
    %eq3A_357 = arith.constant 1 : i32
    %eq3A_358 = vector.broadcast %eq3A_357 : i32 to vector<8x128xi32>
    %eq3A_359 = arith.cmpi eq, %iota3A_69, %eq3A_358 : vector<8x128xi32>
    %eq3A_360 = arith.constant 0 : i32
    %eq3A_361 = vector.broadcast %eq3A_360 : i32 to vector<8x128xi32>
    %eq3A_362 = arith.cmpi eq, %iota3A_70, %eq3A_361 : vector<8x128xi32>
    %and3A_363 = arith.andi %eq3A_359, %eq3A_362 : vector<8x128xi1>
    %broadcast_in_dim3A_364 = vector.broadcast %reduce_sum3A_264 : f32 to vector<8x128xf32>
    %select_n3A_365 = arith.select %and3A_363, %broadcast_in_dim3A_364, %select_n3A_231 : vector<8x128xi1>, vector<8x128xf32>
    %eq3A_366 = arith.constant 1 : i32
    %eq3A_367 = vector.broadcast %eq3A_366 : i32 to vector<8x128xi32>
    %eq3A_368 = arith.cmpi eq, %iota3A_69, %eq3A_367 : vector<8x128xi32>
    %eq3A_369 = arith.constant 1 : i32
    %eq3A_370 = vector.broadcast %eq3A_369 : i32 to vector<8x128xi32>
    %eq3A_371 = arith.cmpi eq, %iota3A_70, %eq3A_370 : vector<8x128xi32>
    %and3A_372 = arith.andi %eq3A_368, %eq3A_371 : vector<8x128xi1>
    %broadcast_in_dim3A_373 = vector.broadcast %reduce_sum3A_272 : f32 to vector<8x128xf32>
    %select_n3A_374 = arith.select %and3A_372, %broadcast_in_dim3A_373, %select_n3A_365 : vector<8x128xi1>, vector<8x128xf32>
    %eq3A_375 = arith.constant 1 : i32
    %eq3A_376 = vector.broadcast %eq3A_375 : i32 to vector<8x128xi32>
    %eq3A_377 = arith.cmpi eq, %iota3A_69, %eq3A_376 : vector<8x128xi32>
    %eq3A_378 = arith.constant 2 : i32
    %eq3A_379 = vector.broadcast %eq3A_378 : i32 to vector<8x128xi32>
    %eq3A_380 = arith.cmpi eq, %iota3A_70, %eq3A_379 : vector<8x128xi32>
    %and3A_381 = arith.andi %eq3A_377, %eq3A_380 : vector<8x128xi1>
    %broadcast_in_dim3A_382 = vector.broadcast %reduce_sum3A_280 : f32 to vector<8x128xf32>
    %select_n3A_383 = arith.select %and3A_381, %broadcast_in_dim3A_382, %select_n3A_374 : vector<8x128xi1>, vector<8x128xf32>
    %eq3A_384 = arith.constant 1 : i32
    %eq3A_385 = vector.broadcast %eq3A_384 : i32 to vector<8x128xi32>
    %eq3A_386 = arith.cmpi eq, %iota3A_69, %eq3A_385 : vector<8x128xi32>
    %eq3A_387 = arith.constant 3 : i32
    %eq3A_388 = vector.broadcast %eq3A_387 : i32 to vector<8x128xi32>
    %eq3A_389 = arith.cmpi eq, %iota3A_70, %eq3A_388 : vector<8x128xi32>
    %and3A_390 = arith.andi %eq3A_386, %eq3A_389 : vector<8x128xi1>
    %broadcast_in_dim3A_391 = vector.broadcast %reduce_sum3A_288 : f32 to vector<8x128xf32>
    %select_n3A_392 = arith.select %and3A_390, %broadcast_in_dim3A_391, %select_n3A_383 : vector<8x128xi1>, vector<8x128xf32>
    %eq3A_393 = arith.constant 1 : i32
    %eq3A_394 = vector.broadcast %eq3A_393 : i32 to vector<8x128xi32>
    %eq3A_395 = arith.cmpi eq, %iota3A_69, %eq3A_394 : vector<8x128xi32>
    %eq3A_396 = arith.constant 4 : i32
    %eq3A_397 = vector.broadcast %eq3A_396 : i32 to vector<8x128xi32>
    %eq3A_398 = arith.cmpi eq, %iota3A_70, %eq3A_397 : vector<8x128xi32>
    %and3A_399 = arith.andi %eq3A_395, %eq3A_398 : vector<8x128xi1>
    %broadcast_in_dim3A_400 = vector.broadcast %reduce_sum3A_296 : f32 to vector<8x128xf32>
    %select_n3A_401 = arith.select %and3A_399, %broadcast_in_dim3A_400, %select_n3A_392 : vector<8x128xi1>, vector<8x128xf32>
    %mul3A_402 = arith.mulf %add3A_64, %mul3A_356 : vector<256x128xf32>
    %sub3A_403 = arith.constant 1.000000e+00 : f32
    %sub3A_404 = vector.broadcast %sub3A_403 : f32 to vector<256x128xf32>
    %sub3A_405 = arith.subf %sub3A_404, %mul3A_356 : vector<256x128xf32>
    %mul3A_406 = arith.constant 1.000000e+09 : f32
    %mul3A_407 = vector.broadcast %mul3A_406 : f32 to vector<256x128xf32>
    %mul3A_408 = arith.mulf %mul3A_407, %sub3A_405 : vector<256x128xf32>
    %sub3A_409 = arith.subf %mul3A_402, %mul3A_408 : vector<256x128xf32>
    %reduce_max3A_410 = vector.shape_cast %sub3A_409 : vector<256x128xf32> to vector<1x256x128xf32>
    %reduce_max3A_411 = arith.constant dense<0xFF800000> : vector<1xf32>
    %reduce_max3A_412 = vector.multi_reduction <maximumf>, %reduce_max3A_410, %reduce_max3A_411 [1, 2] : vector<1x256x128xf32> to vector<1xf32>
    %reduce_max3A_413 = vector.shape_cast %reduce_max3A_412 : vector<1xf32> to vector<1x1x1xf32>
    %reduce_max3A_414 = vector.extract %reduce_max3A_413[0, 0, 0] : f32 from vector<1x1x1xf32>
    %eq3A_415 = vector.broadcast %reduce_max3A_414 : f32 to vector<256x128xf32>
    %eq3A_416 = arith.cmpf oeq, %sub3A_409, %eq3A_415 : vector<256x128xf32>
    %jit3A_417 = arith.constant 1073741824 : i32
    %broadcast_in_dim3A_418 = vector.broadcast %jit3A_417 : i32 to vector<256x128xi32>
    %select_n3A_419 = arith.select %eq3A_416, %add3A, %broadcast_in_dim3A_418 : vector<256x128xi1>, vector<256x128xi32>
    %reduce_min3A_420 = vector.shape_cast %select_n3A_419 : vector<256x128xi32> to vector<1x256x128xi32>
    %reduce_min3A_421 = arith.constant dense<2147483647> : vector<1xi32>
    %reduce_min3A_422 = vector.multi_reduction <minsi>, %reduce_min3A_420, %reduce_min3A_421 [1, 2] : vector<1x256x128xi32> to vector<1xi32>
    %reduce_min3A_423 = vector.shape_cast %reduce_min3A_422 : vector<1xi32> to vector<1x1x1xi32>
    %reduce_min3A_424 = vector.extract %reduce_min3A_423[0, 0, 0] : i32 from vector<1x1x1xi32>
    %eq3A_425 = vector.broadcast %reduce_min3A_424 : i32 to vector<256x128xi32>
    %eq3A_426 = arith.cmpi eq, %add3A, %eq3A_425 : vector<256x128xi32>
    %jit3A_427 = arith.constant 0.000000e+00 : f32
    %broadcast_in_dim3A_428 = vector.broadcast %jit3A_427 : f32 to vector<256x128xf32>
    %select_n3A_429 = arith.select %eq3A_426, %add3A_64, %broadcast_in_dim3A_428 : vector<256x128xi1>, vector<256x128xf32>
    %reduce_sum3A_430 = vector.shape_cast %select_n3A_429 : vector<256x128xf32> to vector<1x256x128xf32>
    %reduce_sum3A_431 = arith.constant dense<0.000000e+00> : vector<1xf32>
    %reduce_sum3A_432 = vector.multi_reduction <add>, %reduce_sum3A_430, %reduce_sum3A_431 [1, 2] : vector<1x256x128xf32> to vector<1xf32>
    %reduce_sum3A_433 = vector.shape_cast %reduce_sum3A_432 : vector<1xf32> to vector<1x1x1xf32>
    %reduce_sum3A_434 = vector.extract %reduce_sum3A_433[0, 0, 0] : f32 from vector<1x1x1xf32>
    %jit3A_435 = arith.constant 0.000000e+00 : f32
    %broadcast_in_dim3A_436 = vector.broadcast %jit3A_435 : f32 to vector<256x128xf32>
    %select_n3A_437 = arith.select %eq3A_426, %get3A_13, %broadcast_in_dim3A_436 : vector<256x128xi1>, vector<256x128xf32>
    %reduce_sum3A_438 = vector.shape_cast %select_n3A_437 : vector<256x128xf32> to vector<1x256x128xf32>
    %reduce_sum3A_439 = arith.constant dense<0.000000e+00> : vector<1xf32>
    %reduce_sum3A_440 = vector.multi_reduction <add>, %reduce_sum3A_438, %reduce_sum3A_439 [1, 2] : vector<1x256x128xf32> to vector<1xf32>
    %reduce_sum3A_441 = vector.shape_cast %reduce_sum3A_440 : vector<1xf32> to vector<1x1x1xf32>
    %reduce_sum3A_442 = vector.extract %reduce_sum3A_441[0, 0, 0] : f32 from vector<1x1x1xf32>
    %jit3A_443 = arith.constant 0.000000e+00 : f32
    %broadcast_in_dim3A_444 = vector.broadcast %jit3A_443 : f32 to vector<256x128xf32>
    %select_n3A_445 = arith.select %eq3A_426, %get3A_18, %broadcast_in_dim3A_444 : vector<256x128xi1>, vector<256x128xf32>
    %reduce_sum3A_446 = vector.shape_cast %select_n3A_445 : vector<256x128xf32> to vector<1x256x128xf32>
    %reduce_sum3A_447 = arith.constant dense<0.000000e+00> : vector<1xf32>
    %reduce_sum3A_448 = vector.multi_reduction <add>, %reduce_sum3A_446, %reduce_sum3A_447 [1, 2] : vector<1x256x128xf32> to vector<1xf32>
    %reduce_sum3A_449 = vector.shape_cast %reduce_sum3A_448 : vector<1xf32> to vector<1x1x1xf32>
    %reduce_sum3A_450 = vector.extract %reduce_sum3A_449[0, 0, 0] : f32 from vector<1x1x1xf32>
    %jit3A_451 = arith.constant 0.000000e+00 : f32
    %broadcast_in_dim3A_452 = vector.broadcast %jit3A_451 : f32 to vector<256x128xf32>
    %select_n3A_453 = arith.select %eq3A_426, %get3A_23, %broadcast_in_dim3A_452 : vector<256x128xi1>, vector<256x128xf32>
    %reduce_sum3A_454 = vector.shape_cast %select_n3A_453 : vector<256x128xf32> to vector<1x256x128xf32>
    %reduce_sum3A_455 = arith.constant dense<0.000000e+00> : vector<1xf32>
    %reduce_sum3A_456 = vector.multi_reduction <add>, %reduce_sum3A_454, %reduce_sum3A_455 [1, 2] : vector<1x256x128xf32> to vector<1xf32>
    %reduce_sum3A_457 = vector.shape_cast %reduce_sum3A_456 : vector<1xf32> to vector<1x1x1xf32>
    %reduce_sum3A_458 = vector.extract %reduce_sum3A_457[0, 0, 0] : f32 from vector<1x1x1xf32>
    %jit3A_459 = arith.constant 0.000000e+00 : f32
    %broadcast_in_dim3A_460 = vector.broadcast %jit3A_459 : f32 to vector<256x128xf32>
    %select_n3A_461 = arith.select %eq3A_426, %get3A_28, %broadcast_in_dim3A_460 : vector<256x128xi1>, vector<256x128xf32>
    %reduce_sum3A_462 = vector.shape_cast %select_n3A_461 : vector<256x128xf32> to vector<1x256x128xf32>
    %reduce_sum3A_463 = arith.constant dense<0.000000e+00> : vector<1xf32>
    %reduce_sum3A_464 = vector.multi_reduction <add>, %reduce_sum3A_462, %reduce_sum3A_463 [1, 2] : vector<1x256x128xf32> to vector<1xf32>
    %reduce_sum3A_465 = vector.shape_cast %reduce_sum3A_464 : vector<1xf32> to vector<1x1x1xf32>
    %reduce_sum3A_466 = vector.extract %reduce_sum3A_465[0, 0, 0] : f32 from vector<1x1x1xf32>
    %mul3A_467 = arith.constant 5.000000e-01 : f32
    %mul3A_468 = vector.broadcast %mul3A_467 : f32 to vector<256x128xf32>
    %mul3A_469 = arith.mulf %mul3A_468, %get3A_23 : vector<256x128xf32>
    %sub3A_470 = arith.subf %get3A_13, %mul3A_469 : vector<256x128xf32>
    %mul3A_471 = arith.constant 5.000000e-01 : f32
    %mul3A_472 = arith.mulf %mul3A_471, %reduce_sum3A_458 : f32
    %sub3A_473 = arith.subf %reduce_sum3A_442, %mul3A_472 : f32
    %max3A_474 = vector.broadcast %sub3A_473 : f32 to vector<256x128xf32>
    %max3A_475 = arith.maximumf %sub3A_470, %max3A_474 : vector<256x128xf32>
    %mul3A_476 = arith.constant 5.000000e-01 : f32
    %mul3A_477 = vector.broadcast %mul3A_476 : f32 to vector<256x128xf32>
    %mul3A_478 = arith.mulf %mul3A_477, %get3A_28 : vector<256x128xf32>
    %sub3A_479 = arith.subf %get3A_18, %mul3A_478 : vector<256x128xf32>
    %mul3A_480 = arith.constant 5.000000e-01 : f32
    %mul3A_481 = arith.mulf %mul3A_480, %reduce_sum3A_466 : f32
    %sub3A_482 = arith.subf %reduce_sum3A_450, %mul3A_481 : f32
    %max3A_483 = vector.broadcast %sub3A_482 : f32 to vector<256x128xf32>
    %max3A_484 = arith.maximumf %sub3A_479, %max3A_483 : vector<256x128xf32>
    %mul3A_485 = arith.constant 5.000000e-01 : f32
    %mul3A_486 = vector.broadcast %mul3A_485 : f32 to vector<256x128xf32>
    %mul3A_487 = arith.mulf %mul3A_486, %get3A_23 : vector<256x128xf32>
    %add3A_488 = arith.addf %get3A_13, %mul3A_487 : vector<256x128xf32>
    %mul3A_489 = arith.constant 5.000000e-01 : f32
    %mul3A_490 = arith.mulf %mul3A_489, %reduce_sum3A_458 : f32
    %add3A_491 = arith.addf %reduce_sum3A_442, %mul3A_490 : f32
    %min3A_492 = vector.broadcast %add3A_491 : f32 to vector<256x128xf32>
    %min3A_493 = arith.minimumf %add3A_488, %min3A_492 : vector<256x128xf32>
    %mul3A_494 = arith.constant 5.000000e-01 : f32
    %mul3A_495 = vector.broadcast %mul3A_494 : f32 to vector<256x128xf32>
    %mul3A_496 = arith.mulf %mul3A_495, %get3A_28 : vector<256x128xf32>
    %add3A_497 = arith.addf %get3A_18, %mul3A_496 : vector<256x128xf32>
    %mul3A_498 = arith.constant 5.000000e-01 : f32
    %mul3A_499 = arith.mulf %mul3A_498, %reduce_sum3A_466 : f32
    %add3A_500 = arith.addf %reduce_sum3A_450, %mul3A_499 : f32
    %min3A_501 = vector.broadcast %add3A_500 : f32 to vector<256x128xf32>
    %min3A_502 = arith.minimumf %add3A_497, %min3A_501 : vector<256x128xf32>
    %sub3A_503 = arith.subf %min3A_493, %max3A_475 : vector<256x128xf32>
    %max3A_504 = arith.constant 0.000000e+00 : f32
    %max3A_505 = vector.broadcast %max3A_504 : f32 to vector<256x128xf32>
    %max3A_506 = arith.maximumf %sub3A_503, %max3A_505 : vector<256x128xf32>
    %sub3A_507 = arith.subf %min3A_502, %max3A_484 : vector<256x128xf32>
    %max3A_508 = arith.constant 0.000000e+00 : f32
    %max3A_509 = vector.broadcast %max3A_508 : f32 to vector<256x128xf32>
    %max3A_510 = arith.maximumf %sub3A_507, %max3A_509 : vector<256x128xf32>
    %mul3A_511 = arith.mulf %max3A_506, %max3A_510 : vector<256x128xf32>
    %mul3A_512 = arith.mulf %get3A_23, %get3A_28 : vector<256x128xf32>
    %mul3A_513 = arith.mulf %reduce_sum3A_458, %reduce_sum3A_466 : f32
    %add3A_514 = vector.broadcast %mul3A_513 : f32 to vector<256x128xf32>
    %add3A_515 = arith.addf %mul3A_512, %add3A_514 : vector<256x128xf32>
    %sub3A_516 = arith.subf %add3A_515, %mul3A_511 : vector<256x128xf32>
    %max3A_517 = arith.constant 9.99999993E-9 : f32
    %max3A_518 = vector.broadcast %max3A_517 : f32 to vector<256x128xf32>
    %max3A_519 = arith.maximumf %sub3A_516, %max3A_518 : vector<256x128xf32>
    %div3A_520 = arith.divf %mul3A_511, %max3A_519 : vector<256x128xf32>
    %le3A_521 = arith.constant 2.000000e-01 : f32
    %le3A_522 = vector.broadcast %le3A_521 : f32 to vector<256x128xf32>
    %le3A_523 = arith.cmpf ole, %div3A_520, %le3A_522 : vector<256x128xf32>
    %convert_element_type3A_524 = arith.extui %le3A_523 : vector<256x128xi1> to vector<256x128xi32>
    %convert_element_type3A_525 = arith.sitofp %convert_element_type3A_524 : vector<256x128xi32> to vector<256x128xf32>
    %mul3A_526 = arith.mulf %mul3A_356, %convert_element_type3A_525 : vector<256x128xf32>
    %eq3A_527 = arith.constant 2 : i32
    %eq3A_528 = vector.broadcast %eq3A_527 : i32 to vector<8x128xi32>
    %eq3A_529 = arith.cmpi eq, %iota3A_69, %eq3A_528 : vector<8x128xi32>
    %eq3A_530 = arith.constant 0 : i32
    %eq3A_531 = vector.broadcast %eq3A_530 : i32 to vector<8x128xi32>
    %eq3A_532 = arith.cmpi eq, %iota3A_70, %eq3A_531 : vector<8x128xi32>
    %and3A_533 = arith.andi %eq3A_529, %eq3A_532 : vector<8x128xi1>
    %broadcast_in_dim3A_534 = vector.broadcast %reduce_sum3A_434 : f32 to vector<8x128xf32>
    %select_n3A_535 = arith.select %and3A_533, %broadcast_in_dim3A_534, %select_n3A_401 : vector<8x128xi1>, vector<8x128xf32>
    %eq3A_536 = arith.constant 2 : i32
    %eq3A_537 = vector.broadcast %eq3A_536 : i32 to vector<8x128xi32>
    %eq3A_538 = arith.cmpi eq, %iota3A_69, %eq3A_537 : vector<8x128xi32>
    %eq3A_539 = arith.constant 1 : i32
    %eq3A_540 = vector.broadcast %eq3A_539 : i32 to vector<8x128xi32>
    %eq3A_541 = arith.cmpi eq, %iota3A_70, %eq3A_540 : vector<8x128xi32>
    %and3A_542 = arith.andi %eq3A_538, %eq3A_541 : vector<8x128xi1>
    %broadcast_in_dim3A_543 = vector.broadcast %reduce_sum3A_442 : f32 to vector<8x128xf32>
    %select_n3A_544 = arith.select %and3A_542, %broadcast_in_dim3A_543, %select_n3A_535 : vector<8x128xi1>, vector<8x128xf32>
    %eq3A_545 = arith.constant 2 : i32
    %eq3A_546 = vector.broadcast %eq3A_545 : i32 to vector<8x128xi32>
    %eq3A_547 = arith.cmpi eq, %iota3A_69, %eq3A_546 : vector<8x128xi32>
    %eq3A_548 = arith.constant 2 : i32
    %eq3A_549 = vector.broadcast %eq3A_548 : i32 to vector<8x128xi32>
    %eq3A_550 = arith.cmpi eq, %iota3A_70, %eq3A_549 : vector<8x128xi32>
    %and3A_551 = arith.andi %eq3A_547, %eq3A_550 : vector<8x128xi1>
    %broadcast_in_dim3A_552 = vector.broadcast %reduce_sum3A_450 : f32 to vector<8x128xf32>
    %select_n3A_553 = arith.select %and3A_551, %broadcast_in_dim3A_552, %select_n3A_544 : vector<8x128xi1>, vector<8x128xf32>
    %eq3A_554 = arith.constant 2 : i32
    %eq3A_555 = vector.broadcast %eq3A_554 : i32 to vector<8x128xi32>
    %eq3A_556 = arith.cmpi eq, %iota3A_69, %eq3A_555 : vector<8x128xi32>
    %eq3A_557 = arith.constant 3 : i32
    %eq3A_558 = vector.broadcast %eq3A_557 : i32 to vector<8x128xi32>
    %eq3A_559 = arith.cmpi eq, %iota3A_70, %eq3A_558 : vector<8x128xi32>
    %and3A_560 = arith.andi %eq3A_556, %eq3A_559 : vector<8x128xi1>
    %broadcast_in_dim3A_561 = vector.broadcast %reduce_sum3A_458 : f32 to vector<8x128xf32>
    %select_n3A_562 = arith.select %and3A_560, %broadcast_in_dim3A_561, %select_n3A_553 : vector<8x128xi1>, vector<8x128xf32>
    %eq3A_563 = arith.constant 2 : i32
    %eq3A_564 = vector.broadcast %eq3A_563 : i32 to vector<8x128xi32>
    %eq3A_565 = arith.cmpi eq, %iota3A_69, %eq3A_564 : vector<8x128xi32>
    %eq3A_566 = arith.constant 4 : i32
    %eq3A_567 = vector.broadcast %eq3A_566 : i32 to vector<8x128xi32>
    %eq3A_568 = arith.cmpi eq, %iota3A_70, %eq3A_567 : vector<8x128xi32>
    %and3A_569 = arith.andi %eq3A_565, %eq3A_568 : vector<8x128xi1>
    %broadcast_in_dim3A_570 = vector.broadcast %reduce_sum3A_466 : f32 to vector<8x128xf32>
    %select_n3A_571 = arith.select %and3A_569, %broadcast_in_dim3A_570, %select_n3A_562 : vector<8x128xi1>, vector<8x128xf32>
    %mul3A_572 = arith.mulf %add3A_64, %mul3A_526 : vector<256x128xf32>
    %sub3A_573 = arith.constant 1.000000e+00 : f32
    %sub3A_574 = vector.broadcast %sub3A_573 : f32 to vector<256x128xf32>
    %sub3A_575 = arith.subf %sub3A_574, %mul3A_526 : vector<256x128xf32>
    %mul3A_576 = arith.constant 1.000000e+09 : f32
    %mul3A_577 = vector.broadcast %mul3A_576 : f32 to vector<256x128xf32>
    %mul3A_578 = arith.mulf %mul3A_577, %sub3A_575 : vector<256x128xf32>
    %sub3A_579 = arith.subf %mul3A_572, %mul3A_578 : vector<256x128xf32>
    %reduce_max3A_580 = vector.shape_cast %sub3A_579 : vector<256x128xf32> to vector<1x256x128xf32>
    %reduce_max3A_581 = arith.constant dense<0xFF800000> : vector<1xf32>
    %reduce_max3A_582 = vector.multi_reduction <maximumf>, %reduce_max3A_580, %reduce_max3A_581 [1, 2] : vector<1x256x128xf32> to vector<1xf32>
    %reduce_max3A_583 = vector.shape_cast %reduce_max3A_582 : vector<1xf32> to vector<1x1x1xf32>
    %reduce_max3A_584 = vector.extract %reduce_max3A_583[0, 0, 0] : f32 from vector<1x1x1xf32>
    %eq3A_585 = vector.broadcast %reduce_max3A_584 : f32 to vector<256x128xf32>
    %eq3A_586 = arith.cmpf oeq, %sub3A_579, %eq3A_585 : vector<256x128xf32>
    %jit3A_587 = arith.constant 1073741824 : i32
    %broadcast_in_dim3A_588 = vector.broadcast %jit3A_587 : i32 to vector<256x128xi32>
    %select_n3A_589 = arith.select %eq3A_586, %add3A, %broadcast_in_dim3A_588 : vector<256x128xi1>, vector<256x128xi32>
    %reduce_min3A_590 = vector.shape_cast %select_n3A_589 : vector<256x128xi32> to vector<1x256x128xi32>
    %reduce_min3A_591 = arith.constant dense<2147483647> : vector<1xi32>
    %reduce_min3A_592 = vector.multi_reduction <minsi>, %reduce_min3A_590, %reduce_min3A_591 [1, 2] : vector<1x256x128xi32> to vector<1xi32>
    %reduce_min3A_593 = vector.shape_cast %reduce_min3A_592 : vector<1xi32> to vector<1x1x1xi32>
    %reduce_min3A_594 = vector.extract %reduce_min3A_593[0, 0, 0] : i32 from vector<1x1x1xi32>
    %eq3A_595 = vector.broadcast %reduce_min3A_594 : i32 to vector<256x128xi32>
    %eq3A_596 = arith.cmpi eq, %add3A, %eq3A_595 : vector<256x128xi32>
    %jit3A_597 = arith.constant 0.000000e+00 : f32
    %broadcast_in_dim3A_598 = vector.broadcast %jit3A_597 : f32 to vector<256x128xf32>
    %select_n3A_599 = arith.select %eq3A_596, %add3A_64, %broadcast_in_dim3A_598 : vector<256x128xi1>, vector<256x128xf32>
    %reduce_sum3A_600 = vector.shape_cast %select_n3A_599 : vector<256x128xf32> to vector<1x256x128xf32>
    %reduce_sum3A_601 = arith.constant dense<0.000000e+00> : vector<1xf32>
    %reduce_sum3A_602 = vector.multi_reduction <add>, %reduce_sum3A_600, %reduce_sum3A_601 [1, 2] : vector<1x256x128xf32> to vector<1xf32>
    %reduce_sum3A_603 = vector.shape_cast %reduce_sum3A_602 : vector<1xf32> to vector<1x1x1xf32>
    %reduce_sum3A_604 = vector.extract %reduce_sum3A_603[0, 0, 0] : f32 from vector<1x1x1xf32>
    %jit3A_605 = arith.constant 0.000000e+00 : f32
    %broadcast_in_dim3A_606 = vector.broadcast %jit3A_605 : f32 to vector<256x128xf32>
    %select_n3A_607 = arith.select %eq3A_596, %get3A_13, %broadcast_in_dim3A_606 : vector<256x128xi1>, vector<256x128xf32>
    %reduce_sum3A_608 = vector.shape_cast %select_n3A_607 : vector<256x128xf32> to vector<1x256x128xf32>
    %reduce_sum3A_609 = arith.constant dense<0.000000e+00> : vector<1xf32>
    %reduce_sum3A_610 = vector.multi_reduction <add>, %reduce_sum3A_608, %reduce_sum3A_609 [1, 2] : vector<1x256x128xf32> to vector<1xf32>
    %reduce_sum3A_611 = vector.shape_cast %reduce_sum3A_610 : vector<1xf32> to vector<1x1x1xf32>
    %reduce_sum3A_612 = vector.extract %reduce_sum3A_611[0, 0, 0] : f32 from vector<1x1x1xf32>
    %jit3A_613 = arith.constant 0.000000e+00 : f32
    %broadcast_in_dim3A_614 = vector.broadcast %jit3A_613 : f32 to vector<256x128xf32>
    %select_n3A_615 = arith.select %eq3A_596, %get3A_18, %broadcast_in_dim3A_614 : vector<256x128xi1>, vector<256x128xf32>
    %reduce_sum3A_616 = vector.shape_cast %select_n3A_615 : vector<256x128xf32> to vector<1x256x128xf32>
    %reduce_sum3A_617 = arith.constant dense<0.000000e+00> : vector<1xf32>
    %reduce_sum3A_618 = vector.multi_reduction <add>, %reduce_sum3A_616, %reduce_sum3A_617 [1, 2] : vector<1x256x128xf32> to vector<1xf32>
    %reduce_sum3A_619 = vector.shape_cast %reduce_sum3A_618 : vector<1xf32> to vector<1x1x1xf32>
    %reduce_sum3A_620 = vector.extract %reduce_sum3A_619[0, 0, 0] : f32 from vector<1x1x1xf32>
    %jit3A_621 = arith.constant 0.000000e+00 : f32
    %broadcast_in_dim3A_622 = vector.broadcast %jit3A_621 : f32 to vector<256x128xf32>
    %select_n3A_623 = arith.select %eq3A_596, %get3A_23, %broadcast_in_dim3A_622 : vector<256x128xi1>, vector<256x128xf32>
    %reduce_sum3A_624 = vector.shape_cast %select_n3A_623 : vector<256x128xf32> to vector<1x256x128xf32>
    %reduce_sum3A_625 = arith.constant dense<0.000000e+00> : vector<1xf32>
    %reduce_sum3A_626 = vector.multi_reduction <add>, %reduce_sum3A_624, %reduce_sum3A_625 [1, 2] : vector<1x256x128xf32> to vector<1xf32>
    %reduce_sum3A_627 = vector.shape_cast %reduce_sum3A_626 : vector<1xf32> to vector<1x1x1xf32>
    %reduce_sum3A_628 = vector.extract %reduce_sum3A_627[0, 0, 0] : f32 from vector<1x1x1xf32>
    %jit3A_629 = arith.constant 0.000000e+00 : f32
    %broadcast_in_dim3A_630 = vector.broadcast %jit3A_629 : f32 to vector<256x128xf32>
    %select_n3A_631 = arith.select %eq3A_596, %get3A_28, %broadcast_in_dim3A_630 : vector<256x128xi1>, vector<256x128xf32>
    %reduce_sum3A_632 = vector.shape_cast %select_n3A_631 : vector<256x128xf32> to vector<1x256x128xf32>
    %reduce_sum3A_633 = arith.constant dense<0.000000e+00> : vector<1xf32>
    %reduce_sum3A_634 = vector.multi_reduction <add>, %reduce_sum3A_632, %reduce_sum3A_633 [1, 2] : vector<1x256x128xf32> to vector<1xf32>
    %reduce_sum3A_635 = vector.shape_cast %reduce_sum3A_634 : vector<1xf32> to vector<1x1x1xf32>
    %reduce_sum3A_636 = vector.extract %reduce_sum3A_635[0, 0, 0] : f32 from vector<1x1x1xf32>
    %mul3A_637 = arith.constant 5.000000e-01 : f32
    %mul3A_638 = vector.broadcast %mul3A_637 : f32 to vector<256x128xf32>
    %mul3A_639 = arith.mulf %mul3A_638, %get3A_23 : vector<256x128xf32>
    %sub3A_640 = arith.subf %get3A_13, %mul3A_639 : vector<256x128xf32>
    %mul3A_641 = arith.constant 5.000000e-01 : f32
    %mul3A_642 = arith.mulf %mul3A_641, %reduce_sum3A_628 : f32
    %sub3A_643 = arith.subf %reduce_sum3A_612, %mul3A_642 : f32
    %max3A_644 = vector.broadcast %sub3A_643 : f32 to vector<256x128xf32>
    %max3A_645 = arith.maximumf %sub3A_640, %max3A_644 : vector<256x128xf32>
    %mul3A_646 = arith.constant 5.000000e-01 : f32
    %mul3A_647 = vector.broadcast %mul3A_646 : f32 to vector<256x128xf32>
    %mul3A_648 = arith.mulf %mul3A_647, %get3A_28 : vector<256x128xf32>
    %sub3A_649 = arith.subf %get3A_18, %mul3A_648 : vector<256x128xf32>
    %mul3A_650 = arith.constant 5.000000e-01 : f32
    %mul3A_651 = arith.mulf %mul3A_650, %reduce_sum3A_636 : f32
    %sub3A_652 = arith.subf %reduce_sum3A_620, %mul3A_651 : f32
    %max3A_653 = vector.broadcast %sub3A_652 : f32 to vector<256x128xf32>
    %max3A_654 = arith.maximumf %sub3A_649, %max3A_653 : vector<256x128xf32>
    %mul3A_655 = arith.constant 5.000000e-01 : f32
    %mul3A_656 = vector.broadcast %mul3A_655 : f32 to vector<256x128xf32>
    %mul3A_657 = arith.mulf %mul3A_656, %get3A_23 : vector<256x128xf32>
    %add3A_658 = arith.addf %get3A_13, %mul3A_657 : vector<256x128xf32>
    %mul3A_659 = arith.constant 5.000000e-01 : f32
    %mul3A_660 = arith.mulf %mul3A_659, %reduce_sum3A_628 : f32
    %add3A_661 = arith.addf %reduce_sum3A_612, %mul3A_660 : f32
    %min3A_662 = vector.broadcast %add3A_661 : f32 to vector<256x128xf32>
    %min3A_663 = arith.minimumf %add3A_658, %min3A_662 : vector<256x128xf32>
    %mul3A_664 = arith.constant 5.000000e-01 : f32
    %mul3A_665 = vector.broadcast %mul3A_664 : f32 to vector<256x128xf32>
    %mul3A_666 = arith.mulf %mul3A_665, %get3A_28 : vector<256x128xf32>
    %add3A_667 = arith.addf %get3A_18, %mul3A_666 : vector<256x128xf32>
    %mul3A_668 = arith.constant 5.000000e-01 : f32
    %mul3A_669 = arith.mulf %mul3A_668, %reduce_sum3A_636 : f32
    %add3A_670 = arith.addf %reduce_sum3A_620, %mul3A_669 : f32
    %min3A_671 = vector.broadcast %add3A_670 : f32 to vector<256x128xf32>
    %min3A_672 = arith.minimumf %add3A_667, %min3A_671 : vector<256x128xf32>
    %sub3A_673 = arith.subf %min3A_663, %max3A_645 : vector<256x128xf32>
    %max3A_674 = arith.constant 0.000000e+00 : f32
    %max3A_675 = vector.broadcast %max3A_674 : f32 to vector<256x128xf32>
    %max3A_676 = arith.maximumf %sub3A_673, %max3A_675 : vector<256x128xf32>
    %sub3A_677 = arith.subf %min3A_672, %max3A_654 : vector<256x128xf32>
    %max3A_678 = arith.constant 0.000000e+00 : f32
    %max3A_679 = vector.broadcast %max3A_678 : f32 to vector<256x128xf32>
    %max3A_680 = arith.maximumf %sub3A_677, %max3A_679 : vector<256x128xf32>
    %mul3A_681 = arith.mulf %max3A_676, %max3A_680 : vector<256x128xf32>
    %mul3A_682 = arith.mulf %get3A_23, %get3A_28 : vector<256x128xf32>
    %mul3A_683 = arith.mulf %reduce_sum3A_628, %reduce_sum3A_636 : f32
    %add3A_684 = vector.broadcast %mul3A_683 : f32 to vector<256x128xf32>
    %add3A_685 = arith.addf %mul3A_682, %add3A_684 : vector<256x128xf32>
    %sub3A_686 = arith.subf %add3A_685, %mul3A_681 : vector<256x128xf32>
    %max3A_687 = arith.constant 9.99999993E-9 : f32
    %max3A_688 = vector.broadcast %max3A_687 : f32 to vector<256x128xf32>
    %max3A_689 = arith.maximumf %sub3A_686, %max3A_688 : vector<256x128xf32>
    %div3A_690 = arith.divf %mul3A_681, %max3A_689 : vector<256x128xf32>
    %le3A_691 = arith.constant 2.000000e-01 : f32
    %le3A_692 = vector.broadcast %le3A_691 : f32 to vector<256x128xf32>
    %le3A_693 = arith.cmpf ole, %div3A_690, %le3A_692 : vector<256x128xf32>
    %convert_element_type3A_694 = arith.extui %le3A_693 : vector<256x128xi1> to vector<256x128xi32>
    %convert_element_type3A_695 = arith.sitofp %convert_element_type3A_694 : vector<256x128xi32> to vector<256x128xf32>
    %mul3A_696 = arith.mulf %mul3A_526, %convert_element_type3A_695 : vector<256x128xf32>
    %eq3A_697 = arith.constant 3 : i32
    %eq3A_698 = vector.broadcast %eq3A_697 : i32 to vector<8x128xi32>
    %eq3A_699 = arith.cmpi eq, %iota3A_69, %eq3A_698 : vector<8x128xi32>
    %eq3A_700 = arith.constant 0 : i32
    %eq3A_701 = vector.broadcast %eq3A_700 : i32 to vector<8x128xi32>
    %eq3A_702 = arith.cmpi eq, %iota3A_70, %eq3A_701 : vector<8x128xi32>
    %and3A_703 = arith.andi %eq3A_699, %eq3A_702 : vector<8x128xi1>
    %broadcast_in_dim3A_704 = vector.broadcast %reduce_sum3A_604 : f32 to vector<8x128xf32>
    %select_n3A_705 = arith.select %and3A_703, %broadcast_in_dim3A_704, %select_n3A_571 : vector<8x128xi1>, vector<8x128xf32>
    %eq3A_706 = arith.constant 3 : i32
    %eq3A_707 = vector.broadcast %eq3A_706 : i32 to vector<8x128xi32>
    %eq3A_708 = arith.cmpi eq, %iota3A_69, %eq3A_707 : vector<8x128xi32>
    %eq3A_709 = arith.constant 1 : i32
    %eq3A_710 = vector.broadcast %eq3A_709 : i32 to vector<8x128xi32>
    %eq3A_711 = arith.cmpi eq, %iota3A_70, %eq3A_710 : vector<8x128xi32>
    %and3A_712 = arith.andi %eq3A_708, %eq3A_711 : vector<8x128xi1>
    %broadcast_in_dim3A_713 = vector.broadcast %reduce_sum3A_612 : f32 to vector<8x128xf32>
    %select_n3A_714 = arith.select %and3A_712, %broadcast_in_dim3A_713, %select_n3A_705 : vector<8x128xi1>, vector<8x128xf32>
    %eq3A_715 = arith.constant 3 : i32
    %eq3A_716 = vector.broadcast %eq3A_715 : i32 to vector<8x128xi32>
    %eq3A_717 = arith.cmpi eq, %iota3A_69, %eq3A_716 : vector<8x128xi32>
    %eq3A_718 = arith.constant 2 : i32
    %eq3A_719 = vector.broadcast %eq3A_718 : i32 to vector<8x128xi32>
    %eq3A_720 = arith.cmpi eq, %iota3A_70, %eq3A_719 : vector<8x128xi32>
    %and3A_721 = arith.andi %eq3A_717, %eq3A_720 : vector<8x128xi1>
    %broadcast_in_dim3A_722 = vector.broadcast %reduce_sum3A_620 : f32 to vector<8x128xf32>
    %select_n3A_723 = arith.select %and3A_721, %broadcast_in_dim3A_722, %select_n3A_714 : vector<8x128xi1>, vector<8x128xf32>
    %eq3A_724 = arith.constant 3 : i32
    %eq3A_725 = vector.broadcast %eq3A_724 : i32 to vector<8x128xi32>
    %eq3A_726 = arith.cmpi eq, %iota3A_69, %eq3A_725 : vector<8x128xi32>
    %eq3A_727 = arith.constant 3 : i32
    %eq3A_728 = vector.broadcast %eq3A_727 : i32 to vector<8x128xi32>
    %eq3A_729 = arith.cmpi eq, %iota3A_70, %eq3A_728 : vector<8x128xi32>
    %and3A_730 = arith.andi %eq3A_726, %eq3A_729 : vector<8x128xi1>
    %broadcast_in_dim3A_731 = vector.broadcast %reduce_sum3A_628 : f32 to vector<8x128xf32>
    %select_n3A_732 = arith.select %and3A_730, %broadcast_in_dim3A_731, %select_n3A_723 : vector<8x128xi1>, vector<8x128xf32>
    %eq3A_733 = arith.constant 3 : i32
    %eq3A_734 = vector.broadcast %eq3A_733 : i32 to vector<8x128xi32>
    %eq3A_735 = arith.cmpi eq, %iota3A_69, %eq3A_734 : vector<8x128xi32>
    %eq3A_736 = arith.constant 4 : i32
    %eq3A_737 = vector.broadcast %eq3A_736 : i32 to vector<8x128xi32>
    %eq3A_738 = arith.cmpi eq, %iota3A_70, %eq3A_737 : vector<8x128xi32>
    %and3A_739 = arith.andi %eq3A_735, %eq3A_738 : vector<8x128xi1>
    %broadcast_in_dim3A_740 = vector.broadcast %reduce_sum3A_636 : f32 to vector<8x128xf32>
    %select_n3A_741 = arith.select %and3A_739, %broadcast_in_dim3A_740, %select_n3A_732 : vector<8x128xi1>, vector<8x128xf32>
    %mul3A_742 = arith.mulf %add3A_64, %mul3A_696 : vector<256x128xf32>
    %sub3A_743 = arith.constant 1.000000e+00 : f32
    %sub3A_744 = vector.broadcast %sub3A_743 : f32 to vector<256x128xf32>
    %sub3A_745 = arith.subf %sub3A_744, %mul3A_696 : vector<256x128xf32>
    %mul3A_746 = arith.constant 1.000000e+09 : f32
    %mul3A_747 = vector.broadcast %mul3A_746 : f32 to vector<256x128xf32>
    %mul3A_748 = arith.mulf %mul3A_747, %sub3A_745 : vector<256x128xf32>
    %sub3A_749 = arith.subf %mul3A_742, %mul3A_748 : vector<256x128xf32>
    %reduce_max3A_750 = vector.shape_cast %sub3A_749 : vector<256x128xf32> to vector<1x256x128xf32>
    %reduce_max3A_751 = arith.constant dense<0xFF800000> : vector<1xf32>
    %reduce_max3A_752 = vector.multi_reduction <maximumf>, %reduce_max3A_750, %reduce_max3A_751 [1, 2] : vector<1x256x128xf32> to vector<1xf32>
    %reduce_max3A_753 = vector.shape_cast %reduce_max3A_752 : vector<1xf32> to vector<1x1x1xf32>
    %reduce_max3A_754 = vector.extract %reduce_max3A_753[0, 0, 0] : f32 from vector<1x1x1xf32>
    %eq3A_755 = vector.broadcast %reduce_max3A_754 : f32 to vector<256x128xf32>
    %eq3A_756 = arith.cmpf oeq, %sub3A_749, %eq3A_755 : vector<256x128xf32>
    %jit3A_757 = arith.constant 1073741824 : i32
    %broadcast_in_dim3A_758 = vector.broadcast %jit3A_757 : i32 to vector<256x128xi32>
    %select_n3A_759 = arith.select %eq3A_756, %add3A, %broadcast_in_dim3A_758 : vector<256x128xi1>, vector<256x128xi32>
    %reduce_min3A_760 = vector.shape_cast %select_n3A_759 : vector<256x128xi32> to vector<1x256x128xi32>
    %reduce_min3A_761 = arith.constant dense<2147483647> : vector<1xi32>
    %reduce_min3A_762 = vector.multi_reduction <minsi>, %reduce_min3A_760, %reduce_min3A_761 [1, 2] : vector<1x256x128xi32> to vector<1xi32>
    %reduce_min3A_763 = vector.shape_cast %reduce_min3A_762 : vector<1xi32> to vector<1x1x1xi32>
    %reduce_min3A_764 = vector.extract %reduce_min3A_763[0, 0, 0] : i32 from vector<1x1x1xi32>
    %eq3A_765 = vector.broadcast %reduce_min3A_764 : i32 to vector<256x128xi32>
    %eq3A_766 = arith.cmpi eq, %add3A, %eq3A_765 : vector<256x128xi32>
    %jit3A_767 = arith.constant 0.000000e+00 : f32
    %broadcast_in_dim3A_768 = vector.broadcast %jit3A_767 : f32 to vector<256x128xf32>
    %select_n3A_769 = arith.select %eq3A_766, %add3A_64, %broadcast_in_dim3A_768 : vector<256x128xi1>, vector<256x128xf32>
    %reduce_sum3A_770 = vector.shape_cast %select_n3A_769 : vector<256x128xf32> to vector<1x256x128xf32>
    %reduce_sum3A_771 = arith.constant dense<0.000000e+00> : vector<1xf32>
    %reduce_sum3A_772 = vector.multi_reduction <add>, %reduce_sum3A_770, %reduce_sum3A_771 [1, 2] : vector<1x256x128xf32> to vector<1xf32>
    %reduce_sum3A_773 = vector.shape_cast %reduce_sum3A_772 : vector<1xf32> to vector<1x1x1xf32>
    %reduce_sum3A_774 = vector.extract %reduce_sum3A_773[0, 0, 0] : f32 from vector<1x1x1xf32>
    %jit3A_775 = arith.constant 0.000000e+00 : f32
    %broadcast_in_dim3A_776 = vector.broadcast %jit3A_775 : f32 to vector<256x128xf32>
    %select_n3A_777 = arith.select %eq3A_766, %get3A_13, %broadcast_in_dim3A_776 : vector<256x128xi1>, vector<256x128xf32>
    %reduce_sum3A_778 = vector.shape_cast %select_n3A_777 : vector<256x128xf32> to vector<1x256x128xf32>
    %reduce_sum3A_779 = arith.constant dense<0.000000e+00> : vector<1xf32>
    %reduce_sum3A_780 = vector.multi_reduction <add>, %reduce_sum3A_778, %reduce_sum3A_779 [1, 2] : vector<1x256x128xf32> to vector<1xf32>
    %reduce_sum3A_781 = vector.shape_cast %reduce_sum3A_780 : vector<1xf32> to vector<1x1x1xf32>
    %reduce_sum3A_782 = vector.extract %reduce_sum3A_781[0, 0, 0] : f32 from vector<1x1x1xf32>
    %jit3A_783 = arith.constant 0.000000e+00 : f32
    %broadcast_in_dim3A_784 = vector.broadcast %jit3A_783 : f32 to vector<256x128xf32>
    %select_n3A_785 = arith.select %eq3A_766, %get3A_18, %broadcast_in_dim3A_784 : vector<256x128xi1>, vector<256x128xf32>
    %reduce_sum3A_786 = vector.shape_cast %select_n3A_785 : vector<256x128xf32> to vector<1x256x128xf32>
    %reduce_sum3A_787 = arith.constant dense<0.000000e+00> : vector<1xf32>
    %reduce_sum3A_788 = vector.multi_reduction <add>, %reduce_sum3A_786, %reduce_sum3A_787 [1, 2] : vector<1x256x128xf32> to vector<1xf32>
    %reduce_sum3A_789 = vector.shape_cast %reduce_sum3A_788 : vector<1xf32> to vector<1x1x1xf32>
    %reduce_sum3A_790 = vector.extract %reduce_sum3A_789[0, 0, 0] : f32 from vector<1x1x1xf32>
    %jit3A_791 = arith.constant 0.000000e+00 : f32
    %broadcast_in_dim3A_792 = vector.broadcast %jit3A_791 : f32 to vector<256x128xf32>
    %select_n3A_793 = arith.select %eq3A_766, %get3A_23, %broadcast_in_dim3A_792 : vector<256x128xi1>, vector<256x128xf32>
    %reduce_sum3A_794 = vector.shape_cast %select_n3A_793 : vector<256x128xf32> to vector<1x256x128xf32>
    %reduce_sum3A_795 = arith.constant dense<0.000000e+00> : vector<1xf32>
    %reduce_sum3A_796 = vector.multi_reduction <add>, %reduce_sum3A_794, %reduce_sum3A_795 [1, 2] : vector<1x256x128xf32> to vector<1xf32>
    %reduce_sum3A_797 = vector.shape_cast %reduce_sum3A_796 : vector<1xf32> to vector<1x1x1xf32>
    %reduce_sum3A_798 = vector.extract %reduce_sum3A_797[0, 0, 0] : f32 from vector<1x1x1xf32>
    %jit3A_799 = arith.constant 0.000000e+00 : f32
    %broadcast_in_dim3A_800 = vector.broadcast %jit3A_799 : f32 to vector<256x128xf32>
    %select_n3A_801 = arith.select %eq3A_766, %get3A_28, %broadcast_in_dim3A_800 : vector<256x128xi1>, vector<256x128xf32>
    %reduce_sum3A_802 = vector.shape_cast %select_n3A_801 : vector<256x128xf32> to vector<1x256x128xf32>
    %reduce_sum3A_803 = arith.constant dense<0.000000e+00> : vector<1xf32>
    %reduce_sum3A_804 = vector.multi_reduction <add>, %reduce_sum3A_802, %reduce_sum3A_803 [1, 2] : vector<1x256x128xf32> to vector<1xf32>
    %reduce_sum3A_805 = vector.shape_cast %reduce_sum3A_804 : vector<1xf32> to vector<1x1x1xf32>
    %reduce_sum3A_806 = vector.extract %reduce_sum3A_805[0, 0, 0] : f32 from vector<1x1x1xf32>
    %mul3A_807 = arith.constant 5.000000e-01 : f32
    %mul3A_808 = vector.broadcast %mul3A_807 : f32 to vector<256x128xf32>
    %mul3A_809 = arith.mulf %mul3A_808, %get3A_23 : vector<256x128xf32>
    %sub3A_810 = arith.subf %get3A_13, %mul3A_809 : vector<256x128xf32>
    %mul3A_811 = arith.constant 5.000000e-01 : f32
    %mul3A_812 = arith.mulf %mul3A_811, %reduce_sum3A_798 : f32
    %sub3A_813 = arith.subf %reduce_sum3A_782, %mul3A_812 : f32
    %max3A_814 = vector.broadcast %sub3A_813 : f32 to vector<256x128xf32>
    %max3A_815 = arith.maximumf %sub3A_810, %max3A_814 : vector<256x128xf32>
    %mul3A_816 = arith.constant 5.000000e-01 : f32
    %mul3A_817 = vector.broadcast %mul3A_816 : f32 to vector<256x128xf32>
    %mul3A_818 = arith.mulf %mul3A_817, %get3A_28 : vector<256x128xf32>
    %sub3A_819 = arith.subf %get3A_18, %mul3A_818 : vector<256x128xf32>
    %mul3A_820 = arith.constant 5.000000e-01 : f32
    %mul3A_821 = arith.mulf %mul3A_820, %reduce_sum3A_806 : f32
    %sub3A_822 = arith.subf %reduce_sum3A_790, %mul3A_821 : f32
    %max3A_823 = vector.broadcast %sub3A_822 : f32 to vector<256x128xf32>
    %max3A_824 = arith.maximumf %sub3A_819, %max3A_823 : vector<256x128xf32>
    %mul3A_825 = arith.constant 5.000000e-01 : f32
    %mul3A_826 = vector.broadcast %mul3A_825 : f32 to vector<256x128xf32>
    %mul3A_827 = arith.mulf %mul3A_826, %get3A_23 : vector<256x128xf32>
    %add3A_828 = arith.addf %get3A_13, %mul3A_827 : vector<256x128xf32>
    %mul3A_829 = arith.constant 5.000000e-01 : f32
    %mul3A_830 = arith.mulf %mul3A_829, %reduce_sum3A_798 : f32
    %add3A_831 = arith.addf %reduce_sum3A_782, %mul3A_830 : f32
    %min3A_832 = vector.broadcast %add3A_831 : f32 to vector<256x128xf32>
    %min3A_833 = arith.minimumf %add3A_828, %min3A_832 : vector<256x128xf32>
    %mul3A_834 = arith.constant 5.000000e-01 : f32
    %mul3A_835 = vector.broadcast %mul3A_834 : f32 to vector<256x128xf32>
    %mul3A_836 = arith.mulf %mul3A_835, %get3A_28 : vector<256x128xf32>
    %add3A_837 = arith.addf %get3A_18, %mul3A_836 : vector<256x128xf32>
    %mul3A_838 = arith.constant 5.000000e-01 : f32
    %mul3A_839 = arith.mulf %mul3A_838, %reduce_sum3A_806 : f32
    %add3A_840 = arith.addf %reduce_sum3A_790, %mul3A_839 : f32
    %min3A_841 = vector.broadcast %add3A_840 : f32 to vector<256x128xf32>
    %min3A_842 = arith.minimumf %add3A_837, %min3A_841 : vector<256x128xf32>
    %sub3A_843 = arith.subf %min3A_833, %max3A_815 : vector<256x128xf32>
    %max3A_844 = arith.constant 0.000000e+00 : f32
    %max3A_845 = vector.broadcast %max3A_844 : f32 to vector<256x128xf32>
    %max3A_846 = arith.maximumf %sub3A_843, %max3A_845 : vector<256x128xf32>
    %sub3A_847 = arith.subf %min3A_842, %max3A_824 : vector<256x128xf32>
    %max3A_848 = arith.constant 0.000000e+00 : f32
    %max3A_849 = vector.broadcast %max3A_848 : f32 to vector<256x128xf32>
    %max3A_850 = arith.maximumf %sub3A_847, %max3A_849 : vector<256x128xf32>
    %mul3A_851 = arith.mulf %max3A_846, %max3A_850 : vector<256x128xf32>
    %mul3A_852 = arith.mulf %get3A_23, %get3A_28 : vector<256x128xf32>
    %mul3A_853 = arith.mulf %reduce_sum3A_798, %reduce_sum3A_806 : f32
    %add3A_854 = vector.broadcast %mul3A_853 : f32 to vector<256x128xf32>
    %add3A_855 = arith.addf %mul3A_852, %add3A_854 : vector<256x128xf32>
    %sub3A_856 = arith.subf %add3A_855, %mul3A_851 : vector<256x128xf32>
    %max3A_857 = arith.constant 9.99999993E-9 : f32
    %max3A_858 = vector.broadcast %max3A_857 : f32 to vector<256x128xf32>
    %max3A_859 = arith.maximumf %sub3A_856, %max3A_858 : vector<256x128xf32>
    %div3A_860 = arith.divf %mul3A_851, %max3A_859 : vector<256x128xf32>
    %le3A_861 = arith.constant 2.000000e-01 : f32
    %le3A_862 = vector.broadcast %le3A_861 : f32 to vector<256x128xf32>
    %le3A_863 = arith.cmpf ole, %div3A_860, %le3A_862 : vector<256x128xf32>
    %convert_element_type3A_864 = arith.extui %le3A_863 : vector<256x128xi1> to vector<256x128xi32>
    %convert_element_type3A_865 = arith.sitofp %convert_element_type3A_864 : vector<256x128xi32> to vector<256x128xf32>
    %mul3A_866 = arith.mulf %mul3A_696, %convert_element_type3A_865 : vector<256x128xf32>
    %eq3A_867 = arith.constant 4 : i32
    %eq3A_868 = vector.broadcast %eq3A_867 : i32 to vector<8x128xi32>
    %eq3A_869 = arith.cmpi eq, %iota3A_69, %eq3A_868 : vector<8x128xi32>
    %eq3A_870 = arith.constant 0 : i32
    %eq3A_871 = vector.broadcast %eq3A_870 : i32 to vector<8x128xi32>
    %eq3A_872 = arith.cmpi eq, %iota3A_70, %eq3A_871 : vector<8x128xi32>
    %and3A_873 = arith.andi %eq3A_869, %eq3A_872 : vector<8x128xi1>
    %broadcast_in_dim3A_874 = vector.broadcast %reduce_sum3A_774 : f32 to vector<8x128xf32>
    %select_n3A_875 = arith.select %and3A_873, %broadcast_in_dim3A_874, %select_n3A_741 : vector<8x128xi1>, vector<8x128xf32>
    %eq3A_876 = arith.constant 4 : i32
    %eq3A_877 = vector.broadcast %eq3A_876 : i32 to vector<8x128xi32>
    %eq3A_878 = arith.cmpi eq, %iota3A_69, %eq3A_877 : vector<8x128xi32>
    %eq3A_879 = arith.constant 1 : i32
    %eq3A_880 = vector.broadcast %eq3A_879 : i32 to vector<8x128xi32>
    %eq3A_881 = arith.cmpi eq, %iota3A_70, %eq3A_880 : vector<8x128xi32>
    %and3A_882 = arith.andi %eq3A_878, %eq3A_881 : vector<8x128xi1>
    %broadcast_in_dim3A_883 = vector.broadcast %reduce_sum3A_782 : f32 to vector<8x128xf32>
    %select_n3A_884 = arith.select %and3A_882, %broadcast_in_dim3A_883, %select_n3A_875 : vector<8x128xi1>, vector<8x128xf32>
    %eq3A_885 = arith.constant 4 : i32
    %eq3A_886 = vector.broadcast %eq3A_885 : i32 to vector<8x128xi32>
    %eq3A_887 = arith.cmpi eq, %iota3A_69, %eq3A_886 : vector<8x128xi32>
    %eq3A_888 = arith.constant 2 : i32
    %eq3A_889 = vector.broadcast %eq3A_888 : i32 to vector<8x128xi32>
    %eq3A_890 = arith.cmpi eq, %iota3A_70, %eq3A_889 : vector<8x128xi32>
    %and3A_891 = arith.andi %eq3A_887, %eq3A_890 : vector<8x128xi1>
    %broadcast_in_dim3A_892 = vector.broadcast %reduce_sum3A_790 : f32 to vector<8x128xf32>
    %select_n3A_893 = arith.select %and3A_891, %broadcast_in_dim3A_892, %select_n3A_884 : vector<8x128xi1>, vector<8x128xf32>
    %eq3A_894 = arith.constant 4 : i32
    %eq3A_895 = vector.broadcast %eq3A_894 : i32 to vector<8x128xi32>
    %eq3A_896 = arith.cmpi eq, %iota3A_69, %eq3A_895 : vector<8x128xi32>
    %eq3A_897 = arith.constant 3 : i32
    %eq3A_898 = vector.broadcast %eq3A_897 : i32 to vector<8x128xi32>
    %eq3A_899 = arith.cmpi eq, %iota3A_70, %eq3A_898 : vector<8x128xi32>
    %and3A_900 = arith.andi %eq3A_896, %eq3A_899 : vector<8x128xi1>
    %broadcast_in_dim3A_901 = vector.broadcast %reduce_sum3A_798 : f32 to vector<8x128xf32>
    %select_n3A_902 = arith.select %and3A_900, %broadcast_in_dim3A_901, %select_n3A_893 : vector<8x128xi1>, vector<8x128xf32>
    %eq3A_903 = arith.constant 4 : i32
    %eq3A_904 = vector.broadcast %eq3A_903 : i32 to vector<8x128xi32>
    %eq3A_905 = arith.cmpi eq, %iota3A_69, %eq3A_904 : vector<8x128xi32>
    %eq3A_906 = arith.constant 4 : i32
    %eq3A_907 = vector.broadcast %eq3A_906 : i32 to vector<8x128xi32>
    %eq3A_908 = arith.cmpi eq, %iota3A_70, %eq3A_907 : vector<8x128xi32>
    %and3A_909 = arith.andi %eq3A_905, %eq3A_908 : vector<8x128xi1>
    %broadcast_in_dim3A_910 = vector.broadcast %reduce_sum3A_806 : f32 to vector<8x128xf32>
    %select_n3A_911 = arith.select %and3A_909, %broadcast_in_dim3A_910, %select_n3A_902 : vector<8x128xi1>, vector<8x128xf32>
    %mul3A_912 = arith.mulf %add3A_64, %mul3A_866 : vector<256x128xf32>
    %sub3A_913 = arith.constant 1.000000e+00 : f32
    %sub3A_914 = vector.broadcast %sub3A_913 : f32 to vector<256x128xf32>
    %sub3A_915 = arith.subf %sub3A_914, %mul3A_866 : vector<256x128xf32>
    %mul3A_916 = arith.constant 1.000000e+09 : f32
    %mul3A_917 = vector.broadcast %mul3A_916 : f32 to vector<256x128xf32>
    %mul3A_918 = arith.mulf %mul3A_917, %sub3A_915 : vector<256x128xf32>
    %sub3A_919 = arith.subf %mul3A_912, %mul3A_918 : vector<256x128xf32>
    %reduce_max3A_920 = vector.shape_cast %sub3A_919 : vector<256x128xf32> to vector<1x256x128xf32>
    %reduce_max3A_921 = arith.constant dense<0xFF800000> : vector<1xf32>
    %reduce_max3A_922 = vector.multi_reduction <maximumf>, %reduce_max3A_920, %reduce_max3A_921 [1, 2] : vector<1x256x128xf32> to vector<1xf32>
    %reduce_max3A_923 = vector.shape_cast %reduce_max3A_922 : vector<1xf32> to vector<1x1x1xf32>
    %reduce_max3A_924 = vector.extract %reduce_max3A_923[0, 0, 0] : f32 from vector<1x1x1xf32>
    %eq3A_925 = vector.broadcast %reduce_max3A_924 : f32 to vector<256x128xf32>
    %eq3A_926 = arith.cmpf oeq, %sub3A_919, %eq3A_925 : vector<256x128xf32>
    %jit3A_927 = arith.constant 1073741824 : i32
    %broadcast_in_dim3A_928 = vector.broadcast %jit3A_927 : i32 to vector<256x128xi32>
    %select_n3A_929 = arith.select %eq3A_926, %add3A, %broadcast_in_dim3A_928 : vector<256x128xi1>, vector<256x128xi32>
    %reduce_min3A_930 = vector.shape_cast %select_n3A_929 : vector<256x128xi32> to vector<1x256x128xi32>
    %reduce_min3A_931 = arith.constant dense<2147483647> : vector<1xi32>
    %reduce_min3A_932 = vector.multi_reduction <minsi>, %reduce_min3A_930, %reduce_min3A_931 [1, 2] : vector<1x256x128xi32> to vector<1xi32>
    %reduce_min3A_933 = vector.shape_cast %reduce_min3A_932 : vector<1xi32> to vector<1x1x1xi32>
    %reduce_min3A_934 = vector.extract %reduce_min3A_933[0, 0, 0] : i32 from vector<1x1x1xi32>
    %eq3A_935 = vector.broadcast %reduce_min3A_934 : i32 to vector<256x128xi32>
    %eq3A_936 = arith.cmpi eq, %add3A, %eq3A_935 : vector<256x128xi32>
    %jit3A_937 = arith.constant 0.000000e+00 : f32
    %broadcast_in_dim3A_938 = vector.broadcast %jit3A_937 : f32 to vector<256x128xf32>
    %select_n3A_939 = arith.select %eq3A_936, %add3A_64, %broadcast_in_dim3A_938 : vector<256x128xi1>, vector<256x128xf32>
    %reduce_sum3A_940 = vector.shape_cast %select_n3A_939 : vector<256x128xf32> to vector<1x256x128xf32>
    %reduce_sum3A_941 = arith.constant dense<0.000000e+00> : vector<1xf32>
    %reduce_sum3A_942 = vector.multi_reduction <add>, %reduce_sum3A_940, %reduce_sum3A_941 [1, 2] : vector<1x256x128xf32> to vector<1xf32>
    %reduce_sum3A_943 = vector.shape_cast %reduce_sum3A_942 : vector<1xf32> to vector<1x1x1xf32>
    %reduce_sum3A_944 = vector.extract %reduce_sum3A_943[0, 0, 0] : f32 from vector<1x1x1xf32>
    %jit3A_945 = arith.constant 0.000000e+00 : f32
    %broadcast_in_dim3A_946 = vector.broadcast %jit3A_945 : f32 to vector<256x128xf32>
    %select_n3A_947 = arith.select %eq3A_936, %get3A_13, %broadcast_in_dim3A_946 : vector<256x128xi1>, vector<256x128xf32>
    %reduce_sum3A_948 = vector.shape_cast %select_n3A_947 : vector<256x128xf32> to vector<1x256x128xf32>
    %reduce_sum3A_949 = arith.constant dense<0.000000e+00> : vector<1xf32>
    %reduce_sum3A_950 = vector.multi_reduction <add>, %reduce_sum3A_948, %reduce_sum3A_949 [1, 2] : vector<1x256x128xf32> to vector<1xf32>
    %reduce_sum3A_951 = vector.shape_cast %reduce_sum3A_950 : vector<1xf32> to vector<1x1x1xf32>
    %reduce_sum3A_952 = vector.extract %reduce_sum3A_951[0, 0, 0] : f32 from vector<1x1x1xf32>
    %jit3A_953 = arith.constant 0.000000e+00 : f32
    %broadcast_in_dim3A_954 = vector.broadcast %jit3A_953 : f32 to vector<256x128xf32>
    %select_n3A_955 = arith.select %eq3A_936, %get3A_18, %broadcast_in_dim3A_954 : vector<256x128xi1>, vector<256x128xf32>
    %reduce_sum3A_956 = vector.shape_cast %select_n3A_955 : vector<256x128xf32> to vector<1x256x128xf32>
    %reduce_sum3A_957 = arith.constant dense<0.000000e+00> : vector<1xf32>
    %reduce_sum3A_958 = vector.multi_reduction <add>, %reduce_sum3A_956, %reduce_sum3A_957 [1, 2] : vector<1x256x128xf32> to vector<1xf32>
    %reduce_sum3A_959 = vector.shape_cast %reduce_sum3A_958 : vector<1xf32> to vector<1x1x1xf32>
    %reduce_sum3A_960 = vector.extract %reduce_sum3A_959[0, 0, 0] : f32 from vector<1x1x1xf32>
    %jit3A_961 = arith.constant 0.000000e+00 : f32
    %broadcast_in_dim3A_962 = vector.broadcast %jit3A_961 : f32 to vector<256x128xf32>
    %select_n3A_963 = arith.select %eq3A_936, %get3A_23, %broadcast_in_dim3A_962 : vector<256x128xi1>, vector<256x128xf32>
    %reduce_sum3A_964 = vector.shape_cast %select_n3A_963 : vector<256x128xf32> to vector<1x256x128xf32>
    %reduce_sum3A_965 = arith.constant dense<0.000000e+00> : vector<1xf32>
    %reduce_sum3A_966 = vector.multi_reduction <add>, %reduce_sum3A_964, %reduce_sum3A_965 [1, 2] : vector<1x256x128xf32> to vector<1xf32>
    %reduce_sum3A_967 = vector.shape_cast %reduce_sum3A_966 : vector<1xf32> to vector<1x1x1xf32>
    %reduce_sum3A_968 = vector.extract %reduce_sum3A_967[0, 0, 0] : f32 from vector<1x1x1xf32>
    %jit3A_969 = arith.constant 0.000000e+00 : f32
    %broadcast_in_dim3A_970 = vector.broadcast %jit3A_969 : f32 to vector<256x128xf32>
    %select_n3A_971 = arith.select %eq3A_936, %get3A_28, %broadcast_in_dim3A_970 : vector<256x128xi1>, vector<256x128xf32>
    %reduce_sum3A_972 = vector.shape_cast %select_n3A_971 : vector<256x128xf32> to vector<1x256x128xf32>
    %reduce_sum3A_973 = arith.constant dense<0.000000e+00> : vector<1xf32>
    %reduce_sum3A_974 = vector.multi_reduction <add>, %reduce_sum3A_972, %reduce_sum3A_973 [1, 2] : vector<1x256x128xf32> to vector<1xf32>
    %reduce_sum3A_975 = vector.shape_cast %reduce_sum3A_974 : vector<1xf32> to vector<1x1x1xf32>
    %reduce_sum3A_976 = vector.extract %reduce_sum3A_975[0, 0, 0] : f32 from vector<1x1x1xf32>
    %eq3A_977 = arith.constant 5 : i32
    %eq3A_978 = vector.broadcast %eq3A_977 : i32 to vector<8x128xi32>
    %eq3A_979 = arith.cmpi eq, %iota3A_69, %eq3A_978 : vector<8x128xi32>
    %eq3A_980 = arith.constant 0 : i32
    %eq3A_981 = vector.broadcast %eq3A_980 : i32 to vector<8x128xi32>
    %eq3A_982 = arith.cmpi eq, %iota3A_70, %eq3A_981 : vector<8x128xi32>
    %and3A_983 = arith.andi %eq3A_979, %eq3A_982 : vector<8x128xi1>
    %broadcast_in_dim3A_984 = vector.broadcast %reduce_sum3A_944 : f32 to vector<8x128xf32>
    %select_n3A_985 = arith.select %and3A_983, %broadcast_in_dim3A_984, %select_n3A_911 : vector<8x128xi1>, vector<8x128xf32>
    %eq3A_986 = arith.constant 5 : i32
    %eq3A_987 = vector.broadcast %eq3A_986 : i32 to vector<8x128xi32>
    %eq3A_988 = arith.cmpi eq, %iota3A_69, %eq3A_987 : vector<8x128xi32>
    %eq3A_989 = arith.constant 1 : i32
    %eq3A_990 = vector.broadcast %eq3A_989 : i32 to vector<8x128xi32>
    %eq3A_991 = arith.cmpi eq, %iota3A_70, %eq3A_990 : vector<8x128xi32>
    %and3A_992 = arith.andi %eq3A_988, %eq3A_991 : vector<8x128xi1>
    %broadcast_in_dim3A_993 = vector.broadcast %reduce_sum3A_952 : f32 to vector<8x128xf32>
    %select_n3A_994 = arith.select %and3A_992, %broadcast_in_dim3A_993, %select_n3A_985 : vector<8x128xi1>, vector<8x128xf32>
    %eq3A_995 = arith.constant 5 : i32
    %eq3A_996 = vector.broadcast %eq3A_995 : i32 to vector<8x128xi32>
    %eq3A_997 = arith.cmpi eq, %iota3A_69, %eq3A_996 : vector<8x128xi32>
    %eq3A_998 = arith.constant 2 : i32
    %eq3A_999 = vector.broadcast %eq3A_998 : i32 to vector<8x128xi32>
    %eq3A_1000 = arith.cmpi eq, %iota3A_70, %eq3A_999 : vector<8x128xi32>
    %and3A_1001 = arith.andi %eq3A_997, %eq3A_1000 : vector<8x128xi1>
    %broadcast_in_dim3A_1002 = vector.broadcast %reduce_sum3A_960 : f32 to vector<8x128xf32>
    %select_n3A_1003 = arith.select %and3A_1001, %broadcast_in_dim3A_1002, %select_n3A_994 : vector<8x128xi1>, vector<8x128xf32>
    %eq3A_1004 = arith.constant 5 : i32
    %eq3A_1005 = vector.broadcast %eq3A_1004 : i32 to vector<8x128xi32>
    %eq3A_1006 = arith.cmpi eq, %iota3A_69, %eq3A_1005 : vector<8x128xi32>
    %eq3A_1007 = arith.constant 3 : i32
    %eq3A_1008 = vector.broadcast %eq3A_1007 : i32 to vector<8x128xi32>
    %eq3A_1009 = arith.cmpi eq, %iota3A_70, %eq3A_1008 : vector<8x128xi32>
    %and3A_1010 = arith.andi %eq3A_1006, %eq3A_1009 : vector<8x128xi1>
    %broadcast_in_dim3A_1011 = vector.broadcast %reduce_sum3A_968 : f32 to vector<8x128xf32>
    %select_n3A_1012 = arith.select %and3A_1010, %broadcast_in_dim3A_1011, %select_n3A_1003 : vector<8x128xi1>, vector<8x128xf32>
    %eq3A_1013 = arith.constant 5 : i32
    %eq3A_1014 = vector.broadcast %eq3A_1013 : i32 to vector<8x128xi32>
    %eq3A_1015 = arith.cmpi eq, %iota3A_69, %eq3A_1014 : vector<8x128xi32>
    %eq3A_1016 = arith.constant 4 : i32
    %eq3A_1017 = vector.broadcast %eq3A_1016 : i32 to vector<8x128xi32>
    %eq3A_1018 = arith.cmpi eq, %iota3A_70, %eq3A_1017 : vector<8x128xi32>
    %and3A_1019 = arith.andi %eq3A_1015, %eq3A_1018 : vector<8x128xi1>
    %broadcast_in_dim3A_1020 = vector.broadcast %reduce_sum3A_976 : f32 to vector<8x128xf32>
    %select_n3A_1021 = arith.select %and3A_1019, %broadcast_in_dim3A_1020, %select_n3A_1012 : vector<8x128xi1>, vector<8x128xf32>
    %swap3A = arith.constant 0 : index
    %swap3A_1022 = arith.constant 0 : index
    %swap3A_1023 = arith.constant 0 : index
    %swap3A_1024 = vector.load %arg7[%swap3A, %swap3A_1022, %swap3A_1023] : memref<1x8x128xf32, #tpu.memory_space<vmem>>, vector<1x8x128xf32>
    %swap3A_1025 = vector.shape_cast %swap3A_1024 : vector<1x8x128xf32> to vector<8x128xf32>
    %swap3A_1026 = vector.shape_cast %select_n3A_1021 : vector<8x128xf32> to vector<1x8x128xf32>
    tpu.vector_store %arg7[%swap3A, %swap3A_1022, %swap3A_1023], %swap3A_1026 {strides = array<i32>} : memref<1x8x128xf32, #tpu.memory_space<vmem>>, vector<1x8x128xf32>,
    return
  }
  func.func @transform_0(%arg0: i32) -> (i32, i32, i32) {
    %c0_i32 = arith.constant 0 : i32
    %c0_i32_0 = arith.constant 0 : i32
    %c0_i32_1 = arith.constant 0 : i32
    return %arg0, %c0_i32, %c0_i32_0 : i32, i32, i32
  }
  func.func @transform_1(%arg0: i32) -> (i32, i32, i32) {
    %c0_i32 = arith.constant 0 : i32
    %c0_i32_0 = arith.constant 0 : i32
    %c0_i32_1 = arith.constant 0 : i32
    return %arg0, %c0_i32, %c0_i32_0 : i32, i32, i32
  }
  func.func @transform_2(%arg0: i32) -> (i32, i32, i32) {
    %c0_i32 = arith.constant 0 : i32
    %c0_i32_0 = arith.constant 0 : i32
    %c0_i32_1 = arith.constant 0 : i32
    return %arg0, %c0_i32, %c0_i32_0 : i32, i32, i32
  }
  func.func @transform_3(%arg0: i32) -> (i32, i32, i32) {
    %c0_i32 = arith.constant 0 : i32
    %c0_i32_0 = arith.constant 0 : i32
    %c0_i32_1 = arith.constant 0 : i32
    return %arg0, %c0_i32, %c0_i32_0 : i32, i32, i32
  }
  func.func @transform_4(%arg0: i32) -> (i32, i32, i32) {
    %c0_i32 = arith.constant 0 : i32
    %c0_i32_0 = arith.constant 0 : i32
    %c0_i32_1 = arith.constant 0 : i32
    return %arg0, %c0_i32, %c0_i32_0 : i32, i32, i32
  }
  func.func @transform_5(%arg0: i32) -> (i32, i32, i32) {
    %c0_i32 = arith.constant 0 : i32
    %c0_i32_0 = arith.constant 0 : i32
    %c0_i32_1 = arith.constant 0 : i32
    return %arg0, %c0_i32, %c0_i32_0 : i32, i32, i32
  }
  func.func @transform_6(%arg0: i32) -> (i32, i32, i32) {
    %c0_i32 = arith.constant 0 : i32
    %c0_i32_0 = arith.constant 0 : i32
    %c0_i32_1 = arith.constant 0 : i32
    return %arg0, %c0_i32, %c0_i32_0 : i32, i32, i32
  }
}

</mosaic_0001>

<sc_bundles>
// kernel: kernel.4.cloned.1.call-start
scs
__scs_entry_jumppad:
0x0: {  	(pc) =	sbr.rel $0x88, $3  }
0x1: {  	(tag) =	ssettag $0x0;
	lr =	simm.s32 $0x1  }
0x2: {  	[smem:$0x3F99] =	sst lr;
	_ =	strace $0xD0000000  }
0x3: {  	_ = 	snop  }
0x4: {  	_ = 	snop  }
0x5: {  	_ = 	snop  }
0x6: {  	_ = 	snop  }
0x7: {  	_ = 	snop  }
__scs_overlays_trampoline_lowered:
0x8: {  	[smem:$0x3FA8] =	sst s0  }
0x9: {  	[smem:$0x3FA9] =	sst s1  }
0xa: {  	[smem:$0x3FAA] =	sst s2  }
0xb: {  	[smem:$0x3FAB] =	sst s3  }
0xc: {  	[smem:$0x3FAC] =	sst s4  }
0xd: {  	[smem:$0x3FAD] =	sst s5  }
0xe: {  	[smem:$0x3FAE] =	sst s6  }
0xf: {  	[smem:$0x3FAF] =	sst s7  }
0x10: {  	[smem:$0x3FB0] =	sst s8  }
0x11: {  	[smem:$0x3FB1] =	sst s9;
	s0 =	simm.s32 @!p0 $0x0  }
0x12: {  	s1 =	sld [smem:$0x3F97];
	s0 =	simm.s32 @p0 $0x1  }
0x13: {  	[smem:$0x3FB2] =	sst s0;
	s0 =	simm.s32 @!p1 $0x0  }
0x14: {  	s2 =	sld [smem:$0x3F96];
	s0 =	simm.s32 @p1 $0x1  }
0x15: {  	[smem:$0x3FB3] =	sst s0;
	s0 =	simm.s32 @!p2 $0x0  }
0x16: {  	s3 =	sld [smem:$0x3FDB];
	s0 =	simm.s32 @p2 $0x1  }
0x17: {  	s4 =	simm.s32 $0x1BF5;
	[smem:$0x3FB5] =	sst s0  }
0x18: {  	s0 =	sld [smem:$0x3F98];
	_ =	swait.ge [sflag:s4], $0x0  }
0x19: {  	s7 =	sld [smem:$0x3F99]  }
0x1a: {  	s8 =	sadd.s32 $0xFFFFE003, lr  }
0x1b: {  	s9 =	sadd.s32 $0xFFFFFEF7, lr;
	s5 =	simm.s32 $0xFFFFFFFF;
	p2 =	slt.u32 s8, $0xFFFFF086  }
0x1c: {  	p1 =	slt.u32 s9, $0xF7A;
	s5 =	simm.s32 @!p2 $0x0  }
0x1d: {  	s5 =	simm.s32 @p1 $0x1;
	p0 =	seq.s32 s7, s2  }
0x1e: {  	s7 =	smul.u32 @!p0 $0xF7A, s2;
	p2 =	seq.s32 @!p0 s5, $0x0  }
0x1f: {  	s9 =	smul.u32 $0xF7A, s1;
	s8 =	simm.s32 @!p0 $0x1BF5;
	p2 =	por !p2, p0  }
0x20: {  	[sflag:s8] =	ssyncset.s32 @!p0 $0xFFFFF086;
	s6 =	sadd.s32 @!p0 s3, s7;
	s7 =	simm.s32 @!p0 $0x108  }
0x21: {  	s3 =	sadd.s32 s3, s9;
	s6 =	sadd.s32 @!p0 $0x88, s6;
	s7 =	simm.s32 @p2 $0x1082  }
0x22: {  	[simem:s7], [sflag:s8] =	dma.local @!p0 [hbm:s6], $0xF7A  }
0x23: {  	s9 =	sor.u32 $0xD0000000, s2;
	s6 =	simm.s32 $0x108;
	_ =	swait.ge @!p0 [sflag:s8], $0x0  }
0x24: {  	s3 =	sadd.s32 $0x88, s3;
	s6 =	simm.s32 @!p1 $0x1082;
	[sflag:s4] =	ssyncset.s32 $0xFFFFF086  }
0x25: {  	[simem:s6], [sflag:s4] =	dma.local [hbm:s3], $0xF7A  }
0x26: {  	[smem:$0x3F99] =	sst s1;
	(tag) =	ssettag s2;
	_ =	strace s9  }
0x27: {  	s1 =	sld [smem:$0x3FA9]  }
0x28: {  	s2 =	sld [smem:$0x3FAA]  }
0x29: {  	s4 =	sld [smem:$0x3FAC]  }
0x2a: {  	p0 =	seq.s32 s5, $0x0;
	s5 =	sld [smem:$0x3FAD]  }
0x2b: {  	s6 =	sld [smem:$0x3FAE]  }
0x2c: {  	s7 =	sld [smem:$0x3FAF]  }
0x2d: {  	s3 =	simm.s32 $0x108;
	s8 =	sld [smem:$0x3FB0]  }
0x2e: {  	s3 =	simm.s32 @!p0 $0x1082;
	s9 =	sld [smem:$0x3FB1]  }
0x2f: {  	lr =	sadd.s32 s0, s3;
	s0 =	sld [smem:$0x3FA8]  }
0x30: {  	s3 =	sld [smem:$0x3FAB]  }
0x31: {  	[smem:$0x3FB4] =	sst s10  }
0x32: {  	s10 =	sld [smem:$0x3FB2];
	_ =	sdelay $0x3  }
0x33: {  	p0 =	seq.s32 s10, $0x1;
	s10 =	sld [smem:$0x3FB4];
	_ =	sdelay $0x3  }
0x34: {  	[smem:$0x3FB4] =	sst s10  }
0x35: {  	s10 =	sld [smem:$0x3FB3];
	_ =	sdelay $0x3  }
0x36: {  	p1 =	seq.s32 s10, $0x1;
	s10 =	sld [smem:$0x3FB4];
	_ =	sdelay $0x3  }
0x37: {  	[smem:$0x3FB4] =	sst s10  }
0x38: {  	s10 =	sld [smem:$0x3FB5]  }
0x39: {  	_ = 	snop;
	(pc) =	sbr.ind lr, $3  }
0x3a: {  	_ = 	snop  }
0x3b: {  	_ = 	snop  }
0x3c: {  	p2 =	seq.s32 s10, $0x1;
	s10 =	sld [smem:$0x3FB4]  }
0x3d: {  	_ =	shalt  }
0x3e: {  	_ =	shalt  }
0x3f: {  	_ =	shalt  }
0x40: {  	_ =	shalt  }
0x41: {  	_ =	shalt  }
0x42: {  	_ =	shalt  }
0x43: {  	_ =	shalt  }
0x44: {  	_ =	shalt  }
0x45: {  	_ =	shalt  }
0x46: {  	_ =	shalt  }
0x47: {  	_ =	shalt  }
0x48: {  	_ =	shalt  }
0x49: {  	_ =	shalt  }
0x4a: {  	_ =	shalt  }
0x4b: {  	_ =	shalt  }
0x4c: {  	_ =	shalt  }
0x4d: {  	_ =	shalt  }
0x4e: {  	_ =	shalt  }
0x4f: {  	_ =	shalt  }
0x50: {  	_ =	shalt  }
0x51: {  	_ =	shalt  }
0x52: {  	_ =	shalt  }
0x53: {  	_ =	shalt  }
0x54: {  	_ =	shalt  }
0x55: {  	_ =	shalt  }
0x56: {  	_ =	shalt  }
0x57: {  	_ =	shalt  }
0x58: {  	_ =	shalt  }
0x59: {  	_ =	shalt  }
0x5a: {  	_ =	shalt  }
0x5b: {  	_ =	shalt  }
0x5c: {  	_ =	shalt  }
0x5d: {  	_ =	shalt  }
0x5e: {  	_ =	shalt  }
0x5f: {  	_ =	shalt  }
0x60: {  	_ =	shalt  }
0x61: {  	_ =	shalt  }
0x62: {  	_ =	shalt  }
0x63: {  	_ =	shalt  }
0x64: {  	_ =	shalt  }
0x65: {  	_ =	shalt  }
0x66: {  	_ =	shalt  }
0x67: {  	_ =	shalt  }
0x68: {  	_ =	shalt  }
0x69: {  	_ =	shalt  }
0x6a: {  	_ =	shalt  }
0x6b: {  	_ =	shalt  }
0x6c: {  	_ =	shalt  }
0x6d: {  	_ =	shalt  }
0x6e: {  	_ =	shalt  }
0x6f: {  	_ =	shalt  }
0x70: {  	_ =	shalt  }
0x71: {  	_ =	shalt  }
0x72: {  	_ =	shalt  }
0x73: {  	_ =	shalt  }
0x74: {  	_ =	shalt  }
0x75: {  	_ =	shalt  }
0x76: {  	_ =	shalt  }
0x77: {  	_ =	shalt  }
0x78: {  	_ =	shalt  }
0x79: {  	_ =	shalt  }
0x7a: {  	_ =	shalt  }
0x7b: {  	_ =	shalt  }
0x7c: {  	_ =	shalt  }
0x7d: {  	_ =	shalt  }
0x7e: {  	_ =	shalt  }
0x7f: {  	_ =	shalt  }
0x80: {  	_ =	shalt  }
0x81: {  	_ =	shalt  }
0x82: {  	_ =	shalt  }
0x83: {  	_ =	shalt  }
0x84: {  	_ =	shalt  }
0x85: {  	_ =	shalt  }
0x86: {  	_ =	shalt  }
0x87: {  	_ =	shalt  }
.Lfunc_end0:
.L_simem_size_0:
called_computation_lowered:
.L_overlay_start_0:
0x88: {  	s2 =	sld [smem:$0x3FD9]  }
0x89: {  	s3 =	sld [smem:$0x3FFE];
	_ =	sdelay $0x1  }
0x8a: {  	s1 =	srdreg.scid  }
0x8b: {  	s0 =	sand.u32 $0x1, s1  }
0x8c: {  	s16 =	sshll.u32 s0, $0xA;
	s2 =	sadd.s32 s3, s2  }
0x8d: {  	s2 =	sadd.s32 s2, s16  }
0x8e: {  	[smem:$0x3FC0] =	sst s2  }
0x8f: {  	_ = 	snop  }
0x90: {  	(tm) =	ssettm $0x1  }
0x91: {  	s17 =	sld [smem:$0x3FFB];
	_ =	sdelay $0x3  }
0x92: {  	_ =	strace s17  }
0x93: {  	s2 =	sld [smem:$0x3FFC];
	_ =	sdelay $0x3  }
0x94: {  	_ =	strace s2  }
0x95: {  	s2 =	sld [smem:$0x3FFD];
	_ =	sdelay $0x3  }
0x96: {  	_ =	strace s2  }
0x97: {  	_ =	strace $0x8FFFFFFF  }
0x98: {  	s18 =	sld [smem:$0x3FDB];
	_ =	sdelay $0x1  }
0x99: {  	s19 =	simm.s32 $_scs_section_size  }
0x9a: {  	s4 =	simm.s32 $_size__tile_overlayer_lowered;
	s5 =	simm.s32 $_tile_overlayer_lowered  }
0x9b: {  	s22 =	simm.s32 $0x1BFF;
	s21 =	sshll.u32 s5, $0x1;
	s2 =	sadd.s32 s19, s18  }
0x9c: {  	s6 =	simm.s32 $0x0;
	s20 =	sshll.u32 s4, $0x1;
	s4 =	sadd.s32 s21, s2  }
0x9d: {  	[timem:s6], [sflag:s22] =	dma.local [hbm:s4], s20  }
0x9e: {  	_ =	swait.ge [sflag:s22], s20  }
0x9f: {  	s3 =	ssub.s32 $0x0, s20;
	[sflag:s22] =	ssyncset.done $0x0  }
0xa0: {  	[sflag:s22] =	ssyncadd.s32 s3;
	_ =	sdelay $0x1  }
0xa1: {  	s23 =	simm.s32 $0x1B8B  }
0xa2: {  	_ =	swait.ge [sflag:s23], $0x1  }
0xa3: {  	[sflag:s23] =	ssyncset.done $0x0  }
0xa4: {  	s25 =	simm.s32 $0x1B8E;
	s24 =	sld [smem:$0x3FFE];
	[sflag:s23] =	ssyncadd.s32 $0xFFFFFFFF  }
0xa5: {  	s26 =	simm.s32 $execute0_lowered;
	[smem:$0x3FD2] =	sst s25  }
0xa6: {  	s4 =	sshll.u32 s26, $0x1;
	_ =	strace $0x80000046;
	[dreg:$0x1] =	wrdreg $0xFFFFFFFF  }
0xa7: {  	s28 =	simm.s32 $_size_execute0_lowered;
	s2 =	sadd.s32 s2, s4;
	[dreg:$0x0] =	wrdreg $0x0  }
0xa8: {  	s4 =	sshll.u32 s28, $0x1;
	[dreg:$0x2] =	wrdreg s2  }
0xa9: {  	[dreg:$0x3] =	wrdreg s4  }
0xaa: {  	[dreg:$0x4] =	wrdreg $0xC0  }
0xab: {  	_ =	task [dreg:s6], $0x5FFFF  }
0xac: {  	[dreg:$0x1] =	wrdreg $0xFFFFFFFF  }
0xad: {  	[dreg:$0x0] =	wrdreg $0x60  }
0xae: {  	[dreg:$0x2] =	wrdreg s24  }
0xaf: {  	[dreg:$0x3] =	wrdreg $0x9  }
0xb0: {  	_ =	task.clear_ibuf [dreg:s6], $0x4FFFF;
	_ =	strace $0x90000046  }
0xb1: {  	s29 =	simm.s32 $0x9;
	_ =	strace $0x80000048  }
0xb2: {  	_ =	swait.ge [sflag:s29], $0x1  }
0xb3: {  	[sflag:s29] =	ssyncadd.s32 $0xFFFFFFFF  }
0xb4: {  	_ =	strace $0x90000048  }
0xb5: {  	_ =	sfence  }
0xb6: {  	s30 =	sld [smem:$0x0];
	_ =	sdelay $0x2  }
0xb7: {  	s31 =	sshll.u32 s1, $0xD;
	s1 =	sshrl.u32 s1, $0x2  }
0xb8: {  	s3 =	sand.u32 $0x4000, s31;
	s1 =	sadd.s32 s1, s30  }
0xb9: {  	s0 =	sor.u32 s3, s0;
	s1 =	sshll.u32 s1, $0x11  }
0xba: {  	s0 =	sor.u32 s1, s0  }
0xbb: {  	s0 =	sadd.s32 $0x8F2B, s0  }
0xbc: {  	[sflag:s0] =	ssyncadd.remote.s32 $0x1  }
0xbd: {  	_ =	sfence.sel $0xFFFF  }
0xbe: {  	[dreg:$0x0] =	wrdreg $0xFFFFFFFF;
	(pc) =	sbr.abs _section_cstart, $3  }
0xbf: {  	[dreg:$0x1] =	wrdreg $0xFFFFFFFF  }
0xc0: {  	_ =	task.clear_ibuf [dreg:s6], $0x2FFFF;
	_ =	strace $0x9FFFFFFF  }
0xc1: {  	(tm) =	ssettm $0x7FFFFFFF  }
tec
execute0_lowered:
.L_overlay_start_1:
0x0: {  	(tag) =	ssettag $0x1  }
0x1: {  	s0 =	srdreg.scid  }
0x2: {  	s1 =	stileid.u32;
	s2 =	rddreg [dreg:$0x0]  }
0x3: {  	s3 =	simm.s32 $0x0;
	s10 =	simm.s32 $0x2;
	s11 =	simm.s32 $0x80  }
0x4: {  	s16 =	simm.s32 $0x4E00;
	s17 =	simm.s32 $0x7600;
	s18 =	simm.s32 $0x4E80  }
0x5: {  	s19 =	simm.s32 $0x7680;
	s20 =	simm.s32 $0x4F00;
	s21 =	simm.s32 $0x7700  }
0x6: {  	s22 =	simm.s32 $0x4F80;
	s0 =	sand.u32 $0x1, s0;
	s1 =	sshll.u32 s1, $0x1  }
0x7: {  	s23 =	simm.s32 $0x7780;
	s24 =	simm.s32 $0x1;
	s1 =	sor.u32 s0, s1  }
0x8: {  	s25 =	simm.s32 $0x7800;
	s0 =	ssub.s32 $0x2, s0;
	s1 =	smul.u32 $0x140, s1  }
0x9: {  	s26 =	simm.s32 $0x0;
	[smem:$0x7FF] =	sst s3;
	s4 =	sshrl.u32 s0, $0x1  }
0xa: {  	v0 =	vlaneseq.u32;
	_ =	strace $0x80000047;
	s0 =	ssub.s32 s0, s4;
	s1 =	sadd.s32 s1, s2  }
0xb: {  	v0 =	vand.u32 $0x3, v0;
	s9 =	smax.u32 s0, $0x1;
	s4 =	sadd.s32 $0x25000, s1;
	s5 =	sadd.s32 $0x27800, s1  }
0xc: {  	v0 =	vmul.u32 $0x40000, v0;
	s6 =	sadd.s32 $0x20000, s1;
	s7 =	sadd.s32 $0x22800, s1;
	s8 =	sadd.s32 $0x2A000, s1  }
.LBB2_1:
0xd: {  	[tilespmem:s3], [sflag:$0x2] =	stream.linear.gather [hbm4b:s4+s3], $0xA00, $0x38;
	[tilespmem:$0x8200] =	vst v63  }
0xe: {  	_ =	swait.ge [sflag:s10], $0xA00  }
0xf: {  	[sflag:s10] =	ssyncset.done $0x0  }
0x10: {  	s30 =	simm.s32 $0xA00;
	[sflag:s10] =	ssyncadd.s32 $0xFFFFF600  }
0x11: {  	[tilespmem:s30], [sflag:$0x2] =	stream.linear.gather [hbm4b:s5+s3], $0xA00, $0x38;
	[tilespmem:$0x8200] =	vst v63  }
0x12: {  	_ =	swait.ge [sflag:s10], $0xA00  }
0x13: {  	[sflag:s10] =	ssyncset.done $0x0  }
0x14: {  	s31 =	simm.s32 $0x1400;
	[sflag:s10] =	ssyncadd.s32 $0xFFFFF600  }
0x15: {  	[tilespmem:s31], [sflag:$0x2] =	stream.linear.gather [hbm4b:s6+s3], $0xA00, $0x38;
	[tilespmem:$0x8200] =	vst v63  }
0x16: {  	_ =	swait.ge [sflag:s10], $0xA00  }
0x17: {  	[sflag:s10] =	ssyncset.done $0x0  }
0x18: {  	s0 =	simm.s32 $0x1E00;
	[sflag:s10] =	ssyncadd.s32 $0xFFFFF600  }
0x19: {  	[tilespmem:s0], [sflag:$0x2] =	stream.linear.gather [hbm4b:s7+s3], $0xA00, $0x38;
	[tilespmem:$0x8200] =	vst v63  }
0x1a: {  	_ =	swait.ge [sflag:s10], $0xA00  }
0x1b: {  	[sflag:s10] =	ssyncset.done $0x0  }
0x1c: {  	[sflag:s10] =	ssyncadd.s32 $0xFFFFF600  }
0x1d: {  	v4 =	vld [tilespmem:s31+$0x0]  }
0x1e: {  	v3 =	vld [tilespmem:s0+$0x0]  }
0x1f: {  	s1 =	simm.s32 $0x10;
	s12 =	simm.s32 $0x2810;
	s13 =	simm.s32 $0x0;
	v2 =	vld [tilespmem:s3+$0x0]  }
0x20: {  	s29 =	simm.s32 $0x2800;
	s28 =	simm.s32 $0x0;
	s0 =	simm.s32 $0x1E10;
	v1 =	vld [tilespmem:s30+$0x0]  }
.LBB2_2:
0x21: {  	s13 =	sadd.s32 $0x10, s13;
	s30 =	sadd.s32 $0x10, s30;
	s31 =	sadd.s32 $0x10, s31  }
0x22: {  	p0 =	sne.s32 s1, $0x9F0;
	s14 =	smov.u32 s1;
	s1 =	sadd.s32 $0x10, s1;
	v4 =	vmul.f32 $5.000000000e-01, v4  }
0x23: {  	v3 =	vmul.f32 $5.000000000e-01, v3  }
0x24: {  	v5 =	vsub.f32 v2, v4;
	v2 =	vadd.f32 v4, v2  }
0x25: {  	v4 =	vsub.f32 v1, v3  }
0x26: {  	v1 =	vadd.f32 v3, v1;
	v5 =	vtrunc.f32 v5;
	v2 =	vtrunc.f32 v2  }
0x27: {  	v3 =	vcvt.f32.s32 v5;
	v2 =	vcvt.f32.s32 v2  }
0x28: {  	v4 =	vtrunc.f32 v4;
	v1 =	vtrunc.f32 v1  }
0x29: {  	v1 =	vcvt.f32.s32 v1;
	vm0 =	vgt.s32 v3, $0x0;
	vm1 =	vgt.s32 v2, $0x0  }
0x2a: {  	v4 =	vcvt.f32.s32 v4;
	v3 =	vnsel vm0, $0x0, v3;
	v2 =	vnsel vm1, $0x0, v2  }
0x2b: {  	vm0 =	vgt.s32 v1, $0x0;
	v3 =	vmin.u32 v3, $0x1FF;
	v2 =	vmin.u32 v2, $0x1FF  }
0x2c: {  	vm1 =	vgt.s32 v4, $0x0;
	v1 =	vnsel vm0, $0x0, v1;
	v2 =	vshll.u32 v2, $0x9  }
0x2d: {  	v4 =	vnsel vm1, $0x0, v4;
	v1 =	vmin.u32 v1, $0x1FF;
	v2 =	vor.u32 v0, v2  }
0x2e: {  	v4 =	vmin.u32 v4, $0x1FF;
	v3 =	vshll.u32 v3, $0x9;
	v5 =	vor.u32 v1, v2  }
0x2f: {  	s15 =	sand.u32 $0xFF0, s28;
	s28 =	smov.u32 s14;
	v3 =	vor.u32 v0, v3;
	v2 =	vor.u32 v4, v2;
	[tilespmem:s29+$0x0] =	vst v5;
	s29 =	smov.u32 s12  }
0x30: {  	v4 =	vor.u32 v4, v3;
	v1 =	vor.u32 v1, v3;
	[tilespmem:s15+$0x4600] =	vst v2  }
0x31: {  	[tilespmem:s15+$0x3200] =	vst v4  }
.Ltmp0:
0x32: {  	[tilespmem:s15+$0x3C00] =	vst v1;
	(pc) =	sbr.rel @p0 .LBB2_2-.Ltmp0, $4  }
0x33: {  	v4 =	vld [tilespmem:s31+$0x0]  }
0x34: {  	v3 =	vld [tilespmem:s0+$0x0]  }
0x35: {  	v2 =	vld [tilespmem:s13+$0x0]  }
0x36: {  	s12 =	sadd.s32 $0x10, s12;
	s0 =	sadd.s32 $0x10, s0;
	v1 =	vld [tilespmem:s30+$0x0]  }
0x37: {  	_ = 	snop  }
0x38: {  	v4 =	vmul.f32 $5.000000000e-01, v4;
	_ =	sdelay $0x1  }
0x39: {  	v3 =	vmul.f32 $5.000000000e-01, v3;
	v5 =	vsub.f32 v2, v4  }
0x3a: {  	v2 =	vadd.f32 v4, v2  }
0x3b: {  	v61 =	vsub.f32 v1, v3;
	v1 =	vadd.f32 v3, v1;
	v5 =	vtrunc.f32 v5  }
0x3c: {  	v2 =	vtrunc.f32 v2;
	v3 =	vcvt.f32.s32 v5  }
0x3d: {  	v2 =	vcvt.f32.s32 v2;
	v1 =	vtrunc.f32 v1  }
0x3e: {  	v4 =	vtrunc.f32 v61;
	v1 =	vcvt.f32.s32 v1  }
0x3f: {  	v4 =	vcvt.f32.s32 v4;
	vm0 =	vgt.s32 v3, $0x0;
	vm1 =	vgt.s32 v2, $0x0  }
0x40: {  	v3 =	vnsel vm0, $0x0, v3;
	v2 =	vnsel vm1, $0x0, v2  }
0x41: {  	vm14 =	vgt.s32 v1, $0x0;
	vm15 =	vgt.s32 v4, $0x0;
	v2 =	vmin.u32 v2, $0x1FF  }
0x42: {  	v3 =	vmin.u32 v3, $0x1FF;
	v1 =	vnsel vm14, $0x0, v1;
	v2 =	vshll.u32 v2, $0x9  }
0x43: {  	v4 =	vnsel vm15, $0x0, v4;
	v1 =	vmin.u32 v1, $0x1FF;
	v2 =	vor.u32 v0, v2  }
0x44: {  	v4 =	vmin.u32 v4, $0x1FF;
	v3 =	vshll.u32 v3, $0x9;
	v62 =	vor.u32 v1, v2  }
0x45: {  	s0 =	sand.u32 $0xFF0, s28;
	v3 =	vor.u32 v0, v3;
	v2 =	vor.u32 v4, v2;
	[tilespmem:s29+$0x0] =	vst v62  }
0x46: {  	v4 =	vor.u32 v4, v3;
	[tilespmem:s0+$0x4600] =	vst v2  }
0x47: {  	v1 =	vor.u32 v1, v3;
	[tilespmem:s0+$0x3200] =	vst v4  }
0x48: {  	s28 =	simm.s32 $0x5000;
	s1 =	simm.s32 $0x2800;
	[tilespmem:s0+$0x3C00] =	vst v1  }
0x49: {  	[tilespmem:s28], [sflag:$0x1] =	stream.indirect.gather [hbm4b:s2+s11], $0x1, s1, s11, $0xb8;
	[tilespmem:$0x8200] =	vst v63  }
0x4a: {  	s12 =	simm.s32 $0x2880;
	s1 =	simm.s32 $0x5080  }
0x4b: {  	[tilespmem:s1], [sflag:$0x1] =	stream.indirect.gather [hbm4b:s2+s11], $0x1, s12, s11, $0xb8;
	[tilespmem:$0x8200] =	vst v63  }
0x4c: {  	s13 =	simm.s32 $0x2900;
	s14 =	simm.s32 $0x5100  }
0x4d: {  	[tilespmem:s14], [sflag:$0x1] =	stream.indirect.gather [hbm4b:s2+s11], $0x1, s13, s11, $0xb8;
	[tilespmem:$0x8200] =	vst v63  }
0x4e: {  	s15 =	simm.s32 $0x2980;
	s29 =	simm.s32 $0x5180  }
0x4f: {  	[tilespmem:s29], [sflag:$0x1] =	stream.indirect.gather [hbm4b:s2+s11], $0x1, s15, s11, $0xb8;
	[tilespmem:$0x8200] =	vst v63  }
0x50: {  	s30 =	simm.s32 $0x2A00;
	s31 =	simm.s32 $0x5200  }
0x51: {  	[tilespmem:s31], [sflag:$0x1] =	stream.indirect.gather [hbm4b:s2+s11], $0x1, s30, s11, $0xb8;
	[tilespmem:$0x8200] =	vst v63  }
0x52: {  	s1 =	simm.s32 $0x2A80;
	s12 =	simm.s32 $0x5280  }
0x53: {  	[tilespmem:s12], [sflag:$0x1] =	stream.indirect.gather [hbm4b:s2+s11], $0x1, s1, s11, $0xb8;
	[tilespmem:$0x8200] =	vst v63  }
0x54: {  	s13 =	simm.s32 $0x2B00;
	s14 =	simm.s32 $0x5300  }
0x55: {  	[tilespmem:s14], [sflag:$0x1] =	stream.indirect.gather [hbm4b:s2+s11], $0x1, s13, s11, $0xb8;
	[tilespmem:$0x8200] =	vst v63  }
0x56: {  	s15 =	simm.s32 $0x2B80;
	s29 =	simm.s32 $0x5380  }
0x57: {  	[tilespmem:s29], [sflag:$0x1] =	stream.indirect.gather [hbm4b:s2+s11], $0x1, s15, s11, $0xb8;
	[tilespmem:$0x8200] =	vst v63  }
0x58: {  	s30 =	simm.s32 $0x2C00;
	s31 =	simm.s32 $0x5400  }
0x59: {  	[tilespmem:s31], [sflag:$0x1] =	stream.indirect.gather [hbm4b:s2+s11], $0x1, s30, s11, $0xb8;
	[tilespmem:$0x8200] =	vst v63  }
0x5a: {  	s1 =	simm.s32 $0x2C80;
	s12 =	simm.s32 $0x5480  }
0x5b: {  	[tilespmem:s12], [sflag:$0x1] =	stream.indirect.gather [hbm4b:s2+s11], $0x1, s1, s11, $0xb8;
	[tilespmem:$0x8200] =	vst v63  }
0x5c: {  	s13 =	simm.s32 $0x2D00;
	s14 =	simm.s32 $0x5500  }
0x5d: {  	[tilespmem:s14], [sflag:$0x1] =	stream.indirect.gather [hbm4b:s2+s11], $0x1, s13, s11, $0xb8;
	[tilespmem:$0x8200] =	vst v63  }
0x5e: {  	s15 =	simm.s32 $0x2D80;
	s29 =	simm.s32 $0x5580  }
0x5f: {  	[tilespmem:s29], [sflag:$0x1] =	stream.indirect.gather [hbm4b:s2+s11], $0x1, s15, s11, $0xb8;
	[tilespmem:$0x8200] =	vst v63  }
0x60: {  	s30 =	simm.s32 $0x2E00;
	s31 =	simm.s32 $0x5600  }
0x61: {  	[tilespmem:s31], [sflag:$0x1] =	stream.indirect.gather [hbm4b:s2+s11], $0x1, s30, s11, $0xb8;
	[tilespmem:$0x8200] =	vst v63  }
0x62: {  	s1 =	simm.s32 $0x2E80;
	s12 =	simm.s32 $0x5680  }
0x63: {  	[tilespmem:s12], [sflag:$0x1] =	stream.indirect.gather [hbm4b:s2+s11], $0x1, s1, s11, $0xb8;
	[tilespmem:$0x8200] =	vst v63  }
0x64: {  	s13 =	simm.s32 $0x2F00;
	s14 =	simm.s32 $0x5700  }
0x65: {  	[tilespmem:s14], [sflag:$0x1] =	stream.indirect.gather [hbm4b:s2+s11], $0x1, s13, s11, $0xb8;
	[tilespmem:$0x8200] =	vst v63  }
0x66: {  	s15 =	simm.s32 $0x2F80;
	s29 =	simm.s32 $0x5780  }
0x67: {  	[tilespmem:s29], [sflag:$0x1] =	stream.indirect.gather [hbm4b:s2+s11], $0x1, s15, s11, $0xb8;
	[tilespmem:$0x8200] =	vst v63  }
0x68: {  	s30 =	simm.s32 $0x3000;
	s31 =	simm.s32 $0x5800  }
0x69: {  	[tilespmem:s31], [sflag:$0x1] =	stream.indirect.gather [hbm4b:s2+s11], $0x1, s30, s11, $0xb8;
	[tilespmem:$0x8200] =	vst v63  }
0x6a: {  	s1 =	simm.s32 $0x3080;
	s12 =	simm.s32 $0x5880  }
0x6b: {  	[tilespmem:s12], [sflag:$0x1] =	stream.indirect.gather [hbm4b:s2+s11], $0x1, s1, s11, $0xb8;
	[tilespmem:$0x8200] =	vst v63  }
0x6c: {  	s13 =	simm.s32 $0x3100;
	s14 =	simm.s32 $0x5900  }
0x6d: {  	[tilespmem:s14], [sflag:$0x1] =	stream.indirect.gather [hbm4b:s2+s11], $0x1, s13, s11, $0xb8;
	[tilespmem:$0x8200] =	vst v63  }
0x6e: {  	s15 =	simm.s32 $0x3180;
	s29 =	simm.s32 $0x5980  }
0x6f: {  	[tilespmem:s29], [sflag:$0x1] =	stream.indirect.gather [hbm4b:s2+s11], $0x1, s15, s11, $0xb8;
	[tilespmem:$0x8200] =	vst v63  }
0x70: {  	s30 =	simm.s32 $0x3200;
	s31 =	simm.s32 $0x5A00  }
0x71: {  	[tilespmem:s31], [sflag:$0x1] =	stream.indirect.gather [hbm4b:s2+s11], $0x1, s30, s11, $0xb8;
	[tilespmem:$0x8200] =	vst v63  }
0x72: {  	s1 =	simm.s32 $0x3280;
	s12 =	simm.s32 $0x5A80  }
0x73: {  	[tilespmem:s12], [sflag:$0x1] =	stream.indirect.gather [hbm4b:s2+s11], $0x1, s1, s11, $0xb8;
	[tilespmem:$0x8200] =	vst v63  }
0x74: {  	s13 =	simm.s32 $0x3300;
	s14 =	simm.s32 $0x5B00  }
0x75: {  	[tilespmem:s14], [sflag:$0x1] =	stream.indirect.gather [hbm4b:s2+s11], $0x1, s13, s11, $0xb8;
	[tilespmem:$0x8200] =	vst v63  }
0x76: {  	s15 =	simm.s32 $0x3380;
	s29 =	simm.s32 $0x5B80  }
0x77: {  	[tilespmem:s29], [sflag:$0x1] =	stream.indirect.gather [hbm4b:s2+s11], $0x1, s15, s11, $0xb8;
	[tilespmem:$0x8200] =	vst v63  }
0x78: {  	s30 =	simm.s32 $0x3400;
	s31 =	simm.s32 $0x5C00  }
0x79: {  	[tilespmem:s31], [sflag:$0x1] =	stream.indirect.gather [hbm4b:s2+s11], $0x1, s30, s11, $0xb8;
	[tilespmem:$0x8200] =	vst v63  }
0x7a: {  	s1 =	simm.s32 $0x3480;
	s12 =	simm.s32 $0x5C80  }
0x7b: {  	[tilespmem:s12], [sflag:$0x1] =	stream.indirect.gather [hbm4b:s2+s11], $0x1, s1, s11, $0xb8;
	[tilespmem:$0x8200] =	vst v63  }
0x7c: {  	s13 =	simm.s32 $0x3500;
	s14 =	simm.s32 $0x5D00  }
0x7d: {  	[tilespmem:s14], [sflag:$0x1] =	stream.indirect.gather [hbm4b:s2+s11], $0x1, s13, s11, $0xb8;
	[tilespmem:$0x8200] =	vst v63  }
0x7e: {  	s15 =	simm.s32 $0x3580;
	s29 =	simm.s32 $0x5D80  }
0x7f: {  	[tilespmem:s29], [sflag:$0x1] =	stream.indirect.gather [hbm4b:s2+s11], $0x1, s15, s11, $0xb8;
	[tilespmem:$0x8200] =	vst v63  }
0x80: {  	s30 =	simm.s32 $0x3600;
	s31 =	simm.s32 $0x5E00  }
0x81: {  	[tilespmem:s31], [sflag:$0x1] =	stream.indirect.gather [hbm4b:s2+s11], $0x1, s30, s11, $0xb8;
	[tilespmem:$0x8200] =	vst v63  }
0x82: {  	s1 =	simm.s32 $0x3680;
	s12 =	simm.s32 $0x5E80  }
0x83: {  	[tilespmem:s12], [sflag:$0x1] =	stream.indirect.gather [hbm4b:s2+s11], $0x1, s1, s11, $0xb8;
	[tilespmem:$0x8200] =	vst v63  }
0x84: {  	s13 =	simm.s32 $0x3700;
	s14 =	simm.s32 $0x5F00  }
0x85: {  	[tilespmem:s14], [sflag:$0x1] =	stream.indirect.gather [hbm4b:s2+s11], $0x1, s13, s11, $0xb8;
	[tilespmem:$0x8200] =	vst v63  }
0x86: {  	s15 =	simm.s32 $0x3780;
	s29 =	simm.s32 $0x5F80  }
0x87: {  	[tilespmem:s29], [sflag:$0x1] =	stream.indirect.gather [hbm4b:s2+s11], $0x1, s15, s11, $0xb8;
	[tilespmem:$0x8200] =	vst v63  }
0x88: {  	s30 =	simm.s32 $0x3800;
	s31 =	simm.s32 $0x6000  }
0x89: {  	[tilespmem:s31], [sflag:$0x1] =	stream.indirect.gather [hbm4b:s2+s11], $0x1, s30, s11, $0xb8;
	[tilespmem:$0x8200] =	vst v63  }
0x8a: {  	s1 =	simm.s32 $0x3880;
	s12 =	simm.s32 $0x6080  }
0x8b: {  	[tilespmem:s12], [sflag:$0x1] =	stream.indirect.gather [hbm4b:s2+s11], $0x1, s1, s11, $0xb8;
	[tilespmem:$0x8200] =	vst v63  }
0x8c: {  	s13 =	simm.s32 $0x3900;
	s14 =	simm.s32 $0x6100  }
0x8d: {  	[tilespmem:s14], [sflag:$0x1] =	stream.indirect.gather [hbm4b:s2+s11], $0x1, s13, s11, $0xb8;
	[tilespmem:$0x8200] =	vst v63  }
0x8e: {  	s15 =	simm.s32 $0x3980;
	s29 =	simm.s32 $0x6180  }
0x8f: {  	[tilespmem:s29], [sflag:$0x1] =	stream.indirect.gather [hbm4b:s2+s11], $0x1, s15, s11, $0xb8;
	[tilespmem:$0x8200] =	vst v63  }
0x90: {  	s30 =	simm.s32 $0x3A00;
	s31 =	simm.s32 $0x6200  }
0x91: {  	[tilespmem:s31], [sflag:$0x1] =	stream.indirect.gather [hbm4b:s2+s11], $0x1, s30, s11, $0xb8;
	[tilespmem:$0x8200] =	vst v63  }
0x92: {  	s1 =	simm.s32 $0x3A80;
	s12 =	simm.s32 $0x6280  }
0x93: {  	[tilespmem:s12], [sflag:$0x1] =	stream.indirect.gather [hbm4b:s2+s11], $0x1, s1, s11, $0xb8;
	[tilespmem:$0x8200] =	vst v63  }
0x94: {  	s13 =	simm.s32 $0x3B00;
	s14 =	simm.s32 $0x6300  }
0x95: {  	[tilespmem:s14], [sflag:$0x1] =	stream.indirect.gather [hbm4b:s2+s11], $0x1, s13, s11, $0xb8;
	[tilespmem:$0x8200] =	vst v63  }
0x96: {  	s15 =	simm.s32 $0x3B80;
	s29 =	simm.s32 $0x6380  }
0x97: {  	[tilespmem:s29], [sflag:$0x1] =	stream.indirect.gather [hbm4b:s2+s11], $0x1, s15, s11, $0xb8;
	[tilespmem:$0x8200] =	vst v63  }
0x98: {  	s30 =	simm.s32 $0x3C00;
	s31 =	simm.s32 $0x6400  }
0x99: {  	[tilespmem:s31], [sflag:$0x1] =	stream.indirect.gather [hbm4b:s2+s11], $0x1, s30, s11, $0xb8;
	[tilespmem:$0x8200] =	vst v63  }
0x9a: {  	s1 =	simm.s32 $0x3C80;
	s12 =	simm.s32 $0x6480  }
0x9b: {  	[tilespmem:s12], [sflag:$0x1] =	stream.indirect.gather [hbm4b:s2+s11], $0x1, s1, s11, $0xb8;
	[tilespmem:$0x8200] =	vst v63  }
0x9c: {  	s13 =	simm.s32 $0x3D00;
	s14 =	simm.s32 $0x6500  }
0x9d: {  	[tilespmem:s14], [sflag:$0x1] =	stream.indirect.gather [hbm4b:s2+s11], $0x1, s13, s11, $0xb8;
	[tilespmem:$0x8200] =	vst v63  }
0x9e: {  	s15 =	simm.s32 $0x3D80;
	s29 =	simm.s32 $0x6580  }
0x9f: {  	[tilespmem:s29], [sflag:$0x1] =	stream.indirect.gather [hbm4b:s2+s11], $0x1, s15, s11, $0xb8;
	[tilespmem:$0x8200] =	vst v63  }
0xa0: {  	s30 =	simm.s32 $0x3E00;
	s31 =	simm.s32 $0x6600  }
0xa1: {  	[tilespmem:s31], [sflag:$0x1] =	stream.indirect.gather [hbm4b:s2+s11], $0x1, s30, s11, $0xb8;
	[tilespmem:$0x8200] =	vst v63  }
0xa2: {  	s1 =	simm.s32 $0x3E80;
	s12 =	simm.s32 $0x6680  }
0xa3: {  	[tilespmem:s12], [sflag:$0x1] =	stream.indirect.gather [hbm4b:s2+s11], $0x1, s1, s11, $0xb8;
	[tilespmem:$0x8200] =	vst v63  }
0xa4: {  	s13 =	simm.s32 $0x3F00;
	s14 =	simm.s32 $0x6700  }
0xa5: {  	[tilespmem:s14], [sflag:$0x1] =	stream.indirect.gather [hbm4b:s2+s11], $0x1, s13, s11, $0xb8;
	[tilespmem:$0x8200] =	vst v63  }
0xa6: {  	s15 =	simm.s32 $0x3F80;
	s29 =	simm.s32 $0x6780  }
0xa7: {  	[tilespmem:s29], [sflag:$0x1] =	stream.indirect.gather [hbm4b:s2+s11], $0x1, s15, s11, $0xb8;
	[tilespmem:$0x8200] =	vst v63  }
0xa8: {  	s30 =	simm.s32 $0x4000;
	s31 =	simm.s32 $0x6800  }
0xa9: {  	[tilespmem:s31], [sflag:$0x1] =	stream.indirect.gather [hbm4b:s2+s11], $0x1, s30, s11, $0xb8;
	[tilespmem:$0x8200] =	vst v63  }
0xaa: {  	s1 =	simm.s32 $0x4080;
	s12 =	simm.s32 $0x6880  }
0xab: {  	[tilespmem:s12], [sflag:$0x1] =	stream.indirect.gather [hbm4b:s2+s11], $0x1, s1, s11, $0xb8;
	[tilespmem:$0x8200] =	vst v63  }
0xac: {  	s13 =	simm.s32 $0x4100;
	s14 =	simm.s32 $0x6900  }
0xad: {  	[tilespmem:s14], [sflag:$0x1] =	stream.indirect.gather [hbm4b:s2+s11], $0x1, s13, s11, $0xb8;
	[tilespmem:$0x8200] =	vst v63  }
0xae: {  	s15 =	simm.s32 $0x4180;
	s29 =	simm.s32 $0x6980  }
0xaf: {  	[tilespmem:s29], [sflag:$0x1] =	stream.indirect.gather [hbm4b:s2+s11], $0x1, s15, s11, $0xb8;
	[tilespmem:$0x8200] =	vst v63  }
0xb0: {  	s30 =	simm.s32 $0x4200;
	s31 =	simm.s32 $0x6A00  }
0xb1: {  	[tilespmem:s31], [sflag:$0x1] =	stream.indirect.gather [hbm4b:s2+s11], $0x1, s30, s11, $0xb8;
	[tilespmem:$0x8200] =	vst v63  }
0xb2: {  	s1 =	simm.s32 $0x4280;
	s12 =	simm.s32 $0x6A80  }
0xb3: {  	[tilespmem:s12], [sflag:$0x1] =	stream.indirect.gather [hbm4b:s2+s11], $0x1, s1, s11, $0xb8;
	[tilespmem:$0x8200] =	vst v63  }
0xb4: {  	s13 =	simm.s32 $0x4300;
	s14 =	simm.s32 $0x6B00  }
0xb5: {  	[tilespmem:s14], [sflag:$0x1] =	stream.indirect.gather [hbm4b:s2+s11], $0x1, s13, s11, $0xb8;
	[tilespmem:$0x8200] =	vst v63  }
0xb6: {  	s15 =	simm.s32 $0x4380;
	s29 =	simm.s32 $0x6B80  }
0xb7: {  	[tilespmem:s29], [sflag:$0x1] =	stream.indirect.gather [hbm4b:s2+s11], $0x1, s15, s11, $0xb8;
	[tilespmem:$0x8200] =	vst v63  }
0xb8: {  	s30 =	simm.s32 $0x4400;
	s31 =	simm.s32 $0x6C00  }
0xb9: {  	[tilespmem:s31], [sflag:$0x1] =	stream.indirect.gather [hbm4b:s2+s11], $0x1, s30, s11, $0xb8;
	[tilespmem:$0x8200] =	vst v63  }
0xba: {  	s1 =	simm.s32 $0x4480;
	s12 =	simm.s32 $0x6C80  }
0xbb: {  	[tilespmem:s12], [sflag:$0x1] =	stream.indirect.gather [hbm4b:s2+s11], $0x1, s1, s11, $0xb8;
	[tilespmem:$0x8200] =	vst v63  }
0xbc: {  	s13 =	simm.s32 $0x4500;
	s14 =	simm.s32 $0x6D00  }
0xbd: {  	[tilespmem:s14], [sflag:$0x1] =	stream.indirect.gather [hbm4b:s2+s11], $0x1, s13, s11, $0xb8;
	[tilespmem:$0x8200] =	vst v63  }
0xbe: {  	s15 =	simm.s32 $0x4580;
	s29 =	simm.s32 $0x6D80  }
0xbf: {  	[tilespmem:s29], [sflag:$0x1] =	stream.indirect.gather [hbm4b:s2+s11], $0x1, s15, s11, $0xb8;
	[tilespmem:$0x8200] =	vst v63  }
0xc0: {  	s30 =	simm.s32 $0x4600;
	s31 =	simm.s32 $0x6E00  }
0xc1: {  	[tilespmem:s31], [sflag:$0x1] =	stream.indirect.gather [hbm4b:s2+s11], $0x1, s30, s11, $0xb8;
	[tilespmem:$0x8200] =	vst v63  }
0xc2: {  	s1 =	simm.s32 $0x4680;
	s12 =	simm.s32 $0x6E80  }
0xc3: {  	[tilespmem:s12], [sflag:$0x1] =	stream.indirect.gather [hbm4b:s2+s11], $0x1, s1, s11, $0xb8;
	[tilespmem:$0x8200] =	vst v63  }
0xc4: {  	s13 =	simm.s32 $0x4700;
	s14 =	simm.s32 $0x6F00  }
0xc5: {  	[tilespmem:s14], [sflag:$0x1] =	stream.indirect.gather [hbm4b:s2+s11], $0x1, s13, s11, $0xb8;
	[tilespmem:$0x8200] =	vst v63  }
0xc6: {  	s15 =	simm.s32 $0x4780;
	s29 =	simm.s32 $0x6F80  }
0xc7: {  	[tilespmem:s29], [sflag:$0x1] =	stream.indirect.gather [hbm4b:s2+s11], $0x1, s15, s11, $0xb8;
	[tilespmem:$0x8200] =	vst v63  }
0xc8: {  	s30 =	simm.s32 $0x4800;
	s31 =	simm.s32 $0x7000  }
0xc9: {  	[tilespmem:s31], [sflag:$0x1] =	stream.indirect.gather [hbm4b:s2+s11], $0x1, s30, s11, $0xb8;
	[tilespmem:$0x8200] =	vst v63  }
0xca: {  	s1 =	simm.s32 $0x4880;
	s12 =	simm.s32 $0x7080  }
0xcb: {  	[tilespmem:s12], [sflag:$0x1] =	stream.indirect.gather [hbm4b:s2+s11], $0x1, s1, s11, $0xb8;
	[tilespmem:$0x8200] =	vst v63  }
0xcc: {  	s13 =	simm.s32 $0x4900;
	s14 =	simm.s32 $0x7100  }
0xcd: {  	[tilespmem:s14], [sflag:$0x1] =	stream.indirect.gather [hbm4b:s2+s11], $0x1, s13, s11, $0xb8;
	[tilespmem:$0x8200] =	vst v63  }
0xce: {  	s15 =	simm.s32 $0x4980;
	s29 =	simm.s32 $0x7180  }
0xcf: {  	[tilespmem:s29], [sflag:$0x1] =	stream.indirect.gather [hbm4b:s2+s11], $0x1, s15, s11, $0xb8;
	[tilespmem:$0x8200] =	vst v63  }
0xd0: {  	s30 =	simm.s32 $0x4A00;
	s31 =	simm.s32 $0x7200  }
0xd1: {  	[tilespmem:s31], [sflag:$0x1] =	stream.indirect.gather [hbm4b:s2+s11], $0x1, s30, s11, $0xb8;
	[tilespmem:$0x8200] =	vst v63  }
0xd2: {  	s1 =	simm.s32 $0x4A80;
	s12 =	simm.s32 $0x7280  }
0xd3: {  	[tilespmem:s12], [sflag:$0x1] =	stream.indirect.gather [hbm4b:s2+s11], $0x1, s1, s11, $0xb8;
	[tilespmem:$0x8200] =	vst v63  }
0xd4: {  	s13 =	simm.s32 $0x4B00;
	s14 =	simm.s32 $0x7300  }
0xd5: {  	[tilespmem:s14], [sflag:$0x1] =	stream.indirect.gather [hbm4b:s2+s11], $0x1, s13, s11, $0xb8;
	[tilespmem:$0x8200] =	vst v63  }
0xd6: {  	s15 =	simm.s32 $0x4B80;
	s29 =	simm.s32 $0x7380  }
0xd7: {  	[tilespmem:s29], [sflag:$0x1] =	stream.indirect.gather [hbm4b:s2+s11], $0x1, s15, s11, $0xb8;
	[tilespmem:$0x8200] =	vst v63  }
0xd8: {  	s30 =	simm.s32 $0x4C00;
	s31 =	simm.s32 $0x7400  }
0xd9: {  	[tilespmem:s31], [sflag:$0x1] =	stream.indirect.gather [hbm4b:s2+s11], $0x1, s30, s11, $0xb8;
	[tilespmem:$0x8200] =	vst v63  }
0xda: {  	s1 =	simm.s32 $0x4C80;
	s12 =	simm.s32 $0x7480  }
0xdb: {  	[tilespmem:s12], [sflag:$0x1] =	stream.indirect.gather [hbm4b:s2+s11], $0x1, s1, s11, $0xb8;
	[tilespmem:$0x8200] =	vst v63  }
0xdc: {  	s13 =	simm.s32 $0x4D00;
	s14 =	simm.s32 $0x7500  }
0xdd: {  	[tilespmem:s14], [sflag:$0x1] =	stream.indirect.gather [hbm4b:s2+s11], $0x1, s13, s11, $0xb8;
	[tilespmem:$0x8200] =	vst v63  }
0xde: {  	s15 =	simm.s32 $0x4D80;
	s29 =	simm.s32 $0x7580  }
0xdf: {  	[tilespmem:s29], [sflag:$0x1] =	stream.indirect.gather [hbm4b:s2+s11], $0x1, s15, s11, $0xb8;
	[tilespmem:$0x8200] =	vst v63  }
0xe0: {  	_ = 	snop  }
0xe1: {  	[tilespmem:s17], [sflag:$0x1] =	stream.indirect.gather [hbm4b:s2+s11], $0x1, s16, s11, $0xb8;
	[tilespmem:$0x8200] =	vst v63  }
0xe2: {  	_ = 	snop  }
0xe3: {  	[tilespmem:s19], [sflag:$0x1] =	stream.indirect.gather [hbm4b:s2+s11], $0x1, s18, s11, $0xb8;
	[tilespmem:$0x8200] =	vst v63  }
0xe4: {  	_ = 	snop  }
0xe5: {  	[tilespmem:s21], [sflag:$0x1] =	stream.indirect.gather [hbm4b:s2+s11], $0x1, s20, s11, $0xb8;
	[tilespmem:$0x8200] =	vst v63  }
0xe6: {  	_ = 	snop  }
0xe7: {  	[tilespmem:s23], [sflag:$0x1] =	stream.indirect.gather [hbm4b:s2+s11], $0x1, s22, s11, $0xb8;
	[tilespmem:$0x8200] =	vst v63  }
0xe8: {  	_ =	swait.ge [sflag:s24], $0x80  }
0xe9: {  	[sflag:s24] =	ssyncset.done $0x0  }
0xea: {  	[sflag:s24] =	ssyncadd.s32 $0xFFFFFF80  }
0xeb: {  	_ =	swait.ge [sflag:s24], $0x80  }
0xec: {  	[sflag:s24] =	ssyncset.done $0x0  }
0xed: {  	[sflag:s24] =	ssyncadd.s32 $0xFFFFFF80  }
0xee: {  	_ =	swait.ge [sflag:s24], $0x80  }
0xef: {  	[sflag:s24] =	ssyncset.done $0x0  }
0xf0: {  	[sflag:s24] =	ssyncadd.s32 $0xFFFFFF80  }
0xf1: {  	_ =	swait.ge [sflag:s24], $0x80  }
0xf2: {  	[sflag:s24] =	ssyncset.done $0x0  }
0xf3: {  	[sflag:s24] =	ssyncadd.s32 $0xFFFFFF80  }
0xf4: {  	_ =	swait.ge [sflag:s24], $0x80  }
0xf5: {  	[sflag:s24] =	ssyncset.done $0x0  }
0xf6: {  	[sflag:s24] =	ssyncadd.s32 $0xFFFFFF80  }
0xf7: {  	_ =	swait.ge [sflag:s24], $0x80  }
0xf8: {  	[sflag:s24] =	ssyncset.done $0x0  }
0xf9: {  	[sflag:s24] =	ssyncadd.s32 $0xFFFFFF80  }
0xfa: {  	_ =	swait.ge [sflag:s24], $0x80  }
0xfb: {  	[sflag:s24] =	ssyncset.done $0x0  }
0xfc: {  	[sflag:s24] =	ssyncadd.s32 $0xFFFFFF80  }
0xfd: {  	_ =	swait.ge [sflag:s24], $0x80  }
0xfe: {  	[sflag:s24] =	ssyncset.done $0x0  }
0xff: {  	[sflag:s24] =	ssyncadd.s32 $0xFFFFFF80  }
0x100: {  	_ =	swait.ge [sflag:s24], $0x80  }
0x101: {  	[sflag:s24] =	ssyncset.done $0x0  }
0x102: {  	[sflag:s24] =	ssyncadd.s32 $0xFFFFFF80  }
0x103: {  	_ =	swait.ge [sflag:s24], $0x80  }
0x104: {  	[sflag:s24] =	ssyncset.done $0x0  }
0x105: {  	[sflag:s24] =	ssyncadd.s32 $0xFFFFFF80  }
0x106: {  	_ =	swait.ge [sflag:s24], $0x80  }
0x107: {  	[sflag:s24] =	ssyncset.done $0x0  }
0x108: {  	[sflag:s24] =	ssyncadd.s32 $0xFFFFFF80  }
0x109: {  	_ =	swait.ge [sflag:s24], $0x80  }
0x10a: {  	[sflag:s24] =	ssyncset.done $0x0  }
0x10b: {  	[sflag:s24] =	ssyncadd.s32 $0xFFFFFF80  }
0x10c: {  	_ =	swait.ge [sflag:s24], $0x80  }
0x10d: {  	[sflag:s24] =	ssyncset.done $0x0  }
0x10e: {  	[sflag:s24] =	ssyncadd.s32 $0xFFFFFF80  }
0x10f: {  	_ =	swait.ge [sflag:s24], $0x80  }
0x110: {  	[sflag:s24] =	ssyncset.done $0x0  }
0x111: {  	[sflag:s24] =	ssyncadd.s32 $0xFFFFFF80  }
0x112: {  	_ =	swait.ge [sflag:s24], $0x80  }
0x113: {  	[sflag:s24] =	ssyncset.done $0x0  }
0x114: {  	[sflag:s24] =	ssyncadd.s32 $0xFFFFFF80  }
0x115: {  	_ =	swait.ge [sflag:s24], $0x80  }
0x116: {  	[sflag:s24] =	ssyncset.done $0x0  }
0x117: {  	[sflag:s24] =	ssyncadd.s32 $0xFFFFFF80  }
0x118: {  	_ =	swait.ge [sflag:s24], $0x80  }
0x119: {  	[sflag:s24] =	ssyncset.done $0x0  }
0x11a: {  	[sflag:s24] =	ssyncadd.s32 $0xFFFFFF80  }
0x11b: {  	_ =	swait.ge [sflag:s24], $0x80  }
0x11c: {  	[sflag:s24] =	ssyncset.done $0x0  }
0x11d: {  	[sflag:s24] =	ssyncadd.s32 $0xFFFFFF80  }
0x11e: {  	_ =	swait.ge [sflag:s24], $0x80  }
0x11f: {  	[sflag:s24] =	ssyncset.done $0x0  }
0x120: {  	[sflag:s24] =	ssyncadd.s32 $0xFFFFFF80  }
0x121: {  	_ =	swait.ge [sflag:s24], $0x80  }
0x122: {  	[sflag:s24] =	ssyncset.done $0x0  }
0x123: {  	[sflag:s24] =	ssyncadd.s32 $0xFFFFFF80  }
0x124: {  	_ =	swait.ge [sflag:s24], $0x80  }
0x125: {  	[sflag:s24] =	ssyncset.done $0x0  }
0x126: {  	[sflag:s24] =	ssyncadd.s32 $0xFFFFFF80  }
0x127: {  	_ =	swait.ge [sflag:s24], $0x80  }
0x128: {  	[sflag:s24] =	ssyncset.done $0x0  }
0x129: {  	[sflag:s24] =	ssyncadd.s32 $0xFFFFFF80  }
0x12a: {  	_ =	swait.ge [sflag:s24], $0x80  }
0x12b: {  	[sflag:s24] =	ssyncset.done $0x0  }
0x12c: {  	[sflag:s24] =	ssyncadd.s32 $0xFFFFFF80  }
0x12d: {  	_ =	swait.ge [sflag:s24], $0x80  }
0x12e: {  	[sflag:s24] =	ssyncset.done $0x0  }
0x12f: {  	[sflag:s24] =	ssyncadd.s32 $0xFFFFFF80  }
0x130: {  	_ =	swait.ge [sflag:s24], $0x80  }
0x131: {  	[sflag:s24] =	ssyncset.done $0x0  }
0x132: {  	[sflag:s24] =	ssyncadd.s32 $0xFFFFFF80  }
0x133: {  	_ =	swait.ge [sflag:s24], $0x80  }
0x134: {  	[sflag:s24] =	ssyncset.done $0x0  }
0x135: {  	[sflag:s24] =	ssyncadd.s32 $0xFFFFFF80  }
0x136: {  	_ =	swait.ge [sflag:s24], $0x80  }
0x137: {  	[sflag:s24] =	ssyncset.done $0x0  }
0x138: {  	[sflag:s24] =	ssyncadd.s32 $0xFFFFFF80  }
0x139: {  	_ =	swait.ge [sflag:s24], $0x80  }
0x13a: {  	[sflag:s24] =	ssyncset.done $0x0  }
0x13b: {  	[sflag:s24] =	ssyncadd.s32 $0xFFFFFF80  }
0x13c: {  	_ =	swait.ge [sflag:s24], $0x80  }
0x13d: {  	[sflag:s24] =	ssyncset.done $0x0  }
0x13e: {  	[sflag:s24] =	ssyncadd.s32 $0xFFFFFF80  }
0x13f: {  	_ =	swait.ge [sflag:s24], $0x80  }
0x140: {  	[sflag:s24] =	ssyncset.done $0x0  }
0x141: {  	[sflag:s24] =	ssyncadd.s32 $0xFFFFFF80  }
0x142: {  	_ =	swait.ge [sflag:s24], $0x80  }
0x143: {  	[sflag:s24] =	ssyncset.done $0x0  }
0x144: {  	[sflag:s24] =	ssyncadd.s32 $0xFFFFFF80  }
0x145: {  	_ =	swait.ge [sflag:s24], $0x80  }
0x146: {  	[sflag:s24] =	ssyncset.done $0x0  }
0x147: {  	[sflag:s24] =	ssyncadd.s32 $0xFFFFFF80  }
0x148: {  	_ =	swait.ge [sflag:s24], $0x80  }
0x149: {  	[sflag:s24] =	ssyncset.done $0x0  }
0x14a: {  	[sflag:s24] =	ssyncadd.s32 $0xFFFFFF80  }
0x14b: {  	_ =	swait.ge [sflag:s24], $0x80  }
0x14c: {  	[sflag:s24] =	ssyncset.done $0x0  }
0x14d: {  	[sflag:s24] =	ssyncadd.s32 $0xFFFFFF80  }
0x14e: {  	_ =	swait.ge [sflag:s24], $0x80  }
0x14f: {  	[sflag:s24] =	ssyncset.done $0x0  }
0x150: {  	[sflag:s24] =	ssyncadd.s32 $0xFFFFFF80  }
0x151: {  	_ =	swait.ge [sflag:s24], $0x80  }
0x152: {  	[sflag:s24] =	ssyncset.done $0x0  }
0x153: {  	[sflag:s24] =	ssyncadd.s32 $0xFFFFFF80  }
0x154: {  	_ =	swait.ge [sflag:s24], $0x80  }
0x155: {  	[sflag:s24] =	ssyncset.done $0x0  }
0x156: {  	[sflag:s24] =	ssyncadd.s32 $0xFFFFFF80  }
0x157: {  	_ =	swait.ge [sflag:s24], $0x80  }
0x158: {  	[sflag:s24] =	ssyncset.done $0x0  }
0x159: {  	[sflag:s24] =	ssyncadd.s32 $0xFFFFFF80  }
0x15a: {  	_ =	swait.ge [sflag:s24], $0x80  }
0x15b: {  	[sflag:s24] =	ssyncset.done $0x0  }
0x15c: {  	[sflag:s24] =	ssyncadd.s32 $0xFFFFFF80  }
0x15d: {  	_ =	swait.ge [sflag:s24], $0x80  }
0x15e: {  	[sflag:s24] =	ssyncset.done $0x0  }
0x15f: {  	[sflag:s24] =	ssyncadd.s32 $0xFFFFFF80  }
0x160: {  	_ =	swait.ge [sflag:s24], $0x80  }
0x161: {  	[sflag:s24] =	ssyncset.done $0x0  }
0x162: {  	[sflag:s24] =	ssyncadd.s32 $0xFFFFFF80  }
0x163: {  	_ =	swait.ge [sflag:s24], $0x80  }
0x164: {  	[sflag:s24] =	ssyncset.done $0x0  }
0x165: {  	[sflag:s24] =	ssyncadd.s32 $0xFFFFFF80  }
0x166: {  	_ =	swait.ge [sflag:s24], $0x80  }
0x167: {  	[sflag:s24] =	ssyncset.done $0x0  }
0x168: {  	[sflag:s24] =	ssyncadd.s32 $0xFFFFFF80  }
0x169: {  	_ =	swait.ge [sflag:s24], $0x80  }
0x16a: {  	[sflag:s24] =	ssyncset.done $0x0  }
0x16b: {  	[sflag:s24] =	ssyncadd.s32 $0xFFFFFF80  }
0x16c: {  	_ =	swait.ge [sflag:s24], $0x80  }
0x16d: {  	[sflag:s24] =	ssyncset.done $0x0  }
0x16e: {  	[sflag:s24] =	ssyncadd.s32 $0xFFFFFF80  }
0x16f: {  	_ =	swait.ge [sflag:s24], $0x80  }
0x170: {  	[sflag:s24] =	ssyncset.done $0x0  }
0x171: {  	[sflag:s24] =	ssyncadd.s32 $0xFFFFFF80  }
0x172: {  	_ =	swait.ge [sflag:s24], $0x80  }
0x173: {  	[sflag:s24] =	ssyncset.done $0x0  }
0x174: {  	[sflag:s24] =	ssyncadd.s32 $0xFFFFFF80  }
0x175: {  	_ =	swait.ge [sflag:s24], $0x80  }
0x176: {  	[sflag:s24] =	ssyncset.done $0x0  }
0x177: {  	[sflag:s24] =	ssyncadd.s32 $0xFFFFFF80  }
0x178: {  	_ =	swait.ge [sflag:s24], $0x80  }
0x179: {  	[sflag:s24] =	ssyncset.done $0x0  }
0x17a: {  	[sflag:s24] =	ssyncadd.s32 $0xFFFFFF80  }
0x17b: {  	_ =	swait.ge [sflag:s24], $0x80  }
0x17c: {  	[sflag:s24] =	ssyncset.done $0x0  }
0x17d: {  	[sflag:s24] =	ssyncadd.s32 $0xFFFFFF80  }
0x17e: {  	_ =	swait.ge [sflag:s24], $0x80  }
0x17f: {  	[sflag:s24] =	ssyncset.done $0x0  }
0x180: {  	[sflag:s24] =	ssyncadd.s32 $0xFFFFFF80  }
0x181: {  	_ =	swait.ge [sflag:s24], $0x80  }
0x182: {  	[sflag:s24] =	ssyncset.done $0x0  }
0x183: {  	[sflag:s24] =	ssyncadd.s32 $0xFFFFFF80  }
0x184: {  	_ =	swait.ge [sflag:s24], $0x80  }
0x185: {  	[sflag:s24] =	ssyncset.done $0x0  }
0x186: {  	[sflag:s24] =	ssyncadd.s32 $0xFFFFFF80  }
0x187: {  	_ =	swait.ge [sflag:s24], $0x80  }
0x188: {  	[sflag:s24] =	ssyncset.done $0x0  }
0x189: {  	[sflag:s24] =	ssyncadd.s32 $0xFFFFFF80  }
0x18a: {  	_ =	swait.ge [sflag:s24], $0x80  }
0x18b: {  	[sflag:s24] =	ssyncset.done $0x0  }
0x18c: {  	[sflag:s24] =	ssyncadd.s32 $0xFFFFFF80  }
0x18d: {  	_ =	swait.ge [sflag:s24], $0x80  }
0x18e: {  	[sflag:s24] =	ssyncset.done $0x0  }
0x18f: {  	[sflag:s24] =	ssyncadd.s32 $0xFFFFFF80  }
0x190: {  	_ =	swait.ge [sflag:s24], $0x80  }
0x191: {  	[sflag:s24] =	ssyncset.done $0x0  }
0x192: {  	[sflag:s24] =	ssyncadd.s32 $0xFFFFFF80  }
0x193: {  	_ =	swait.ge [sflag:s24], $0x80  }
0x194: {  	[sflag:s24] =	ssyncset.done $0x0  }
0x195: {  	[sflag:s24] =	ssyncadd.s32 $0xFFFFFF80  }
0x196: {  	_ =	swait.ge [sflag:s24], $0x80  }
0x197: {  	[sflag:s24] =	ssyncset.done $0x0  }
0x198: {  	[sflag:s24] =	ssyncadd.s32 $0xFFFFFF80  }
0x199: {  	_ =	swait.ge [sflag:s24], $0x80  }
0x19a: {  	[sflag:s24] =	ssyncset.done $0x0  }
0x19b: {  	[sflag:s24] =	ssyncadd.s32 $0xFFFFFF80  }
0x19c: {  	_ =	swait.ge [sflag:s24], $0x80  }
0x19d: {  	[sflag:s24] =	ssyncset.done $0x0  }
0x19e: {  	[sflag:s24] =	ssyncadd.s32 $0xFFFFFF80  }
0x19f: {  	_ =	swait.ge [sflag:s24], $0x80  }
0x1a0: {  	[sflag:s24] =	ssyncset.done $0x0  }
0x1a1: {  	[sflag:s24] =	ssyncadd.s32 $0xFFFFFF80  }
0x1a2: {  	_ =	swait.ge [sflag:s24], $0x80  }
0x1a3: {  	[sflag:s24] =	ssyncset.done $0x0  }
0x1a4: {  	[sflag:s24] =	ssyncadd.s32 $0xFFFFFF80  }
0x1a5: {  	_ =	swait.ge [sflag:s24], $0x80  }
0x1a6: {  	[sflag:s24] =	ssyncset.done $0x0  }
0x1a7: {  	[sflag:s24] =	ssyncadd.s32 $0xFFFFFF80  }
0x1a8: {  	_ =	swait.ge [sflag:s24], $0x80  }
0x1a9: {  	[sflag:s24] =	ssyncset.done $0x0  }
0x1aa: {  	[sflag:s24] =	ssyncadd.s32 $0xFFFFFF80  }
0x1ab: {  	_ =	swait.ge [sflag:s24], $0x80  }
0x1ac: {  	[sflag:s24] =	ssyncset.done $0x0  }
0x1ad: {  	[sflag:s24] =	ssyncadd.s32 $0xFFFFFF80  }
0x1ae: {  	_ =	swait.ge [sflag:s24], $0x80  }
0x1af: {  	[sflag:s24] =	ssyncset.done $0x0  }
0x1b0: {  	[sflag:s24] =	ssyncadd.s32 $0xFFFFFF80  }
0x1b1: {  	_ =	swait.ge [sflag:s24], $0x80  }
0x1b2: {  	[sflag:s24] =	ssyncset.done $0x0  }
0x1b3: {  	[sflag:s24] =	ssyncadd.s32 $0xFFFFFF80  }
0x1b4: {  	_ =	swait.ge [sflag:s24], $0x80  }
0x1b5: {  	[sflag:s24] =	ssyncset.done $0x0  }
0x1b6: {  	[sflag:s24] =	ssyncadd.s32 $0xFFFFFF80  }
0x1b7: {  	_ =	swait.ge [sflag:s24], $0x80  }
0x1b8: {  	[sflag:s24] =	ssyncset.done $0x0  }
0x1b9: {  	[sflag:s24] =	ssyncadd.s32 $0xFFFFFF80  }
0x1ba: {  	_ =	swait.ge [sflag:s24], $0x80  }
0x1bb: {  	[sflag:s24] =	ssyncset.done $0x0  }
0x1bc: {  	[sflag:s24] =	ssyncadd.s32 $0xFFFFFF80  }
0x1bd: {  	_ =	swait.ge [sflag:s24], $0x80  }
0x1be: {  	[sflag:s24] =	ssyncset.done $0x0  }
0x1bf: {  	[sflag:s24] =	ssyncadd.s32 $0xFFFFFF80  }
0x1c0: {  	_ =	swait.ge [sflag:s24], $0x80  }
0x1c1: {  	[sflag:s24] =	ssyncset.done $0x0  }
0x1c2: {  	[sflag:s24] =	ssyncadd.s32 $0xFFFFFF80  }
0x1c3: {  	_ =	swait.ge [sflag:s24], $0x80  }
0x1c4: {  	[sflag:s24] =	ssyncset.done $0x0  }
0x1c5: {  	[sflag:s24] =	ssyncadd.s32 $0xFFFFFF80  }
0x1c6: {  	_ =	swait.ge [sflag:s24], $0x80  }
0x1c7: {  	[sflag:s24] =	ssyncset.done $0x0  }
0x1c8: {  	[sflag:s24] =	ssyncadd.s32 $0xFFFFFF80  }
0x1c9: {  	_ =	swait.ge [sflag:s24], $0x80  }
0x1ca: {  	[sflag:s24] =	ssyncset.done $0x0  }
0x1cb: {  	[sflag:s24] =	ssyncadd.s32 $0xFFFFFF80  }
0x1cc: {  	_ =	swait.ge [sflag:s24], $0x80  }
0x1cd: {  	[sflag:s24] =	ssyncset.done $0x0  }
0x1ce: {  	[sflag:s24] =	ssyncadd.s32 $0xFFFFFF80  }
0x1cf: {  	_ =	swait.ge [sflag:s24], $0x80  }
0x1d0: {  	[sflag:s24] =	ssyncset.done $0x0  }
0x1d1: {  	[sflag:s24] =	ssyncadd.s32 $0xFFFFFF80  }
0x1d2: {  	_ =	swait.ge [sflag:s24], $0x80  }
0x1d3: {  	[sflag:s24] =	ssyncset.done $0x0  }
0x1d4: {  	[sflag:s24] =	ssyncadd.s32 $0xFFFFFF80  }
0x1d5: {  	_ =	swait.ge [sflag:s24], $0x80  }
0x1d6: {  	s30 =	simm.s32 $0x0;
	[sflag:s24] =	ssyncset.done $0x0  }
0x1d7: {  	s0 =	sand.u32 $0xFF0, s30;
	[sflag:s24] =	ssyncadd.s32 $0xFFFFFF80  }
0x1d8: {  	v1 =	vld [tilespmem:s0+$0x5A00]  }
0x1d9: {  	v2 =	vld [tilespmem:s28+$0x0];
	_ =	sdelay $0x1  }
0x1da: {  	v3 =	vld [tilespmem:s0+$0x6400];
	_ =	sdelay $0x1  }
0x1db: {  	v63 =	vld [tilespmem:s0+$0x6E00]  }
0x1dc: {  	v1 =	vadd.f32 v1, v2;
	_ =	sdelay $0x1  }
0x1dd: {  	v1 =	vsub.f32 v1, v3;
	_ =	sdelay $0x1  }
0x1de: {  	v1 =	vsub.f32 v1, v63  }
0x1df: {  	s31 =	simm.s32 $0x10;
	s0 =	simm.s32 $0x7800  }
0x1e0: {  	s13 =	sand.u32 $0xFF0, s31;
	[tilespmem:s0+$0x0] =	vst v1  }
0x1e1: {  	s12 =	simm.s32 $0x20;
	s1 =	simm.s32 $0x5010;
	v1 =	vld [tilespmem:s13+$0x5A00]  }
.LBB2_4:
0x1e2: {  	p0 =	sne.s32 s12, $0x9F0;
	v2 =	vld [tilespmem:s1+$0x0];
	_ =	sdelay $0x1  }
0x1e3: {  	v3 =	vld [tilespmem:s13+$0x6400];
	_ =	sdelay $0x1  }
0x1e4: {  	v4 =	vld [tilespmem:s13+$0x6E00]  }
0x1e5: {  	v1 =	vadd.f32 v1, v2;
	_ =	sdelay $0x1  }
0x1e6: {  	v1 =	vsub.f32 v1, v3  }
.Ltmp1:
0x1e7: {  	(pc) =	sbr.rel @p0 .LBB2_4-.Ltmp1, $4  }
0x1e8: {  	v1 =	vsub.f32 v1, v4  }
0x1e9: {  	s0 =	sadd.s32 $0x10, s0  }
0x1ea: {  	s13 =	sand.u32 $0xFF0, s12;
	[tilespmem:s0+$0x0] =	vst v1  }
0x1eb: {  	s1 =	sadd.s32 $0x10, s1;
	s12 =	sadd.s32 $0x10, s12;
	v1 =	vld [tilespmem:s13+$0x5A00]  }
0x1ec: {  	v2 =	vld [tilespmem:s1+$0x0];
	_ =	sdelay $0x1  }
0x1ed: {  	v3 =	vld [tilespmem:s13+$0x6400];
	_ =	sdelay $0x1  }
0x1ee: {  	v4 =	vld [tilespmem:s13+$0x6E00]  }
0x1ef: {  	v1 =	vadd.f32 v1, v2;
	_ =	sdelay $0x1  }
0x1f0: {  	v1 =	vsub.f32 v1, v3;
	_ =	sdelay $0x1  }
0x1f1: {  	s26 =	sadd.s32 $0x1, s26;
	v1 =	vsub.f32 v1, v4  }
0x1f2: {  	s0 =	sadd.s32 $0x10, s0;
	p0 =	sne.s32 s26, s9  }
.Ltmp2:
0x1f3: {  	[tilespmem:s0+$0x0] =	vst v1;
	(pc) =	sbr.rel @p0 .LBB2_1-.Ltmp2, $4  }
0x1f4: {  	[hbm4b:s8+s3] =	stream.linear.scatter [tilespmem:s25], [sflag:$0x2], $0xA00, $0x38;
	[tilespmem:$0x8200] =	vst v63  }
0x1f5: {  	_ =	swait.ge [sflag:s10], $0xA00  }
0x1f6: {  	[sflag:s10] =	ssyncset.done $0x0  }
0x1f7: {  	[sflag:s10] =	ssyncadd.s32 $0xFFFFF600  }
0x1f8: {  	_ =	sfence.sel $0x180000  }
0x1f9: {  	[bflag:$0x0] =	sbarrier.arrive $0xFFFF  }
0x1fa: {  	_ =	strace $0x90000047  }
0x1fb: {  	s0 =	stileid.u32;
	[bflag:$0x2] =	sbarrier.arrive $0xFFFF  }
0x1fc: {  	p0 =	sne.s32 s0, $0x0;
	s0 =	rddreg [dreg:$0x1]  }
0x1fd: {  	s0 =	sadd.s32 @!p0 $0x100000, s0  }
0x1fe: {  	[sflag:s0] =	ssyncadd.tile.s32 @!p0 $0x1;
	_ =	shalt  }
.Lfunc_end2:
_tile_overlayer_lowered:
.L_overlay_start_2:
0x1ff: {  	(tag) =	ssettag $0x2  }
0x200: {  	s0 =	rddreg [dreg:$0x0];
	s2 =	stileid.u32  }
0x201: {  	s1 =	rddreg [dreg:$0x1];
	p0 =	sne.s32 s2, $0x0  }
0x202: {  	s3 =	rddreg [dreg:$0x2];
	[bflag:$0x3] =	sbarrier.arrive $0xFFFF;
	s2 =	simm.s32 @!p0 $0x1C02  }
0x203: {  	[timem:s3], [sflag:s2] =	dma.local @!p0 [hbm:s0], s1  }
0x204: {  	s0 =	simm.s32 @!p0 $0x2  }
0x205: {  	_ =	swait.ge @!p0 [sflag:s0], s1  }
0x206: {  	s1 =	ssub.s32 @!p0 $0x0, s1;
	[sflag:s0] =	ssyncset.done @!p0 $0x0  }
0x207: {  	[sflag:s0] =	ssyncadd.s32 @!p0 s1  }
0x208: {  	[bflag:$0x3] =	sbarrier.arrive $0xFFFF  }
0x209: {  	_ =	shalt  }

</sc_bundles>
